<compile_context>
chip_gen: v7x
topology: tpu7x:2x2x1
jax: 0.10.2.dev20260603
libtpu: 0.0.44.dev20260713+nightly
codegen_flags: <defaults>
</compile_context>

<pallas_src>
import functools

import jax
import jax.numpy as jnp
from jax import lax
from jax.experimental import pallas as pl
from jax.experimental.pallas import tpu as pltpu
from jax.experimental.pallas import tpu_sc as plsc

N = 10000
NP = 10240
E = 160000
H = 2
C = 325
DP = 656
NEG_SLOPE = 0.2
NEG = -3.0e38

NTILES = 32
CHUNK1 = 2000
T1W = 144

_i16 = lambda: lax.iota(jnp.int32, 16)


def _splat(buf, k):
    return plsc.load_gather(buf, [jnp.full((16,), 0, jnp.int32) + k])



def _tca_body(h_ref, w_ref, o_ref):
    hb = h_ref[...]
    y = jnp.dot(hb, w_ref[...], preferred_element_type=jnp.float32)
    h5 = hb[:, :5]
    o_ref[:, 0:5] = h5
    o_ref[:, 5:10] = h5
    o_ref[:, 10:11] = jnp.ones_like(hb[:, :1])
    o_ref[:, 11:16] = jnp.zeros_like(h5)
    o_ref[:, 16:144] = y


def _tc_a(h8, wcat8):
    return pl.pallas_call(
        _tca_body,
        grid=(8,),
        in_specs=[
            pl.BlockSpec((1280, 8), lambda i: (i, 0)),
            pl.BlockSpec((8, 128), lambda i: (0, 0)),
        ],
        out_specs=pl.BlockSpec((1280, T1W), lambda i: (i, 0)),
        out_shape=jax.ShapeDtypeStruct((NP, T1W), jnp.float32),
    )(h8, wcat8)


def _ewsum_body(ew_ref, o_ref):
    o_ref[...] = jnp.sum(ew_ref[...]).reshape(1, 1)


def _ew_sum(ew2d):
    return pl.pallas_call(
        _ewsum_body,
        out_shape=jax.ShapeDtypeStruct((1, 1), jnp.float32),
    )(ew2d)



def _sc1_body(t1, src, dst, ew, sums_o, m3_o, m5_o,
              dstb, srcb, ewb, accs, acc3, acc5, grow, mb, semg):
    wid = lax.axis_index("s") * 2 + lax.axis_index("c")
    lo = wid * 320
    it = _i16()

    def _init(i, _):
        accs[pl.ds(i * 16, 16)] = jnp.zeros((16,), jnp.float32)
        return 0
    lax.fori_loop(0, 320, _init, 0)

    def _init2(i, _):
        acc3[pl.ds(i * 16, 16)] = jnp.full((16,), NEG, jnp.float32)
        acc5[pl.ds(i * 16, 16)] = jnp.full((16,), NEG, jnp.float32)
        return 0
    lax.fori_loop(0, 1280, _init2, 0)

    wsel_base = jnp.where(it < 5, 0.0, 1.0)

    def _chunk(g, _):
        off = g * CHUNK1
        pltpu.sync_copy(dst.at[pl.ds(off, CHUNK1)], dstb)
        pltpu.sync_copy(src.at[pl.ds(off, CHUNK1)], srcb)
        pltpu.sync_copy(ew.at[pl.ds(off, CHUNK1)], ewb)

        def _scan(j, carry):
            v = dstb[pl.ds(j * 16, 16)]
            m = (v >= lo) & (v < lo + 320)
            nmg = jnp.sum(m.astype(jnp.int32))

            mi32 = m.astype(jnp.int32)

            @pl.when(nmg > 0)
            def _():
                vsrc = srcb[pl.ds(j * 16, 16)]
                vew = ewb[pl.ds(j * 16, 16)]
                pltpu.async_copy(t1.at[jnp.where(m, vsrc, 0)], grow, semg).wait()
                for kk in range(16):
                    @pl.when(mi32[kk] == 1)
                    def _():
                        dv = v[kk] - lo
                        wv = vew[kk]
                        hrow = plsc.load_gather(grow, [jnp.full((16,), kk, jnp.int32), it])
                        wmul = jnp.where(it < 5, wv, wsel_base)
                        plsc.addupdate(accs.at[pl.ds(dv * 16, 16)], hrow * wmul)
                        for jj in range(4):
                            cidx = 16 + jj * 16 + it
                            r3 = plsc.load_gather(grow, [jnp.full((16,), kk, jnp.int32), cidx])
                            b3 = dv * 64 + jj * 16
                            acc3[pl.ds(b3, 16)] = jnp.maximum(acc3[pl.ds(b3, 16)], wv * r3)
                        for jj in range(4):
                            cidx = 80 + jj * 16 + it
                            r5 = plsc.load_gather(grow, [jnp.full((16,), kk, jnp.int32), cidx])
                            b5 = dv * 64 + jj * 16
                            acc5[pl.ds(b5, 16)] = jnp.maximum(acc5[pl.ds(b5, 16)], r5)
            return carry
        lax.fori_loop(0, CHUNK1 // 16, _scan, 0)
        return 0

    lax.fori_loop(0, E // CHUNK1, _chunk, 0)

    pltpu.sync_copy(accs, sums_o.at[pl.ds(lo * 16, 320 * 16)])
    pltpu.sync_copy(acc3, m3_o.at[pl.ds(lo * 64, 320 * 64)])
    pltpu.sync_copy(acc5, m5_o.at[pl.ds(lo * 64, 320 * 64)])


def _sc_1(t1, src, dst, ew):
    mesh = plsc.VectorSubcoreMesh(core_axis_name="c", subcore_axis_name="s")
    f = pl.kernel(
        _sc1_body,
        compiler_params=pltpu.CompilerParams(
            needs_layout_passes=False, use_tc_tiling_on_sc=False),
        out_type=[
            jax.ShapeDtypeStruct((NP * 16,), jnp.float32),
            jax.ShapeDtypeStruct((NP * 64,), jnp.float32),
            jax.ShapeDtypeStruct((NP * 64,), jnp.float32),
        ],
        mesh=mesh,
        scratch_types=[
            pltpu.VMEM((CHUNK1,), jnp.int32),
            pltpu.VMEM((CHUNK1,), jnp.int32),
            pltpu.VMEM((CHUNK1,), jnp.float32),
            pltpu.VMEM((320 * 16,), jnp.float32),
            pltpu.VMEM((320 * 64,), jnp.float32),
            pltpu.VMEM((320 * 64,), jnp.float32),
            pltpu.VMEM((16, T1W), jnp.float32),
            pltpu.VMEM((16,), jnp.int32),
            pltpu.SemaphoreType.DMA,
        ],
    )
    return f(t1, src, dst, ew)



def kernel(h, edge_num, edge_index, edge_weight, W_sum, b_sum, W_mean, b_mean,
           W_max, b_max, W_ne, b_ne, W_nem, b_nem, Wl, bl, Wr, br, We, att,
           gat_bias, Wfc, bfc):
    src = edge_index[0]
    dst = edge_index[1]

    h8 = jnp.pad(h, ((0, NP - N), (0, 3)))
    wcat8 = jnp.pad(jnp.concatenate([W_max, W_nem], axis=1), ((0, 3), (0, 0)))
    t1 = _tc_a(h8, wcat8)
    ewsum = _ew_sum(edge_weight.reshape(1250, 128))
    ewm = ewsum[0, 0] / E

    sums_f, m3_f, m5_f = _sc_1(t1, src, dst, edge_weight)
    sums = sums_f.reshape(NP, 16)[:N]
    M3 = m3_f.reshape(NP, 64)[:N]
    M5 = m5_f.reshape(NP, 64)[:N]

    S1 = sums[:, 0:5]
    S2 = sums[:, 5:10]
    cnt = sums[:, 10:11]
    has = cnt > 0

    h1 = S1 @ W_sum + b_sum
    h2 = (S1 @ W_mean) / jnp.maximum(cnt, 1.0) + b_mean
    h3 = jnp.where(has, M3, 0.0) + b_max
    h4 = S2 @ W_ne + b_ne
    h5 = jnp.where(has, M5, 0.0) + b_nem
    x = jnp.concatenate([h1, h2, h3, h4, h5, edge_num], axis=-1)

    loop = jnp.arange(N, dtype=src.dtype)
    src2 = jnp.concatenate([src, loop])
    dst2 = jnp.concatenate([dst, loop])
    ea = jnp.concatenate([edge_weight, jnp.full((N,), ewm, dtype=edge_weight.dtype)])[:, None]
    xl = (x @ Wl + bl).reshape(N, H, C)
    xr = (x @ Wr + br).reshape(N, H, C)
    x_j = xl[src2]
    x_i = xr[dst2]
    e = (ea @ We).reshape(-1, H, C)
    m = jax.nn.leaky_relu(x_i + x_j + e, NEG_SLOPE)
    alpha = jnp.sum(m * att[None, :, :], axis=-1)
    amax = jax.ops.segment_max(alpha, dst2, num_segments=N)
    amax = jnp.where(jnp.isfinite(amax), amax, 0.0)
    alpha = jnp.exp(alpha - amax[dst2])
    denom = jax.ops.segment_sum(alpha, dst2, num_segments=N)
    alpha = alpha / (denom[dst2] + 1e-16)
    msg = x_j * alpha[:, :, None]
    s = jax.ops.segment_sum(msg, dst2, num_segments=N)
    cnt2 = jax.ops.segment_sum(jnp.ones((msg.shape[0],), msg.dtype), dst2, num_segments=N)
    out = s / jnp.maximum(cnt2, 1.0)[:, None, None]
    out = out.mean(axis=1) + gat_bias
    return out @ Wfc + bfc

# --- scband reference (transcript-rebuilt; emitter-appended) ---
"""Pipeline reference for scband-gcn-40226663694886 (READ-ONLY COPY).

The authoritative reference and input builder live on the scoring server;
editing this copy changes nothing except your own understanding.
"""

import jax, jax.numpy as jnp
import numpy as np

N = 10000
E = 160000
H = 2
C = 325
NEG_SLOPE = 0.2


def _gcn(x, W, b, src, dst, ew, aggr):
    msg = (x @ W)[src]
    if ew is not None:
        msg = msg * ew[:, None]
    if aggr == 'add':
        out = jax.ops.segment_sum(msg, dst, num_segments=N)
    elif aggr == 'mean':
        s = jax.ops.segment_sum(msg, dst, num_segments=N)
        cnt = jax.ops.segment_sum(jnp.ones((msg.shape[0],), msg.dtype), dst, num_segments=N)
        out = s / jnp.maximum(cnt, 1.0)[:, None]
    else:
        out = jax.ops.segment_max(msg, dst, num_segments=N)
        out = jnp.where(jnp.isfinite(out), out, 0.0)
    return out + b


def _forward(h, edge_num, edge_weight, W_sum, b_sum, W_mean, b_mean, W_max, b_max, W_ne, b_ne, W_nem, b_nem, Wl, bl, Wr, br, We, att, gat_bias, Wfc, bfc, src, dst):
    h1 = _gcn(h, W_sum, b_sum, src, dst, edge_weight, 'add')
    h2 = _gcn(h, W_mean, b_mean, src, dst, edge_weight, 'mean')
    h3 = _gcn(h, W_max, b_max, src, dst, edge_weight, 'max')
    h4 = _gcn(h, W_ne, b_ne, src, dst, None, 'add')
    h5 = _gcn(h, W_nem, b_nem, src, dst, None, 'max')
    x = jnp.concatenate([h1, h2, h3, h4, h5, edge_num], axis=-1)
    # GATv2Conv(325 -> 325, heads=2, edge_dim=1, aggr='mean', concat=False, add_self_loops=True)
    loop = jnp.arange(N, dtype=src.dtype)
    src2 = jnp.concatenate([src, loop])
    dst2 = jnp.concatenate([dst, loop])
    ea = jnp.concatenate([edge_weight, jnp.full((N,), jnp.mean(edge_weight), dtype=edge_weight.dtype)])[:, None]
    xl = (x @ Wl + bl).reshape(N, H, C)
    xr = (x @ Wr + br).reshape(N, H, C)
    x_j = xl[src2]
    x_i = xr[dst2]
    e = (ea @ We).reshape(-1, H, C)
    m = jax.nn.leaky_relu(x_i + x_j + e, NEG_SLOPE)
    alpha = jnp.sum(m * att[None, :, :], axis=-1)
    amax = jax.ops.segment_max(alpha, dst2, num_segments=N)
    amax = jnp.where(jnp.isfinite(amax), amax, 0.0)
    alpha = jnp.exp(alpha - amax[dst2])
    denom = jax.ops.segment_sum(alpha, dst2, num_segments=N)
    alpha = alpha / (denom[dst2] + 1e-16)
    msg = x_j * alpha[:, :, None]
    s = jax.ops.segment_sum(msg, dst2, num_segments=N)
    cnt = jax.ops.segment_sum(jnp.ones((msg.shape[0],), msg.dtype), dst2, num_segments=N)
    out = s / jnp.maximum(cnt, 1.0)[:, None, None]
    out = out.mean(axis=1) + gat_bias
    return out @ Wfc + bfc


def setup_inputs(seed: int = 0):
    key = jax.random.key(seed)
    ks = jax.random.split(key, 24)

    def lin(k, fi, fo):
        return (jax.random.normal(k, (fi, fo), dtype=jnp.float32) / np.sqrt(fi)).astype(jnp.float32)

    inp = {}
    inp['h'] = jax.random.normal(ks[0], (N, 5), dtype=jnp.float32)
    inp['edge_num'] = jax.random.normal(ks[1], (N, 5), dtype=jnp.float32)
    inp['edge_index'] = jax.random.randint(ks[2], (2, E), 0, N, dtype=jnp.int32)
    inp['edge_weight'] = jax.random.uniform(ks[3], (E,), dtype=jnp.float32)
    inp['W_sum'] = lin(ks[4], 5, 64)
    inp['b_sum'] = jnp.zeros((64,), jnp.float32)
    inp['W_mean'] = lin(ks[5], 5, 64)
    inp['b_mean'] = jnp.zeros((64,), jnp.float32)
    inp['W_max'] = lin(ks[6], 5, 64)
    inp['b_max'] = jnp.zeros((64,), jnp.float32)
    inp['W_ne'] = lin(ks[7], 5, 64)
    inp['b_ne'] = jnp.zeros((64,), jnp.float32)
    inp['W_nem'] = lin(ks[8], 5, 64)
    inp['b_nem'] = jnp.zeros((64,), jnp.float32)
    inp['Wl'] = lin(ks[9], 325, H * C)
    inp['bl'] = jnp.zeros((H * C,), jnp.float32)
    inp['Wr'] = lin(ks[10], 325, H * C)
    inp['br'] = jnp.zeros((H * C,), jnp.float32)
    inp['We'] = lin(ks[11], 1, H * C)
    inp['att'] = (jax.random.normal(ks[12], (H, C), dtype=jnp.float32) / np.sqrt(C)).astype(jnp.float32)
    inp['gat_bias'] = jnp.zeros((C,), jnp.float32)
    inp['Wfc'] = lin(ks[13], 325, 5)
    inp['bfc'] = jnp.zeros((5,), jnp.float32)
    return inp


def reference(h, edge_num, edge_index, edge_weight, W_sum, b_sum, W_mean, b_mean, W_max, b_max, W_ne, b_ne, W_nem, b_nem, Wl, bl, Wr, br, We, att, gat_bias, Wfc, bfc):
    src = edge_index[0]
    dst = edge_index[1]
    return _forward(h, edge_num, edge_weight, W_sum, b_sum, W_mean, b_mean, W_max, b_max, W_ne, b_ne, W_nem, b_nem, Wl, bl, Wr, br, We, att, gat_bias, Wfc, bfc, src, dst)

if __name__ == "__main__":
    import jax
    _d = setup_inputs()
    print(jax.jit(kernel)(*tuple(_d.values())))

</pallas_src>

<mosaic_0001>
#map = affine_map<(d0, d1) -> (0, 0)>
#map1 = affine_map<(d0, d1) -> (0)>
module attributes {stable_mosaic.version = 14 : i64} {
  func.func @_sc1_body(%arg0: i32, %arg1: i32, %arg2: memref<10240x144xf32, #tpu.memory_space<hbm>>, %arg3: memref<160000xi32, #tpu.memory_space<hbm>>, %arg4: memref<160000xi32, #tpu.memory_space<hbm>>, %arg5: memref<160000xf32, #tpu.memory_space<hbm>>, %arg6: memref<163840xf32, #tpu.memory_space<hbm>>, %arg7: memref<655360xf32, #tpu.memory_space<hbm>>, %arg8: memref<655360xf32, #tpu.memory_space<hbm>>, %arg9: memref<2000xi32, #tpu.memory_space<vmem>>, %arg10: memref<2000xi32, #tpu.memory_space<vmem>>, %arg11: memref<2000xf32, #tpu.memory_space<vmem>>, %arg12: memref<5120xf32, #tpu.memory_space<vmem>>, %arg13: memref<20480xf32, #tpu.memory_space<vmem>>, %arg14: memref<20480xf32, #tpu.memory_space<vmem>>, %arg15: memref<16x144xf32, #tpu.memory_space<vmem>>, %arg16: memref<16xi32, #tpu.memory_space<vmem>>, %arg17: memref<!tpu.dma_semaphore, #tpu.memory_space<semaphore_mem>>) attributes {dimension_semantics = [#tpu.dimension_semantics<core_parallel>, #tpu.dimension_semantics<subcore_parallel>], iteration_bounds = array<i64: 2, 16>, scalar_prefetch = 0 : i64, scratch_operands = 9 : i64, tpu.core_type = #tpu.core_type<sc_vector_subcore>, window_params = [{transform_indices = #map}, {transform_indices = #map1}, {transform_indices = #map1}, {transform_indices = #map1}, {transform_indices = #map1}, {transform_indices = #map1}, {transform_indices = #map1}]} {
    %mul3A = arith.constant 2 : i32
    %mul3A_0 = arith.muli %arg1, %mul3A : i32
    %add3A = arith.addi %mul3A_0, %arg0 : i32
    %mul3A_1 = arith.constant 320 : i32
    %mul3A_2 = arith.muli %add3A, %mul3A_1 : i32
    %iota3A = tpu.iota {dimensions = array<i32: 0>} : vector<16xi32>
    %scan3A = arith.constant 0 : i32
    %scan3A_3 = arith.constant 0 : i32
    %scan3A_4 = arith.constant 320 : i32
    %scan3A_5 = arith.addi %scan3A_3, %scan3A_4 : i32
    %scan3A_6 = arith.constant 1 : i32
    %scan3A_7 = scf.for %scan3A_33 = %scan3A_3 to %scan3A_5 step %scan3A_6 iter_args(%scan3A_34 = %scan3A) -> (i32)  : i32 {
      %broadcast_in_dim3A_35 = arith.constant 0.000000e+00 : f32
      %broadcast_in_dim3A_36 = vector.broadcast %broadcast_in_dim3A_35 : f32 to vector<16xf32>
      %mul3A_37 = arith.constant 16 : i32
      %mul3A_38 = arith.muli %scan3A_33, %mul3A_37 : i32
      %swap3A = arith.index_cast %mul3A_38 : i32 to index
      %swap3A_39 = tpu.vector_load %arg12[%swap3A] {strides = array<i32>} : memref<5120xf32, #tpu.memory_space<vmem>>, vector<16xf32>,
      tpu.vector_store %arg12[%swap3A], %broadcast_in_dim3A_36 {strides = array<i32>} : memref<5120xf32, #tpu.memory_space<vmem>>, vector<16xf32>,
      %scan3A_40 = arith.constant 0 : i32
      scf.yield %scan3A_40 : i32
    }
    %scan3A_8 = arith.constant 320 : i32
    %scan3A_9 = arith.constant 0 : i32
    %scan3A_10 = arith.constant 0 : i32
    %scan3A_11 = arith.constant 1280 : i32
    %scan3A_12 = arith.addi %scan3A_10, %scan3A_11 : i32
    %scan3A_13 = arith.constant 1 : i32
    %scan3A_14 = scf.for %scan3A_33 = %scan3A_10 to %scan3A_12 step %scan3A_13 iter_args(%scan3A_34 = %scan3A_9) -> (i32)  : i32 {
      %broadcast_in_dim3A_35 = arith.constant -3.000000e+38 : f32
      %broadcast_in_dim3A_36 = vector.broadcast %broadcast_in_dim3A_35 : f32 to vector<16xf32>
      %mul3A_37 = arith.constant 16 : i32
      %mul3A_38 = arith.muli %scan3A_33, %mul3A_37 : i32
      %swap3A = arith.index_cast %mul3A_38 : i32 to index
      %swap3A_39 = tpu.vector_load %arg13[%swap3A] {strides = array<i32>} : memref<20480xf32, #tpu.memory_space<vmem>>, vector<16xf32>,
      tpu.vector_store %arg13[%swap3A], %broadcast_in_dim3A_36 {strides = array<i32>} : memref<20480xf32, #tpu.memory_space<vmem>>, vector<16xf32>,
      %broadcast_in_dim3A_40 = arith.constant -3.000000e+38 : f32
      %broadcast_in_dim3A_41 = vector.broadcast %broadcast_in_dim3A_40 : f32 to vector<16xf32>
      %mul3A_42 = arith.constant 16 : i32
      %mul3A_43 = arith.muli %scan3A_33, %mul3A_42 : i32
      %swap3A_44 = arith.index_cast %mul3A_43 : i32 to index
      %swap3A_45 = tpu.vector_load %arg14[%swap3A_44] {strides = array<i32>} : memref<20480xf32, #tpu.memory_space<vmem>>, vector<16xf32>,
      tpu.vector_store %arg14[%swap3A_44], %broadcast_in_dim3A_41 {strides = array<i32>} : memref<20480xf32, #tpu.memory_space<vmem>>, vector<16xf32>,
      %scan3A_46 = arith.constant 0 : i32
      scf.yield %scan3A_46 : i32
    }
    %scan3A_15 = arith.constant 1280 : i32
    %lt3A = arith.constant 5 : i32
    %lt3A_16 = vector.broadcast %lt3A : i32 to vector<16xi32>
    %lt3A_17 = arith.cmpi slt, %iota3A, %lt3A_16 : vector<16xi32>
    %jit3A = arith.constant 0.000000e+00 : f32
    %jit3A_18 = arith.constant 1.000000e+00 : f32
    %broadcast_in_dim3A = vector.broadcast %jit3A : f32 to vector<16xf32>
    %broadcast_in_dim3A_19 = vector.broadcast %jit3A_18 : f32 to vector<16xf32>
    %select_n3A = arith.select %lt3A_17, %broadcast_in_dim3A, %broadcast_in_dim3A_19 : vector<16xi1>, vector<16xf32>
    %scan3A_20 = arith.constant 0 : i32
    %scan3A_21 = arith.constant 0 : i32
    %scan3A_22 = arith.constant 80 : i32
    %scan3A_23 = arith.addi %scan3A_21, %scan3A_22 : i32
    %scan3A_24 = arith.constant 1 : i32
    %scan3A_25 = scf.for %scan3A_33 = %scan3A_21 to %scan3A_23 step %scan3A_24 iter_args(%scan3A_34 = %scan3A_20) -> (i32)  : i32 {
      %mul3A_35 = arith.constant 2000 : i32
      %mul3A_36 = arith.muli %scan3A_33, %mul3A_35 : i32
      "tpu.region"() ({
        %run_scoped3A = tpu.sem_alloc : memref<!tpu.dma_semaphore, #tpu.memory_space<semaphore_mem>>
        %dma_start3A = tpu.memref_slice %arg4[%mul3A_36] : memref<160000xi32, #tpu.memory_space<hbm>> -> memref<2000xi32, #tpu.memory_space<hbm>>
        %dma_start3A_44 = tpu.memref_slice %arg4[%mul3A_36] : memref<160000xi32, #tpu.memory_space<hbm>> -> memref<2000xi32, #tpu.memory_space<hbm>>
        tpu.enqueue_dma source(%dma_start3A_44 : memref<2000xi32, #tpu.memory_space<hbm>>) target(%arg9 : memref<2000xi32, #tpu.memory_space<vmem>>) target_semaphore(%run_scoped3A : memref<!tpu.dma_semaphore, #tpu.memory_space<semaphore_mem>>)
        %dma_wait3A = tpu.memref_slice %arg4[%mul3A_36] : memref<160000xi32, #tpu.memory_space<hbm>> -> memref<2000xi32, #tpu.memory_space<hbm>>
        %dma_wait3A_45 = tpu.memref_slice %arg4[%mul3A_36] : memref<160000xi32, #tpu.memory_space<hbm>> -> memref<2000xi32, #tpu.memory_space<hbm>>
        tpu.wait_dma2 semaphore(%run_scoped3A : memref<!tpu.dma_semaphore, #tpu.memory_space<semaphore_mem>>) src(%dma_wait3A_45 : memref<2000xi32, #tpu.memory_space<hbm>>) dst(%arg9 : memref<2000xi32, #tpu.memory_space<vmem>>)
        tpu.yield
      }) : () -> ()
      "tpu.region"() ({
        %run_scoped3A = tpu.sem_alloc : memref<!tpu.dma_semaphore, #tpu.memory_space<semaphore_mem>>
        %dma_start3A = tpu.memref_slice %arg3[%mul3A_36] : memref<160000xi32, #tpu.memory_space<hbm>> -> memref<2000xi32, #tpu.memory_space<hbm>>
        %dma_start3A_44 = tpu.memref_slice %arg3[%mul3A_36] : memref<160000xi32, #tpu.memory_space<hbm>> -> memref<2000xi32, #tpu.memory_space<hbm>>
        tpu.enqueue_dma source(%dma_start3A_44 : memref<2000xi32, #tpu.memory_space<hbm>>) target(%arg10 : memref<2000xi32, #tpu.memory_space<vmem>>) target_semaphore(%run_scoped3A : memref<!tpu.dma_semaphore, #tpu.memory_space<semaphore_mem>>)
        %dma_wait3A = tpu.memref_slice %arg3[%mul3A_36] : memref<160000xi32, #tpu.memory_space<hbm>> -> memref<2000xi32, #tpu.memory_space<hbm>>
        %dma_wait3A_45 = tpu.memref_slice %arg3[%mul3A_36] : memref<160000xi32, #tpu.memory_space<hbm>> -> memref<2000xi32, #tpu.memory_space<hbm>>
        tpu.wait_dma2 semaphore(%run_scoped3A : memref<!tpu.dma_semaphore, #tpu.memory_space<semaphore_mem>>) src(%dma_wait3A_45 : memref<2000xi32, #tpu.memory_space<hbm>>) dst(%arg10 : memref<2000xi32, #tpu.memory_space<vmem>>)
        tpu.yield
      }) : () -> ()
      "tpu.region"() ({
        %run_scoped3A = tpu.sem_alloc : memref<!tpu.dma_semaphore, #tpu.memory_space<semaphore_mem>>
        %dma_start3A = tpu.memref_slice %arg5[%mul3A_36] : memref<160000xf32, #tpu.memory_space<hbm>> -> memref<2000xf32, #tpu.memory_space<hbm>>
        %dma_start3A_44 = tpu.memref_slice %arg5[%mul3A_36] : memref<160000xf32, #tpu.memory_space<hbm>> -> memref<2000xf32, #tpu.memory_space<hbm>>
        tpu.enqueue_dma source(%dma_start3A_44 : memref<2000xf32, #tpu.memory_space<hbm>>) target(%arg11 : memref<2000xf32, #tpu.memory_space<vmem>>) target_semaphore(%run_scoped3A : memref<!tpu.dma_semaphore, #tpu.memory_space<semaphore_mem>>)
        %dma_wait3A = tpu.memref_slice %arg5[%mul3A_36] : memref<160000xf32, #tpu.memory_space<hbm>> -> memref<2000xf32, #tpu.memory_space<hbm>>
        %dma_wait3A_45 = tpu.memref_slice %arg5[%mul3A_36] : memref<160000xf32, #tpu.memory_space<hbm>> -> memref<2000xf32, #tpu.memory_space<hbm>>
        tpu.wait_dma2 semaphore(%run_scoped3A : memref<!tpu.dma_semaphore, #tpu.memory_space<semaphore_mem>>) src(%dma_wait3A_45 : memref<2000xf32, #tpu.memory_space<hbm>>) dst(%arg11 : memref<2000xf32, #tpu.memory_space<vmem>>)
        tpu.yield
      }) : () -> ()
      %scan3A_37 = arith.constant 0 : i32
      %scan3A_38 = arith.constant 0 : i32
      %scan3A_39 = arith.constant 125 : i32
      %scan3A_40 = arith.addi %scan3A_38, %scan3A_39 : i32
      %scan3A_41 = arith.constant 1 : i32
      scf.for %scan3A_44 = %scan3A_38 to %scan3A_40 step %scan3A_41  : i32 {
        %mul3A_45 = arith.constant 16 : i32
        %mul3A_46 = arith.muli %scan3A_44, %mul3A_45 : i32
        %get3A = arith.index_cast %mul3A_46 : i32 to index
        %get3A_47 = tpu.vector_load %arg9[%get3A] {strides = array<i32>} : memref<2000xi32, #tpu.memory_space<vmem>>, vector<16xi32>,
        %ge3A = vector.broadcast %mul3A_2 : i32 to vector<16xi32>
        %ge3A_48 = arith.cmpi sge, %get3A_47, %ge3A : vector<16xi32>
        %add3A_49 = arith.constant 320 : i32
        %add3A_50 = arith.addi %mul3A_2, %add3A_49 : i32
        %lt3A_51 = vector.broadcast %add3A_50 : i32 to vector<16xi32>
        %lt3A_52 = arith.cmpi slt, %get3A_47, %lt3A_51 : vector<16xi32>
        %and3A = arith.andi %ge3A_48, %lt3A_52 : vector<16xi1>
        %convert_element_type3A = arith.extui %and3A : vector<16xi1> to vector<16xi32>
        %reduce_sum3A = arith.constant true
        %reduce_sum3A_53 = vector.broadcast %reduce_sum3A : i1 to vector<16xi1>
        %reduce_sum3A_54 = tpu.scan <sum>, %convert_element_type3A masked %reduce_sum3A_53 : vector<16xi32>, vector<16xi1> -> vector<16xi32>
        %reduce_sum3A_55 = vector.extract %reduce_sum3A_54[15] : i32 from vector<16xi32>
        %convert_element_type3A_56 = arith.extui %and3A : vector<16xi1> to vector<16xi32>
        %gt3A = arith.constant 0 : i32
        %gt3A_57 = arith.cmpi sgt, %reduce_sum3A_55, %gt3A : i32
        %convert_element_type3A_58 = arith.extui %gt3A_57 : i1 to i32
        %cond3A = arith.constant 0 : i32
        %cond3A_59 = arith.cmpi ne, %convert_element_type3A_58, %cond3A : i32
        scf.if %cond3A_59 {
          %mul3A_60 = arith.constant 16 : i32
          %mul3A_61 = arith.muli %scan3A_44, %mul3A_60 : i32
          %get3A_62 = arith.index_cast %mul3A_61 : i32 to index
          %get3A_63 = tpu.vector_load %arg10[%get3A_62] {strides = array<i32>} : memref<2000xi32, #tpu.memory_space<vmem>>, vector<16xi32>,
          %mul3A_64 = arith.constant 16 : i32
          %mul3A_65 = arith.muli %scan3A_44, %mul3A_64 : i32
          %get3A_66 = arith.index_cast %mul3A_65 : i32 to index
          %get3A_67 = tpu.vector_load %arg11[%get3A_66] {strides = array<i32>} : memref<2000xf32, #tpu.memory_space<vmem>>, vector<16xf32>,
          %jit3A_68 = arith.constant 0 : i32
          %broadcast_in_dim3A_69 = vector.broadcast %jit3A_68 : i32 to vector<16xi32>
          %select_n3A_70 = arith.select %and3A, %get3A_63, %broadcast_in_dim3A_69 : vector<16xi1>, vector<16xi32>
          %dma_start3A = arith.constant 0 : i32
          %dma_start3A_71 = arith.constant 0 : i32
          %dma_start3A_72 = tpu.memref_slice %arg2[%dma_start3A, %dma_start3A_71] : memref<10240x144xf32, #tpu.memory_space<hbm>> -> memref<10240x144xf32, #tpu.memory_space<hbm>>
          tpu.enqueue_indirect_dma source(%dma_start3A_72 : memref<10240x144xf32, #tpu.memory_space<hbm>>) target(%arg15 : memref<16x144xf32, #tpu.memory_space<vmem>>) offsets(%select_n3A_70 : vector<16xi32>) semaphore(%arg17 : memref<!tpu.dma_semaphore, #tpu.memory_space<semaphore_mem>>)
          %dma_wait3A = arith.constant 0 : i32
          %dma_wait3A_73 = arith.constant 0 : i32
          %dma_wait3A_74 = tpu.memref_slice %arg2[%dma_wait3A, %dma_wait3A_73] : memref<10240x144xf32, #tpu.memory_space<hbm>> -> memref<10240x144xf32, #tpu.memory_space<hbm>>
          tpu.wait_indirect_dma semaphore(%arg17 : memref<!tpu.dma_semaphore, #tpu.memory_space<semaphore_mem>>) src(%dma_wait3A_74 : memref<10240x144xf32, #tpu.memory_space<hbm>>) dst(%arg15 : memref<16x144xf32, #tpu.memory_space<vmem>>)
          %slice3A = vector.extract_strided_slice %convert_element_type3A_56 {offsets = [0], sizes = [1], strides = [1]} : vector<16xi32> to vector<1xi32>
          %squeeze3A = vector.extract %slice3A[0] : i32 from vector<1xi32>
          %eq3A = arith.constant 1 : i32
          %eq3A_75 = arith.cmpi eq, %squeeze3A, %eq3A : i32
          %convert_element_type3A_76 = arith.extui %eq3A_75 : i1 to i32
          %cond3A_77 = arith.constant 0 : i32
          %cond3A_78 = arith.cmpi ne, %convert_element_type3A_76, %cond3A_77 : i32
          scf.if %cond3A_78 {
            %slice3A_184 = vector.extract_strided_slice %get3A_47 {offsets = [0], sizes = [1], strides = [1]} : vector<16xi32> to vector<1xi32>
            %squeeze3A_185 = vector.extract %slice3A_184[0] : i32 from vector<1xi32>
            %sub3A = arith.subi %squeeze3A_185, %mul3A_2 : i32
            %slice3A_186 = vector.extract_strided_slice %get3A_67 {offsets = [0], sizes = [1], strides = [1]} : vector<16xf32> to vector<1xf32>
            %squeeze3A_187 = vector.extract %slice3A_186[0] : f32 from vector<1xf32>
            %broadcast_in_dim3A_188 = arith.constant 0 : i32
            %broadcast_in_dim3A_189 = vector.broadcast %broadcast_in_dim3A_188 : i32 to vector<16xi32>
            %gather3A = tpu.vector_load_idx %arg15[%broadcast_in_dim3A_189, %iota3A] : memref<16x144xf32, #tpu.memory_space<vmem>>[vector<16xi32>, vector<16xi32>], vector<16xf32>,
            %lt3A_190 = arith.constant 5 : i32
            %lt3A_191 = vector.broadcast %lt3A_190 : i32 to vector<16xi32>
            %lt3A_192 = arith.cmpi slt, %iota3A, %lt3A_191 : vector<16xi32>
            %broadcast_in_dim3A_193 = vector.broadcast %squeeze3A_187 : f32 to vector<16xf32>
            %select_n3A_194 = arith.select %lt3A_192, %broadcast_in_dim3A_193, %select_n3A : vector<16xi1>, vector<16xf32>
            %mul3A_195 = arith.constant 16 : i32
            %mul3A_196 = arith.muli %sub3A, %mul3A_195 : i32
            %mul3A_197 = arith.mulf %gather3A, %select_n3A_194 : vector<16xf32>
            %swap3A = arith.index_cast %mul3A_196 : i32 to index
            %swap3A_198 = tpu.vector_load %arg12[%swap3A] {strides = array<i32>} : memref<5120xf32, #tpu.memory_space<vmem>>, vector<16xf32>,
            tpu.vector_store %arg12[%swap3A], %mul3A_197 {add = true, strides = array<i32>} : memref<5120xf32, #tpu.memory_space<vmem>>, vector<16xf32>,
            %add3A_199 = arith.constant 16 : i32
            %add3A_200 = vector.broadcast %add3A_199 : i32 to vector<16xi32>
            %add3A_201 = arith.addi %add3A_200, %iota3A : vector<16xi32>
            %broadcast_in_dim3A_202 = arith.constant 0 : i32
            %broadcast_in_dim3A_203 = vector.broadcast %broadcast_in_dim3A_202 : i32 to vector<16xi32>
            %gather3A_204 = tpu.vector_load_idx %arg15[%broadcast_in_dim3A_203, %add3A_201] : memref<16x144xf32, #tpu.memory_space<vmem>>[vector<16xi32>, vector<16xi32>], vector<16xf32>,
            %mul3A_205 = arith.constant 64 : i32
            %mul3A_206 = arith.muli %sub3A, %mul3A_205 : i32
            %add3A_207 = arith.constant 0 : i32
            %add3A_208 = arith.addi %mul3A_206, %add3A_207 : i32
            %get3A_209 = arith.index_cast %add3A_208 : i32 to index
            %get3A_210 = tpu.vector_load %arg13[%get3A_209] {strides = array<i32>} : memref<20480xf32, #tpu.memory_space<vmem>>, vector<16xf32>,
            %mul3A_211 = vector.broadcast %squeeze3A_187 : f32 to vector<16xf32>
            %mul3A_212 = arith.mulf %mul3A_211, %gather3A_204 : vector<16xf32>
            %max3A = arith.maximumf %get3A_210, %mul3A_212 : vector<16xf32>
            %swap3A_213 = arith.index_cast %add3A_208 : i32 to index
            %swap3A_214 = tpu.vector_load %arg13[%swap3A_213] {strides = array<i32>} : memref<20480xf32, #tpu.memory_space<vmem>>, vector<16xf32>,
            tpu.vector_store %arg13[%swap3A_213], %max3A {strides = array<i32>} : memref<20480xf32, #tpu.memory_space<vmem>>, vector<16xf32>,
            %add3A_215 = arith.constant 32 : i32
            %add3A_216 = vector.broadcast %add3A_215 : i32 to vector<16xi32>
            %add3A_217 = arith.addi %add3A_216, %iota3A : vector<16xi32>
            %broadcast_in_dim3A_218 = arith.constant 0 : i32
            %broadcast_in_dim3A_219 = vector.broadcast %broadcast_in_dim3A_218 : i32 to vector<16xi32>
            %gather3A_220 = tpu.vector_load_idx %arg15[%broadcast_in_dim3A_219, %add3A_217] : memref<16x144xf32, #tpu.memory_space<vmem>>[vector<16xi32>, vector<16xi32>], vector<16xf32>,
            %mul3A_221 = arith.constant 64 : i32
            %mul3A_222 = arith.muli %sub3A, %mul3A_221 : i32
            %add3A_223 = arith.constant 16 : i32
            %add3A_224 = arith.addi %mul3A_222, %add3A_223 : i32
            %get3A_225 = arith.index_cast %add3A_224 : i32 to index
            %get3A_226 = tpu.vector_load %arg13[%get3A_225] {strides = array<i32>} : memref<20480xf32, #tpu.memory_space<vmem>>, vector<16xf32>,
            %mul3A_227 = vector.broadcast %squeeze3A_187 : f32 to vector<16xf32>
            %mul3A_228 = arith.mulf %mul3A_227, %gather3A_220 : vector<16xf32>
            %max3A_229 = arith.maximumf %get3A_226, %mul3A_228 : vector<16xf32>
            %swap3A_230 = arith.index_cast %add3A_224 : i32 to index
            %swap3A_231 = tpu.vector_load %arg13[%swap3A_230] {strides = array<i32>} : memref<20480xf32, #tpu.memory_space<vmem>>, vector<16xf32>,
            tpu.vector_store %arg13[%swap3A_230], %max3A_229 {strides = array<i32>} : memref<20480xf32, #tpu.memory_space<vmem>>, vector<16xf32>,
            %add3A_232 = arith.constant 48 : i32
            %add3A_233 = vector.broadcast %add3A_232 : i32 to vector<16xi32>
            %add3A_234 = arith.addi %add3A_233, %iota3A : vector<16xi32>
            %broadcast_in_dim3A_235 = arith.constant 0 : i32
            %broadcast_in_dim3A_236 = vector.broadcast %broadcast_in_dim3A_235 : i32 to vector<16xi32>
            %gather3A_237 = tpu.vector_load_idx %arg15[%broadcast_in_dim3A_236, %add3A_234] : memref<16x144xf32, #tpu.memory_space<vmem>>[vector<16xi32>, vector<16xi32>], vector<16xf32>,
            %mul3A_238 = arith.constant 64 : i32
            %mul3A_239 = arith.muli %sub3A, %mul3A_238 : i32
            %add3A_240 = arith.constant 32 : i32
            %add3A_241 = arith.addi %mul3A_239, %add3A_240 : i32
            %get3A_242 = arith.index_cast %add3A_241 : i32 to index
            %get3A_243 = tpu.vector_load %arg13[%get3A_242] {strides = array<i32>} : memref<20480xf32, #tpu.memory_space<vmem>>, vector<16xf32>,
            %mul3A_244 = vector.broadcast %squeeze3A_187 : f32 to vector<16xf32>
            %mul3A_245 = arith.mulf %mul3A_244, %gather3A_237 : vector<16xf32>
            %max3A_246 = arith.maximumf %get3A_243, %mul3A_245 : vector<16xf32>
            %swap3A_247 = arith.index_cast %add3A_241 : i32 to index
            %swap3A_248 = tpu.vector_load %arg13[%swap3A_247] {strides = array<i32>} : memref<20480xf32, #tpu.memory_space<vmem>>, vector<16xf32>,
            tpu.vector_store %arg13[%swap3A_247], %max3A_246 {strides = array<i32>} : memref<20480xf32, #tpu.memory_space<vmem>>, vector<16xf32>,
            %add3A_249 = arith.constant 64 : i32
            %add3A_250 = vector.broadcast %add3A_249 : i32 to vector<16xi32>
            %add3A_251 = arith.addi %add3A_250, %iota3A : vector<16xi32>
            %broadcast_in_dim3A_252 = arith.constant 0 : i32
            %broadcast_in_dim3A_253 = vector.broadcast %broadcast_in_dim3A_252 : i32 to vector<16xi32>
            %gather3A_254 = tpu.vector_load_idx %arg15[%broadcast_in_dim3A_253, %add3A_251] : memref<16x144xf32, #tpu.memory_space<vmem>>[vector<16xi32>, vector<16xi32>], vector<16xf32>,
            %mul3A_255 = arith.constant 64 : i32
            %mul3A_256 = arith.muli %sub3A, %mul3A_255 : i32
            %add3A_257 = arith.constant 48 : i32
            %add3A_258 = arith.addi %mul3A_256, %add3A_257 : i32
            %get3A_259 = arith.index_cast %add3A_258 : i32 to index
            %get3A_260 = tpu.vector_load %arg13[%get3A_259] {strides = array<i32>} : memref<20480xf32, #tpu.memory_space<vmem>>, vector<16xf32>,
            %mul3A_261 = vector.broadcast %squeeze3A_187 : f32 to vector<16xf32>
            %mul3A_262 = arith.mulf %mul3A_261, %gather3A_254 : vector<16xf32>
            %max3A_263 = arith.maximumf %get3A_260, %mul3A_262 : vector<16xf32>
            %swap3A_264 = arith.index_cast %add3A_258 : i32 to index
            %swap3A_265 = tpu.vector_load %arg13[%swap3A_264] {strides = array<i32>} : memref<20480xf32, #tpu.memory_space<vmem>>, vector<16xf32>,
            tpu.vector_store %arg13[%swap3A_264], %max3A_263 {strides = array<i32>} : memref<20480xf32, #tpu.memory_space<vmem>>, vector<16xf32>,
            %add3A_266 = arith.constant 80 : i32
            %add3A_267 = vector.broadcast %add3A_266 : i32 to vector<16xi32>
            %add3A_268 = arith.addi %add3A_267, %iota3A : vector<16xi32>
            %broadcast_in_dim3A_269 = arith.constant 0 : i32
            %broadcast_in_dim3A_270 = vector.broadcast %broadcast_in_dim3A_269 : i32 to vector<16xi32>
            %gather3A_271 = tpu.vector_load_idx %arg15[%broadcast_in_dim3A_270, %add3A_268] : memref<16x144xf32, #tpu.memory_space<vmem>>[vector<16xi32>, vector<16xi32>], vector<16xf32>,
            %mul3A_272 = arith.constant 64 : i32
            %mul3A_273 = arith.muli %sub3A, %mul3A_272 : i32
            %add3A_274 = arith.constant 0 : i32
            %add3A_275 = arith.addi %mul3A_273, %add3A_274 : i32
            %get3A_276 = arith.index_cast %add3A_275 : i32 to index
            %get3A_277 = tpu.vector_load %arg14[%get3A_276] {strides = array<i32>} : memref<20480xf32, #tpu.memory_space<vmem>>, vector<16xf32>,
            %max3A_278 = arith.maximumf %get3A_277, %gather3A_271 : vector<16xf32>
            %swap3A_279 = arith.index_cast %add3A_275 : i32 to index
            %swap3A_280 = tpu.vector_load %arg14[%swap3A_279] {strides = array<i32>} : memref<20480xf32, #tpu.memory_space<vmem>>, vector<16xf32>,
            tpu.vector_store %arg14[%swap3A_279], %max3A_278 {strides = array<i32>} : memref<20480xf32, #tpu.memory_space<vmem>>, vector<16xf32>,
            %add3A_281 = arith.constant 96 : i32
            %add3A_282 = vector.broadcast %add3A_281 : i32 to vector<16xi32>
            %add3A_283 = arith.addi %add3A_282, %iota3A : vector<16xi32>
            %broadcast_in_dim3A_284 = arith.constant 0 : i32
            %broadcast_in_dim3A_285 = vector.broadcast %broadcast_in_dim3A_284 : i32 to vector<16xi32>
            %gather3A_286 = tpu.vector_load_idx %arg15[%broadcast_in_dim3A_285, %add3A_283] : memref<16x144xf32, #tpu.memory_space<vmem>>[vector<16xi32>, vector<16xi32>], vector<16xf32>,
            %mul3A_287 = arith.constant 64 : i32
            %mul3A_288 = arith.muli %sub3A, %mul3A_287 : i32
            %add3A_289 = arith.constant 16 : i32
            %add3A_290 = arith.addi %mul3A_288, %add3A_289 : i32
            %get3A_291 = arith.index_cast %add3A_290 : i32 to index
            %get3A_292 = tpu.vector_load %arg14[%get3A_291] {strides = array<i32>} : memref<20480xf32, #tpu.memory_space<vmem>>, vector<16xf32>,
            %max3A_293 = arith.maximumf %get3A_292, %gather3A_286 : vector<16xf32>
            %swap3A_294 = arith.index_cast %add3A_290 : i32 to index
            %swap3A_295 = tpu.vector_load %arg14[%swap3A_294] {strides = array<i32>} : memref<20480xf32, #tpu.memory_space<vmem>>, vector<16xf32>,
            tpu.vector_store %arg14[%swap3A_294], %max3A_293 {strides = array<i32>} : memref<20480xf32, #tpu.memory_space<vmem>>, vector<16xf32>,
            %add3A_296 = arith.constant 112 : i32
            %add3A_297 = vector.broadcast %add3A_296 : i32 to vector<16xi32>
            %add3A_298 = arith.addi %add3A_297, %iota3A : vector<16xi32>
            %broadcast_in_dim3A_299 = arith.constant 0 : i32
            %broadcast_in_dim3A_300 = vector.broadcast %broadcast_in_dim3A_299 : i32 to vector<16xi32>
            %gather3A_301 = tpu.vector_load_idx %arg15[%broadcast_in_dim3A_300, %add3A_298] : memref<16x144xf32, #tpu.memory_space<vmem>>[vector<16xi32>, vector<16xi32>], vector<16xf32>,
            %mul3A_302 = arith.constant 64 : i32
            %mul3A_303 = arith.muli %sub3A, %mul3A_302 : i32
            %add3A_304 = arith.constant 32 : i32
            %add3A_305 = arith.addi %mul3A_303, %add3A_304 : i32
            %get3A_306 = arith.index_cast %add3A_305 : i32 to index
            %get3A_307 = tpu.vector_load %arg14[%get3A_306] {strides = array<i32>} : memref<20480xf32, #tpu.memory_space<vmem>>, vector<16xf32>,
            %max3A_308 = arith.maximumf %get3A_307, %gather3A_301 : vector<16xf32>
            %swap3A_309 = arith.index_cast %add3A_305 : i32 to index
            %swap3A_310 = tpu.vector_load %arg14[%swap3A_309] {strides = array<i32>} : memref<20480xf32, #tpu.memory_space<vmem>>, vector<16xf32>,
            tpu.vector_store %arg14[%swap3A_309], %max3A_308 {strides = array<i32>} : memref<20480xf32, #tpu.memory_space<vmem>>, vector<16xf32>,
            %add3A_311 = arith.constant 128 : i32
            %add3A_312 = vector.broadcast %add3A_311 : i32 to vector<16xi32>
            %add3A_313 = arith.addi %add3A_312, %iota3A : vector<16xi32>
            %broadcast_in_dim3A_314 = arith.constant 0 : i32
            %broadcast_in_dim3A_315 = vector.broadcast %broadcast_in_dim3A_314 : i32 to vector<16xi32>
            %gather3A_316 = tpu.vector_load_idx %arg15[%broadcast_in_dim3A_315, %add3A_313] : memref<16x144xf32, #tpu.memory_space<vmem>>[vector<16xi32>, vector<16xi32>], vector<16xf32>,
            %mul3A_317 = arith.constant 64 : i32
            %mul3A_318 = arith.muli %sub3A, %mul3A_317 : i32
            %add3A_319 = arith.constant 48 : i32
            %add3A_320 = arith.addi %mul3A_318, %add3A_319 : i32
            %get3A_321 = arith.index_cast %add3A_320 : i32 to index
            %get3A_322 = tpu.vector_load %arg14[%get3A_321] {strides = array<i32>} : memref<20480xf32, #tpu.memory_space<vmem>>, vector<16xf32>,
            %max3A_323 = arith.maximumf %get3A_322, %gather3A_316 : vector<16xf32>
            %swap3A_324 = arith.index_cast %add3A_320 : i32 to index
            %swap3A_325 = tpu.vector_load %arg14[%swap3A_324] {strides = array<i32>} : memref<20480xf32, #tpu.memory_space<vmem>>, vector<16xf32>,
            tpu.vector_store %arg14[%swap3A_324], %max3A_323 {strides = array<i32>} : memref<20480xf32, #tpu.memory_space<vmem>>, vector<16xf32>,
          } else {
          }
          %slice3A_79 = vector.extract_strided_slice %convert_element_type3A_56 {offsets = [1], sizes = [1], strides = [1]} : vector<16xi32> to vector<1xi32>
          %squeeze3A_80 = vector.extract %slice3A_79[0] : i32 from vector<1xi32>
          %eq3A_81 = arith.constant 1 : i32
          %eq3A_82 = arith.cmpi eq, %squeeze3A_80, %eq3A_81 : i32
          %convert_element_type3A_83 = arith.extui %eq3A_82 : i1 to i32
          %cond3A_84 = arith.constant 0 : i32
          %cond3A_85 = arith.cmpi ne, %convert_element_type3A_83, %cond3A_84 : i32
          scf.if %cond3A_85 {
            %slice3A_184 = vector.extract_strided_slice %get3A_47 {offsets = [1], sizes = [1], strides = [1]} : vector<16xi32> to vector<1xi32>
            %squeeze3A_185 = vector.extract %slice3A_184[0] : i32 from vector<1xi32>
            %sub3A = arith.subi %squeeze3A_185, %mul3A_2 : i32
            %slice3A_186 = vector.extract_strided_slice %get3A_67 {offsets = [1], sizes = [1], strides = [1]} : vector<16xf32> to vector<1xf32>
            %squeeze3A_187 = vector.extract %slice3A_186[0] : f32 from vector<1xf32>
            %broadcast_in_dim3A_188 = arith.constant 1 : i32
            %broadcast_in_dim3A_189 = vector.broadcast %broadcast_in_dim3A_188 : i32 to vector<16xi32>
            %gather3A = tpu.vector_load_idx %arg15[%broadcast_in_dim3A_189, %iota3A] : memref<16x144xf32, #tpu.memory_space<vmem>>[vector<16xi32>, vector<16xi32>], vector<16xf32>,
            %lt3A_190 = arith.constant 5 : i32
            %lt3A_191 = vector.broadcast %lt3A_190 : i32 to vector<16xi32>
            %lt3A_192 = arith.cmpi slt, %iota3A, %lt3A_191 : vector<16xi32>
            %broadcast_in_dim3A_193 = vector.broadcast %squeeze3A_187 : f32 to vector<16xf32>
            %select_n3A_194 = arith.select %lt3A_192, %broadcast_in_dim3A_193, %select_n3A : vector<16xi1>, vector<16xf32>
            %mul3A_195 = arith.constant 16 : i32
            %mul3A_196 = arith.muli %sub3A, %mul3A_195 : i32
            %mul3A_197 = arith.mulf %gather3A, %select_n3A_194 : vector<16xf32>
            %swap3A = arith.index_cast %mul3A_196 : i32 to index
            %swap3A_198 = tpu.vector_load %arg12[%swap3A] {strides = array<i32>} : memref<5120xf32, #tpu.memory_space<vmem>>, vector<16xf32>,
            tpu.vector_store %arg12[%swap3A], %mul3A_197 {add = true, strides = array<i32>} : memref<5120xf32, #tpu.memory_space<vmem>>, vector<16xf32>,
            %add3A_199 = arith.constant 16 : i32
            %add3A_200 = vector.broadcast %add3A_199 : i32 to vector<16xi32>
            %add3A_201 = arith.addi %add3A_200, %iota3A : vector<16xi32>
            %broadcast_in_dim3A_202 = arith.constant 1 : i32
            %broadcast_in_dim3A_203 = vector.broadcast %broadcast_in_dim3A_202 : i32 to vector<16xi32>
            %gather3A_204 = tpu.vector_load_idx %arg15[%broadcast_in_dim3A_203, %add3A_201] : memref<16x144xf32, #tpu.memory_space<vmem>>[vector<16xi32>, vector<16xi32>], vector<16xf32>,
            %mul3A_205 = arith.constant 64 : i32
            %mul3A_206 = arith.muli %sub3A, %mul3A_205 : i32
            %add3A_207 = arith.constant 0 : i32
            %add3A_208 = arith.addi %mul3A_206, %add3A_207 : i32
            %get3A_209 = arith.index_cast %add3A_208 : i32 to index
            %get3A_210 = tpu.vector_load %arg13[%get3A_209] {strides = array<i32>} : memref<20480xf32, #tpu.memory_space<vmem>>, vector<16xf32>,
            %mul3A_211 = vector.broadcast %squeeze3A_187 : f32 to vector<16xf32>
            %mul3A_212 = arith.mulf %mul3A_211, %gather3A_204 : vector<16xf32>
            %max3A = arith.maximumf %get3A_210, %mul3A_212 : vector<16xf32>
            %swap3A_213 = arith.index_cast %add3A_208 : i32 to index
            %swap3A_214 = tpu.vector_load %arg13[%swap3A_213] {strides = array<i32>} : memref<20480xf32, #tpu.memory_space<vmem>>, vector<16xf32>,
            tpu.vector_store %arg13[%swap3A_213], %max3A {strides = array<i32>} : memref<20480xf32, #tpu.memory_space<vmem>>, vector<16xf32>,
            %add3A_215 = arith.constant 32 : i32
            %add3A_216 = vector.broadcast %add3A_215 : i32 to vector<16xi32>
            %add3A_217 = arith.addi %add3A_216, %iota3A : vector<16xi32>
            %broadcast_in_dim3A_218 = arith.constant 1 : i32
            %broadcast_in_dim3A_219 = vector.broadcast %broadcast_in_dim3A_218 : i32 to vector<16xi32>
            %gather3A_220 = tpu.vector_load_idx %arg15[%broadcast_in_dim3A_219, %add3A_217] : memref<16x144xf32, #tpu.memory_space<vmem>>[vector<16xi32>, vector<16xi32>], vector<16xf32>,
            %mul3A_221 = arith.constant 64 : i32
            %mul3A_222 = arith.muli %sub3A, %mul3A_221 : i32
            %add3A_223 = arith.constant 16 : i32
            %add3A_224 = arith.addi %mul3A_222, %add3A_223 : i32
            %get3A_225 = arith.index_cast %add3A_224 : i32 to index
            %get3A_226 = tpu.vector_load %arg13[%get3A_225] {strides = array<i32>} : memref<20480xf32, #tpu.memory_space<vmem>>, vector<16xf32>,
            %mul3A_227 = vector.broadcast %squeeze3A_187 : f32 to vector<16xf32>
            %mul3A_228 = arith.mulf %mul3A_227, %gather3A_220 : vector<16xf32>
            %max3A_229 = arith.maximumf %get3A_226, %mul3A_228 : vector<16xf32>
            %swap3A_230 = arith.index_cast %add3A_224 : i32 to index
            %swap3A_231 = tpu.vector_load %arg13[%swap3A_230] {strides = array<i32>} : memref<20480xf32, #tpu.memory_space<vmem>>, vector<16xf32>,
            tpu.vector_store %arg13[%swap3A_230], %max3A_229 {strides = array<i32>} : memref<20480xf32, #tpu.memory_space<vmem>>, vector<16xf32>,
            %add3A_232 = arith.constant 48 : i32
            %add3A_233 = vector.broadcast %add3A_232 : i32 to vector<16xi32>
            %add3A_234 = arith.addi %add3A_233, %iota3A : vector<16xi32>
            %broadcast_in_dim3A_235 = arith.constant 1 : i32
            %broadcast_in_dim3A_236 = vector.broadcast %broadcast_in_dim3A_235 : i32 to vector<16xi32>
            %gather3A_237 = tpu.vector_load_idx %arg15[%broadcast_in_dim3A_236, %add3A_234] : memref<16x144xf32, #tpu.memory_space<vmem>>[vector<16xi32>, vector<16xi32>], vector<16xf32>,
            %mul3A_238 = arith.constant 64 : i32
            %mul3A_239 = arith.muli %sub3A, %mul3A_238 : i32
            %add3A_240 = arith.constant 32 : i32
            %add3A_241 = arith.addi %mul3A_239, %add3A_240 : i32
            %get3A_242 = arith.index_cast %add3A_241 : i32 to index
            %get3A_243 = tpu.vector_load %arg13[%get3A_242] {strides = array<i32>} : memref<20480xf32, #tpu.memory_space<vmem>>, vector<16xf32>,
            %mul3A_244 = vector.broadcast %squeeze3A_187 : f32 to vector<16xf32>
            %mul3A_245 = arith.mulf %mul3A_244, %gather3A_237 : vector<16xf32>
            %max3A_246 = arith.maximumf %get3A_243, %mul3A_245 : vector<16xf32>
            %swap3A_247 = arith.index_cast %add3A_241 : i32 to index
            %swap3A_248 = tpu.vector_load %arg13[%swap3A_247] {strides = array<i32>} : memref<20480xf32, #tpu.memory_space<vmem>>, vector<16xf32>,
            tpu.vector_store %arg13[%swap3A_247], %max3A_246 {strides = array<i32>} : memref<20480xf32, #tpu.memory_space<vmem>>, vector<16xf32>,
            %add3A_249 = arith.constant 64 : i32
            %add3A_250 = vector.broadcast %add3A_249 : i32 to vector<16xi32>
            %add3A_251 = arith.addi %add3A_250, %iota3A : vector<16xi32>
            %broadcast_in_dim3A_252 = arith.constant 1 : i32
            %broadcast_in_dim3A_253 = vector.broadcast %broadcast_in_dim3A_252 : i32 to vector<16xi32>
            %gather3A_254 = tpu.vector_load_idx %arg15[%broadcast_in_dim3A_253, %add3A_251] : memref<16x144xf32, #tpu.memory_space<vmem>>[vector<16xi32>, vector<16xi32>], vector<16xf32>,
            %mul3A_255 = arith.constant 64 : i32
            %mul3A_256 = arith.muli %sub3A, %mul3A_255 : i32
            %add3A_257 = arith.constant 48 : i32
            %add3A_258 = arith.addi %mul3A_256, %add3A_257 : i32
            %get3A_259 = arith.index_cast %add3A_258 : i32 to index
            %get3A_260 = tpu.vector_load %arg13[%get3A_259] {strides = array<i32>} : memref<20480xf32, #tpu.memory_space<vmem>>, vector<16xf32>,
            %mul3A_261 = vector.broadcast %squeeze3A_187 : f32 to vector<16xf32>
            %mul3A_262 = arith.mulf %mul3A_261, %gather3A_254 : vector<16xf32>
            %max3A_263 = arith.maximumf %get3A_260, %mul3A_262 : vector<16xf32>
            %swap3A_264 = arith.index_cast %add3A_258 : i32 to index
            %swap3A_265 = tpu.vector_load %arg13[%swap3A_264] {strides = array<i32>} : memref<20480xf32, #tpu.memory_space<vmem>>, vector<16xf32>,
            tpu.vector_store %arg13[%swap3A_264], %max3A_263 {strides = array<i32>} : memref<20480xf32, #tpu.memory_space<vmem>>, vector<16xf32>,
            %add3A_266 = arith.constant 80 : i32
            %add3A_267 = vector.broadcast %add3A_266 : i32 to vector<16xi32>
            %add3A_268 = arith.addi %add3A_267, %iota3A : vector<16xi32>
            %broadcast_in_dim3A_269 = arith.constant 1 : i32
            %broadcast_in_dim3A_270 = vector.broadcast %broadcast_in_dim3A_269 : i32 to vector<16xi32>
            %gather3A_271 = tpu.vector_load_idx %arg15[%broadcast_in_dim3A_270, %add3A_268] : memref<16x144xf32, #tpu.memory_space<vmem>>[vector<16xi32>, vector<16xi32>], vector<16xf32>,
            %mul3A_272 = arith.constant 64 : i32
            %mul3A_273 = arith.muli %sub3A, %mul3A_272 : i32
            %add3A_274 = arith.constant 0 : i32
            %add3A_275 = arith.addi %mul3A_273, %add3A_274 : i32
            %get3A_276 = arith.index_cast %add3A_275 : i32 to index
            %get3A_277 = tpu.vector_load %arg14[%get3A_276] {strides = array<i32>} : memref<20480xf32, #tpu.memory_space<vmem>>, vector<16xf32>,
            %max3A_278 = arith.maximumf %get3A_277, %gather3A_271 : vector<16xf32>
            %swap3A_279 = arith.index_cast %add3A_275 : i32 to index
            %swap3A_280 = tpu.vector_load %arg14[%swap3A_279] {strides = array<i32>} : memref<20480xf32, #tpu.memory_space<vmem>>, vector<16xf32>,
            tpu.vector_store %arg14[%swap3A_279], %max3A_278 {strides = array<i32>} : memref<20480xf32, #tpu.memory_space<vmem>>, vector<16xf32>,
            %add3A_281 = arith.constant 96 : i32
            %add3A_282 = vector.broadcast %add3A_281 : i32 to vector<16xi32>
            %add3A_283 = arith.addi %add3A_282, %iota3A : vector<16xi32>
            %broadcast_in_dim3A_284 = arith.constant 1 : i32
            %broadcast_in_dim3A_285 = vector.broadcast %broadcast_in_dim3A_284 : i32 to vector<16xi32>
            %gather3A_286 = tpu.vector_load_idx %arg15[%broadcast_in_dim3A_285, %add3A_283] : memref<16x144xf32, #tpu.memory_space<vmem>>[vector<16xi32>, vector<16xi32>], vector<16xf32>,
            %mul3A_287 = arith.constant 64 : i32
            %mul3A_288 = arith.muli %sub3A, %mul3A_287 : i32
            %add3A_289 = arith.constant 16 : i32
            %add3A_290 = arith.addi %mul3A_288, %add3A_289 : i32
            %get3A_291 = arith.index_cast %add3A_290 : i32 to index
            %get3A_292 = tpu.vector_load %arg14[%get3A_291] {strides = array<i32>} : memref<20480xf32, #tpu.memory_space<vmem>>, vector<16xf32>,
            %max3A_293 = arith.maximumf %get3A_292, %gather3A_286 : vector<16xf32>
            %swap3A_294 = arith.index_cast %add3A_290 : i32 to index
            %swap3A_295 = tpu.vector_load %arg14[%swap3A_294] {strides = array<i32>} : memref<20480xf32, #tpu.memory_space<vmem>>, vector<16xf32>,
            tpu.vector_store %arg14[%swap3A_294], %max3A_293 {strides = array<i32>} : memref<20480xf32, #tpu.memory_space<vmem>>, vector<16xf32>,
            %add3A_296 = arith.constant 112 : i32
            %add3A_297 = vector.broadcast %add3A_296 : i32 to vector<16xi32>
            %add3A_298 = arith.addi %add3A_297, %iota3A : vector<16xi32>
            %broadcast_in_dim3A_299 = arith.constant 1 : i32
            %broadcast_in_dim3A_300 = vector.broadcast %broadcast_in_dim3A_299 : i32 to vector<16xi32>
            %gather3A_301 = tpu.vector_load_idx %arg15[%broadcast_in_dim3A_300, %add3A_298] : memref<16x144xf32, #tpu.memory_space<vmem>>[vector<16xi32>, vector<16xi32>], vector<16xf32>,
            %mul3A_302 = arith.constant 64 : i32
            %mul3A_303 = arith.muli %sub3A, %mul3A_302 : i32
            %add3A_304 = arith.constant 32 : i32
            %add3A_305 = arith.addi %mul3A_303, %add3A_304 : i32
            %get3A_306 = arith.index_cast %add3A_305 : i32 to index
            %get3A_307 = tpu.vector_load %arg14[%get3A_306] {strides = array<i32>} : memref<20480xf32, #tpu.memory_space<vmem>>, vector<16xf32>,
            %max3A_308 = arith.maximumf %get3A_307, %gather3A_301 : vector<16xf32>
            %swap3A_309 = arith.index_cast %add3A_305 : i32 to index
            %swap3A_310 = tpu.vector_load %arg14[%swap3A_309] {strides = array<i32>} : memref<20480xf32, #tpu.memory_space<vmem>>, vector<16xf32>,
            tpu.vector_store %arg14[%swap3A_309], %max3A_308 {strides = array<i32>} : memref<20480xf32, #tpu.memory_space<vmem>>, vector<16xf32>,
            %add3A_311 = arith.constant 128 : i32
            %add3A_312 = vector.broadcast %add3A_311 : i32 to vector<16xi32>
            %add3A_313 = arith.addi %add3A_312, %iota3A : vector<16xi32>
            %broadcast_in_dim3A_314 = arith.constant 1 : i32
            %broadcast_in_dim3A_315 = vector.broadcast %broadcast_in_dim3A_314 : i32 to vector<16xi32>
            %gather3A_316 = tpu.vector_load_idx %arg15[%broadcast_in_dim3A_315, %add3A_313] : memref<16x144xf32, #tpu.memory_space<vmem>>[vector<16xi32>, vector<16xi32>], vector<16xf32>,
            %mul3A_317 = arith.constant 64 : i32
            %mul3A_318 = arith.muli %sub3A, %mul3A_317 : i32
            %add3A_319 = arith.constant 48 : i32
            %add3A_320 = arith.addi %mul3A_318, %add3A_319 : i32
            %get3A_321 = arith.index_cast %add3A_320 : i32 to index
            %get3A_322 = tpu.vector_load %arg14[%get3A_321] {strides = array<i32>} : memref<20480xf32, #tpu.memory_space<vmem>>, vector<16xf32>,
            %max3A_323 = arith.maximumf %get3A_322, %gather3A_316 : vector<16xf32>
            %swap3A_324 = arith.index_cast %add3A_320 : i32 to index
            %swap3A_325 = tpu.vector_load %arg14[%swap3A_324] {strides = array<i32>} : memref<20480xf32, #tpu.memory_space<vmem>>, vector<16xf32>,
            tpu.vector_store %arg14[%swap3A_324], %max3A_323 {strides = array<i32>} : memref<20480xf32, #tpu.memory_space<vmem>>, vector<16xf32>,
          } else {
          }
          %slice3A_86 = vector.extract_strided_slice %convert_element_type3A_56 {offsets = [2], sizes = [1], strides = [1]} : vector<16xi32> to vector<1xi32>
          %squeeze3A_87 = vector.extract %slice3A_86[0] : i32 from vector<1xi32>
          %eq3A_88 = arith.constant 1 : i32
          %eq3A_89 = arith.cmpi eq, %squeeze3A_87, %eq3A_88 : i32
          %convert_element_type3A_90 = arith.extui %eq3A_89 : i1 to i32
          %cond3A_91 = arith.constant 0 : i32
          %cond3A_92 = arith.cmpi ne, %convert_element_type3A_90, %cond3A_91 : i32
          scf.if %cond3A_92 {
            %slice3A_184 = vector.extract_strided_slice %get3A_47 {offsets = [2], sizes = [1], strides = [1]} : vector<16xi32> to vector<1xi32>
            %squeeze3A_185 = vector.extract %slice3A_184[0] : i32 from vector<1xi32>
            %sub3A = arith.subi %squeeze3A_185, %mul3A_2 : i32
            %slice3A_186 = vector.extract_strided_slice %get3A_67 {offsets = [2], sizes = [1], strides = [1]} : vector<16xf32> to vector<1xf32>
            %squeeze3A_187 = vector.extract %slice3A_186[0] : f32 from vector<1xf32>
            %broadcast_in_dim3A_188 = arith.constant 2 : i32
            %broadcast_in_dim3A_189 = vector.broadcast %broadcast_in_dim3A_188 : i32 to vector<16xi32>
            %gather3A = tpu.vector_load_idx %arg15[%broadcast_in_dim3A_189, %iota3A] : memref<16x144xf32, #tpu.memory_space<vmem>>[vector<16xi32>, vector<16xi32>], vector<16xf32>,
            %lt3A_190 = arith.constant 5 : i32
            %lt3A_191 = vector.broadcast %lt3A_190 : i32 to vector<16xi32>
            %lt3A_192 = arith.cmpi slt, %iota3A, %lt3A_191 : vector<16xi32>
            %broadcast_in_dim3A_193 = vector.broadcast %squeeze3A_187 : f32 to vector<16xf32>
            %select_n3A_194 = arith.select %lt3A_192, %broadcast_in_dim3A_193, %select_n3A : vector<16xi1>, vector<16xf32>
            %mul3A_195 = arith.constant 16 : i32
            %mul3A_196 = arith.muli %sub3A, %mul3A_195 : i32
            %mul3A_197 = arith.mulf %gather3A, %select_n3A_194 : vector<16xf32>
            %swap3A = arith.index_cast %mul3A_196 : i32 to index
            %swap3A_198 = tpu.vector_load %arg12[%swap3A] {strides = array<i32>} : memref<5120xf32, #tpu.memory_space<vmem>>, vector<16xf32>,
            tpu.vector_store %arg12[%swap3A], %mul3A_197 {add = true, strides = array<i32>} : memref<5120xf32, #tpu.memory_space<vmem>>, vector<16xf32>,
            %add3A_199 = arith.constant 16 : i32
            %add3A_200 = vector.broadcast %add3A_199 : i32 to vector<16xi32>
            %add3A_201 = arith.addi %add3A_200, %iota3A : vector<16xi32>
            %broadcast_in_dim3A_202 = arith.constant 2 : i32
            %broadcast_in_dim3A_203 = vector.broadcast %broadcast_in_dim3A_202 : i32 to vector<16xi32>
            %gather3A_204 = tpu.vector_load_idx %arg15[%broadcast_in_dim3A_203, %add3A_201] : memref<16x144xf32, #tpu.memory_space<vmem>>[vector<16xi32>, vector<16xi32>], vector<16xf32>,
            %mul3A_205 = arith.constant 64 : i32
            %mul3A_206 = arith.muli %sub3A, %mul3A_205 : i32
            %add3A_207 = arith.constant 0 : i32
            %add3A_208 = arith.addi %mul3A_206, %add3A_207 : i32
            %get3A_209 = arith.index_cast %add3A_208 : i32 to index
            %get3A_210 = tpu.vector_load %arg13[%get3A_209] {strides = array<i32>} : memref<20480xf32, #tpu.memory_space<vmem>>, vector<16xf32>,
            %mul3A_211 = vector.broadcast %squeeze3A_187 : f32 to vector<16xf32>
            %mul3A_212 = arith.mulf %mul3A_211, %gather3A_204 : vector<16xf32>
            %max3A = arith.maximumf %get3A_210, %mul3A_212 : vector<16xf32>
            %swap3A_213 = arith.index_cast %add3A_208 : i32 to index
            %swap3A_214 = tpu.vector_load %arg13[%swap3A_213] {strides = array<i32>} : memref<20480xf32, #tpu.memory_space<vmem>>, vector<16xf32>,
            tpu.vector_store %arg13[%swap3A_213], %max3A {strides = array<i32>} : memref<20480xf32, #tpu.memory_space<vmem>>, vector<16xf32>,
            %add3A_215 = arith.constant 32 : i32
            %add3A_216 = vector.broadcast %add3A_215 : i32 to vector<16xi32>
            %add3A_217 = arith.addi %add3A_216, %iota3A : vector<16xi32>
            %broadcast_in_dim3A_218 = arith.constant 2 : i32
            %broadcast_in_dim3A_219 = vector.broadcast %broadcast_in_dim3A_218 : i32 to vector<16xi32>
            %gather3A_220 = tpu.vector_load_idx %arg15[%broadcast_in_dim3A_219, %add3A_217] : memref<16x144xf32, #tpu.memory_space<vmem>>[vector<16xi32>, vector<16xi32>], vector<16xf32>,
            %mul3A_221 = arith.constant 64 : i32
            %mul3A_222 = arith.muli %sub3A, %mul3A_221 : i32
            %add3A_223 = arith.constant 16 : i32
            %add3A_224 = arith.addi %mul3A_222, %add3A_223 : i32
            %get3A_225 = arith.index_cast %add3A_224 : i32 to index
            %get3A_226 = tpu.vector_load %arg13[%get3A_225] {strides = array<i32>} : memref<20480xf32, #tpu.memory_space<vmem>>, vector<16xf32>,
            %mul3A_227 = vector.broadcast %squeeze3A_187 : f32 to vector<16xf32>
            %mul3A_228 = arith.mulf %mul3A_227, %gather3A_220 : vector<16xf32>
            %max3A_229 = arith.maximumf %get3A_226, %mul3A_228 : vector<16xf32>
            %swap3A_230 = arith.index_cast %add3A_224 : i32 to index
            %swap3A_231 = tpu.vector_load %arg13[%swap3A_230] {strides = array<i32>} : memref<20480xf32, #tpu.memory_space<vmem>>, vector<16xf32>,
            tpu.vector_store %arg13[%swap3A_230], %max3A_229 {strides = array<i32>} : memref<20480xf32, #tpu.memory_space<vmem>>, vector<16xf32>,
            %add3A_232 = arith.constant 48 : i32
            %add3A_233 = vector.broadcast %add3A_232 : i32 to vector<16xi32>
            %add3A_234 = arith.addi %add3A_233, %iota3A : vector<16xi32>
            %broadcast_in_dim3A_235 = arith.constant 2 : i32
            %broadcast_in_dim3A_236 = vector.broadcast %broadcast_in_dim3A_235 : i32 to vector<16xi32>
            %gather3A_237 = tpu.vector_load_idx %arg15[%broadcast_in_dim3A_236, %add3A_234] : memref<16x144xf32, #tpu.memory_space<vmem>>[vector<16xi32>, vector<16xi32>], vector<16xf32>,
            %mul3A_238 = arith.constant 64 : i32
            %mul3A_239 = arith.muli %sub3A, %mul3A_238 : i32
            %add3A_240 = arith.constant 32 : i32
            %add3A_241 = arith.addi %mul3A_239, %add3A_240 : i32
            %get3A_242 = arith.index_cast %add3A_241 : i32 to index
            %get3A_243 = tpu.vector_load %arg13[%get3A_242] {strides = array<i32>} : memref<20480xf32, #tpu.memory_space<vmem>>, vector<16xf32>,
            %mul3A_244 = vector.broadcast %squeeze3A_187 : f32 to vector<16xf32>
            %mul3A_245 = arith.mulf %mul3A_244, %gather3A_237 : vector<16xf32>
            %max3A_246 = arith.maximumf %get3A_243, %mul3A_245 : vector<16xf32>
            %swap3A_247 = arith.index_cast %add3A_241 : i32 to index
            %swap3A_248 = tpu.vector_load %arg13[%swap3A_247] {strides = array<i32>} : memref<20480xf32, #tpu.memory_space<vmem>>, vector<16xf32>,
            tpu.vector_store %arg13[%swap3A_247], %max3A_246 {strides = array<i32>} : memref<20480xf32, #tpu.memory_space<vmem>>, vector<16xf32>,
            %add3A_249 = arith.constant 64 : i32
            %add3A_250 = vector.broadcast %add3A_249 : i32 to vector<16xi32>
            %add3A_251 = arith.addi %add3A_250, %iota3A : vector<16xi32>
            %broadcast_in_dim3A_252 = arith.constant 2 : i32
            %broadcast_in_dim3A_253 = vector.broadcast %broadcast_in_dim3A_252 : i32 to vector<16xi32>
            %gather3A_254 = tpu.vector_load_idx %arg15[%broadcast_in_dim3A_253, %add3A_251] : memref<16x144xf32, #tpu.memory_space<vmem>>[vector<16xi32>, vector<16xi32>], vector<16xf32>,
            %mul3A_255 = arith.constant 64 : i32
            %mul3A_256 = arith.muli %sub3A, %mul3A_255 : i32
            %add3A_257 = arith.constant 48 : i32
            %add3A_258 = arith.addi %mul3A_256, %add3A_257 : i32
            %get3A_259 = arith.index_cast %add3A_258 : i32 to index
            %get3A_260 = tpu.vector_load %arg13[%get3A_259] {strides = array<i32>} : memref<20480xf32, #tpu.memory_space<vmem>>, vector<16xf32>,
            %mul3A_261 = vector.broadcast %squeeze3A_187 : f32 to vector<16xf32>
            %mul3A_262 = arith.mulf %mul3A_261, %gather3A_254 : vector<16xf32>
            %max3A_263 = arith.maximumf %get3A_260, %mul3A_262 : vector<16xf32>
            %swap3A_264 = arith.index_cast %add3A_258 : i32 to index
            %swap3A_265 = tpu.vector_load %arg13[%swap3A_264] {strides = array<i32>} : memref<20480xf32, #tpu.memory_space<vmem>>, vector<16xf32>,
            tpu.vector_store %arg13[%swap3A_264], %max3A_263 {strides = array<i32>} : memref<20480xf32, #tpu.memory_space<vmem>>, vector<16xf32>,
            %add3A_266 = arith.constant 80 : i32
            %add3A_267 = vector.broadcast %add3A_266 : i32 to vector<16xi32>
            %add3A_268 = arith.addi %add3A_267, %iota3A : vector<16xi32>
            %broadcast_in_dim3A_269 = arith.constant 2 : i32
            %broadcast_in_dim3A_270 = vector.broadcast %broadcast_in_dim3A_269 : i32 to vector<16xi32>
            %gather3A_271 = tpu.vector_load_idx %arg15[%broadcast_in_dim3A_270, %add3A_268] : memref<16x144xf32, #tpu.memory_space<vmem>>[vector<16xi32>, vector<16xi32>], vector<16xf32>,
            %mul3A_272 = arith.constant 64 : i32
            %mul3A_273 = arith.muli %sub3A, %mul3A_272 : i32
            %add3A_274 = arith.constant 0 : i32
            %add3A_275 = arith.addi %mul3A_273, %add3A_274 : i32
            %get3A_276 = arith.index_cast %add3A_275 : i32 to index
            %get3A_277 = tpu.vector_load %arg14[%get3A_276] {strides = array<i32>} : memref<20480xf32, #tpu.memory_space<vmem>>, vector<16xf32>,
            %max3A_278 = arith.maximumf %get3A_277, %gather3A_271 : vector<16xf32>
            %swap3A_279 = arith.index_cast %add3A_275 : i32 to index
            %swap3A_280 = tpu.vector_load %arg14[%swap3A_279] {strides = array<i32>} : memref<20480xf32, #tpu.memory_space<vmem>>, vector<16xf32>,
            tpu.vector_store %arg14[%swap3A_279], %max3A_278 {strides = array<i32>} : memref<20480xf32, #tpu.memory_space<vmem>>, vector<16xf32>,
            %add3A_281 = arith.constant 96 : i32
            %add3A_282 = vector.broadcast %add3A_281 : i32 to vector<16xi32>
            %add3A_283 = arith.addi %add3A_282, %iota3A : vector<16xi32>
            %broadcast_in_dim3A_284 = arith.constant 2 : i32
            %broadcast_in_dim3A_285 = vector.broadcast %broadcast_in_dim3A_284 : i32 to vector<16xi32>
            %gather3A_286 = tpu.vector_load_idx %arg15[%broadcast_in_dim3A_285, %add3A_283] : memref<16x144xf32, #tpu.memory_space<vmem>>[vector<16xi32>, vector<16xi32>], vector<16xf32>,
            %mul3A_287 = arith.constant 64 : i32
            %mul3A_288 = arith.muli %sub3A, %mul3A_287 : i32
            %add3A_289 = arith.constant 16 : i32
            %add3A_290 = arith.addi %mul3A_288, %add3A_289 : i32
            %get3A_291 = arith.index_cast %add3A_290 : i32 to index
            %get3A_292 = tpu.vector_load %arg14[%get3A_291] {strides = array<i32>} : memref<20480xf32, #tpu.memory_space<vmem>>, vector<16xf32>,
            %max3A_293 = arith.maximumf %get3A_292, %gather3A_286 : vector<16xf32>
            %swap3A_294 = arith.index_cast %add3A_290 : i32 to index
            %swap3A_295 = tpu.vector_load %arg14[%swap3A_294] {strides = array<i32>} : memref<20480xf32, #tpu.memory_space<vmem>>, vector<16xf32>,
            tpu.vector_store %arg14[%swap3A_294], %max3A_293 {strides = array<i32>} : memref<20480xf32, #tpu.memory_space<vmem>>, vector<16xf32>,
            %add3A_296 = arith.constant 112 : i32
            %add3A_297 = vector.broadcast %add3A_296 : i32 to vector<16xi32>
            %add3A_298 = arith.addi %add3A_297, %iota3A : vector<16xi32>
            %broadcast_in_dim3A_299 = arith.constant 2 : i32
            %broadcast_in_dim3A_300 = vector.broadcast %broadcast_in_dim3A_299 : i32 to vector<16xi32>
            %gather3A_301 = tpu.vector_load_idx %arg15[%broadcast_in_dim3A_300, %add3A_298] : memref<16x144xf32, #tpu.memory_space<vmem>>[vector<16xi32>, vector<16xi32>], vector<16xf32>,
            %mul3A_302 = arith.constant 64 : i32
            %mul3A_303 = arith.muli %sub3A, %mul3A_302 : i32
            %add3A_304 = arith.constant 32 : i32
            %add3A_305 = arith.addi %mul3A_303, %add3A_304 : i32
            %get3A_306 = arith.index_cast %add3A_305 : i32 to index
            %get3A_307 = tpu.vector_load %arg14[%get3A_306] {strides = array<i32>} : memref<20480xf32, #tpu.memory_space<vmem>>, vector<16xf32>,
            %max3A_308 = arith.maximumf %get3A_307, %gather3A_301 : vector<16xf32>
            %swap3A_309 = arith.index_cast %add3A_305 : i32 to index
            %swap3A_310 = tpu.vector_load %arg14[%swap3A_309] {strides = array<i32>} : memref<20480xf32, #tpu.memory_space<vmem>>, vector<16xf32>,
            tpu.vector_store %arg14[%swap3A_309], %max3A_308 {strides = array<i32>} : memref<20480xf32, #tpu.memory_space<vmem>>, vector<16xf32>,
            %add3A_311 = arith.constant 128 : i32
            %add3A_312 = vector.broadcast %add3A_311 : i32 to vector<16xi32>
            %add3A_313 = arith.addi %add3A_312, %iota3A : vector<16xi32>
            %broadcast_in_dim3A_314 = arith.constant 2 : i32
            %broadcast_in_dim3A_315 = vector.broadcast %broadcast_in_dim3A_314 : i32 to vector<16xi32>
            %gather3A_316 = tpu.vector_load_idx %arg15[%broadcast_in_dim3A_315, %add3A_313] : memref<16x144xf32, #tpu.memory_space<vmem>>[vector<16xi32>, vector<16xi32>], vector<16xf32>,
            %mul3A_317 = arith.constant 64 : i32
            %mul3A_318 = arith.muli %sub3A, %mul3A_317 : i32
            %add3A_319 = arith.constant 48 : i32
            %add3A_320 = arith.addi %mul3A_318, %add3A_319 : i32
            %get3A_321 = arith.index_cast %add3A_320 : i32 to index
            %get3A_322 = tpu.vector_load %arg14[%get3A_321] {strides = array<i32>} : memref<20480xf32, #tpu.memory_space<vmem>>, vector<16xf32>,
            %max3A_323 = arith.maximumf %get3A_322, %gather3A_316 : vector<16xf32>
            %swap3A_324 = arith.index_cast %add3A_320 : i32 to index
            %swap3A_325 = tpu.vector_load %arg14[%swap3A_324] {strides = array<i32>} : memref<20480xf32, #tpu.memory_space<vmem>>, vector<16xf32>,
            tpu.vector_store %arg14[%swap3A_324], %max3A_323 {strides = array<i32>} : memref<20480xf32, #tpu.memory_space<vmem>>, vector<16xf32>,
          } else {
          }
          %slice3A_93 = vector.extract_strided_slice %convert_element_type3A_56 {offsets = [3], sizes = [1], strides = [1]} : vector<16xi32> to vector<1xi32>
          %squeeze3A_94 = vector.extract %slice3A_93[0] : i32 from vector<1xi32>
          %eq3A_95 = arith.constant 1 : i32
          %eq3A_96 = arith.cmpi eq, %squeeze3A_94, %eq3A_95 : i32
          %convert_element_type3A_97 = arith.extui %eq3A_96 : i1 to i32
          %cond3A_98 = arith.constant 0 : i32
          %cond3A_99 = arith.cmpi ne, %convert_element_type3A_97, %cond3A_98 : i32
          scf.if %cond3A_99 {
            %slice3A_184 = vector.extract_strided_slice %get3A_47 {offsets = [3], sizes = [1], strides = [1]} : vector<16xi32> to vector<1xi32>
            %squeeze3A_185 = vector.extract %slice3A_184[0] : i32 from vector<1xi32>
            %sub3A = arith.subi %squeeze3A_185, %mul3A_2 : i32
            %slice3A_186 = vector.extract_strided_slice %get3A_67 {offsets = [3], sizes = [1], strides = [1]} : vector<16xf32> to vector<1xf32>
            %squeeze3A_187 = vector.extract %slice3A_186[0] : f32 from vector<1xf32>
            %broadcast_in_dim3A_188 = arith.constant 3 : i32
            %broadcast_in_dim3A_189 = vector.broadcast %broadcast_in_dim3A_188 : i32 to vector<16xi32>
            %gather3A = tpu.vector_load_idx %arg15[%broadcast_in_dim3A_189, %iota3A] : memref<16x144xf32, #tpu.memory_space<vmem>>[vector<16xi32>, vector<16xi32>], vector<16xf32>,
            %lt3A_190 = arith.constant 5 : i32
            %lt3A_191 = vector.broadcast %lt3A_190 : i32 to vector<16xi32>
            %lt3A_192 = arith.cmpi slt, %iota3A, %lt3A_191 : vector<16xi32>
            %broadcast_in_dim3A_193 = vector.broadcast %squeeze3A_187 : f32 to vector<16xf32>
            %select_n3A_194 = arith.select %lt3A_192, %broadcast_in_dim3A_193, %select_n3A : vector<16xi1>, vector<16xf32>
            %mul3A_195 = arith.constant 16 : i32
            %mul3A_196 = arith.muli %sub3A, %mul3A_195 : i32
            %mul3A_197 = arith.mulf %gather3A, %select_n3A_194 : vector<16xf32>
            %swap3A = arith.index_cast %mul3A_196 : i32 to index
            %swap3A_198 = tpu.vector_load %arg12[%swap3A] {strides = array<i32>} : memref<5120xf32, #tpu.memory_space<vmem>>, vector<16xf32>,
            tpu.vector_store %arg12[%swap3A], %mul3A_197 {add = true, strides = array<i32>} : memref<5120xf32, #tpu.memory_space<vmem>>, vector<16xf32>,
            %add3A_199 = arith.constant 16 : i32
            %add3A_200 = vector.broadcast %add3A_199 : i32 to vector<16xi32>
            %add3A_201 = arith.addi %add3A_200, %iota3A : vector<16xi32>
            %broadcast_in_dim3A_202 = arith.constant 3 : i32
            %broadcast_in_dim3A_203 = vector.broadcast %broadcast_in_dim3A_202 : i32 to vector<16xi32>
            %gather3A_204 = tpu.vector_load_idx %arg15[%broadcast_in_dim3A_203, %add3A_201] : memref<16x144xf32, #tpu.memory_space<vmem>>[vector<16xi32>, vector<16xi32>], vector<16xf32>,
            %mul3A_205 = arith.constant 64 : i32
            %mul3A_206 = arith.muli %sub3A, %mul3A_205 : i32
            %add3A_207 = arith.constant 0 : i32
            %add3A_208 = arith.addi %mul3A_206, %add3A_207 : i32
            %get3A_209 = arith.index_cast %add3A_208 : i32 to index
            %get3A_210 = tpu.vector_load %arg13[%get3A_209] {strides = array<i32>} : memref<20480xf32, #tpu.memory_space<vmem>>, vector<16xf32>,
            %mul3A_211 = vector.broadcast %squeeze3A_187 : f32 to vector<16xf32>
            %mul3A_212 = arith.mulf %mul3A_211, %gather3A_204 : vector<16xf32>
            %max3A = arith.maximumf %get3A_210, %mul3A_212 : vector<16xf32>
            %swap3A_213 = arith.index_cast %add3A_208 : i32 to index
            %swap3A_214 = tpu.vector_load %arg13[%swap3A_213] {strides = array<i32>} : memref<20480xf32, #tpu.memory_space<vmem>>, vector<16xf32>,
            tpu.vector_store %arg13[%swap3A_213], %max3A {strides = array<i32>} : memref<20480xf32, #tpu.memory_space<vmem>>, vector<16xf32>,
            %add3A_215 = arith.constant 32 : i32
            %add3A_216 = vector.broadcast %add3A_215 : i32 to vector<16xi32>
            %add3A_217 = arith.addi %add3A_216, %iota3A : vector<16xi32>
            %broadcast_in_dim3A_218 = arith.constant 3 : i32
            %broadcast_in_dim3A_219 = vector.broadcast %broadcast_in_dim3A_218 : i32 to vector<16xi32>
            %gather3A_220 = tpu.vector_load_idx %arg15[%broadcast_in_dim3A_219, %add3A_217] : memref<16x144xf32, #tpu.memory_space<vmem>>[vector<16xi32>, vector<16xi32>], vector<16xf32>,
            %mul3A_221 = arith.constant 64 : i32
            %mul3A_222 = arith.muli %sub3A, %mul3A_221 : i32
            %add3A_223 = arith.constant 16 : i32
            %add3A_224 = arith.addi %mul3A_222, %add3A_223 : i32
            %get3A_225 = arith.index_cast %add3A_224 : i32 to index
            %get3A_226 = tpu.vector_load %arg13[%get3A_225] {strides = array<i32>} : memref<20480xf32, #tpu.memory_space<vmem>>, vector<16xf32>,
            %mul3A_227 = vector.broadcast %squeeze3A_187 : f32 to vector<16xf32>
            %mul3A_228 = arith.mulf %mul3A_227, %gather3A_220 : vector<16xf32>
            %max3A_229 = arith.maximumf %get3A_226, %mul3A_228 : vector<16xf32>
            %swap3A_230 = arith.index_cast %add3A_224 : i32 to index
            %swap3A_231 = tpu.vector_load %arg13[%swap3A_230] {strides = array<i32>} : memref<20480xf32, #tpu.memory_space<vmem>>, vector<16xf32>,
            tpu.vector_store %arg13[%swap3A_230], %max3A_229 {strides = array<i32>} : memref<20480xf32, #tpu.memory_space<vmem>>, vector<16xf32>,
            %add3A_232 = arith.constant 48 : i32
            %add3A_233 = vector.broadcast %add3A_232 : i32 to vector<16xi32>
            %add3A_234 = arith.addi %add3A_233, %iota3A : vector<16xi32>
            %broadcast_in_dim3A_235 = arith.constant 3 : i32
            %broadcast_in_dim3A_236 = vector.broadcast %broadcast_in_dim3A_235 : i32 to vector<16xi32>
            %gather3A_237 = tpu.vector_load_idx %arg15[%broadcast_in_dim3A_236, %add3A_234] : memref<16x144xf32, #tpu.memory_space<vmem>>[vector<16xi32>, vector<16xi32>], vector<16xf32>,
            %mul3A_238 = arith.constant 64 : i32
            %mul3A_239 = arith.muli %sub3A, %mul3A_238 : i32
            %add3A_240 = arith.constant 32 : i32
            %add3A_241 = arith.addi %mul3A_239, %add3A_240 : i32
            %get3A_242 = arith.index_cast %add3A_241 : i32 to index
            %get3A_243 = tpu.vector_load %arg13[%get3A_242] {strides = array<i32>} : memref<20480xf32, #tpu.memory_space<vmem>>, vector<16xf32>,
            %mul3A_244 = vector.broadcast %squeeze3A_187 : f32 to vector<16xf32>
            %mul3A_245 = arith.mulf %mul3A_244, %gather3A_237 : vector<16xf32>
            %max3A_246 = arith.maximumf %get3A_243, %mul3A_245 : vector<16xf32>
            %swap3A_247 = arith.index_cast %add3A_241 : i32 to index
            %swap3A_248 = tpu.vector_load %arg13[%swap3A_247] {strides = array<i32>} : memref<20480xf32, #tpu.memory_space<vmem>>, vector<16xf32>,
            tpu.vector_store %arg13[%swap3A_247], %max3A_246 {strides = array<i32>} : memref<20480xf32, #tpu.memory_space<vmem>>, vector<16xf32>,
            %add3A_249 = arith.constant 64 : i32
            %add3A_250 = vector.broadcast %add3A_249 : i32 to vector<16xi32>
            %add3A_251 = arith.addi %add3A_250, %iota3A : vector<16xi32>
            %broadcast_in_dim3A_252 = arith.constant 3 : i32
            %broadcast_in_dim3A_253 = vector.broadcast %broadcast_in_dim3A_252 : i32 to vector<16xi32>
            %gather3A_254 = tpu.vector_load_idx %arg15[%broadcast_in_dim3A_253, %add3A_251] : memref<16x144xf32, #tpu.memory_space<vmem>>[vector<16xi32>, vector<16xi32>], vector<16xf32>,
            %mul3A_255 = arith.constant 64 : i32
            %mul3A_256 = arith.muli %sub3A, %mul3A_255 : i32
            %add3A_257 = arith.constant 48 : i32
            %add3A_258 = arith.addi %mul3A_256, %add3A_257 : i32
            %get3A_259 = arith.index_cast %add3A_258 : i32 to index
            %get3A_260 = tpu.vector_load %arg13[%get3A_259] {strides = array<i32>} : memref<20480xf32, #tpu.memory_space<vmem>>, vector<16xf32>,
            %mul3A_261 = vector.broadcast %squeeze3A_187 : f32 to vector<16xf32>
            %mul3A_262 = arith.mulf %mul3A_261, %gather3A_254 : vector<16xf32>
            %max3A_263 = arith.maximumf %get3A_260, %mul3A_262 : vector<16xf32>
            %swap3A_264 = arith.index_cast %add3A_258 : i32 to index
            %swap3A_265 = tpu.vector_load %arg13[%swap3A_264] {strides = array<i32>} : memref<20480xf32, #tpu.memory_space<vmem>>, vector<16xf32>,
            tpu.vector_store %arg13[%swap3A_264], %max3A_263 {strides = array<i32>} : memref<20480xf32, #tpu.memory_space<vmem>>, vector<16xf32>,
            %add3A_266 = arith.constant 80 : i32
            %add3A_267 = vector.broadcast %add3A_266 : i32 to vector<16xi32>
            %add3A_268 = arith.addi %add3A_267, %iota3A : vector<16xi32>
            %broadcast_in_dim3A_269 = arith.constant 3 : i32
            %broadcast_in_dim3A_270 = vector.broadcast %broadcast_in_dim3A_269 : i32 to vector<16xi32>
            %gather3A_271 = tpu.vector_load_idx %arg15[%broadcast_in_dim3A_270, %add3A_268] : memref<16x144xf32, #tpu.memory_space<vmem>>[vector<16xi32>, vector<16xi32>], vector<16xf32>,
            %mul3A_272 = arith.constant 64 : i32
            %mul3A_273 = arith.muli %sub3A, %mul3A_272 : i32
            %add3A_274 = arith.constant 0 : i32
            %add3A_275 = arith.addi %mul3A_273, %add3A_274 : i32
            %get3A_276 = arith.index_cast %add3A_275 : i32 to index
            %get3A_277 = tpu.vector_load %arg14[%get3A_276] {strides = array<i32>} : memref<20480xf32, #tpu.memory_space<vmem>>, vector<16xf32>,
            %max3A_278 = arith.maximumf %get3A_277, %gather3A_271 : vector<16xf32>
            %swap3A_279 = arith.index_cast %add3A_275 : i32 to index
            %swap3A_280 = tpu.vector_load %arg14[%swap3A_279] {strides = array<i32>} : memref<20480xf32, #tpu.memory_space<vmem>>, vector<16xf32>,
            tpu.vector_store %arg14[%swap3A_279], %max3A_278 {strides = array<i32>} : memref<20480xf32, #tpu.memory_space<vmem>>, vector<16xf32>,
            %add3A_281 = arith.constant 96 : i32
            %add3A_282 = vector.broadcast %add3A_281 : i32 to vector<16xi32>
            %add3A_283 = arith.addi %add3A_282, %iota3A : vector<16xi32>
            %broadcast_in_dim3A_284 = arith.constant 3 : i32
            %broadcast_in_dim3A_285 = vector.broadcast %broadcast_in_dim3A_284 : i32 to vector<16xi32>
            %gather3A_286 = tpu.vector_load_idx %arg15[%broadcast_in_dim3A_285, %add3A_283] : memref<16x144xf32, #tpu.memory_space<vmem>>[vector<16xi32>, vector<16xi32>], vector<16xf32>,
            %mul3A_287 = arith.constant 64 : i32
            %mul3A_288 = arith.muli %sub3A, %mul3A_287 : i32
            %add3A_289 = arith.constant 16 : i32
            %add3A_290 = arith.addi %mul3A_288, %add3A_289 : i32
            %get3A_291 = arith.index_cast %add3A_290 : i32 to index
            %get3A_292 = tpu.vector_load %arg14[%get3A_291] {strides = array<i32>} : memref<20480xf32, #tpu.memory_space<vmem>>, vector<16xf32>,
            %max3A_293 = arith.maximumf %get3A_292, %gather3A_286 : vector<16xf32>
            %swap3A_294 = arith.index_cast %add3A_290 : i32 to index
            %swap3A_295 = tpu.vector_load %arg14[%swap3A_294] {strides = array<i32>} : memref<20480xf32, #tpu.memory_space<vmem>>, vector<16xf32>,
            tpu.vector_store %arg14[%swap3A_294], %max3A_293 {strides = array<i32>} : memref<20480xf32, #tpu.memory_space<vmem>>, vector<16xf32>,
            %add3A_296 = arith.constant 112 : i32
            %add3A_297 = vector.broadcast %add3A_296 : i32 to vector<16xi32>
            %add3A_298 = arith.addi %add3A_297, %iota3A : vector<16xi32>
            %broadcast_in_dim3A_299 = arith.constant 3 : i32
            %broadcast_in_dim3A_300 = vector.broadcast %broadcast_in_dim3A_299 : i32 to vector<16xi32>
            %gather3A_301 = tpu.vector_load_idx %arg15[%broadcast_in_dim3A_300, %add3A_298] : memref<16x144xf32, #tpu.memory_space<vmem>>[vector<16xi32>, vector<16xi32>], vector<16xf32>,
            %mul3A_302 = arith.constant 64 : i32
            %mul3A_303 = arith.muli %sub3A, %mul3A_302 : i32
            %add3A_304 = arith.constant 32 : i32
            %add3A_305 = arith.addi %mul3A_303, %add3A_304 : i32
            %get3A_306 = arith.index_cast %add3A_305 : i32 to index
            %get3A_307 = tpu.vector_load %arg14[%get3A_306] {strides = array<i32>} : memref<20480xf32, #tpu.memory_space<vmem>>, vector<16xf32>,
            %max3A_308 = arith.maximumf %get3A_307, %gather3A_301 : vector<16xf32>
            %swap3A_309 = arith.index_cast %add3A_305 : i32 to index
            %swap3A_310 = tpu.vector_load %arg14[%swap3A_309] {strides = array<i32>} : memref<20480xf32, #tpu.memory_space<vmem>>, vector<16xf32>,
            tpu.vector_store %arg14[%swap3A_309], %max3A_308 {strides = array<i32>} : memref<20480xf32, #tpu.memory_space<vmem>>, vector<16xf32>,
            %add3A_311 = arith.constant 128 : i32
            %add3A_312 = vector.broadcast %add3A_311 : i32 to vector<16xi32>
            %add3A_313 = arith.addi %add3A_312, %iota3A : vector<16xi32>
            %broadcast_in_dim3A_314 = arith.constant 3 : i32
            %broadcast_in_dim3A_315 = vector.broadcast %broadcast_in_dim3A_314 : i32 to vector<16xi32>
            %gather3A_316 = tpu.vector_load_idx %arg15[%broadcast_in_dim3A_315, %add3A_313] : memref<16x144xf32, #tpu.memory_space<vmem>>[vector<16xi32>, vector<16xi32>], vector<16xf32>,
            %mul3A_317 = arith.constant 64 : i32
            %mul3A_318 = arith.muli %sub3A, %mul3A_317 : i32
            %add3A_319 = arith.constant 48 : i32
            %add3A_320 = arith.addi %mul3A_318, %add3A_319 : i32
            %get3A_321 = arith.index_cast %add3A_320 : i32 to index
            %get3A_322 = tpu.vector_load %arg14[%get3A_321] {strides = array<i32>} : memref<20480xf32, #tpu.memory_space<vmem>>, vector<16xf32>,
            %max3A_323 = arith.maximumf %get3A_322, %gather3A_316 : vector<16xf32>
            %swap3A_324 = arith.index_cast %add3A_320 : i32 to index
            %swap3A_325 = tpu.vector_load %arg14[%swap3A_324] {strides = array<i32>} : memref<20480xf32, #tpu.memory_space<vmem>>, vector<16xf32>,
            tpu.vector_store %arg14[%swap3A_324], %max3A_323 {strides = array<i32>} : memref<20480xf32, #tpu.memory_space<vmem>>, vector<16xf32>,
          } else {
          }
          %slice3A_100 = vector.extract_strided_slice %convert_element_type3A_56 {offsets = [4], sizes = [1], strides = [1]} : vector<16xi32> to vector<1xi32>
          %squeeze3A_101 = vector.extract %slice3A_100[0] : i32 from vector<1xi32>
          %eq3A_102 = arith.constant 1 : i32
          %eq3A_103 = arith.cmpi eq, %squeeze3A_101, %eq3A_102 : i32
          %convert_element_type3A_104 = arith.extui %eq3A_103 : i1 to i32
          %cond3A_105 = arith.constant 0 : i32
          %cond3A_106 = arith.cmpi ne, %convert_element_type3A_104, %cond3A_105 : i32
          scf.if %cond3A_106 {
            %slice3A_184 = vector.extract_strided_slice %get3A_47 {offsets = [4], sizes = [1], strides = [1]} : vector<16xi32> to vector<1xi32>
            %squeeze3A_185 = vector.extract %slice3A_184[0] : i32 from vector<1xi32>
            %sub3A = arith.subi %squeeze3A_185, %mul3A_2 : i32
            %slice3A_186 = vector.extract_strided_slice %get3A_67 {offsets = [4], sizes = [1], strides = [1]} : vector<16xf32> to vector<1xf32>
            %squeeze3A_187 = vector.extract %slice3A_186[0] : f32 from vector<1xf32>
            %broadcast_in_dim3A_188 = arith.constant 4 : i32
            %broadcast_in_dim3A_189 = vector.broadcast %broadcast_in_dim3A_188 : i32 to vector<16xi32>
            %gather3A = tpu.vector_load_idx %arg15[%broadcast_in_dim3A_189, %iota3A] : memref<16x144xf32, #tpu.memory_space<vmem>>[vector<16xi32>, vector<16xi32>], vector<16xf32>,
            %lt3A_190 = arith.constant 5 : i32
            %lt3A_191 = vector.broadcast %lt3A_190 : i32 to vector<16xi32>
            %lt3A_192 = arith.cmpi slt, %iota3A, %lt3A_191 : vector<16xi32>
            %broadcast_in_dim3A_193 = vector.broadcast %squeeze3A_187 : f32 to vector<16xf32>
            %select_n3A_194 = arith.select %lt3A_192, %broadcast_in_dim3A_193, %select_n3A : vector<16xi1>, vector<16xf32>
            %mul3A_195 = arith.constant 16 : i32
            %mul3A_196 = arith.muli %sub3A, %mul3A_195 : i32
            %mul3A_197 = arith.mulf %gather3A, %select_n3A_194 : vector<16xf32>
            %swap3A = arith.index_cast %mul3A_196 : i32 to index
            %swap3A_198 = tpu.vector_load %arg12[%swap3A] {strides = array<i32>} : memref<5120xf32, #tpu.memory_space<vmem>>, vector<16xf32>,
            tpu.vector_store %arg12[%swap3A], %mul3A_197 {add = true, strides = array<i32>} : memref<5120xf32, #tpu.memory_space<vmem>>, vector<16xf32>,
            %add3A_199 = arith.constant 16 : i32
            %add3A_200 = vector.broadcast %add3A_199 : i32 to vector<16xi32>
            %add3A_201 = arith.addi %add3A_200, %iota3A : vector<16xi32>
            %broadcast_in_dim3A_202 = arith.constant 4 : i32
            %broadcast_in_dim3A_203 = vector.broadcast %broadcast_in_dim3A_202 : i32 to vector<16xi32>
            %gather3A_204 = tpu.vector_load_idx %arg15[%broadcast_in_dim3A_203, %add3A_201] : memref<16x144xf32, #tpu.memory_space<vmem>>[vector<16xi32>, vector<16xi32>], vector<16xf32>,
            %mul3A_205 = arith.constant 64 : i32
            %mul3A_206 = arith.muli %sub3A, %mul3A_205 : i32
            %add3A_207 = arith.constant 0 : i32
            %add3A_208 = arith.addi %mul3A_206, %add3A_207 : i32
            %get3A_209 = arith.index_cast %add3A_208 : i32 to index
            %get3A_210 = tpu.vector_load %arg13[%get3A_209] {strides = array<i32>} : memref<20480xf32, #tpu.memory_space<vmem>>, vector<16xf32>,
            %mul3A_211 = vector.broadcast %squeeze3A_187 : f32 to vector<16xf32>
            %mul3A_212 = arith.mulf %mul3A_211, %gather3A_204 : vector<16xf32>
            %max3A = arith.maximumf %get3A_210, %mul3A_212 : vector<16xf32>
            %swap3A_213 = arith.index_cast %add3A_208 : i32 to index
            %swap3A_214 = tpu.vector_load %arg13[%swap3A_213] {strides = array<i32>} : memref<20480xf32, #tpu.memory_space<vmem>>, vector<16xf32>,
            tpu.vector_store %arg13[%swap3A_213], %max3A {strides = array<i32>} : memref<20480xf32, #tpu.memory_space<vmem>>, vector<16xf32>,
            %add3A_215 = arith.constant 32 : i32
            %add3A_216 = vector.broadcast %add3A_215 : i32 to vector<16xi32>
            %add3A_217 = arith.addi %add3A_216, %iota3A : vector<16xi32>
            %broadcast_in_dim3A_218 = arith.constant 4 : i32
            %broadcast_in_dim3A_219 = vector.broadcast %broadcast_in_dim3A_218 : i32 to vector<16xi32>
            %gather3A_220 = tpu.vector_load_idx %arg15[%broadcast_in_dim3A_219, %add3A_217] : memref<16x144xf32, #tpu.memory_space<vmem>>[vector<16xi32>, vector<16xi32>], vector<16xf32>,
            %mul3A_221 = arith.constant 64 : i32
            %mul3A_222 = arith.muli %sub3A, %mul3A_221 : i32
            %add3A_223 = arith.constant 16 : i32
            %add3A_224 = arith.addi %mul3A_222, %add3A_223 : i32
            %get3A_225 = arith.index_cast %add3A_224 : i32 to index
            %get3A_226 = tpu.vector_load %arg13[%get3A_225] {strides = array<i32>} : memref<20480xf32, #tpu.memory_space<vmem>>, vector<16xf32>,
            %mul3A_227 = vector.broadcast %squeeze3A_187 : f32 to vector<16xf32>
            %mul3A_228 = arith.mulf %mul3A_227, %gather3A_220 : vector<16xf32>
            %max3A_229 = arith.maximumf %get3A_226, %mul3A_228 : vector<16xf32>
            %swap3A_230 = arith.index_cast %add3A_224 : i32 to index
            %swap3A_231 = tpu.vector_load %arg13[%swap3A_230] {strides = array<i32>} : memref<20480xf32, #tpu.memory_space<vmem>>, vector<16xf32>,
            tpu.vector_store %arg13[%swap3A_230], %max3A_229 {strides = array<i32>} : memref<20480xf32, #tpu.memory_space<vmem>>, vector<16xf32>,
            %add3A_232 = arith.constant 48 : i32
            %add3A_233 = vector.broadcast %add3A_232 : i32 to vector<16xi32>
            %add3A_234 = arith.addi %add3A_233, %iota3A : vector<16xi32>
            %broadcast_in_dim3A_235 = arith.constant 4 : i32
            %broadcast_in_dim3A_236 = vector.broadcast %broadcast_in_dim3A_235 : i32 to vector<16xi32>
            %gather3A_237 = tpu.vector_load_idx %arg15[%broadcast_in_dim3A_236, %add3A_234] : memref<16x144xf32, #tpu.memory_space<vmem>>[vector<16xi32>, vector<16xi32>], vector<16xf32>,
            %mul3A_238 = arith.constant 64 : i32
            %mul3A_239 = arith.muli %sub3A, %mul3A_238 : i32
            %add3A_240 = arith.constant 32 : i32
            %add3A_241 = arith.addi %mul3A_239, %add3A_240 : i32
            %get3A_242 = arith.index_cast %add3A_241 : i32 to index
            %get3A_243 = tpu.vector_load %arg13[%get3A_242] {strides = array<i32>} : memref<20480xf32, #tpu.memory_space<vmem>>, vector<16xf32>,
            %mul3A_244 = vector.broadcast %squeeze3A_187 : f32 to vector<16xf32>
            %mul3A_245 = arith.mulf %mul3A_244, %gather3A_237 : vector<16xf32>
            %max3A_246 = arith.maximumf %get3A_243, %mul3A_245 : vector<16xf32>
            %swap3A_247 = arith.index_cast %add3A_241 : i32 to index
            %swap3A_248 = tpu.vector_load %arg13[%swap3A_247] {strides = array<i32>} : memref<20480xf32, #tpu.memory_space<vmem>>, vector<16xf32>,
            tpu.vector_store %arg13[%swap3A_247], %max3A_246 {strides = array<i32>} : memref<20480xf32, #tpu.memory_space<vmem>>, vector<16xf32>,
            %add3A_249 = arith.constant 64 : i32
            %add3A_250 = vector.broadcast %add3A_249 : i32 to vector<16xi32>
            %add3A_251 = arith.addi %add3A_250, %iota3A : vector<16xi32>
            %broadcast_in_dim3A_252 = arith.constant 4 : i32
            %broadcast_in_dim3A_253 = vector.broadcast %broadcast_in_dim3A_252 : i32 to vector<16xi32>
            %gather3A_254 = tpu.vector_load_idx %arg15[%broadcast_in_dim3A_253, %add3A_251] : memref<16x144xf32, #tpu.memory_space<vmem>>[vector<16xi32>, vector<16xi32>], vector<16xf32>,
            %mul3A_255 = arith.constant 64 : i32
            %mul3A_256 = arith.muli %sub3A, %mul3A_255 : i32
            %add3A_257 = arith.constant 48 : i32
            %add3A_258 = arith.addi %mul3A_256, %add3A_257 : i32
            %get3A_259 = arith.index_cast %add3A_258 : i32 to index
            %get3A_260 = tpu.vector_load %arg13[%get3A_259] {strides = array<i32>} : memref<20480xf32, #tpu.memory_space<vmem>>, vector<16xf32>,
            %mul3A_261 = vector.broadcast %squeeze3A_187 : f32 to vector<16xf32>
            %mul3A_262 = arith.mulf %mul3A_261, %gather3A_254 : vector<16xf32>
            %max3A_263 = arith.maximumf %get3A_260, %mul3A_262 : vector<16xf32>
            %swap3A_264 = arith.index_cast %add3A_258 : i32 to index
            %swap3A_265 = tpu.vector_load %arg13[%swap3A_264] {strides = array<i32>} : memref<20480xf32, #tpu.memory_space<vmem>>, vector<16xf32>,
            tpu.vector_store %arg13[%swap3A_264], %max3A_263 {strides = array<i32>} : memref<20480xf32, #tpu.memory_space<vmem>>, vector<16xf32>,
            %add3A_266 = arith.constant 80 : i32
            %add3A_267 = vector.broadcast %add3A_266 : i32 to vector<16xi32>
            %add3A_268 = arith.addi %add3A_267, %iota3A : vector<16xi32>
            %broadcast_in_dim3A_269 = arith.constant 4 : i32
            %broadcast_in_dim3A_270 = vector.broadcast %broadcast_in_dim3A_269 : i32 to vector<16xi32>
            %gather3A_271 = tpu.vector_load_idx %arg15[%broadcast_in_dim3A_270, %add3A_268] : memref<16x144xf32, #tpu.memory_space<vmem>>[vector<16xi32>, vector<16xi32>], vector<16xf32>,
            %mul3A_272 = arith.constant 64 : i32
            %mul3A_273 = arith.muli %sub3A, %mul3A_272 : i32
            %add3A_274 = arith.constant 0 : i32
            %add3A_275 = arith.addi %mul3A_273, %add3A_274 : i32
            %get3A_276 = arith.index_cast %add3A_275 : i32 to index
            %get3A_277 = tpu.vector_load %arg14[%get3A_276] {strides = array<i32>} : memref<20480xf32, #tpu.memory_space<vmem>>, vector<16xf32>,
            %max3A_278 = arith.maximumf %get3A_277, %gather3A_271 : vector<16xf32>
            %swap3A_279 = arith.index_cast %add3A_275 : i32 to index
            %swap3A_280 = tpu.vector_load %arg14[%swap3A_279] {strides = array<i32>} : memref<20480xf32, #tpu.memory_space<vmem>>, vector<16xf32>,
            tpu.vector_store %arg14[%swap3A_279], %max3A_278 {strides = array<i32>} : memref<20480xf32, #tpu.memory_space<vmem>>, vector<16xf32>,
            %add3A_281 = arith.constant 96 : i32
            %add3A_282 = vector.broadcast %add3A_281 : i32 to vector<16xi32>
            %add3A_283 = arith.addi %add3A_282, %iota3A : vector<16xi32>
            %broadcast_in_dim3A_284 = arith.constant 4 : i32
            %broadcast_in_dim3A_285 = vector.broadcast %broadcast_in_dim3A_284 : i32 to vector<16xi32>
            %gather3A_286 = tpu.vector_load_idx %arg15[%broadcast_in_dim3A_285, %add3A_283] : memref<16x144xf32, #tpu.memory_space<vmem>>[vector<16xi32>, vector<16xi32>], vector<16xf32>,
            %mul3A_287 = arith.constant 64 : i32
            %mul3A_288 = arith.muli %sub3A, %mul3A_287 : i32
            %add3A_289 = arith.constant 16 : i32
            %add3A_290 = arith.addi %mul3A_288, %add3A_289 : i32
            %get3A_291 = arith.index_cast %add3A_290 : i32 to index
            %get3A_292 = tpu.vector_load %arg14[%get3A_291] {strides = array<i32>} : memref<20480xf32, #tpu.memory_space<vmem>>, vector<16xf32>,
            %max3A_293 = arith.maximumf %get3A_292, %gather3A_286 : vector<16xf32>
            %swap3A_294 = arith.index_cast %add3A_290 : i32 to index
            %swap3A_295 = tpu.vector_load %arg14[%swap3A_294] {strides = array<i32>} : memref<20480xf32, #tpu.memory_space<vmem>>, vector<16xf32>,
            tpu.vector_store %arg14[%swap3A_294], %max3A_293 {strides = array<i32>} : memref<20480xf32, #tpu.memory_space<vmem>>, vector<16xf32>,
            %add3A_296 = arith.constant 112 : i32
            %add3A_297 = vector.broadcast %add3A_296 : i32 to vector<16xi32>
            %add3A_298 = arith.addi %add3A_297, %iota3A : vector<16xi32>
            %broadcast_in_dim3A_299 = arith.constant 4 : i32
            %broadcast_in_dim3A_300 = vector.broadcast %broadcast_in_dim3A_299 : i32 to vector<16xi32>
            %gather3A_301 = tpu.vector_load_idx %arg15[%broadcast_in_dim3A_300, %add3A_298] : memref<16x144xf32, #tpu.memory_space<vmem>>[vector<16xi32>, vector<16xi32>], vector<16xf32>,
            %mul3A_302 = arith.constant 64 : i32
            %mul3A_303 = arith.muli %sub3A, %mul3A_302 : i32
            %add3A_304 = arith.constant 32 : i32
            %add3A_305 = arith.addi %mul3A_303, %add3A_304 : i32
            %get3A_306 = arith.index_cast %add3A_305 : i32 to index
            %get3A_307 = tpu.vector_load %arg14[%get3A_306] {strides = array<i32>} : memref<20480xf32, #tpu.memory_space<vmem>>, vector<16xf32>,
            %max3A_308 = arith.maximumf %get3A_307, %gather3A_301 : vector<16xf32>
            %swap3A_309 = arith.index_cast %add3A_305 : i32 to index
            %swap3A_310 = tpu.vector_load %arg14[%swap3A_309] {strides = array<i32>} : memref<20480xf32, #tpu.memory_space<vmem>>, vector<16xf32>,
            tpu.vector_store %arg14[%swap3A_309], %max3A_308 {strides = array<i32>} : memref<20480xf32, #tpu.memory_space<vmem>>, vector<16xf32>,
            %add3A_311 = arith.constant 128 : i32
            %add3A_312 = vector.broadcast %add3A_311 : i32 to vector<16xi32>
            %add3A_313 = arith.addi %add3A_312, %iota3A : vector<16xi32>
            %broadcast_in_dim3A_314 = arith.constant 4 : i32
            %broadcast_in_dim3A_315 = vector.broadcast %broadcast_in_dim3A_314 : i32 to vector<16xi32>
            %gather3A_316 = tpu.vector_load_idx %arg15[%broadcast_in_dim3A_315, %add3A_313] : memref<16x144xf32, #tpu.memory_space<vmem>>[vector<16xi32>, vector<16xi32>], vector<16xf32>,
            %mul3A_317 = arith.constant 64 : i32
            %mul3A_318 = arith.muli %sub3A, %mul3A_317 : i32
            %add3A_319 = arith.constant 48 : i32
            %add3A_320 = arith.addi %mul3A_318, %add3A_319 : i32
            %get3A_321 = arith.index_cast %add3A_320 : i32 to index
            %get3A_322 = tpu.vector_load %arg14[%get3A_321] {strides = array<i32>} : memref<20480xf32, #tpu.memory_space<vmem>>, vector<16xf32>,
            %max3A_323 = arith.maximumf %get3A_322, %gather3A_316 : vector<16xf32>
            %swap3A_324 = arith.index_cast %add3A_320 : i32 to index
            %swap3A_325 = tpu.vector_load %arg14[%swap3A_324] {strides = array<i32>} : memref<20480xf32, #tpu.memory_space<vmem>>, vector<16xf32>,
            tpu.vector_store %arg14[%swap3A_324], %max3A_323 {strides = array<i32>} : memref<20480xf32, #tpu.memory_space<vmem>>, vector<16xf32>,
          } else {
          }
          %slice3A_107 = vector.extract_strided_slice %convert_element_type3A_56 {offsets = [5], sizes = [1], strides = [1]} : vector<16xi32> to vector<1xi32>
          %squeeze3A_108 = vector.extract %slice3A_107[0] : i32 from vector<1xi32>
          %eq3A_109 = arith.constant 1 : i32
          %eq3A_110 = arith.cmpi eq, %squeeze3A_108, %eq3A_109 : i32
          %convert_element_type3A_111 = arith.extui %eq3A_110 : i1 to i32
          %cond3A_112 = arith.constant 0 : i32
          %cond3A_113 = arith.cmpi ne, %convert_element_type3A_111, %cond3A_112 : i32
          scf.if %cond3A_113 {
            %slice3A_184 = vector.extract_strided_slice %get3A_47 {offsets = [5], sizes = [1], strides = [1]} : vector<16xi32> to vector<1xi32>
            %squeeze3A_185 = vector.extract %slice3A_184[0] : i32 from vector<1xi32>
            %sub3A = arith.subi %squeeze3A_185, %mul3A_2 : i32
            %slice3A_186 = vector.extract_strided_slice %get3A_67 {offsets = [5], sizes = [1], strides = [1]} : vector<16xf32> to vector<1xf32>
            %squeeze3A_187 = vector.extract %slice3A_186[0] : f32 from vector<1xf32>
            %broadcast_in_dim3A_188 = arith.constant 5 : i32
            %broadcast_in_dim3A_189 = vector.broadcast %broadcast_in_dim3A_188 : i32 to vector<16xi32>
            %gather3A = tpu.vector_load_idx %arg15[%broadcast_in_dim3A_189, %iota3A] : memref<16x144xf32, #tpu.memory_space<vmem>>[vector<16xi32>, vector<16xi32>], vector<16xf32>,
            %lt3A_190 = arith.constant 5 : i32
            %lt3A_191 = vector.broadcast %lt3A_190 : i32 to vector<16xi32>
            %lt3A_192 = arith.cmpi slt, %iota3A, %lt3A_191 : vector<16xi32>
            %broadcast_in_dim3A_193 = vector.broadcast %squeeze3A_187 : f32 to vector<16xf32>
            %select_n3A_194 = arith.select %lt3A_192, %broadcast_in_dim3A_193, %select_n3A : vector<16xi1>, vector<16xf32>
            %mul3A_195 = arith.constant 16 : i32
            %mul3A_196 = arith.muli %sub3A, %mul3A_195 : i32
            %mul3A_197 = arith.mulf %gather3A, %select_n3A_194 : vector<16xf32>
            %swap3A = arith.index_cast %mul3A_196 : i32 to index
            %swap3A_198 = tpu.vector_load %arg12[%swap3A] {strides = array<i32>} : memref<5120xf32, #tpu.memory_space<vmem>>, vector<16xf32>,
            tpu.vector_store %arg12[%swap3A], %mul3A_197 {add = true, strides = array<i32>} : memref<5120xf32, #tpu.memory_space<vmem>>, vector<16xf32>,
            %add3A_199 = arith.constant 16 : i32
            %add3A_200 = vector.broadcast %add3A_199 : i32 to vector<16xi32>
            %add3A_201 = arith.addi %add3A_200, %iota3A : vector<16xi32>
            %broadcast_in_dim3A_202 = arith.constant 5 : i32
            %broadcast_in_dim3A_203 = vector.broadcast %broadcast_in_dim3A_202 : i32 to vector<16xi32>
            %gather3A_204 = tpu.vector_load_idx %arg15[%broadcast_in_dim3A_203, %add3A_201] : memref<16x144xf32, #tpu.memory_space<vmem>>[vector<16xi32>, vector<16xi32>], vector<16xf32>,
            %mul3A_205 = arith.constant 64 : i32
            %mul3A_206 = arith.muli %sub3A, %mul3A_205 : i32
            %add3A_207 = arith.constant 0 : i32
            %add3A_208 = arith.addi %mul3A_206, %add3A_207 : i32
            %get3A_209 = arith.index_cast %add3A_208 : i32 to index
            %get3A_210 = tpu.vector_load %arg13[%get3A_209] {strides = array<i32>} : memref<20480xf32, #tpu.memory_space<vmem>>, vector<16xf32>,
            %mul3A_211 = vector.broadcast %squeeze3A_187 : f32 to vector<16xf32>
            %mul3A_212 = arith.mulf %mul3A_211, %gather3A_204 : vector<16xf32>
            %max3A = arith.maximumf %get3A_210, %mul3A_212 : vector<16xf32>
            %swap3A_213 = arith.index_cast %add3A_208 : i32 to index
            %swap3A_214 = tpu.vector_load %arg13[%swap3A_213] {strides = array<i32>} : memref<20480xf32, #tpu.memory_space<vmem>>, vector<16xf32>,
            tpu.vector_store %arg13[%swap3A_213], %max3A {strides = array<i32>} : memref<20480xf32, #tpu.memory_space<vmem>>, vector<16xf32>,
            %add3A_215 = arith.constant 32 : i32
            %add3A_216 = vector.broadcast %add3A_215 : i32 to vector<16xi32>
            %add3A_217 = arith.addi %add3A_216, %iota3A : vector<16xi32>
            %broadcast_in_dim3A_218 = arith.constant 5 : i32
            %broadcast_in_dim3A_219 = vector.broadcast %broadcast_in_dim3A_218 : i32 to vector<16xi32>
            %gather3A_220 = tpu.vector_load_idx %arg15[%broadcast_in_dim3A_219, %add3A_217] : memref<16x144xf32, #tpu.memory_space<vmem>>[vector<16xi32>, vector<16xi32>], vector<16xf32>,
            %mul3A_221 = arith.constant 64 : i32
            %mul3A_222 = arith.muli %sub3A, %mul3A_221 : i32
            %add3A_223 = arith.constant 16 : i32
            %add3A_224 = arith.addi %mul3A_222, %add3A_223 : i32
            %get3A_225 = arith.index_cast %add3A_224 : i32 to index
            %get3A_226 = tpu.vector_load %arg13[%get3A_225] {strides = array<i32>} : memref<20480xf32, #tpu.memory_space<vmem>>, vector<16xf32>,
            %mul3A_227 = vector.broadcast %squeeze3A_187 : f32 to vector<16xf32>
            %mul3A_228 = arith.mulf %mul3A_227, %gather3A_220 : vector<16xf32>
            %max3A_229 = arith.maximumf %get3A_226, %mul3A_228 : vector<16xf32>
            %swap3A_230 = arith.index_cast %add3A_224 : i32 to index
            %swap3A_231 = tpu.vector_load %arg13[%swap3A_230] {strides = array<i32>} : memref<20480xf32, #tpu.memory_space<vmem>>, vector<16xf32>,
            tpu.vector_store %arg13[%swap3A_230], %max3A_229 {strides = array<i32>} : memref<20480xf32, #tpu.memory_space<vmem>>, vector<16xf32>,
            %add3A_232 = arith.constant 48 : i32
            %add3A_233 = vector.broadcast %add3A_232 : i32 to vector<16xi32>
            %add3A_234 = arith.addi %add3A_233, %iota3A : vector<16xi32>
            %broadcast_in_dim3A_235 = arith.constant 5 : i32
            %broadcast_in_dim3A_236 = vector.broadcast %broadcast_in_dim3A_235 : i32 to vector<16xi32>
            %gather3A_237 = tpu.vector_load_idx %arg15[%broadcast_in_dim3A_236, %add3A_234] : memref<16x144xf32, #tpu.memory_space<vmem>>[vector<16xi32>, vector<16xi32>], vector<16xf32>,
            %mul3A_238 = arith.constant 64 : i32
            %mul3A_239 = arith.muli %sub3A, %mul3A_238 : i32
            %add3A_240 = arith.constant 32 : i32
            %add3A_241 = arith.addi %mul3A_239, %add3A_240 : i32
            %get3A_242 = arith.index_cast %add3A_241 : i32 to index
            %get3A_243 = tpu.vector_load %arg13[%get3A_242] {strides = array<i32>} : memref<20480xf32, #tpu.memory_space<vmem>>, vector<16xf32>,
            %mul3A_244 = vector.broadcast %squeeze3A_187 : f32 to vector<16xf32>
            %mul3A_245 = arith.mulf %mul3A_244, %gather3A_237 : vector<16xf32>
            %max3A_246 = arith.maximumf %get3A_243, %mul3A_245 : vector<16xf32>
            %swap3A_247 = arith.index_cast %add3A_241 : i32 to index
            %swap3A_248 = tpu.vector_load %arg13[%swap3A_247] {strides = array<i32>} : memref<20480xf32, #tpu.memory_space<vmem>>, vector<16xf32>,
            tpu.vector_store %arg13[%swap3A_247], %max3A_246 {strides = array<i32>} : memref<20480xf32, #tpu.memory_space<vmem>>, vector<16xf32>,
            %add3A_249 = arith.constant 64 : i32
            %add3A_250 = vector.broadcast %add3A_249 : i32 to vector<16xi32>
            %add3A_251 = arith.addi %add3A_250, %iota3A : vector<16xi32>
            %broadcast_in_dim3A_252 = arith.constant 5 : i32
            %broadcast_in_dim3A_253 = vector.broadcast %broadcast_in_dim3A_252 : i32 to vector<16xi32>
            %gather3A_254 = tpu.vector_load_idx %arg15[%broadcast_in_dim3A_253, %add3A_251] : memref<16x144xf32, #tpu.memory_space<vmem>>[vector<16xi32>, vector<16xi32>], vector<16xf32>,
            %mul3A_255 = arith.constant 64 : i32
            %mul3A_256 = arith.muli %sub3A, %mul3A_255 : i32
            %add3A_257 = arith.constant 48 : i32
            %add3A_258 = arith.addi %mul3A_256, %add3A_257 : i32
            %get3A_259 = arith.index_cast %add3A_258 : i32 to index
            %get3A_260 = tpu.vector_load %arg13[%get3A_259] {strides = array<i32>} : memref<20480xf32, #tpu.memory_space<vmem>>, vector<16xf32>,
            %mul3A_261 = vector.broadcast %squeeze3A_187 : f32 to vector<16xf32>
            %mul3A_262 = arith.mulf %mul3A_261, %gather3A_254 : vector<16xf32>
            %max3A_263 = arith.maximumf %get3A_260, %mul3A_262 : vector<16xf32>
            %swap3A_264 = arith.index_cast %add3A_258 : i32 to index
            %swap3A_265 = tpu.vector_load %arg13[%swap3A_264] {strides = array<i32>} : memref<20480xf32, #tpu.memory_space<vmem>>, vector<16xf32>,
            tpu.vector_store %arg13[%swap3A_264], %max3A_263 {strides = array<i32>} : memref<20480xf32, #tpu.memory_space<vmem>>, vector<16xf32>,
            %add3A_266 = arith.constant 80 : i32
            %add3A_267 = vector.broadcast %add3A_266 : i32 to vector<16xi32>
            %add3A_268 = arith.addi %add3A_267, %iota3A : vector<16xi32>
            %broadcast_in_dim3A_269 = arith.constant 5 : i32
            %broadcast_in_dim3A_270 = vector.broadcast %broadcast_in_dim3A_269 : i32 to vector<16xi32>
            %gather3A_271 = tpu.vector_load_idx %arg15[%broadcast_in_dim3A_270, %add3A_268] : memref<16x144xf32, #tpu.memory_space<vmem>>[vector<16xi32>, vector<16xi32>], vector<16xf32>,
            %mul3A_272 = arith.constant 64 : i32
            %mul3A_273 = arith.muli %sub3A, %mul3A_272 : i32
            %add3A_274 = arith.constant 0 : i32
            %add3A_275 = arith.addi %mul3A_273, %add3A_274 : i32
            %get3A_276 = arith.index_cast %add3A_275 : i32 to index
            %get3A_277 = tpu.vector_load %arg14[%get3A_276] {strides = array<i32>} : memref<20480xf32, #tpu.memory_space<vmem>>, vector<16xf32>,
            %max3A_278 = arith.maximumf %get3A_277, %gather3A_271 : vector<16xf32>
            %swap3A_279 = arith.index_cast %add3A_275 : i32 to index
            %swap3A_280 = tpu.vector_load %arg14[%swap3A_279] {strides = array<i32>} : memref<20480xf32, #tpu.memory_space<vmem>>, vector<16xf32>,
            tpu.vector_store %arg14[%swap3A_279], %max3A_278 {strides = array<i32>} : memref<20480xf32, #tpu.memory_space<vmem>>, vector<16xf32>,
            %add3A_281 = arith.constant 96 : i32
            %add3A_282 = vector.broadcast %add3A_281 : i32 to vector<16xi32>
            %add3A_283 = arith.addi %add3A_282, %iota3A : vector<16xi32>
            %broadcast_in_dim3A_284 = arith.constant 5 : i32
            %broadcast_in_dim3A_285 = vector.broadcast %broadcast_in_dim3A_284 : i32 to vector<16xi32>
            %gather3A_286 = tpu.vector_load_idx %arg15[%broadcast_in_dim3A_285, %add3A_283] : memref<16x144xf32, #tpu.memory_space<vmem>>[vector<16xi32>, vector<16xi32>], vector<16xf32>,
            %mul3A_287 = arith.constant 64 : i32
            %mul3A_288 = arith.muli %sub3A, %mul3A_287 : i32
            %add3A_289 = arith.constant 16 : i32
            %add3A_290 = arith.addi %mul3A_288, %add3A_289 : i32
            %get3A_291 = arith.index_cast %add3A_290 : i32 to index
            %get3A_292 = tpu.vector_load %arg14[%get3A_291] {strides = array<i32>} : memref<20480xf32, #tpu.memory_space<vmem>>, vector<16xf32>,
            %max3A_293 = arith.maximumf %get3A_292, %gather3A_286 : vector<16xf32>
            %swap3A_294 = arith.index_cast %add3A_290 : i32 to index
            %swap3A_295 = tpu.vector_load %arg14[%swap3A_294] {strides = array<i32>} : memref<20480xf32, #tpu.memory_space<vmem>>, vector<16xf32>,
            tpu.vector_store %arg14[%swap3A_294], %max3A_293 {strides = array<i32>} : memref<20480xf32, #tpu.memory_space<vmem>>, vector<16xf32>,
            %add3A_296 = arith.constant 112 : i32
            %add3A_297 = vector.broadcast %add3A_296 : i32 to vector<16xi32>
            %add3A_298 = arith.addi %add3A_297, %iota3A : vector<16xi32>
            %broadcast_in_dim3A_299 = arith.constant 5 : i32
            %broadcast_in_dim3A_300 = vector.broadcast %broadcast_in_dim3A_299 : i32 to vector<16xi32>
            %gather3A_301 = tpu.vector_load_idx %arg15[%broadcast_in_dim3A_300, %add3A_298] : memref<16x144xf32, #tpu.memory_space<vmem>>[vector<16xi32>, vector<16xi32>], vector<16xf32>,
            %mul3A_302 = arith.constant 64 : i32
            %mul3A_303 = arith.muli %sub3A, %mul3A_302 : i32
            %add3A_304 = arith.constant 32 : i32
            %add3A_305 = arith.addi %mul3A_303, %add3A_304 : i32
            %get3A_306 = arith.index_cast %add3A_305 : i32 to index
            %get3A_307 = tpu.vector_load %arg14[%get3A_306] {strides = array<i32>} : memref<20480xf32, #tpu.memory_space<vmem>>, vector<16xf32>,
            %max3A_308 = arith.maximumf %get3A_307, %gather3A_301 : vector<16xf32>
            %swap3A_309 = arith.index_cast %add3A_305 : i32 to index
            %swap3A_310 = tpu.vector_load %arg14[%swap3A_309] {strides = array<i32>} : memref<20480xf32, #tpu.memory_space<vmem>>, vector<16xf32>,
            tpu.vector_store %arg14[%swap3A_309], %max3A_308 {strides = array<i32>} : memref<20480xf32, #tpu.memory_space<vmem>>, vector<16xf32>,
            %add3A_311 = arith.constant 128 : i32
            %add3A_312 = vector.broadcast %add3A_311 : i32 to vector<16xi32>
            %add3A_313 = arith.addi %add3A_312, %iota3A : vector<16xi32>
            %broadcast_in_dim3A_314 = arith.constant 5 : i32
            %broadcast_in_dim3A_315 = vector.broadcast %broadcast_in_dim3A_314 : i32 to vector<16xi32>
            %gather3A_316 = tpu.vector_load_idx %arg15[%broadcast_in_dim3A_315, %add3A_313] : memref<16x144xf32, #tpu.memory_space<vmem>>[vector<16xi32>, vector<16xi32>], vector<16xf32>,
            %mul3A_317 = arith.constant 64 : i32
            %mul3A_318 = arith.muli %sub3A, %mul3A_317 : i32
            %add3A_319 = arith.constant 48 : i32
            %add3A_320 = arith.addi %mul3A_318, %add3A_319 : i32
            %get3A_321 = arith.index_cast %add3A_320 : i32 to index
            %get3A_322 = tpu.vector_load %arg14[%get3A_321] {strides = array<i32>} : memref<20480xf32, #tpu.memory_space<vmem>>, vector<16xf32>,
            %max3A_323 = arith.maximumf %get3A_322, %gather3A_316 : vector<16xf32>
            %swap3A_324 = arith.index_cast %add3A_320 : i32 to index
            %swap3A_325 = tpu.vector_load %arg14[%swap3A_324] {strides = array<i32>} : memref<20480xf32, #tpu.memory_space<vmem>>, vector<16xf32>,
            tpu.vector_store %arg14[%swap3A_324], %max3A_323 {strides = array<i32>} : memref<20480xf32, #tpu.memory_space<vmem>>, vector<16xf32>,
          } else {
          }
          %slice3A_114 = vector.extract_strided_slice %convert_element_type3A_56 {offsets = [6], sizes = [1], strides = [1]} : vector<16xi32> to vector<1xi32>
          %squeeze3A_115 = vector.extract %slice3A_114[0] : i32 from vector<1xi32>
          %eq3A_116 = arith.constant 1 : i32
          %eq3A_117 = arith.cmpi eq, %squeeze3A_115, %eq3A_116 : i32
          %convert_element_type3A_118 = arith.extui %eq3A_117 : i1 to i32
          %cond3A_119 = arith.constant 0 : i32
          %cond3A_120 = arith.cmpi ne, %convert_element_type3A_118, %cond3A_119 : i32
          scf.if %cond3A_120 {
            %slice3A_184 = vector.extract_strided_slice %get3A_47 {offsets = [6], sizes = [1], strides = [1]} : vector<16xi32> to vector<1xi32>
            %squeeze3A_185 = vector.extract %slice3A_184[0] : i32 from vector<1xi32>
            %sub3A = arith.subi %squeeze3A_185, %mul3A_2 : i32
            %slice3A_186 = vector.extract_strided_slice %get3A_67 {offsets = [6], sizes = [1], strides = [1]} : vector<16xf32> to vector<1xf32>
            %squeeze3A_187 = vector.extract %slice3A_186[0] : f32 from vector<1xf32>
            %broadcast_in_dim3A_188 = arith.constant 6 : i32
            %broadcast_in_dim3A_189 = vector.broadcast %broadcast_in_dim3A_188 : i32 to vector<16xi32>
            %gather3A = tpu.vector_load_idx %arg15[%broadcast_in_dim3A_189, %iota3A] : memref<16x144xf32, #tpu.memory_space<vmem>>[vector<16xi32>, vector<16xi32>], vector<16xf32>,
            %lt3A_190 = arith.constant 5 : i32
            %lt3A_191 = vector.broadcast %lt3A_190 : i32 to vector<16xi32>
            %lt3A_192 = arith.cmpi slt, %iota3A, %lt3A_191 : vector<16xi32>
            %broadcast_in_dim3A_193 = vector.broadcast %squeeze3A_187 : f32 to vector<16xf32>
            %select_n3A_194 = arith.select %lt3A_192, %broadcast_in_dim3A_193, %select_n3A : vector<16xi1>, vector<16xf32>
            %mul3A_195 = arith.constant 16 : i32
            %mul3A_196 = arith.muli %sub3A, %mul3A_195 : i32
            %mul3A_197 = arith.mulf %gather3A, %select_n3A_194 : vector<16xf32>
            %swap3A = arith.index_cast %mul3A_196 : i32 to index
            %swap3A_198 = tpu.vector_load %arg12[%swap3A] {strides = array<i32>} : memref<5120xf32, #tpu.memory_space<vmem>>, vector<16xf32>,
            tpu.vector_store %arg12[%swap3A], %mul3A_197 {add = true, strides = array<i32>} : memref<5120xf32, #tpu.memory_space<vmem>>, vector<16xf32>,
            %add3A_199 = arith.constant 16 : i32
            %add3A_200 = vector.broadcast %add3A_199 : i32 to vector<16xi32>
            %add3A_201 = arith.addi %add3A_200, %iota3A : vector<16xi32>
            %broadcast_in_dim3A_202 = arith.constant 6 : i32
            %broadcast_in_dim3A_203 = vector.broadcast %broadcast_in_dim3A_202 : i32 to vector<16xi32>
            %gather3A_204 = tpu.vector_load_idx %arg15[%broadcast_in_dim3A_203, %add3A_201] : memref<16x144xf32, #tpu.memory_space<vmem>>[vector<16xi32>, vector<16xi32>], vector<16xf32>,
            %mul3A_205 = arith.constant 64 : i32
            %mul3A_206 = arith.muli %sub3A, %mul3A_205 : i32
            %add3A_207 = arith.constant 0 : i32
            %add3A_208 = arith.addi %mul3A_206, %add3A_207 : i32
            %get3A_209 = arith.index_cast %add3A_208 : i32 to index
            %get3A_210 = tpu.vector_load %arg13[%get3A_209] {strides = array<i32>} : memref<20480xf32, #tpu.memory_space<vmem>>, vector<16xf32>,
            %mul3A_211 = vector.broadcast %squeeze3A_187 : f32 to vector<16xf32>
            %mul3A_212 = arith.mulf %mul3A_211, %gather3A_204 : vector<16xf32>
            %max3A = arith.maximumf %get3A_210, %mul3A_212 : vector<16xf32>
            %swap3A_213 = arith.index_cast %add3A_208 : i32 to index
            %swap3A_214 = tpu.vector_load %arg13[%swap3A_213] {strides = array<i32>} : memref<20480xf32, #tpu.memory_space<vmem>>, vector<16xf32>,
            tpu.vector_store %arg13[%swap3A_213], %max3A {strides = array<i32>} : memref<20480xf32, #tpu.memory_space<vmem>>, vector<16xf32>,
            %add3A_215 = arith.constant 32 : i32
            %add3A_216 = vector.broadcast %add3A_215 : i32 to vector<16xi32>
            %add3A_217 = arith.addi %add3A_216, %iota3A : vector<16xi32>
            %broadcast_in_dim3A_218 = arith.constant 6 : i32
            %broadcast_in_dim3A_219 = vector.broadcast %broadcast_in_dim3A_218 : i32 to vector<16xi32>
            %gather3A_220 = tpu.vector_load_idx %arg15[%broadcast_in_dim3A_219, %add3A_217] : memref<16x144xf32, #tpu.memory_space<vmem>>[vector<16xi32>, vector<16xi32>], vector<16xf32>,
            %mul3A_221 = arith.constant 64 : i32
            %mul3A_222 = arith.muli %sub3A, %mul3A_221 : i32
            %add3A_223 = arith.constant 16 : i32
            %add3A_224 = arith.addi %mul3A_222, %add3A_223 : i32
            %get3A_225 = arith.index_cast %add3A_224 : i32 to index
            %get3A_226 = tpu.vector_load %arg13[%get3A_225] {strides = array<i32>} : memref<20480xf32, #tpu.memory_space<vmem>>, vector<16xf32>,
            %mul3A_227 = vector.broadcast %squeeze3A_187 : f32 to vector<16xf32>
            %mul3A_228 = arith.mulf %mul3A_227, %gather3A_220 : vector<16xf32>
            %max3A_229 = arith.maximumf %get3A_226, %mul3A_228 : vector<16xf32>
            %swap3A_230 = arith.index_cast %add3A_224 : i32 to index
            %swap3A_231 = tpu.vector_load %arg13[%swap3A_230] {strides = array<i32>} : memref<20480xf32, #tpu.memory_space<vmem>>, vector<16xf32>,
            tpu.vector_store %arg13[%swap3A_230], %max3A_229 {strides = array<i32>} : memref<20480xf32, #tpu.memory_space<vmem>>, vector<16xf32>,
            %add3A_232 = arith.constant 48 : i32
            %add3A_233 = vector.broadcast %add3A_232 : i32 to vector<16xi32>
            %add3A_234 = arith.addi %add3A_233, %iota3A : vector<16xi32>
            %broadcast_in_dim3A_235 = arith.constant 6 : i32
            %broadcast_in_dim3A_236 = vector.broadcast %broadcast_in_dim3A_235 : i32 to vector<16xi32>
            %gather3A_237 = tpu.vector_load_idx %arg15[%broadcast_in_dim3A_236, %add3A_234] : memref<16x144xf32, #tpu.memory_space<vmem>>[vector<16xi32>, vector<16xi32>], vector<16xf32>,
            %mul3A_238 = arith.constant 64 : i32
            %mul3A_239 = arith.muli %sub3A, %mul3A_238 : i32
            %add3A_240 = arith.constant 32 : i32
            %add3A_241 = arith.addi %mul3A_239, %add3A_240 : i32
            %get3A_242 = arith.index_cast %add3A_241 : i32 to index
            %get3A_243 = tpu.vector_load %arg13[%get3A_242] {strides = array<i32>} : memref<20480xf32, #tpu.memory_space<vmem>>, vector<16xf32>,
            %mul3A_244 = vector.broadcast %squeeze3A_187 : f32 to vector<16xf32>
            %mul3A_245 = arith.mulf %mul3A_244, %gather3A_237 : vector<16xf32>
            %max3A_246 = arith.maximumf %get3A_243, %mul3A_245 : vector<16xf32>
            %swap3A_247 = arith.index_cast %add3A_241 : i32 to index
            %swap3A_248 = tpu.vector_load %arg13[%swap3A_247] {strides = array<i32>} : memref<20480xf32, #tpu.memory_space<vmem>>, vector<16xf32>,
            tpu.vector_store %arg13[%swap3A_247], %max3A_246 {strides = array<i32>} : memref<20480xf32, #tpu.memory_space<vmem>>, vector<16xf32>,
            %add3A_249 = arith.constant 64 : i32
            %add3A_250 = vector.broadcast %add3A_249 : i32 to vector<16xi32>
            %add3A_251 = arith.addi %add3A_250, %iota3A : vector<16xi32>
            %broadcast_in_dim3A_252 = arith.constant 6 : i32
            %broadcast_in_dim3A_253 = vector.broadcast %broadcast_in_dim3A_252 : i32 to vector<16xi32>
            %gather3A_254 = tpu.vector_load_idx %arg15[%broadcast_in_dim3A_253, %add3A_251] : memref<16x144xf32, #tpu.memory_space<vmem>>[vector<16xi32>, vector<16xi32>], vector<16xf32>,
            %mul3A_255 = arith.constant 64 : i32
            %mul3A_256 = arith.muli %sub3A, %mul3A_255 : i32
            %add3A_257 = arith.constant 48 : i32
            %add3A_258 = arith.addi %mul3A_256, %add3A_257 : i32
            %get3A_259 = arith.index_cast %add3A_258 : i32 to index
            %get3A_260 = tpu.vector_load %arg13[%get3A_259] {strides = array<i32>} : memref<20480xf32, #tpu.memory_space<vmem>>, vector<16xf32>,
            %mul3A_261 = vector.broadcast %squeeze3A_187 : f32 to vector<16xf32>
            %mul3A_262 = arith.mulf %mul3A_261, %gather3A_254 : vector<16xf32>
            %max3A_263 = arith.maximumf %get3A_260, %mul3A_262 : vector<16xf32>
            %swap3A_264 = arith.index_cast %add3A_258 : i32 to index
            %swap3A_265 = tpu.vector_load %arg13[%swap3A_264] {strides = array<i32>} : memref<20480xf32, #tpu.memory_space<vmem>>, vector<16xf32>,
            tpu.vector_store %arg13[%swap3A_264], %max3A_263 {strides = array<i32>} : memref<20480xf32, #tpu.memory_space<vmem>>, vector<16xf32>,
            %add3A_266 = arith.constant 80 : i32
            %add3A_267 = vector.broadcast %add3A_266 : i32 to vector<16xi32>
            %add3A_268 = arith.addi %add3A_267, %iota3A : vector<16xi32>
            %broadcast_in_dim3A_269 = arith.constant 6 : i32
            %broadcast_in_dim3A_270 = vector.broadcast %broadcast_in_dim3A_269 : i32 to vector<16xi32>
            %gather3A_271 = tpu.vector_load_idx %arg15[%broadcast_in_dim3A_270, %add3A_268] : memref<16x144xf32, #tpu.memory_space<vmem>>[vector<16xi32>, vector<16xi32>], vector<16xf32>,
            %mul3A_272 = arith.constant 64 : i32
            %mul3A_273 = arith.muli %sub3A, %mul3A_272 : i32
            %add3A_274 = arith.constant 0 : i32
            %add3A_275 = arith.addi %mul3A_273, %add3A_274 : i32
            %get3A_276 = arith.index_cast %add3A_275 : i32 to index
            %get3A_277 = tpu.vector_load %arg14[%get3A_276] {strides = array<i32>} : memref<20480xf32, #tpu.memory_space<vmem>>, vector<16xf32>,
            %max3A_278 = arith.maximumf %get3A_277, %gather3A_271 : vector<16xf32>
            %swap3A_279 = arith.index_cast %add3A_275 : i32 to index
            %swap3A_280 = tpu.vector_load %arg14[%swap3A_279] {strides = array<i32>} : memref<20480xf32, #tpu.memory_space<vmem>>, vector<16xf32>,
            tpu.vector_store %arg14[%swap3A_279], %max3A_278 {strides = array<i32>} : memref<20480xf32, #tpu.memory_space<vmem>>, vector<16xf32>,
            %add3A_281 = arith.constant 96 : i32
            %add3A_282 = vector.broadcast %add3A_281 : i32 to vector<16xi32>
            %add3A_283 = arith.addi %add3A_282, %iota3A : vector<16xi32>
            %broadcast_in_dim3A_284 = arith.constant 6 : i32
            %broadcast_in_dim3A_285 = vector.broadcast %broadcast_in_dim3A_284 : i32 to vector<16xi32>
            %gather3A_286 = tpu.vector_load_idx %arg15[%broadcast_in_dim3A_285, %add3A_283] : memref<16x144xf32, #tpu.memory_space<vmem>>[vector<16xi32>, vector<16xi32>], vector<16xf32>,
            %mul3A_287 = arith.constant 64 : i32
            %mul3A_288 = arith.muli %sub3A, %mul3A_287 : i32
            %add3A_289 = arith.constant 16 : i32
            %add3A_290 = arith.addi %mul3A_288, %add3A_289 : i32
            %get3A_291 = arith.index_cast %add3A_290 : i32 to index
            %get3A_292 = tpu.vector_load %arg14[%get3A_291] {strides = array<i32>} : memref<20480xf32, #tpu.memory_space<vmem>>, vector<16xf32>,
            %max3A_293 = arith.maximumf %get3A_292, %gather3A_286 : vector<16xf32>
            %swap3A_294 = arith.index_cast %add3A_290 : i32 to index
            %swap3A_295 = tpu.vector_load %arg14[%swap3A_294] {strides = array<i32>} : memref<20480xf32, #tpu.memory_space<vmem>>, vector<16xf32>,
            tpu.vector_store %arg14[%swap3A_294], %max3A_293 {strides = array<i32>} : memref<20480xf32, #tpu.memory_space<vmem>>, vector<16xf32>,
            %add3A_296 = arith.constant 112 : i32
            %add3A_297 = vector.broadcast %add3A_296 : i32 to vector<16xi32>
            %add3A_298 = arith.addi %add3A_297, %iota3A : vector<16xi32>
            %broadcast_in_dim3A_299 = arith.constant 6 : i32
            %broadcast_in_dim3A_300 = vector.broadcast %broadcast_in_dim3A_299 : i32 to vector<16xi32>
            %gather3A_301 = tpu.vector_load_idx %arg15[%broadcast_in_dim3A_300, %add3A_298] : memref<16x144xf32, #tpu.memory_space<vmem>>[vector<16xi32>, vector<16xi32>], vector<16xf32>,
            %mul3A_302 = arith.constant 64 : i32
            %mul3A_303 = arith.muli %sub3A, %mul3A_302 : i32
            %add3A_304 = arith.constant 32 : i32
            %add3A_305 = arith.addi %mul3A_303, %add3A_304 : i32
            %get3A_306 = arith.index_cast %add3A_305 : i32 to index
            %get3A_307 = tpu.vector_load %arg14[%get3A_306] {strides = array<i32>} : memref<20480xf32, #tpu.memory_space<vmem>>, vector<16xf32>,
            %max3A_308 = arith.maximumf %get3A_307, %gather3A_301 : vector<16xf32>
            %swap3A_309 = arith.index_cast %add3A_305 : i32 to index
            %swap3A_310 = tpu.vector_load %arg14[%swap3A_309] {strides = array<i32>} : memref<20480xf32, #tpu.memory_space<vmem>>, vector<16xf32>,
            tpu.vector_store %arg14[%swap3A_309], %max3A_308 {strides = array<i32>} : memref<20480xf32, #tpu.memory_space<vmem>>, vector<16xf32>,
            %add3A_311 = arith.constant 128 : i32
            %add3A_312 = vector.broadcast %add3A_311 : i32 to vector<16xi32>
            %add3A_313 = arith.addi %add3A_312, %iota3A : vector<16xi32>
            %broadcast_in_dim3A_314 = arith.constant 6 : i32
            %broadcast_in_dim3A_315 = vector.broadcast %broadcast_in_dim3A_314 : i32 to vector<16xi32>
            %gather3A_316 = tpu.vector_load_idx %arg15[%broadcast_in_dim3A_315, %add3A_313] : memref<16x144xf32, #tpu.memory_space<vmem>>[vector<16xi32>, vector<16xi32>], vector<16xf32>,
            %mul3A_317 = arith.constant 64 : i32
            %mul3A_318 = arith.muli %sub3A, %mul3A_317 : i32
            %add3A_319 = arith.constant 48 : i32
            %add3A_320 = arith.addi %mul3A_318, %add3A_319 : i32
            %get3A_321 = arith.index_cast %add3A_320 : i32 to index
            %get3A_322 = tpu.vector_load %arg14[%get3A_321] {strides = array<i32>} : memref<20480xf32, #tpu.memory_space<vmem>>, vector<16xf32>,
            %max3A_323 = arith.maximumf %get3A_322, %gather3A_316 : vector<16xf32>
            %swap3A_324 = arith.index_cast %add3A_320 : i32 to index
            %swap3A_325 = tpu.vector_load %arg14[%swap3A_324] {strides = array<i32>} : memref<20480xf32, #tpu.memory_space<vmem>>, vector<16xf32>,
            tpu.vector_store %arg14[%swap3A_324], %max3A_323 {strides = array<i32>} : memref<20480xf32, #tpu.memory_space<vmem>>, vector<16xf32>,
          } else {
          }
          %slice3A_121 = vector.extract_strided_slice %convert_element_type3A_56 {offsets = [7], sizes = [1], strides = [1]} : vector<16xi32> to vector<1xi32>
          %squeeze3A_122 = vector.extract %slice3A_121[0] : i32 from vector<1xi32>
          %eq3A_123 = arith.constant 1 : i32
          %eq3A_124 = arith.cmpi eq, %squeeze3A_122, %eq3A_123 : i32
          %convert_element_type3A_125 = arith.extui %eq3A_124 : i1 to i32
          %cond3A_126 = arith.constant 0 : i32
          %cond3A_127 = arith.cmpi ne, %convert_element_type3A_125, %cond3A_126 : i32
          scf.if %cond3A_127 {
            %slice3A_184 = vector.extract_strided_slice %get3A_47 {offsets = [7], sizes = [1], strides = [1]} : vector<16xi32> to vector<1xi32>
            %squeeze3A_185 = vector.extract %slice3A_184[0] : i32 from vector<1xi32>
            %sub3A = arith.subi %squeeze3A_185, %mul3A_2 : i32
            %slice3A_186 = vector.extract_strided_slice %get3A_67 {offsets = [7], sizes = [1], strides = [1]} : vector<16xf32> to vector<1xf32>
            %squeeze3A_187 = vector.extract %slice3A_186[0] : f32 from vector<1xf32>
            %broadcast_in_dim3A_188 = arith.constant 7 : i32
            %broadcast_in_dim3A_189 = vector.broadcast %broadcast_in_dim3A_188 : i32 to vector<16xi32>
            %gather3A = tpu.vector_load_idx %arg15[%broadcast_in_dim3A_189, %iota3A] : memref<16x144xf32, #tpu.memory_space<vmem>>[vector<16xi32>, vector<16xi32>], vector<16xf32>,
            %lt3A_190 = arith.constant 5 : i32
            %lt3A_191 = vector.broadcast %lt3A_190 : i32 to vector<16xi32>
            %lt3A_192 = arith.cmpi slt, %iota3A, %lt3A_191 : vector<16xi32>
            %broadcast_in_dim3A_193 = vector.broadcast %squeeze3A_187 : f32 to vector<16xf32>
            %select_n3A_194 = arith.select %lt3A_192, %broadcast_in_dim3A_193, %select_n3A : vector<16xi1>, vector<16xf32>
            %mul3A_195 = arith.constant 16 : i32
            %mul3A_196 = arith.muli %sub3A, %mul3A_195 : i32
            %mul3A_197 = arith.mulf %gather3A, %select_n3A_194 : vector<16xf32>
            %swap3A = arith.index_cast %mul3A_196 : i32 to index
            %swap3A_198 = tpu.vector_load %arg12[%swap3A] {strides = array<i32>} : memref<5120xf32, #tpu.memory_space<vmem>>, vector<16xf32>,
            tpu.vector_store %arg12[%swap3A], %mul3A_197 {add = true, strides = array<i32>} : memref<5120xf32, #tpu.memory_space<vmem>>, vector<16xf32>,
            %add3A_199 = arith.constant 16 : i32
            %add3A_200 = vector.broadcast %add3A_199 : i32 to vector<16xi32>
            %add3A_201 = arith.addi %add3A_200, %iota3A : vector<16xi32>
            %broadcast_in_dim3A_202 = arith.constant 7 : i32
            %broadcast_in_dim3A_203 = vector.broadcast %broadcast_in_dim3A_202 : i32 to vector<16xi32>
            %gather3A_204 = tpu.vector_load_idx %arg15[%broadcast_in_dim3A_203, %add3A_201] : memref<16x144xf32, #tpu.memory_space<vmem>>[vector<16xi32>, vector<16xi32>], vector<16xf32>,
            %mul3A_205 = arith.constant 64 : i32
            %mul3A_206 = arith.muli %sub3A, %mul3A_205 : i32
            %add3A_207 = arith.constant 0 : i32
            %add3A_208 = arith.addi %mul3A_206, %add3A_207 : i32
            %get3A_209 = arith.index_cast %add3A_208 : i32 to index
            %get3A_210 = tpu.vector_load %arg13[%get3A_209] {strides = array<i32>} : memref<20480xf32, #tpu.memory_space<vmem>>, vector<16xf32>,
            %mul3A_211 = vector.broadcast %squeeze3A_187 : f32 to vector<16xf32>
            %mul3A_212 = arith.mulf %mul3A_211, %gather3A_204 : vector<16xf32>
            %max3A = arith.maximumf %get3A_210, %mul3A_212 : vector<16xf32>
            %swap3A_213 = arith.index_cast %add3A_208 : i32 to index
            %swap3A_214 = tpu.vector_load %arg13[%swap3A_213] {strides = array<i32>} : memref<20480xf32, #tpu.memory_space<vmem>>, vector<16xf32>,
            tpu.vector_store %arg13[%swap3A_213], %max3A {strides = array<i32>} : memref<20480xf32, #tpu.memory_space<vmem>>, vector<16xf32>,
            %add3A_215 = arith.constant 32 : i32
            %add3A_216 = vector.broadcast %add3A_215 : i32 to vector<16xi32>
            %add3A_217 = arith.addi %add3A_216, %iota3A : vector<16xi32>
            %broadcast_in_dim3A_218 = arith.constant 7 : i32
            %broadcast_in_dim3A_219 = vector.broadcast %broadcast_in_dim3A_218 : i32 to vector<16xi32>
            %gather3A_220 = tpu.vector_load_idx %arg15[%broadcast_in_dim3A_219, %add3A_217] : memref<16x144xf32, #tpu.memory_space<vmem>>[vector<16xi32>, vector<16xi32>], vector<16xf32>,
            %mul3A_221 = arith.constant 64 : i32
            %mul3A_222 = arith.muli %sub3A, %mul3A_221 : i32
            %add3A_223 = arith.constant 16 : i32
            %add3A_224 = arith.addi %mul3A_222, %add3A_223 : i32
            %get3A_225 = arith.index_cast %add3A_224 : i32 to index
            %get3A_226 = tpu.vector_load %arg13[%get3A_225] {strides = array<i32>} : memref<20480xf32, #tpu.memory_space<vmem>>, vector<16xf32>,
            %mul3A_227 = vector.broadcast %squeeze3A_187 : f32 to vector<16xf32>
            %mul3A_228 = arith.mulf %mul3A_227, %gather3A_220 : vector<16xf32>
            %max3A_229 = arith.maximumf %get3A_226, %mul3A_228 : vector<16xf32>
            %swap3A_230 = arith.index_cast %add3A_224 : i32 to index
            %swap3A_231 = tpu.vector_load %arg13[%swap3A_230] {strides = array<i32>} : memref<20480xf32, #tpu.memory_space<vmem>>, vector<16xf32>,
            tpu.vector_store %arg13[%swap3A_230], %max3A_229 {strides = array<i32>} : memref<20480xf32, #tpu.memory_space<vmem>>, vector<16xf32>,
            %add3A_232 = arith.constant 48 : i32
            %add3A_233 = vector.broadcast %add3A_232 : i32 to vector<16xi32>
            %add3A_234 = arith.addi %add3A_233, %iota3A : vector<16xi32>
            %broadcast_in_dim3A_235 = arith.constant 7 : i32
            %broadcast_in_dim3A_236 = vector.broadcast %broadcast_in_dim3A_235 : i32 to vector<16xi32>
            %gather3A_237 = tpu.vector_load_idx %arg15[%broadcast_in_dim3A_236, %add3A_234] : memref<16x144xf32, #tpu.memory_space<vmem>>[vector<16xi32>, vector<16xi32>], vector<16xf32>,
            %mul3A_238 = arith.constant 64 : i32
            %mul3A_239 = arith.muli %sub3A, %mul3A_238 : i32
            %add3A_240 = arith.constant 32 : i32
            %add3A_241 = arith.addi %mul3A_239, %add3A_240 : i32
            %get3A_242 = arith.index_cast %add3A_241 : i32 to index
            %get3A_243 = tpu.vector_load %arg13[%get3A_242] {strides = array<i32>} : memref<20480xf32, #tpu.memory_space<vmem>>, vector<16xf32>,
            %mul3A_244 = vector.broadcast %squeeze3A_187 : f32 to vector<16xf32>
            %mul3A_245 = arith.mulf %mul3A_244, %gather3A_237 : vector<16xf32>
            %max3A_246 = arith.maximumf %get3A_243, %mul3A_245 : vector<16xf32>
            %swap3A_247 = arith.index_cast %add3A_241 : i32 to index
            %swap3A_248 = tpu.vector_load %arg13[%swap3A_247] {strides = array<i32>} : memref<20480xf32, #tpu.memory_space<vmem>>, vector<16xf32>,
            tpu.vector_store %arg13[%swap3A_247], %max3A_246 {strides = array<i32>} : memref<20480xf32, #tpu.memory_space<vmem>>, vector<16xf32>,
            %add3A_249 = arith.constant 64 : i32
            %add3A_250 = vector.broadcast %add3A_249 : i32 to vector<16xi32>
            %add3A_251 = arith.addi %add3A_250, %iota3A : vector<16xi32>
            %broadcast_in_dim3A_252 = arith.constant 7 : i32
            %broadcast_in_dim3A_253 = vector.broadcast %broadcast_in_dim3A_252 : i32 to vector<16xi32>
            %gather3A_254 = tpu.vector_load_idx %arg15[%broadcast_in_dim3A_253, %add3A_251] : memref<16x144xf32, #tpu.memory_space<vmem>>[vector<16xi32>, vector<16xi32>], vector<16xf32>,
            %mul3A_255 = arith.constant 64 : i32
            %mul3A_256 = arith.muli %sub3A, %mul3A_255 : i32
            %add3A_257 = arith.constant 48 : i32
            %add3A_258 = arith.addi %mul3A_256, %add3A_257 : i32
            %get3A_259 = arith.index_cast %add3A_258 : i32 to index
            %get3A_260 = tpu.vector_load %arg13[%get3A_259] {strides = array<i32>} : memref<20480xf32, #tpu.memory_space<vmem>>, vector<16xf32>,
            %mul3A_261 = vector.broadcast %squeeze3A_187 : f32 to vector<16xf32>
            %mul3A_262 = arith.mulf %mul3A_261, %gather3A_254 : vector<16xf32>
            %max3A_263 = arith.maximumf %get3A_260, %mul3A_262 : vector<16xf32>
            %swap3A_264 = arith.index_cast %add3A_258 : i32 to index
            %swap3A_265 = tpu.vector_load %arg13[%swap3A_264] {strides = array<i32>} : memref<20480xf32, #tpu.memory_space<vmem>>, vector<16xf32>,
            tpu.vector_store %arg13[%swap3A_264], %max3A_263 {strides = array<i32>} : memref<20480xf32, #tpu.memory_space<vmem>>, vector<16xf32>,
            %add3A_266 = arith.constant 80 : i32
            %add3A_267 = vector.broadcast %add3A_266 : i32 to vector<16xi32>
            %add3A_268 = arith.addi %add3A_267, %iota3A : vector<16xi32>
            %broadcast_in_dim3A_269 = arith.constant 7 : i32
            %broadcast_in_dim3A_270 = vector.broadcast %broadcast_in_dim3A_269 : i32 to vector<16xi32>
            %gather3A_271 = tpu.vector_load_idx %arg15[%broadcast_in_dim3A_270, %add3A_268] : memref<16x144xf32, #tpu.memory_space<vmem>>[vector<16xi32>, vector<16xi32>], vector<16xf32>,
            %mul3A_272 = arith.constant 64 : i32
            %mul3A_273 = arith.muli %sub3A, %mul3A_272 : i32
            %add3A_274 = arith.constant 0 : i32
            %add3A_275 = arith.addi %mul3A_273, %add3A_274 : i32
            %get3A_276 = arith.index_cast %add3A_275 : i32 to index
            %get3A_277 = tpu.vector_load %arg14[%get3A_276] {strides = array<i32>} : memref<20480xf32, #tpu.memory_space<vmem>>, vector<16xf32>,
            %max3A_278 = arith.maximumf %get3A_277, %gather3A_271 : vector<16xf32>
            %swap3A_279 = arith.index_cast %add3A_275 : i32 to index
            %swap3A_280 = tpu.vector_load %arg14[%swap3A_279] {strides = array<i32>} : memref<20480xf32, #tpu.memory_space<vmem>>, vector<16xf32>,
            tpu.vector_store %arg14[%swap3A_279], %max3A_278 {strides = array<i32>} : memref<20480xf32, #tpu.memory_space<vmem>>, vector<16xf32>,
            %add3A_281 = arith.constant 96 : i32
            %add3A_282 = vector.broadcast %add3A_281 : i32 to vector<16xi32>
            %add3A_283 = arith.addi %add3A_282, %iota3A : vector<16xi32>
            %broadcast_in_dim3A_284 = arith.constant 7 : i32
            %broadcast_in_dim3A_285 = vector.broadcast %broadcast_in_dim3A_284 : i32 to vector<16xi32>
            %gather3A_286 = tpu.vector_load_idx %arg15[%broadcast_in_dim3A_285, %add3A_283] : memref<16x144xf32, #tpu.memory_space<vmem>>[vector<16xi32>, vector<16xi32>], vector<16xf32>,
            %mul3A_287 = arith.constant 64 : i32
            %mul3A_288 = arith.muli %sub3A, %mul3A_287 : i32
            %add3A_289 = arith.constant 16 : i32
            %add3A_290 = arith.addi %mul3A_288, %add3A_289 : i32
            %get3A_291 = arith.index_cast %add3A_290 : i32 to index
            %get3A_292 = tpu.vector_load %arg14[%get3A_291] {strides = array<i32>} : memref<20480xf32, #tpu.memory_space<vmem>>, vector<16xf32>,
            %max3A_293 = arith.maximumf %get3A_292, %gather3A_286 : vector<16xf32>
            %swap3A_294 = arith.index_cast %add3A_290 : i32 to index
            %swap3A_295 = tpu.vector_load %arg14[%swap3A_294] {strides = array<i32>} : memref<20480xf32, #tpu.memory_space<vmem>>, vector<16xf32>,
            tpu.vector_store %arg14[%swap3A_294], %max3A_293 {strides = array<i32>} : memref<20480xf32, #tpu.memory_space<vmem>>, vector<16xf32>,
            %add3A_296 = arith.constant 112 : i32
            %add3A_297 = vector.broadcast %add3A_296 : i32 to vector<16xi32>
            %add3A_298 = arith.addi %add3A_297, %iota3A : vector<16xi32>
            %broadcast_in_dim3A_299 = arith.constant 7 : i32
            %broadcast_in_dim3A_300 = vector.broadcast %broadcast_in_dim3A_299 : i32 to vector<16xi32>
            %gather3A_301 = tpu.vector_load_idx %arg15[%broadcast_in_dim3A_300, %add3A_298] : memref<16x144xf32, #tpu.memory_space<vmem>>[vector<16xi32>, vector<16xi32>], vector<16xf32>,
            %mul3A_302 = arith.constant 64 : i32
            %mul3A_303 = arith.muli %sub3A, %mul3A_302 : i32
            %add3A_304 = arith.constant 32 : i32
            %add3A_305 = arith.addi %mul3A_303, %add3A_304 : i32
            %get3A_306 = arith.index_cast %add3A_305 : i32 to index
            %get3A_307 = tpu.vector_load %arg14[%get3A_306] {strides = array<i32>} : memref<20480xf32, #tpu.memory_space<vmem>>, vector<16xf32>,
            %max3A_308 = arith.maximumf %get3A_307, %gather3A_301 : vector<16xf32>
            %swap3A_309 = arith.index_cast %add3A_305 : i32 to index
            %swap3A_310 = tpu.vector_load %arg14[%swap3A_309] {strides = array<i32>} : memref<20480xf32, #tpu.memory_space<vmem>>, vector<16xf32>,
            tpu.vector_store %arg14[%swap3A_309], %max3A_308 {strides = array<i32>} : memref<20480xf32, #tpu.memory_space<vmem>>, vector<16xf32>,
            %add3A_311 = arith.constant 128 : i32
            %add3A_312 = vector.broadcast %add3A_311 : i32 to vector<16xi32>
            %add3A_313 = arith.addi %add3A_312, %iota3A : vector<16xi32>
            %broadcast_in_dim3A_314 = arith.constant 7 : i32
            %broadcast_in_dim3A_315 = vector.broadcast %broadcast_in_dim3A_314 : i32 to vector<16xi32>
            %gather3A_316 = tpu.vector_load_idx %arg15[%broadcast_in_dim3A_315, %add3A_313] : memref<16x144xf32, #tpu.memory_space<vmem>>[vector<16xi32>, vector<16xi32>], vector<16xf32>,
            %mul3A_317 = arith.constant 64 : i32
            %mul3A_318 = arith.muli %sub3A, %mul3A_317 : i32
            %add3A_319 = arith.constant 48 : i32
            %add3A_320 = arith.addi %mul3A_318, %add3A_319 : i32
            %get3A_321 = arith.index_cast %add3A_320 : i32 to index
            %get3A_322 = tpu.vector_load %arg14[%get3A_321] {strides = array<i32>} : memref<20480xf32, #tpu.memory_space<vmem>>, vector<16xf32>,
            %max3A_323 = arith.maximumf %get3A_322, %gather3A_316 : vector<16xf32>
            %swap3A_324 = arith.index_cast %add3A_320 : i32 to index
            %swap3A_325 = tpu.vector_load %arg14[%swap3A_324] {strides = array<i32>} : memref<20480xf32, #tpu.memory_space<vmem>>, vector<16xf32>,
            tpu.vector_store %arg14[%swap3A_324], %max3A_323 {strides = array<i32>} : memref<20480xf32, #tpu.memory_space<vmem>>, vector<16xf32>,
          } else {
          }
          %slice3A_128 = vector.extract_strided_slice %convert_element_type3A_56 {offsets = [8], sizes = [1], strides = [1]} : vector<16xi32> to vector<1xi32>
          %squeeze3A_129 = vector.extract %slice3A_128[0] : i32 from vector<1xi32>
          %eq3A_130 = arith.constant 1 : i32
          %eq3A_131 = arith.cmpi eq, %squeeze3A_129, %eq3A_130 : i32
          %convert_element_type3A_132 = arith.extui %eq3A_131 : i1 to i32
          %cond3A_133 = arith.constant 0 : i32
          %cond3A_134 = arith.cmpi ne, %convert_element_type3A_132, %cond3A_133 : i32
          scf.if %cond3A_134 {
            %slice3A_184 = vector.extract_strided_slice %get3A_47 {offsets = [8], sizes = [1], strides = [1]} : vector<16xi32> to vector<1xi32>
            %squeeze3A_185 = vector.extract %slice3A_184[0] : i32 from vector<1xi32>
            %sub3A = arith.subi %squeeze3A_185, %mul3A_2 : i32
            %slice3A_186 = vector.extract_strided_slice %get3A_67 {offsets = [8], sizes = [1], strides = [1]} : vector<16xf32> to vector<1xf32>
            %squeeze3A_187 = vector.extract %slice3A_186[0] : f32 from vector<1xf32>
            %broadcast_in_dim3A_188 = arith.constant 8 : i32
            %broadcast_in_dim3A_189 = vector.broadcast %broadcast_in_dim3A_188 : i32 to vector<16xi32>
            %gather3A = tpu.vector_load_idx %arg15[%broadcast_in_dim3A_189, %iota3A] : memref<16x144xf32, #tpu.memory_space<vmem>>[vector<16xi32>, vector<16xi32>], vector<16xf32>,
            %lt3A_190 = arith.constant 5 : i32
            %lt3A_191 = vector.broadcast %lt3A_190 : i32 to vector<16xi32>
            %lt3A_192 = arith.cmpi slt, %iota3A, %lt3A_191 : vector<16xi32>
            %broadcast_in_dim3A_193 = vector.broadcast %squeeze3A_187 : f32 to vector<16xf32>
            %select_n3A_194 = arith.select %lt3A_192, %broadcast_in_dim3A_193, %select_n3A : vector<16xi1>, vector<16xf32>
            %mul3A_195 = arith.constant 16 : i32
            %mul3A_196 = arith.muli %sub3A, %mul3A_195 : i32
            %mul3A_197 = arith.mulf %gather3A, %select_n3A_194 : vector<16xf32>
            %swap3A = arith.index_cast %mul3A_196 : i32 to index
            %swap3A_198 = tpu.vector_load %arg12[%swap3A] {strides = array<i32>} : memref<5120xf32, #tpu.memory_space<vmem>>, vector<16xf32>,
            tpu.vector_store %arg12[%swap3A], %mul3A_197 {add = true, strides = array<i32>} : memref<5120xf32, #tpu.memory_space<vmem>>, vector<16xf32>,
            %add3A_199 = arith.constant 16 : i32
            %add3A_200 = vector.broadcast %add3A_199 : i32 to vector<16xi32>
            %add3A_201 = arith.addi %add3A_200, %iota3A : vector<16xi32>
            %broadcast_in_dim3A_202 = arith.constant 8 : i32
            %broadcast_in_dim3A_203 = vector.broadcast %broadcast_in_dim3A_202 : i32 to vector<16xi32>
            %gather3A_204 = tpu.vector_load_idx %arg15[%broadcast_in_dim3A_203, %add3A_201] : memref<16x144xf32, #tpu.memory_space<vmem>>[vector<16xi32>, vector<16xi32>], vector<16xf32>,
            %mul3A_205 = arith.constant 64 : i32
            %mul3A_206 = arith.muli %sub3A, %mul3A_205 : i32
            %add3A_207 = arith.constant 0 : i32
            %add3A_208 = arith.addi %mul3A_206, %add3A_207 : i32
            %get3A_209 = arith.index_cast %add3A_208 : i32 to index
            %get3A_210 = tpu.vector_load %arg13[%get3A_209] {strides = array<i32>} : memref<20480xf32, #tpu.memory_space<vmem>>, vector<16xf32>,
            %mul3A_211 = vector.broadcast %squeeze3A_187 : f32 to vector<16xf32>
            %mul3A_212 = arith.mulf %mul3A_211, %gather3A_204 : vector<16xf32>
            %max3A = arith.maximumf %get3A_210, %mul3A_212 : vector<16xf32>
            %swap3A_213 = arith.index_cast %add3A_208 : i32 to index
            %swap3A_214 = tpu.vector_load %arg13[%swap3A_213] {strides = array<i32>} : memref<20480xf32, #tpu.memory_space<vmem>>, vector<16xf32>,
            tpu.vector_store %arg13[%swap3A_213], %max3A {strides = array<i32>} : memref<20480xf32, #tpu.memory_space<vmem>>, vector<16xf32>,
            %add3A_215 = arith.constant 32 : i32
            %add3A_216 = vector.broadcast %add3A_215 : i32 to vector<16xi32>
            %add3A_217 = arith.addi %add3A_216, %iota3A : vector<16xi32>
            %broadcast_in_dim3A_218 = arith.constant 8 : i32
            %broadcast_in_dim3A_219 = vector.broadcast %broadcast_in_dim3A_218 : i32 to vector<16xi32>
            %gather3A_220 = tpu.vector_load_idx %arg15[%broadcast_in_dim3A_219, %add3A_217] : memref<16x144xf32, #tpu.memory_space<vmem>>[vector<16xi32>, vector<16xi32>], vector<16xf32>,
            %mul3A_221 = arith.constant 64 : i32
            %mul3A_222 = arith.muli %sub3A, %mul3A_221 : i32
            %add3A_223 = arith.constant 16 : i32
            %add3A_224 = arith.addi %mul3A_222, %add3A_223 : i32
            %get3A_225 = arith.index_cast %add3A_224 : i32 to index
            %get3A_226 = tpu.vector_load %arg13[%get3A_225] {strides = array<i32>} : memref<20480xf32, #tpu.memory_space<vmem>>, vector<16xf32>,
            %mul3A_227 = vector.broadcast %squeeze3A_187 : f32 to vector<16xf32>
            %mul3A_228 = arith.mulf %mul3A_227, %gather3A_220 : vector<16xf32>
            %max3A_229 = arith.maximumf %get3A_226, %mul3A_228 : vector<16xf32>
            %swap3A_230 = arith.index_cast %add3A_224 : i32 to index
            %swap3A_231 = tpu.vector_load %arg13[%swap3A_230] {strides = array<i32>} : memref<20480xf32, #tpu.memory_space<vmem>>, vector<16xf32>,
            tpu.vector_store %arg13[%swap3A_230], %max3A_229 {strides = array<i32>} : memref<20480xf32, #tpu.memory_space<vmem>>, vector<16xf32>,
            %add3A_232 = arith.constant 48 : i32
            %add3A_233 = vector.broadcast %add3A_232 : i32 to vector<16xi32>
            %add3A_234 = arith.addi %add3A_233, %iota3A : vector<16xi32>
            %broadcast_in_dim3A_235 = arith.constant 8 : i32
            %broadcast_in_dim3A_236 = vector.broadcast %broadcast_in_dim3A_235 : i32 to vector<16xi32>
            %gather3A_237 = tpu.vector_load_idx %arg15[%broadcast_in_dim3A_236, %add3A_234] : memref<16x144xf32, #tpu.memory_space<vmem>>[vector<16xi32>, vector<16xi32>], vector<16xf32>,
            %mul3A_238 = arith.constant 64 : i32
            %mul3A_239 = arith.muli %sub3A, %mul3A_238 : i32
            %add3A_240 = arith.constant 32 : i32
            %add3A_241 = arith.addi %mul3A_239, %add3A_240 : i32
            %get3A_242 = arith.index_cast %add3A_241 : i32 to index
            %get3A_243 = tpu.vector_load %arg13[%get3A_242] {strides = array<i32>} : memref<20480xf32, #tpu.memory_space<vmem>>, vector<16xf32>,
            %mul3A_244 = vector.broadcast %squeeze3A_187 : f32 to vector<16xf32>
            %mul3A_245 = arith.mulf %mul3A_244, %gather3A_237 : vector<16xf32>
            %max3A_246 = arith.maximumf %get3A_243, %mul3A_245 : vector<16xf32>
            %swap3A_247 = arith.index_cast %add3A_241 : i32 to index
            %swap3A_248 = tpu.vector_load %arg13[%swap3A_247] {strides = array<i32>} : memref<20480xf32, #tpu.memory_space<vmem>>, vector<16xf32>,
            tpu.vector_store %arg13[%swap3A_247], %max3A_246 {strides = array<i32>} : memref<20480xf32, #tpu.memory_space<vmem>>, vector<16xf32>,
            %add3A_249 = arith.constant 64 : i32
            %add3A_250 = vector.broadcast %add3A_249 : i32 to vector<16xi32>
            %add3A_251 = arith.addi %add3A_250, %iota3A : vector<16xi32>
            %broadcast_in_dim3A_252 = arith.constant 8 : i32
            %broadcast_in_dim3A_253 = vector.broadcast %broadcast_in_dim3A_252 : i32 to vector<16xi32>
            %gather3A_254 = tpu.vector_load_idx %arg15[%broadcast_in_dim3A_253, %add3A_251] : memref<16x144xf32, #tpu.memory_space<vmem>>[vector<16xi32>, vector<16xi32>], vector<16xf32>,
            %mul3A_255 = arith.constant 64 : i32
            %mul3A_256 = arith.muli %sub3A, %mul3A_255 : i32
            %add3A_257 = arith.constant 48 : i32
            %add3A_258 = arith.addi %mul3A_256, %add3A_257 : i32
            %get3A_259 = arith.index_cast %add3A_258 : i32 to index
            %get3A_260 = tpu.vector_load %arg13[%get3A_259] {strides = array<i32>} : memref<20480xf32, #tpu.memory_space<vmem>>, vector<16xf32>,
            %mul3A_261 = vector.broadcast %squeeze3A_187 : f32 to vector<16xf32>
            %mul3A_262 = arith.mulf %mul3A_261, %gather3A_254 : vector<16xf32>
            %max3A_263 = arith.maximumf %get3A_260, %mul3A_262 : vector<16xf32>
            %swap3A_264 = arith.index_cast %add3A_258 : i32 to index
            %swap3A_265 = tpu.vector_load %arg13[%swap3A_264] {strides = array<i32>} : memref<20480xf32, #tpu.memory_space<vmem>>, vector<16xf32>,
            tpu.vector_store %arg13[%swap3A_264], %max3A_263 {strides = array<i32>} : memref<20480xf32, #tpu.memory_space<vmem>>, vector<16xf32>,
            %add3A_266 = arith.constant 80 : i32
            %add3A_267 = vector.broadcast %add3A_266 : i32 to vector<16xi32>
            %add3A_268 = arith.addi %add3A_267, %iota3A : vector<16xi32>
            %broadcast_in_dim3A_269 = arith.constant 8 : i32
            %broadcast_in_dim3A_270 = vector.broadcast %broadcast_in_dim3A_269 : i32 to vector<16xi32>
            %gather3A_271 = tpu.vector_load_idx %arg15[%broadcast_in_dim3A_270, %add3A_268] : memref<16x144xf32, #tpu.memory_space<vmem>>[vector<16xi32>, vector<16xi32>], vector<16xf32>,
            %mul3A_272 = arith.constant 64 : i32
            %mul3A_273 = arith.muli %sub3A, %mul3A_272 : i32
            %add3A_274 = arith.constant 0 : i32
            %add3A_275 = arith.addi %mul3A_273, %add3A_274 : i32
            %get3A_276 = arith.index_cast %add3A_275 : i32 to index
            %get3A_277 = tpu.vector_load %arg14[%get3A_276] {strides = array<i32>} : memref<20480xf32, #tpu.memory_space<vmem>>, vector<16xf32>,
            %max3A_278 = arith.maximumf %get3A_277, %gather3A_271 : vector<16xf32>
            %swap3A_279 = arith.index_cast %add3A_275 : i32 to index
            %swap3A_280 = tpu.vector_load %arg14[%swap3A_279] {strides = array<i32>} : memref<20480xf32, #tpu.memory_space<vmem>>, vector<16xf32>,
            tpu.vector_store %arg14[%swap3A_279], %max3A_278 {strides = array<i32>} : memref<20480xf32, #tpu.memory_space<vmem>>, vector<16xf32>,
            %add3A_281 = arith.constant 96 : i32
            %add3A_282 = vector.broadcast %add3A_281 : i32 to vector<16xi32>
            %add3A_283 = arith.addi %add3A_282, %iota3A : vector<16xi32>
            %broadcast_in_dim3A_284 = arith.constant 8 : i32
            %broadcast_in_dim3A_285 = vector.broadcast %broadcast_in_dim3A_284 : i32 to vector<16xi32>
            %gather3A_286 = tpu.vector_load_idx %arg15[%broadcast_in_dim3A_285, %add3A_283] : memref<16x144xf32, #tpu.memory_space<vmem>>[vector<16xi32>, vector<16xi32>], vector<16xf32>,
            %mul3A_287 = arith.constant 64 : i32
            %mul3A_288 = arith.muli %sub3A, %mul3A_287 : i32
            %add3A_289 = arith.constant 16 : i32
            %add3A_290 = arith.addi %mul3A_288, %add3A_289 : i32
            %get3A_291 = arith.index_cast %add3A_290 : i32 to index
            %get3A_292 = tpu.vector_load %arg14[%get3A_291] {strides = array<i32>} : memref<20480xf32, #tpu.memory_space<vmem>>, vector<16xf32>,
            %max3A_293 = arith.maximumf %get3A_292, %gather3A_286 : vector<16xf32>
            %swap3A_294 = arith.index_cast %add3A_290 : i32 to index
            %swap3A_295 = tpu.vector_load %arg14[%swap3A_294] {strides = array<i32>} : memref<20480xf32, #tpu.memory_space<vmem>>, vector<16xf32>,
            tpu.vector_store %arg14[%swap3A_294], %max3A_293 {strides = array<i32>} : memref<20480xf32, #tpu.memory_space<vmem>>, vector<16xf32>,
            %add3A_296 = arith.constant 112 : i32
            %add3A_297 = vector.broadcast %add3A_296 : i32 to vector<16xi32>
            %add3A_298 = arith.addi %add3A_297, %iota3A : vector<16xi32>
            %broadcast_in_dim3A_299 = arith.constant 8 : i32
            %broadcast_in_dim3A_300 = vector.broadcast %broadcast_in_dim3A_299 : i32 to vector<16xi32>
            %gather3A_301 = tpu.vector_load_idx %arg15[%broadcast_in_dim3A_300, %add3A_298] : memref<16x144xf32, #tpu.memory_space<vmem>>[vector<16xi32>, vector<16xi32>], vector<16xf32>,
            %mul3A_302 = arith.constant 64 : i32
            %mul3A_303 = arith.muli %sub3A, %mul3A_302 : i32
            %add3A_304 = arith.constant 32 : i32
            %add3A_305 = arith.addi %mul3A_303, %add3A_304 : i32
            %get3A_306 = arith.index_cast %add3A_305 : i32 to index
            %get3A_307 = tpu.vector_load %arg14[%get3A_306] {strides = array<i32>} : memref<20480xf32, #tpu.memory_space<vmem>>, vector<16xf32>,
            %max3A_308 = arith.maximumf %get3A_307, %gather3A_301 : vector<16xf32>
            %swap3A_309 = arith.index_cast %add3A_305 : i32 to index
            %swap3A_310 = tpu.vector_load %arg14[%swap3A_309] {strides = array<i32>} : memref<20480xf32, #tpu.memory_space<vmem>>, vector<16xf32>,
            tpu.vector_store %arg14[%swap3A_309], %max3A_308 {strides = array<i32>} : memref<20480xf32, #tpu.memory_space<vmem>>, vector<16xf32>,
            %add3A_311 = arith.constant 128 : i32
            %add3A_312 = vector.broadcast %add3A_311 : i32 to vector<16xi32>
            %add3A_313 = arith.addi %add3A_312, %iota3A : vector<16xi32>
            %broadcast_in_dim3A_314 = arith.constant 8 : i32
            %broadcast_in_dim3A_315 = vector.broadcast %broadcast_in_dim3A_314 : i32 to vector<16xi32>
            %gather3A_316 = tpu.vector_load_idx %arg15[%broadcast_in_dim3A_315, %add3A_313] : memref<16x144xf32, #tpu.memory_space<vmem>>[vector<16xi32>, vector<16xi32>], vector<16xf32>,
            %mul3A_317 = arith.constant 64 : i32
            %mul3A_318 = arith.muli %sub3A, %mul3A_317 : i32
            %add3A_319 = arith.constant 48 : i32
            %add3A_320 = arith.addi %mul3A_318, %add3A_319 : i32
            %get3A_321 = arith.index_cast %add3A_320 : i32 to index
            %get3A_322 = tpu.vector_load %arg14[%get3A_321] {strides = array<i32>} : memref<20480xf32, #tpu.memory_space<vmem>>, vector<16xf32>,
            %max3A_323 = arith.maximumf %get3A_322, %gather3A_316 : vector<16xf32>
            %swap3A_324 = arith.index_cast %add3A_320 : i32 to index
            %swap3A_325 = tpu.vector_load %arg14[%swap3A_324] {strides = array<i32>} : memref<20480xf32, #tpu.memory_space<vmem>>, vector<16xf32>,
            tpu.vector_store %arg14[%swap3A_324], %max3A_323 {strides = array<i32>} : memref<20480xf32, #tpu.memory_space<vmem>>, vector<16xf32>,
          } else {
          }
          %slice3A_135 = vector.extract_strided_slice %convert_element_type3A_56 {offsets = [9], sizes = [1], strides = [1]} : vector<16xi32> to vector<1xi32>
          %squeeze3A_136 = vector.extract %slice3A_135[0] : i32 from vector<1xi32>
          %eq3A_137 = arith.constant 1 : i32
          %eq3A_138 = arith.cmpi eq, %squeeze3A_136, %eq3A_137 : i32
          %convert_element_type3A_139 = arith.extui %eq3A_138 : i1 to i32
          %cond3A_140 = arith.constant 0 : i32
          %cond3A_141 = arith.cmpi ne, %convert_element_type3A_139, %cond3A_140 : i32
          scf.if %cond3A_141 {
            %slice3A_184 = vector.extract_strided_slice %get3A_47 {offsets = [9], sizes = [1], strides = [1]} : vector<16xi32> to vector<1xi32>
            %squeeze3A_185 = vector.extract %slice3A_184[0] : i32 from vector<1xi32>
            %sub3A = arith.subi %squeeze3A_185, %mul3A_2 : i32
            %slice3A_186 = vector.extract_strided_slice %get3A_67 {offsets = [9], sizes = [1], strides = [1]} : vector<16xf32> to vector<1xf32>
            %squeeze3A_187 = vector.extract %slice3A_186[0] : f32 from vector<1xf32>
            %broadcast_in_dim3A_188 = arith.constant 9 : i32
            %broadcast_in_dim3A_189 = vector.broadcast %broadcast_in_dim3A_188 : i32 to vector<16xi32>
            %gather3A = tpu.vector_load_idx %arg15[%broadcast_in_dim3A_189, %iota3A] : memref<16x144xf32, #tpu.memory_space<vmem>>[vector<16xi32>, vector<16xi32>], vector<16xf32>,
            %lt3A_190 = arith.constant 5 : i32
            %lt3A_191 = vector.broadcast %lt3A_190 : i32 to vector<16xi32>
            %lt3A_192 = arith.cmpi slt, %iota3A, %lt3A_191 : vector<16xi32>
            %broadcast_in_dim3A_193 = vector.broadcast %squeeze3A_187 : f32 to vector<16xf32>
            %select_n3A_194 = arith.select %lt3A_192, %broadcast_in_dim3A_193, %select_n3A : vector<16xi1>, vector<16xf32>
            %mul3A_195 = arith.constant 16 : i32
            %mul3A_196 = arith.muli %sub3A, %mul3A_195 : i32
            %mul3A_197 = arith.mulf %gather3A, %select_n3A_194 : vector<16xf32>
            %swap3A = arith.index_cast %mul3A_196 : i32 to index
            %swap3A_198 = tpu.vector_load %arg12[%swap3A] {strides = array<i32>} : memref<5120xf32, #tpu.memory_space<vmem>>, vector<16xf32>,
            tpu.vector_store %arg12[%swap3A], %mul3A_197 {add = true, strides = array<i32>} : memref<5120xf32, #tpu.memory_space<vmem>>, vector<16xf32>,
            %add3A_199 = arith.constant 16 : i32
            %add3A_200 = vector.broadcast %add3A_199 : i32 to vector<16xi32>
            %add3A_201 = arith.addi %add3A_200, %iota3A : vector<16xi32>
            %broadcast_in_dim3A_202 = arith.constant 9 : i32
            %broadcast_in_dim3A_203 = vector.broadcast %broadcast_in_dim3A_202 : i32 to vector<16xi32>
            %gather3A_204 = tpu.vector_load_idx %arg15[%broadcast_in_dim3A_203, %add3A_201] : memref<16x144xf32, #tpu.memory_space<vmem>>[vector<16xi32>, vector<16xi32>], vector<16xf32>,
            %mul3A_205 = arith.constant 64 : i32
            %mul3A_206 = arith.muli %sub3A, %mul3A_205 : i32
            %add3A_207 = arith.constant 0 : i32
            %add3A_208 = arith.addi %mul3A_206, %add3A_207 : i32
            %get3A_209 = arith.index_cast %add3A_208 : i32 to index
            %get3A_210 = tpu.vector_load %arg13[%get3A_209] {strides = array<i32>} : memref<20480xf32, #tpu.memory_space<vmem>>, vector<16xf32>,
            %mul3A_211 = vector.broadcast %squeeze3A_187 : f32 to vector<16xf32>
            %mul3A_212 = arith.mulf %mul3A_211, %gather3A_204 : vector<16xf32>
            %max3A = arith.maximumf %get3A_210, %mul3A_212 : vector<16xf32>
            %swap3A_213 = arith.index_cast %add3A_208 : i32 to index
            %swap3A_214 = tpu.vector_load %arg13[%swap3A_213] {strides = array<i32>} : memref<20480xf32, #tpu.memory_space<vmem>>, vector<16xf32>,
            tpu.vector_store %arg13[%swap3A_213], %max3A {strides = array<i32>} : memref<20480xf32, #tpu.memory_space<vmem>>, vector<16xf32>,
            %add3A_215 = arith.constant 32 : i32
            %add3A_216 = vector.broadcast %add3A_215 : i32 to vector<16xi32>
            %add3A_217 = arith.addi %add3A_216, %iota3A : vector<16xi32>
            %broadcast_in_dim3A_218 = arith.constant 9 : i32
            %broadcast_in_dim3A_219 = vector.broadcast %broadcast_in_dim3A_218 : i32 to vector<16xi32>
            %gather3A_220 = tpu.vector_load_idx %arg15[%broadcast_in_dim3A_219, %add3A_217] : memref<16x144xf32, #tpu.memory_space<vmem>>[vector<16xi32>, vector<16xi32>], vector<16xf32>,
            %mul3A_221 = arith.constant 64 : i32
            %mul3A_222 = arith.muli %sub3A, %mul3A_221 : i32
            %add3A_223 = arith.constant 16 : i32
            %add3A_224 = arith.addi %mul3A_222, %add3A_223 : i32
            %get3A_225 = arith.index_cast %add3A_224 : i32 to index
            %get3A_226 = tpu.vector_load %arg13[%get3A_225] {strides = array<i32>} : memref<20480xf32, #tpu.memory_space<vmem>>, vector<16xf32>,
            %mul3A_227 = vector.broadcast %squeeze3A_187 : f32 to vector<16xf32>
            %mul3A_228 = arith.mulf %mul3A_227, %gather3A_220 : vector<16xf32>
            %max3A_229 = arith.maximumf %get3A_226, %mul3A_228 : vector<16xf32>
            %swap3A_230 = arith.index_cast %add3A_224 : i32 to index
            %swap3A_231 = tpu.vector_load %arg13[%swap3A_230] {strides = array<i32>} : memref<20480xf32, #tpu.memory_space<vmem>>, vector<16xf32>,
            tpu.vector_store %arg13[%swap3A_230], %max3A_229 {strides = array<i32>} : memref<20480xf32, #tpu.memory_space<vmem>>, vector<16xf32>,
            %add3A_232 = arith.constant 48 : i32
            %add3A_233 = vector.broadcast %add3A_232 : i32 to vector<16xi32>
            %add3A_234 = arith.addi %add3A_233, %iota3A : vector<16xi32>
            %broadcast_in_dim3A_235 = arith.constant 9 : i32
            %broadcast_in_dim3A_236 = vector.broadcast %broadcast_in_dim3A_235 : i32 to vector<16xi32>
            %gather3A_237 = tpu.vector_load_idx %arg15[%broadcast_in_dim3A_236, %add3A_234] : memref<16x144xf32, #tpu.memory_space<vmem>>[vector<16xi32>, vector<16xi32>], vector<16xf32>,
            %mul3A_238 = arith.constant 64 : i32
            %mul3A_239 = arith.muli %sub3A, %mul3A_238 : i32
            %add3A_240 = arith.constant 32 : i32
            %add3A_241 = arith.addi %mul3A_239, %add3A_240 : i32
            %get3A_242 = arith.index_cast %add3A_241 : i32 to index
            %get3A_243 = tpu.vector_load %arg13[%get3A_242] {strides = array<i32>} : memref<20480xf32, #tpu.memory_space<vmem>>, vector<16xf32>,
            %mul3A_244 = vector.broadcast %squeeze3A_187 : f32 to vector<16xf32>
            %mul3A_245 = arith.mulf %mul3A_244, %gather3A_237 : vector<16xf32>
            %max3A_246 = arith.maximumf %get3A_243, %mul3A_245 : vector<16xf32>
            %swap3A_247 = arith.index_cast %add3A_241 : i32 to index
            %swap3A_248 = tpu.vector_load %arg13[%swap3A_247] {strides = array<i32>} : memref<20480xf32, #tpu.memory_space<vmem>>, vector<16xf32>,
            tpu.vector_store %arg13[%swap3A_247], %max3A_246 {strides = array<i32>} : memref<20480xf32, #tpu.memory_space<vmem>>, vector<16xf32>,
            %add3A_249 = arith.constant 64 : i32
            %add3A_250 = vector.broadcast %add3A_249 : i32 to vector<16xi32>
            %add3A_251 = arith.addi %add3A_250, %iota3A : vector<16xi32>
            %broadcast_in_dim3A_252 = arith.constant 9 : i32
            %broadcast_in_dim3A_253 = vector.broadcast %broadcast_in_dim3A_252 : i32 to vector<16xi32>
            %gather3A_254 = tpu.vector_load_idx %arg15[%broadcast_in_dim3A_253, %add3A_251] : memref<16x144xf32, #tpu.memory_space<vmem>>[vector<16xi32>, vector<16xi32>], vector<16xf32>,
            %mul3A_255 = arith.constant 64 : i32
            %mul3A_256 = arith.muli %sub3A, %mul3A_255 : i32
            %add3A_257 = arith.constant 48 : i32
            %add3A_258 = arith.addi %mul3A_256, %add3A_257 : i32
            %get3A_259 = arith.index_cast %add3A_258 : i32 to index
            %get3A_260 = tpu.vector_load %arg13[%get3A_259] {strides = array<i32>} : memref<20480xf32, #tpu.memory_space<vmem>>, vector<16xf32>,
            %mul3A_261 = vector.broadcast %squeeze3A_187 : f32 to vector<16xf32>
            %mul3A_262 = arith.mulf %mul3A_261, %gather3A_254 : vector<16xf32>
            %max3A_263 = arith.maximumf %get3A_260, %mul3A_262 : vector<16xf32>
            %swap3A_264 = arith.index_cast %add3A_258 : i32 to index
            %swap3A_265 = tpu.vector_load %arg13[%swap3A_264] {strides = array<i32>} : memref<20480xf32, #tpu.memory_space<vmem>>, vector<16xf32>,
            tpu.vector_store %arg13[%swap3A_264], %max3A_263 {strides = array<i32>} : memref<20480xf32, #tpu.memory_space<vmem>>, vector<16xf32>,
            %add3A_266 = arith.constant 80 : i32
            %add3A_267 = vector.broadcast %add3A_266 : i32 to vector<16xi32>
            %add3A_268 = arith.addi %add3A_267, %iota3A : vector<16xi32>
            %broadcast_in_dim3A_269 = arith.constant 9 : i32
            %broadcast_in_dim3A_270 = vector.broadcast %broadcast_in_dim3A_269 : i32 to vector<16xi32>
            %gather3A_271 = tpu.vector_load_idx %arg15[%broadcast_in_dim3A_270, %add3A_268] : memref<16x144xf32, #tpu.memory_space<vmem>>[vector<16xi32>, vector<16xi32>], vector<16xf32>,
            %mul3A_272 = arith.constant 64 : i32
            %mul3A_273 = arith.muli %sub3A, %mul3A_272 : i32
            %add3A_274 = arith.constant 0 : i32
            %add3A_275 = arith.addi %mul3A_273, %add3A_274 : i32
            %get3A_276 = arith.index_cast %add3A_275 : i32 to index
            %get3A_277 = tpu.vector_load %arg14[%get3A_276] {strides = array<i32>} : memref<20480xf32, #tpu.memory_space<vmem>>, vector<16xf32>,
            %max3A_278 = arith.maximumf %get3A_277, %gather3A_271 : vector<16xf32>
            %swap3A_279 = arith.index_cast %add3A_275 : i32 to index
            %swap3A_280 = tpu.vector_load %arg14[%swap3A_279] {strides = array<i32>} : memref<20480xf32, #tpu.memory_space<vmem>>, vector<16xf32>,
            tpu.vector_store %arg14[%swap3A_279], %max3A_278 {strides = array<i32>} : memref<20480xf32, #tpu.memory_space<vmem>>, vector<16xf32>,
            %add3A_281 = arith.constant 96 : i32
            %add3A_282 = vector.broadcast %add3A_281 : i32 to vector<16xi32>
            %add3A_283 = arith.addi %add3A_282, %iota3A : vector<16xi32>
            %broadcast_in_dim3A_284 = arith.constant 9 : i32
            %broadcast_in_dim3A_285 = vector.broadcast %broadcast_in_dim3A_284 : i32 to vector<16xi32>
            %gather3A_286 = tpu.vector_load_idx %arg15[%broadcast_in_dim3A_285, %add3A_283] : memref<16x144xf32, #tpu.memory_space<vmem>>[vector<16xi32>, vector<16xi32>], vector<16xf32>,
            %mul3A_287 = arith.constant 64 : i32
            %mul3A_288 = arith.muli %sub3A, %mul3A_287 : i32
            %add3A_289 = arith.constant 16 : i32
            %add3A_290 = arith.addi %mul3A_288, %add3A_289 : i32
            %get3A_291 = arith.index_cast %add3A_290 : i32 to index
            %get3A_292 = tpu.vector_load %arg14[%get3A_291] {strides = array<i32>} : memref<20480xf32, #tpu.memory_space<vmem>>, vector<16xf32>,
            %max3A_293 = arith.maximumf %get3A_292, %gather3A_286 : vector<16xf32>
            %swap3A_294 = arith.index_cast %add3A_290 : i32 to index
            %swap3A_295 = tpu.vector_load %arg14[%swap3A_294] {strides = array<i32>} : memref<20480xf32, #tpu.memory_space<vmem>>, vector<16xf32>,
            tpu.vector_store %arg14[%swap3A_294], %max3A_293 {strides = array<i32>} : memref<20480xf32, #tpu.memory_space<vmem>>, vector<16xf32>,
            %add3A_296 = arith.constant 112 : i32
            %add3A_297 = vector.broadcast %add3A_296 : i32 to vector<16xi32>
            %add3A_298 = arith.addi %add3A_297, %iota3A : vector<16xi32>
            %broadcast_in_dim3A_299 = arith.constant 9 : i32
            %broadcast_in_dim3A_300 = vector.broadcast %broadcast_in_dim3A_299 : i32 to vector<16xi32>
            %gather3A_301 = tpu.vector_load_idx %arg15[%broadcast_in_dim3A_300, %add3A_298] : memref<16x144xf32, #tpu.memory_space<vmem>>[vector<16xi32>, vector<16xi32>], vector<16xf32>,
            %mul3A_302 = arith.constant 64 : i32
            %mul3A_303 = arith.muli %sub3A, %mul3A_302 : i32
            %add3A_304 = arith.constant 32 : i32
            %add3A_305 = arith.addi %mul3A_303, %add3A_304 : i32
            %get3A_306 = arith.index_cast %add3A_305 : i32 to index
            %get3A_307 = tpu.vector_load %arg14[%get3A_306] {strides = array<i32>} : memref<20480xf32, #tpu.memory_space<vmem>>, vector<16xf32>,
            %max3A_308 = arith.maximumf %get3A_307, %gather3A_301 : vector<16xf32>
            %swap3A_309 = arith.index_cast %add3A_305 : i32 to index
            %swap3A_310 = tpu.vector_load %arg14[%swap3A_309] {strides = array<i32>} : memref<20480xf32, #tpu.memory_space<vmem>>, vector<16xf32>,
            tpu.vector_store %arg14[%swap3A_309], %max3A_308 {strides = array<i32>} : memref<20480xf32, #tpu.memory_space<vmem>>, vector<16xf32>,
            %add3A_311 = arith.constant 128 : i32
            %add3A_312 = vector.broadcast %add3A_311 : i32 to vector<16xi32>
            %add3A_313 = arith.addi %add3A_312, %iota3A : vector<16xi32>
            %broadcast_in_dim3A_314 = arith.constant 9 : i32
            %broadcast_in_dim3A_315 = vector.broadcast %broadcast_in_dim3A_314 : i32 to vector<16xi32>
            %gather3A_316 = tpu.vector_load_idx %arg15[%broadcast_in_dim3A_315, %add3A_313] : memref<16x144xf32, #tpu.memory_space<vmem>>[vector<16xi32>, vector<16xi32>], vector<16xf32>,
            %mul3A_317 = arith.constant 64 : i32
            %mul3A_318 = arith.muli %sub3A, %mul3A_317 : i32
            %add3A_319 = arith.constant 48 : i32
            %add3A_320 = arith.addi %mul3A_318, %add3A_319 : i32
            %get3A_321 = arith.index_cast %add3A_320 : i32 to index
            %get3A_322 = tpu.vector_load %arg14[%get3A_321] {strides = array<i32>} : memref<20480xf32, #tpu.memory_space<vmem>>, vector<16xf32>,
            %max3A_323 = arith.maximumf %get3A_322, %gather3A_316 : vector<16xf32>
            %swap3A_324 = arith.index_cast %add3A_320 : i32 to index
            %swap3A_325 = tpu.vector_load %arg14[%swap3A_324] {strides = array<i32>} : memref<20480xf32, #tpu.memory_space<vmem>>, vector<16xf32>,
            tpu.vector_store %arg14[%swap3A_324], %max3A_323 {strides = array<i32>} : memref<20480xf32, #tpu.memory_space<vmem>>, vector<16xf32>,
          } else {
          }
          %slice3A_142 = vector.extract_strided_slice %convert_element_type3A_56 {offsets = [10], sizes = [1], strides = [1]} : vector<16xi32> to vector<1xi32>
          %squeeze3A_143 = vector.extract %slice3A_142[0] : i32 from vector<1xi32>
          %eq3A_144 = arith.constant 1 : i32
          %eq3A_145 = arith.cmpi eq, %squeeze3A_143, %eq3A_144 : i32
          %convert_element_type3A_146 = arith.extui %eq3A_145 : i1 to i32
          %cond3A_147 = arith.constant 0 : i32
          %cond3A_148 = arith.cmpi ne, %convert_element_type3A_146, %cond3A_147 : i32
          scf.if %cond3A_148 {
            %slice3A_184 = vector.extract_strided_slice %get3A_47 {offsets = [10], sizes = [1], strides = [1]} : vector<16xi32> to vector<1xi32>
            %squeeze3A_185 = vector.extract %slice3A_184[0] : i32 from vector<1xi32>
            %sub3A = arith.subi %squeeze3A_185, %mul3A_2 : i32
            %slice3A_186 = vector.extract_strided_slice %get3A_67 {offsets = [10], sizes = [1], strides = [1]} : vector<16xf32> to vector<1xf32>
            %squeeze3A_187 = vector.extract %slice3A_186[0] : f32 from vector<1xf32>
            %broadcast_in_dim3A_188 = arith.constant 10 : i32
            %broadcast_in_dim3A_189 = vector.broadcast %broadcast_in_dim3A_188 : i32 to vector<16xi32>
            %gather3A = tpu.vector_load_idx %arg15[%broadcast_in_dim3A_189, %iota3A] : memref<16x144xf32, #tpu.memory_space<vmem>>[vector<16xi32>, vector<16xi32>], vector<16xf32>,
            %lt3A_190 = arith.constant 5 : i32
            %lt3A_191 = vector.broadcast %lt3A_190 : i32 to vector<16xi32>
            %lt3A_192 = arith.cmpi slt, %iota3A, %lt3A_191 : vector<16xi32>
            %broadcast_in_dim3A_193 = vector.broadcast %squeeze3A_187 : f32 to vector<16xf32>
            %select_n3A_194 = arith.select %lt3A_192, %broadcast_in_dim3A_193, %select_n3A : vector<16xi1>, vector<16xf32>
            %mul3A_195 = arith.constant 16 : i32
            %mul3A_196 = arith.muli %sub3A, %mul3A_195 : i32
            %mul3A_197 = arith.mulf %gather3A, %select_n3A_194 : vector<16xf32>
            %swap3A = arith.index_cast %mul3A_196 : i32 to index
            %swap3A_198 = tpu.vector_load %arg12[%swap3A] {strides = array<i32>} : memref<5120xf32, #tpu.memory_space<vmem>>, vector<16xf32>,
            tpu.vector_store %arg12[%swap3A], %mul3A_197 {add = true, strides = array<i32>} : memref<5120xf32, #tpu.memory_space<vmem>>, vector<16xf32>,
            %add3A_199 = arith.constant 16 : i32
            %add3A_200 = vector.broadcast %add3A_199 : i32 to vector<16xi32>
            %add3A_201 = arith.addi %add3A_200, %iota3A : vector<16xi32>
            %broadcast_in_dim3A_202 = arith.constant 10 : i32
            %broadcast_in_dim3A_203 = vector.broadcast %broadcast_in_dim3A_202 : i32 to vector<16xi32>
            %gather3A_204 = tpu.vector_load_idx %arg15[%broadcast_in_dim3A_203, %add3A_201] : memref<16x144xf32, #tpu.memory_space<vmem>>[vector<16xi32>, vector<16xi32>], vector<16xf32>,
            %mul3A_205 = arith.constant 64 : i32
            %mul3A_206 = arith.muli %sub3A, %mul3A_205 : i32
            %add3A_207 = arith.constant 0 : i32
            %add3A_208 = arith.addi %mul3A_206, %add3A_207 : i32
            %get3A_209 = arith.index_cast %add3A_208 : i32 to index
            %get3A_210 = tpu.vector_load %arg13[%get3A_209] {strides = array<i32>} : memref<20480xf32, #tpu.memory_space<vmem>>, vector<16xf32>,
            %mul3A_211 = vector.broadcast %squeeze3A_187 : f32 to vector<16xf32>
            %mul3A_212 = arith.mulf %mul3A_211, %gather3A_204 : vector<16xf32>
            %max3A = arith.maximumf %get3A_210, %mul3A_212 : vector<16xf32>
            %swap3A_213 = arith.index_cast %add3A_208 : i32 to index
            %swap3A_214 = tpu.vector_load %arg13[%swap3A_213] {strides = array<i32>} : memref<20480xf32, #tpu.memory_space<vmem>>, vector<16xf32>,
            tpu.vector_store %arg13[%swap3A_213], %max3A {strides = array<i32>} : memref<20480xf32, #tpu.memory_space<vmem>>, vector<16xf32>,
            %add3A_215 = arith.constant 32 : i32
            %add3A_216 = vector.broadcast %add3A_215 : i32 to vector<16xi32>
            %add3A_217 = arith.addi %add3A_216, %iota3A : vector<16xi32>
            %broadcast_in_dim3A_218 = arith.constant 10 : i32
            %broadcast_in_dim3A_219 = vector.broadcast %broadcast_in_dim3A_218 : i32 to vector<16xi32>
            %gather3A_220 = tpu.vector_load_idx %arg15[%broadcast_in_dim3A_219, %add3A_217] : memref<16x144xf32, #tpu.memory_space<vmem>>[vector<16xi32>, vector<16xi32>], vector<16xf32>,
            %mul3A_221 = arith.constant 64 : i32
            %mul3A_222 = arith.muli %sub3A, %mul3A_221 : i32
            %add3A_223 = arith.constant 16 : i32
            %add3A_224 = arith.addi %mul3A_222, %add3A_223 : i32
            %get3A_225 = arith.index_cast %add3A_224 : i32 to index
            %get3A_226 = tpu.vector_load %arg13[%get3A_225] {strides = array<i32>} : memref<20480xf32, #tpu.memory_space<vmem>>, vector<16xf32>,
            %mul3A_227 = vector.broadcast %squeeze3A_187 : f32 to vector<16xf32>
            %mul3A_228 = arith.mulf %mul3A_227, %gather3A_220 : vector<16xf32>
            %max3A_229 = arith.maximumf %get3A_226, %mul3A_228 : vector<16xf32>
            %swap3A_230 = arith.index_cast %add3A_224 : i32 to index
            %swap3A_231 = tpu.vector_load %arg13[%swap3A_230] {strides = array<i32>} : memref<20480xf32, #tpu.memory_space<vmem>>, vector<16xf32>,
            tpu.vector_store %arg13[%swap3A_230], %max3A_229 {strides = array<i32>} : memref<20480xf32, #tpu.memory_space<vmem>>, vector<16xf32>,
            %add3A_232 = arith.constant 48 : i32
            %add3A_233 = vector.broadcast %add3A_232 : i32 to vector<16xi32>
            %add3A_234 = arith.addi %add3A_233, %iota3A : vector<16xi32>
            %broadcast_in_dim3A_235 = arith.constant 10 : i32
            %broadcast_in_dim3A_236 = vector.broadcast %broadcast_in_dim3A_235 : i32 to vector<16xi32>
            %gather3A_237 = tpu.vector_load_idx %arg15[%broadcast_in_dim3A_236, %add3A_234] : memref<16x144xf32, #tpu.memory_space<vmem>>[vector<16xi32>, vector<16xi32>], vector<16xf32>,
            %mul3A_238 = arith.constant 64 : i32
            %mul3A_239 = arith.muli %sub3A, %mul3A_238 : i32
            %add3A_240 = arith.constant 32 : i32
            %add3A_241 = arith.addi %mul3A_239, %add3A_240 : i32
            %get3A_242 = arith.index_cast %add3A_241 : i32 to index
            %get3A_243 = tpu.vector_load %arg13[%get3A_242] {strides = array<i32>} : memref<20480xf32, #tpu.memory_space<vmem>>, vector<16xf32>,
            %mul3A_244 = vector.broadcast %squeeze3A_187 : f32 to vector<16xf32>
            %mul3A_245 = arith.mulf %mul3A_244, %gather3A_237 : vector<16xf32>
            %max3A_246 = arith.maximumf %get3A_243, %mul3A_245 : vector<16xf32>
            %swap3A_247 = arith.index_cast %add3A_241 : i32 to index
            %swap3A_248 = tpu.vector_load %arg13[%swap3A_247] {strides = array<i32>} : memref<20480xf32, #tpu.memory_space<vmem>>, vector<16xf32>,
            tpu.vector_store %arg13[%swap3A_247], %max3A_246 {strides = array<i32>} : memref<20480xf32, #tpu.memory_space<vmem>>, vector<16xf32>,
            %add3A_249 = arith.constant 64 : i32
            %add3A_250 = vector.broadcast %add3A_249 : i32 to vector<16xi32>
            %add3A_251 = arith.addi %add3A_250, %iota3A : vector<16xi32>
            %broadcast_in_dim3A_252 = arith.constant 10 : i32
            %broadcast_in_dim3A_253 = vector.broadcast %broadcast_in_dim3A_252 : i32 to vector<16xi32>
            %gather3A_254 = tpu.vector_load_idx %arg15[%broadcast_in_dim3A_253, %add3A_251] : memref<16x144xf32, #tpu.memory_space<vmem>>[vector<16xi32>, vector<16xi32>], vector<16xf32>,
            %mul3A_255 = arith.constant 64 : i32
            %mul3A_256 = arith.muli %sub3A, %mul3A_255 : i32
            %add3A_257 = arith.constant 48 : i32
            %add3A_258 = arith.addi %mul3A_256, %add3A_257 : i32
            %get3A_259 = arith.index_cast %add3A_258 : i32 to index
            %get3A_260 = tpu.vector_load %arg13[%get3A_259] {strides = array<i32>} : memref<20480xf32, #tpu.memory_space<vmem>>, vector<16xf32>,
            %mul3A_261 = vector.broadcast %squeeze3A_187 : f32 to vector<16xf32>
            %mul3A_262 = arith.mulf %mul3A_261, %gather3A_254 : vector<16xf32>
            %max3A_263 = arith.maximumf %get3A_260, %mul3A_262 : vector<16xf32>
            %swap3A_264 = arith.index_cast %add3A_258 : i32 to index
            %swap3A_265 = tpu.vector_load %arg13[%swap3A_264] {strides = array<i32>} : memref<20480xf32, #tpu.memory_space<vmem>>, vector<16xf32>,
            tpu.vector_store %arg13[%swap3A_264], %max3A_263 {strides = array<i32>} : memref<20480xf32, #tpu.memory_space<vmem>>, vector<16xf32>,
            %add3A_266 = arith.constant 80 : i32
            %add3A_267 = vector.broadcast %add3A_266 : i32 to vector<16xi32>
            %add3A_268 = arith.addi %add3A_267, %iota3A : vector<16xi32>
            %broadcast_in_dim3A_269 = arith.constant 10 : i32
            %broadcast_in_dim3A_270 = vector.broadcast %broadcast_in_dim3A_269 : i32 to vector<16xi32>
            %gather3A_271 = tpu.vector_load_idx %arg15[%broadcast_in_dim3A_270, %add3A_268] : memref<16x144xf32, #tpu.memory_space<vmem>>[vector<16xi32>, vector<16xi32>], vector<16xf32>,
            %mul3A_272 = arith.constant 64 : i32
            %mul3A_273 = arith.muli %sub3A, %mul3A_272 : i32
            %add3A_274 = arith.constant 0 : i32
            %add3A_275 = arith.addi %mul3A_273, %add3A_274 : i32
            %get3A_276 = arith.index_cast %add3A_275 : i32 to index
            %get3A_277 = tpu.vector_load %arg14[%get3A_276] {strides = array<i32>} : memref<20480xf32, #tpu.memory_space<vmem>>, vector<16xf32>,
            %max3A_278 = arith.maximumf %get3A_277, %gather3A_271 : vector<16xf32>
            %swap3A_279 = arith.index_cast %add3A_275 : i32 to index
            %swap3A_280 = tpu.vector_load %arg14[%swap3A_279] {strides = array<i32>} : memref<20480xf32, #tpu.memory_space<vmem>>, vector<16xf32>,
            tpu.vector_store %arg14[%swap3A_279], %max3A_278 {strides = array<i32>} : memref<20480xf32, #tpu.memory_space<vmem>>, vector<16xf32>,
            %add3A_281 = arith.constant 96 : i32
            %add3A_282 = vector.broadcast %add3A_281 : i32 to vector<16xi32>
            %add3A_283 = arith.addi %add3A_282, %iota3A : vector<16xi32>
            %broadcast_in_dim3A_284 = arith.constant 10 : i32
            %broadcast_in_dim3A_285 = vector.broadcast %broadcast_in_dim3A_284 : i32 to vector<16xi32>
            %gather3A_286 = tpu.vector_load_idx %arg15[%broadcast_in_dim3A_285, %add3A_283] : memref<16x144xf32, #tpu.memory_space<vmem>>[vector<16xi32>, vector<16xi32>], vector<16xf32>,
            %mul3A_287 = arith.constant 64 : i32
            %mul3A_288 = arith.muli %sub3A, %mul3A_287 : i32
            %add3A_289 = arith.constant 16 : i32
            %add3A_290 = arith.addi %mul3A_288, %add3A_289 : i32
            %get3A_291 = arith.index_cast %add3A_290 : i32 to index
            %get3A_292 = tpu.vector_load %arg14[%get3A_291] {strides = array<i32>} : memref<20480xf32, #tpu.memory_space<vmem>>, vector<16xf32>,
            %max3A_293 = arith.maximumf %get3A_292, %gather3A_286 : vector<16xf32>
            %swap3A_294 = arith.index_cast %add3A_290 : i32 to index
            %swap3A_295 = tpu.vector_load %arg14[%swap3A_294] {strides = array<i32>} : memref<20480xf32, #tpu.memory_space<vmem>>, vector<16xf32>,
            tpu.vector_store %arg14[%swap3A_294], %max3A_293 {strides = array<i32>} : memref<20480xf32, #tpu.memory_space<vmem>>, vector<16xf32>,
            %add3A_296 = arith.constant 112 : i32
            %add3A_297 = vector.broadcast %add3A_296 : i32 to vector<16xi32>
            %add3A_298 = arith.addi %add3A_297, %iota3A : vector<16xi32>
            %broadcast_in_dim3A_299 = arith.constant 10 : i32
            %broadcast_in_dim3A_300 = vector.broadcast %broadcast_in_dim3A_299 : i32 to vector<16xi32>
            %gather3A_301 = tpu.vector_load_idx %arg15[%broadcast_in_dim3A_300, %add3A_298] : memref<16x144xf32, #tpu.memory_space<vmem>>[vector<16xi32>, vector<16xi32>], vector<16xf32>,
            %mul3A_302 = arith.constant 64 : i32
            %mul3A_303 = arith.muli %sub3A, %mul3A_302 : i32
            %add3A_304 = arith.constant 32 : i32
            %add3A_305 = arith.addi %mul3A_303, %add3A_304 : i32
            %get3A_306 = arith.index_cast %add3A_305 : i32 to index
            %get3A_307 = tpu.vector_load %arg14[%get3A_306] {strides = array<i32>} : memref<20480xf32, #tpu.memory_space<vmem>>, vector<16xf32>,
            %max3A_308 = arith.maximumf %get3A_307, %gather3A_301 : vector<16xf32>
            %swap3A_309 = arith.index_cast %add3A_305 : i32 to index
            %swap3A_310 = tpu.vector_load %arg14[%swap3A_309] {strides = array<i32>} : memref<20480xf32, #tpu.memory_space<vmem>>, vector<16xf32>,
            tpu.vector_store %arg14[%swap3A_309], %max3A_308 {strides = array<i32>} : memref<20480xf32, #tpu.memory_space<vmem>>, vector<16xf32>,
            %add3A_311 = arith.constant 128 : i32
            %add3A_312 = vector.broadcast %add3A_311 : i32 to vector<16xi32>
            %add3A_313 = arith.addi %add3A_312, %iota3A : vector<16xi32>
            %broadcast_in_dim3A_314 = arith.constant 10 : i32
            %broadcast_in_dim3A_315 = vector.broadcast %broadcast_in_dim3A_314 : i32 to vector<16xi32>
            %gather3A_316 = tpu.vector_load_idx %arg15[%broadcast_in_dim3A_315, %add3A_313] : memref<16x144xf32, #tpu.memory_space<vmem>>[vector<16xi32>, vector<16xi32>], vector<16xf32>,
            %mul3A_317 = arith.constant 64 : i32
            %mul3A_318 = arith.muli %sub3A, %mul3A_317 : i32
            %add3A_319 = arith.constant 48 : i32
            %add3A_320 = arith.addi %mul3A_318, %add3A_319 : i32
            %get3A_321 = arith.index_cast %add3A_320 : i32 to index
            %get3A_322 = tpu.vector_load %arg14[%get3A_321] {strides = array<i32>} : memref<20480xf32, #tpu.memory_space<vmem>>, vector<16xf32>,
            %max3A_323 = arith.maximumf %get3A_322, %gather3A_316 : vector<16xf32>
            %swap3A_324 = arith.index_cast %add3A_320 : i32 to index
            %swap3A_325 = tpu.vector_load %arg14[%swap3A_324] {strides = array<i32>} : memref<20480xf32, #tpu.memory_space<vmem>>, vector<16xf32>,
            tpu.vector_store %arg14[%swap3A_324], %max3A_323 {strides = array<i32>} : memref<20480xf32, #tpu.memory_space<vmem>>, vector<16xf32>,
          } else {
          }
          %slice3A_149 = vector.extract_strided_slice %convert_element_type3A_56 {offsets = [11], sizes = [1], strides = [1]} : vector<16xi32> to vector<1xi32>
          %squeeze3A_150 = vector.extract %slice3A_149[0] : i32 from vector<1xi32>
          %eq3A_151 = arith.constant 1 : i32
          %eq3A_152 = arith.cmpi eq, %squeeze3A_150, %eq3A_151 : i32
          %convert_element_type3A_153 = arith.extui %eq3A_152 : i1 to i32
          %cond3A_154 = arith.constant 0 : i32
          %cond3A_155 = arith.cmpi ne, %convert_element_type3A_153, %cond3A_154 : i32
          scf.if %cond3A_155 {
            %slice3A_184 = vector.extract_strided_slice %get3A_47 {offsets = [11], sizes = [1], strides = [1]} : vector<16xi32> to vector<1xi32>
            %squeeze3A_185 = vector.extract %slice3A_184[0] : i32 from vector<1xi32>
            %sub3A = arith.subi %squeeze3A_185, %mul3A_2 : i32
            %slice3A_186 = vector.extract_strided_slice %get3A_67 {offsets = [11], sizes = [1], strides = [1]} : vector<16xf32> to vector<1xf32>
            %squeeze3A_187 = vector.extract %slice3A_186[0] : f32 from vector<1xf32>
            %broadcast_in_dim3A_188 = arith.constant 11 : i32
            %broadcast_in_dim3A_189 = vector.broadcast %broadcast_in_dim3A_188 : i32 to vector<16xi32>
            %gather3A = tpu.vector_load_idx %arg15[%broadcast_in_dim3A_189, %iota3A] : memref<16x144xf32, #tpu.memory_space<vmem>>[vector<16xi32>, vector<16xi32>], vector<16xf32>,
            %lt3A_190 = arith.constant 5 : i32
            %lt3A_191 = vector.broadcast %lt3A_190 : i32 to vector<16xi32>
            %lt3A_192 = arith.cmpi slt, %iota3A, %lt3A_191 : vector<16xi32>
            %broadcast_in_dim3A_193 = vector.broadcast %squeeze3A_187 : f32 to vector<16xf32>
            %select_n3A_194 = arith.select %lt3A_192, %broadcast_in_dim3A_193, %select_n3A : vector<16xi1>, vector<16xf32>
            %mul3A_195 = arith.constant 16 : i32
            %mul3A_196 = arith.muli %sub3A, %mul3A_195 : i32
            %mul3A_197 = arith.mulf %gather3A, %select_n3A_194 : vector<16xf32>
            %swap3A = arith.index_cast %mul3A_196 : i32 to index
            %swap3A_198 = tpu.vector_load %arg12[%swap3A] {strides = array<i32>} : memref<5120xf32, #tpu.memory_space<vmem>>, vector<16xf32>,
            tpu.vector_store %arg12[%swap3A], %mul3A_197 {add = true, strides = array<i32>} : memref<5120xf32, #tpu.memory_space<vmem>>, vector<16xf32>,
            %add3A_199 = arith.constant 16 : i32
            %add3A_200 = vector.broadcast %add3A_199 : i32 to vector<16xi32>
            %add3A_201 = arith.addi %add3A_200, %iota3A : vector<16xi32>
            %broadcast_in_dim3A_202 = arith.constant 11 : i32
            %broadcast_in_dim3A_203 = vector.broadcast %broadcast_in_dim3A_202 : i32 to vector<16xi32>
            %gather3A_204 = tpu.vector_load_idx %arg15[%broadcast_in_dim3A_203, %add3A_201] : memref<16x144xf32, #tpu.memory_space<vmem>>[vector<16xi32>, vector<16xi32>], vector<16xf32>,
            %mul3A_205 = arith.constant 64 : i32
            %mul3A_206 = arith.muli %sub3A, %mul3A_205 : i32
            %add3A_207 = arith.constant 0 : i32
            %add3A_208 = arith.addi %mul3A_206, %add3A_207 : i32
            %get3A_209 = arith.index_cast %add3A_208 : i32 to index
            %get3A_210 = tpu.vector_load %arg13[%get3A_209] {strides = array<i32>} : memref<20480xf32, #tpu.memory_space<vmem>>, vector<16xf32>,
            %mul3A_211 = vector.broadcast %squeeze3A_187 : f32 to vector<16xf32>
            %mul3A_212 = arith.mulf %mul3A_211, %gather3A_204 : vector<16xf32>
            %max3A = arith.maximumf %get3A_210, %mul3A_212 : vector<16xf32>
            %swap3A_213 = arith.index_cast %add3A_208 : i32 to index
            %swap3A_214 = tpu.vector_load %arg13[%swap3A_213] {strides = array<i32>} : memref<20480xf32, #tpu.memory_space<vmem>>, vector<16xf32>,
            tpu.vector_store %arg13[%swap3A_213], %max3A {strides = array<i32>} : memref<20480xf32, #tpu.memory_space<vmem>>, vector<16xf32>,
            %add3A_215 = arith.constant 32 : i32
            %add3A_216 = vector.broadcast %add3A_215 : i32 to vector<16xi32>
            %add3A_217 = arith.addi %add3A_216, %iota3A : vector<16xi32>
            %broadcast_in_dim3A_218 = arith.constant 11 : i32
            %broadcast_in_dim3A_219 = vector.broadcast %broadcast_in_dim3A_218 : i32 to vector<16xi32>
            %gather3A_220 = tpu.vector_load_idx %arg15[%broadcast_in_dim3A_219, %add3A_217] : memref<16x144xf32, #tpu.memory_space<vmem>>[vector<16xi32>, vector<16xi32>], vector<16xf32>,
            %mul3A_221 = arith.constant 64 : i32
            %mul3A_222 = arith.muli %sub3A, %mul3A_221 : i32
            %add3A_223 = arith.constant 16 : i32
            %add3A_224 = arith.addi %mul3A_222, %add3A_223 : i32
            %get3A_225 = arith.index_cast %add3A_224 : i32 to index
            %get3A_226 = tpu.vector_load %arg13[%get3A_225] {strides = array<i32>} : memref<20480xf32, #tpu.memory_space<vmem>>, vector<16xf32>,
            %mul3A_227 = vector.broadcast %squeeze3A_187 : f32 to vector<16xf32>
            %mul3A_228 = arith.mulf %mul3A_227, %gather3A_220 : vector<16xf32>
            %max3A_229 = arith.maximumf %get3A_226, %mul3A_228 : vector<16xf32>
            %swap3A_230 = arith.index_cast %add3A_224 : i32 to index
            %swap3A_231 = tpu.vector_load %arg13[%swap3A_230] {strides = array<i32>} : memref<20480xf32, #tpu.memory_space<vmem>>, vector<16xf32>,
            tpu.vector_store %arg13[%swap3A_230], %max3A_229 {strides = array<i32>} : memref<20480xf32, #tpu.memory_space<vmem>>, vector<16xf32>,
            %add3A_232 = arith.constant 48 : i32
            %add3A_233 = vector.broadcast %add3A_232 : i32 to vector<16xi32>
            %add3A_234 = arith.addi %add3A_233, %iota3A : vector<16xi32>
            %broadcast_in_dim3A_235 = arith.constant 11 : i32
            %broadcast_in_dim3A_236 = vector.broadcast %broadcast_in_dim3A_235 : i32 to vector<16xi32>
            %gather3A_237 = tpu.vector_load_idx %arg15[%broadcast_in_dim3A_236, %add3A_234] : memref<16x144xf32, #tpu.memory_space<vmem>>[vector<16xi32>, vector<16xi32>], vector<16xf32>,
            %mul3A_238 = arith.constant 64 : i32
            %mul3A_239 = arith.muli %sub3A, %mul3A_238 : i32
            %add3A_240 = arith.constant 32 : i32
            %add3A_241 = arith.addi %mul3A_239, %add3A_240 : i32
            %get3A_242 = arith.index_cast %add3A_241 : i32 to index
            %get3A_243 = tpu.vector_load %arg13[%get3A_242] {strides = array<i32>} : memref<20480xf32, #tpu.memory_space<vmem>>, vector<16xf32>,
            %mul3A_244 = vector.broadcast %squeeze3A_187 : f32 to vector<16xf32>
            %mul3A_245 = arith.mulf %mul3A_244, %gather3A_237 : vector<16xf32>
            %max3A_246 = arith.maximumf %get3A_243, %mul3A_245 : vector<16xf32>
            %swap3A_247 = arith.index_cast %add3A_241 : i32 to index
            %swap3A_248 = tpu.vector_load %arg13[%swap3A_247] {strides = array<i32>} : memref<20480xf32, #tpu.memory_space<vmem>>, vector<16xf32>,
            tpu.vector_store %arg13[%swap3A_247], %max3A_246 {strides = array<i32>} : memref<20480xf32, #tpu.memory_space<vmem>>, vector<16xf32>,
            %add3A_249 = arith.constant 64 : i32
            %add3A_250 = vector.broadcast %add3A_249 : i32 to vector<16xi32>
            %add3A_251 = arith.addi %add3A_250, %iota3A : vector<16xi32>
            %broadcast_in_dim3A_252 = arith.constant 11 : i32
            %broadcast_in_dim3A_253 = vector.broadcast %broadcast_in_dim3A_252 : i32 to vector<16xi32>
            %gather3A_254 = tpu.vector_load_idx %arg15[%broadcast_in_dim3A_253, %add3A_251] : memref<16x144xf32, #tpu.memory_space<vmem>>[vector<16xi32>, vector<16xi32>], vector<16xf32>,
            %mul3A_255 = arith.constant 64 : i32
            %mul3A_256 = arith.muli %sub3A, %mul3A_255 : i32
            %add3A_257 = arith.constant 48 : i32
            %add3A_258 = arith.addi %mul3A_256, %add3A_257 : i32
            %get3A_259 = arith.index_cast %add3A_258 : i32 to index
            %get3A_260 = tpu.vector_load %arg13[%get3A_259] {strides = array<i32>} : memref<20480xf32, #tpu.memory_space<vmem>>, vector<16xf32>,
            %mul3A_261 = vector.broadcast %squeeze3A_187 : f32 to vector<16xf32>
            %mul3A_262 = arith.mulf %mul3A_261, %gather3A_254 : vector<16xf32>
            %max3A_263 = arith.maximumf %get3A_260, %mul3A_262 : vector<16xf32>
            %swap3A_264 = arith.index_cast %add3A_258 : i32 to index
            %swap3A_265 = tpu.vector_load %arg13[%swap3A_264] {strides = array<i32>} : memref<20480xf32, #tpu.memory_space<vmem>>, vector<16xf32>,
            tpu.vector_store %arg13[%swap3A_264], %max3A_263 {strides = array<i32>} : memref<20480xf32, #tpu.memory_space<vmem>>, vector<16xf32>,
            %add3A_266 = arith.constant 80 : i32
            %add3A_267 = vector.broadcast %add3A_266 : i32 to vector<16xi32>
            %add3A_268 = arith.addi %add3A_267, %iota3A : vector<16xi32>
            %broadcast_in_dim3A_269 = arith.constant 11 : i32
            %broadcast_in_dim3A_270 = vector.broadcast %broadcast_in_dim3A_269 : i32 to vector<16xi32>
            %gather3A_271 = tpu.vector_load_idx %arg15[%broadcast_in_dim3A_270, %add3A_268] : memref<16x144xf32, #tpu.memory_space<vmem>>[vector<16xi32>, vector<16xi32>], vector<16xf32>,
            %mul3A_272 = arith.constant 64 : i32
            %mul3A_273 = arith.muli %sub3A, %mul3A_272 : i32
            %add3A_274 = arith.constant 0 : i32
            %add3A_275 = arith.addi %mul3A_273, %add3A_274 : i32
            %get3A_276 = arith.index_cast %add3A_275 : i32 to index
            %get3A_277 = tpu.vector_load %arg14[%get3A_276] {strides = array<i32>} : memref<20480xf32, #tpu.memory_space<vmem>>, vector<16xf32>,
            %max3A_278 = arith.maximumf %get3A_277, %gather3A_271 : vector<16xf32>
            %swap3A_279 = arith.index_cast %add3A_275 : i32 to index
            %swap3A_280 = tpu.vector_load %arg14[%swap3A_279] {strides = array<i32>} : memref<20480xf32, #tpu.memory_space<vmem>>, vector<16xf32>,
            tpu.vector_store %arg14[%swap3A_279], %max3A_278 {strides = array<i32>} : memref<20480xf32, #tpu.memory_space<vmem>>, vector<16xf32>,
            %add3A_281 = arith.constant 96 : i32
            %add3A_282 = vector.broadcast %add3A_281 : i32 to vector<16xi32>
            %add3A_283 = arith.addi %add3A_282, %iota3A : vector<16xi32>
            %broadcast_in_dim3A_284 = arith.constant 11 : i32
            %broadcast_in_dim3A_285 = vector.broadcast %broadcast_in_dim3A_284 : i32 to vector<16xi32>
            %gather3A_286 = tpu.vector_load_idx %arg15[%broadcast_in_dim3A_285, %add3A_283] : memref<16x144xf32, #tpu.memory_space<vmem>>[vector<16xi32>, vector<16xi32>], vector<16xf32>,
            %mul3A_287 = arith.constant 64 : i32
            %mul3A_288 = arith.muli %sub3A, %mul3A_287 : i32
            %add3A_289 = arith.constant 16 : i32
            %add3A_290 = arith.addi %mul3A_288, %add3A_289 : i32
            %get3A_291 = arith.index_cast %add3A_290 : i32 to index
            %get3A_292 = tpu.vector_load %arg14[%get3A_291] {strides = array<i32>} : memref<20480xf32, #tpu.memory_space<vmem>>, vector<16xf32>,
            %max3A_293 = arith.maximumf %get3A_292, %gather3A_286 : vector<16xf32>
            %swap3A_294 = arith.index_cast %add3A_290 : i32 to index
            %swap3A_295 = tpu.vector_load %arg14[%swap3A_294] {strides = array<i32>} : memref<20480xf32, #tpu.memory_space<vmem>>, vector<16xf32>,
            tpu.vector_store %arg14[%swap3A_294], %max3A_293 {strides = array<i32>} : memref<20480xf32, #tpu.memory_space<vmem>>, vector<16xf32>,
            %add3A_296 = arith.constant 112 : i32
            %add3A_297 = vector.broadcast %add3A_296 : i32 to vector<16xi32>
            %add3A_298 = arith.addi %add3A_297, %iota3A : vector<16xi32>
            %broadcast_in_dim3A_299 = arith.constant 11 : i32
            %broadcast_in_dim3A_300 = vector.broadcast %broadcast_in_dim3A_299 : i32 to vector<16xi32>
            %gather3A_301 = tpu.vector_load_idx %arg15[%broadcast_in_dim3A_300, %add3A_298] : memref<16x144xf32, #tpu.memory_space<vmem>>[vector<16xi32>, vector<16xi32>], vector<16xf32>,
            %mul3A_302 = arith.constant 64 : i32
            %mul3A_303 = arith.muli %sub3A, %mul3A_302 : i32
            %add3A_304 = arith.constant 32 : i32
            %add3A_305 = arith.addi %mul3A_303, %add3A_304 : i32
            %get3A_306 = arith.index_cast %add3A_305 : i32 to index
            %get3A_307 = tpu.vector_load %arg14[%get3A_306] {strides = array<i32>} : memref<20480xf32, #tpu.memory_space<vmem>>, vector<16xf32>,
            %max3A_308 = arith.maximumf %get3A_307, %gather3A_301 : vector<16xf32>
            %swap3A_309 = arith.index_cast %add3A_305 : i32 to index
            %swap3A_310 = tpu.vector_load %arg14[%swap3A_309] {strides = array<i32>} : memref<20480xf32, #tpu.memory_space<vmem>>, vector<16xf32>,
            tpu.vector_store %arg14[%swap3A_309], %max3A_308 {strides = array<i32>} : memref<20480xf32, #tpu.memory_space<vmem>>, vector<16xf32>,
            %add3A_311 = arith.constant 128 : i32
            %add3A_312 = vector.broadcast %add3A_311 : i32 to vector<16xi32>
            %add3A_313 = arith.addi %add3A_312, %iota3A : vector<16xi32>
            %broadcast_in_dim3A_314 = arith.constant 11 : i32
            %broadcast_in_dim3A_315 = vector.broadcast %broadcast_in_dim3A_314 : i32 to vector<16xi32>
            %gather3A_316 = tpu.vector_load_idx %arg15[%broadcast_in_dim3A_315, %add3A_313] : memref<16x144xf32, #tpu.memory_space<vmem>>[vector<16xi32>, vector<16xi32>], vector<16xf32>,
            %mul3A_317 = arith.constant 64 : i32
            %mul3A_318 = arith.muli %sub3A, %mul3A_317 : i32
            %add3A_319 = arith.constant 48 : i32
            %add3A_320 = arith.addi %mul3A_318, %add3A_319 : i32
            %get3A_321 = arith.index_cast %add3A_320 : i32 to index
            %get3A_322 = tpu.vector_load %arg14[%get3A_321] {strides = array<i32>} : memref<20480xf32, #tpu.memory_space<vmem>>, vector<16xf32>,
            %max3A_323 = arith.maximumf %get3A_322, %gather3A_316 : vector<16xf32>
            %swap3A_324 = arith.index_cast %add3A_320 : i32 to index
            %swap3A_325 = tpu.vector_load %arg14[%swap3A_324] {strides = array<i32>} : memref<20480xf32, #tpu.memory_space<vmem>>, vector<16xf32>,
            tpu.vector_store %arg14[%swap3A_324], %max3A_323 {strides = array<i32>} : memref<20480xf32, #tpu.memory_space<vmem>>, vector<16xf32>,
          } else {
          }
          %slice3A_156 = vector.extract_strided_slice %convert_element_type3A_56 {offsets = [12], sizes = [1], strides = [1]} : vector<16xi32> to vector<1xi32>
          %squeeze3A_157 = vector.extract %slice3A_156[0] : i32 from vector<1xi32>
          %eq3A_158 = arith.constant 1 : i32
          %eq3A_159 = arith.cmpi eq, %squeeze3A_157, %eq3A_158 : i32
          %convert_element_type3A_160 = arith.extui %eq3A_159 : i1 to i32
          %cond3A_161 = arith.constant 0 : i32
          %cond3A_162 = arith.cmpi ne, %convert_element_type3A_160, %cond3A_161 : i32
          scf.if %cond3A_162 {
            %slice3A_184 = vector.extract_strided_slice %get3A_47 {offsets = [12], sizes = [1], strides = [1]} : vector<16xi32> to vector<1xi32>
            %squeeze3A_185 = vector.extract %slice3A_184[0] : i32 from vector<1xi32>
            %sub3A = arith.subi %squeeze3A_185, %mul3A_2 : i32
            %slice3A_186 = vector.extract_strided_slice %get3A_67 {offsets = [12], sizes = [1], strides = [1]} : vector<16xf32> to vector<1xf32>
            %squeeze3A_187 = vector.extract %slice3A_186[0] : f32 from vector<1xf32>
            %broadcast_in_dim3A_188 = arith.constant 12 : i32
            %broadcast_in_dim3A_189 = vector.broadcast %broadcast_in_dim3A_188 : i32 to vector<16xi32>
            %gather3A = tpu.vector_load_idx %arg15[%broadcast_in_dim3A_189, %iota3A] : memref<16x144xf32, #tpu.memory_space<vmem>>[vector<16xi32>, vector<16xi32>], vector<16xf32>,
            %lt3A_190 = arith.constant 5 : i32
            %lt3A_191 = vector.broadcast %lt3A_190 : i32 to vector<16xi32>
            %lt3A_192 = arith.cmpi slt, %iota3A, %lt3A_191 : vector<16xi32>
            %broadcast_in_dim3A_193 = vector.broadcast %squeeze3A_187 : f32 to vector<16xf32>
            %select_n3A_194 = arith.select %lt3A_192, %broadcast_in_dim3A_193, %select_n3A : vector<16xi1>, vector<16xf32>
            %mul3A_195 = arith.constant 16 : i32
            %mul3A_196 = arith.muli %sub3A, %mul3A_195 : i32
            %mul3A_197 = arith.mulf %gather3A, %select_n3A_194 : vector<16xf32>
            %swap3A = arith.index_cast %mul3A_196 : i32 to index
            %swap3A_198 = tpu.vector_load %arg12[%swap3A] {strides = array<i32>} : memref<5120xf32, #tpu.memory_space<vmem>>, vector<16xf32>,
            tpu.vector_store %arg12[%swap3A], %mul3A_197 {add = true, strides = array<i32>} : memref<5120xf32, #tpu.memory_space<vmem>>, vector<16xf32>,
            %add3A_199 = arith.constant 16 : i32
            %add3A_200 = vector.broadcast %add3A_199 : i32 to vector<16xi32>
            %add3A_201 = arith.addi %add3A_200, %iota3A : vector<16xi32>
            %broadcast_in_dim3A_202 = arith.constant 12 : i32
            %broadcast_in_dim3A_203 = vector.broadcast %broadcast_in_dim3A_202 : i32 to vector<16xi32>
            %gather3A_204 = tpu.vector_load_idx %arg15[%broadcast_in_dim3A_203, %add3A_201] : memref<16x144xf32, #tpu.memory_space<vmem>>[vector<16xi32>, vector<16xi32>], vector<16xf32>,
            %mul3A_205 = arith.constant 64 : i32
            %mul3A_206 = arith.muli %sub3A, %mul3A_205 : i32
            %add3A_207 = arith.constant 0 : i32
            %add3A_208 = arith.addi %mul3A_206, %add3A_207 : i32
            %get3A_209 = arith.index_cast %add3A_208 : i32 to index
            %get3A_210 = tpu.vector_load %arg13[%get3A_209] {strides = array<i32>} : memref<20480xf32, #tpu.memory_space<vmem>>, vector<16xf32>,
            %mul3A_211 = vector.broadcast %squeeze3A_187 : f32 to vector<16xf32>
            %mul3A_212 = arith.mulf %mul3A_211, %gather3A_204 : vector<16xf32>
            %max3A = arith.maximumf %get3A_210, %mul3A_212 : vector<16xf32>
            %swap3A_213 = arith.index_cast %add3A_208 : i32 to index
            %swap3A_214 = tpu.vector_load %arg13[%swap3A_213] {strides = array<i32>} : memref<20480xf32, #tpu.memory_space<vmem>>, vector<16xf32>,
            tpu.vector_store %arg13[%swap3A_213], %max3A {strides = array<i32>} : memref<20480xf32, #tpu.memory_space<vmem>>, vector<16xf32>,
            %add3A_215 = arith.constant 32 : i32
            %add3A_216 = vector.broadcast %add3A_215 : i32 to vector<16xi32>
            %add3A_217 = arith.addi %add3A_216, %iota3A : vector<16xi32>
            %broadcast_in_dim3A_218 = arith.constant 12 : i32
            %broadcast_in_dim3A_219 = vector.broadcast %broadcast_in_dim3A_218 : i32 to vector<16xi32>
            %gather3A_220 = tpu.vector_load_idx %arg15[%broadcast_in_dim3A_219, %add3A_217] : memref<16x144xf32, #tpu.memory_space<vmem>>[vector<16xi32>, vector<16xi32>], vector<16xf32>,
            %mul3A_221 = arith.constant 64 : i32
            %mul3A_222 = arith.muli %sub3A, %mul3A_221 : i32
            %add3A_223 = arith.constant 16 : i32
            %add3A_224 = arith.addi %mul3A_222, %add3A_223 : i32
            %get3A_225 = arith.index_cast %add3A_224 : i32 to index
            %get3A_226 = tpu.vector_load %arg13[%get3A_225] {strides = array<i32>} : memref<20480xf32, #tpu.memory_space<vmem>>, vector<16xf32>,
            %mul3A_227 = vector.broadcast %squeeze3A_187 : f32 to vector<16xf32>
            %mul3A_228 = arith.mulf %mul3A_227, %gather3A_220 : vector<16xf32>
            %max3A_229 = arith.maximumf %get3A_226, %mul3A_228 : vector<16xf32>
            %swap3A_230 = arith.index_cast %add3A_224 : i32 to index
            %swap3A_231 = tpu.vector_load %arg13[%swap3A_230] {strides = array<i32>} : memref<20480xf32, #tpu.memory_space<vmem>>, vector<16xf32>,
            tpu.vector_store %arg13[%swap3A_230], %max3A_229 {strides = array<i32>} : memref<20480xf32, #tpu.memory_space<vmem>>, vector<16xf32>,
            %add3A_232 = arith.constant 48 : i32
            %add3A_233 = vector.broadcast %add3A_232 : i32 to vector<16xi32>
            %add3A_234 = arith.addi %add3A_233, %iota3A : vector<16xi32>
            %broadcast_in_dim3A_235 = arith.constant 12 : i32
            %broadcast_in_dim3A_236 = vector.broadcast %broadcast_in_dim3A_235 : i32 to vector<16xi32>
            %gather3A_237 = tpu.vector_load_idx %arg15[%broadcast_in_dim3A_236, %add3A_234] : memref<16x144xf32, #tpu.memory_space<vmem>>[vector<16xi32>, vector<16xi32>], vector<16xf32>,
            %mul3A_238 = arith.constant 64 : i32
            %mul3A_239 = arith.muli %sub3A, %mul3A_238 : i32
            %add3A_240 = arith.constant 32 : i32
            %add3A_241 = arith.addi %mul3A_239, %add3A_240 : i32
            %get3A_242 = arith.index_cast %add3A_241 : i32 to index
            %get3A_243 = tpu.vector_load %arg13[%get3A_242] {strides = array<i32>} : memref<20480xf32, #tpu.memory_space<vmem>>, vector<16xf32>,
            %mul3A_244 = vector.broadcast %squeeze3A_187 : f32 to vector<16xf32>
            %mul3A_245 = arith.mulf %mul3A_244, %gather3A_237 : vector<16xf32>
            %max3A_246 = arith.maximumf %get3A_243, %mul3A_245 : vector<16xf32>
            %swap3A_247 = arith.index_cast %add3A_241 : i32 to index
            %swap3A_248 = tpu.vector_load %arg13[%swap3A_247] {strides = array<i32>} : memref<20480xf32, #tpu.memory_space<vmem>>, vector<16xf32>,
            tpu.vector_store %arg13[%swap3A_247], %max3A_246 {strides = array<i32>} : memref<20480xf32, #tpu.memory_space<vmem>>, vector<16xf32>,
            %add3A_249 = arith.constant 64 : i32
            %add3A_250 = vector.broadcast %add3A_249 : i32 to vector<16xi32>
            %add3A_251 = arith.addi %add3A_250, %iota3A : vector<16xi32>
            %broadcast_in_dim3A_252 = arith.constant 12 : i32
            %broadcast_in_dim3A_253 = vector.broadcast %broadcast_in_dim3A_252 : i32 to vector<16xi32>
            %gather3A_254 = tpu.vector_load_idx %arg15[%broadcast_in_dim3A_253, %add3A_251] : memref<16x144xf32, #tpu.memory_space<vmem>>[vector<16xi32>, vector<16xi32>], vector<16xf32>,
            %mul3A_255 = arith.constant 64 : i32
            %mul3A_256 = arith.muli %sub3A, %mul3A_255 : i32
            %add3A_257 = arith.constant 48 : i32
            %add3A_258 = arith.addi %mul3A_256, %add3A_257 : i32
            %get3A_259 = arith.index_cast %add3A_258 : i32 to index
            %get3A_260 = tpu.vector_load %arg13[%get3A_259] {strides = array<i32>} : memref<20480xf32, #tpu.memory_space<vmem>>, vector<16xf32>,
            %mul3A_261 = vector.broadcast %squeeze3A_187 : f32 to vector<16xf32>
            %mul3A_262 = arith.mulf %mul3A_261, %gather3A_254 : vector<16xf32>
            %max3A_263 = arith.maximumf %get3A_260, %mul3A_262 : vector<16xf32>
            %swap3A_264 = arith.index_cast %add3A_258 : i32 to index
            %swap3A_265 = tpu.vector_load %arg13[%swap3A_264] {strides = array<i32>} : memref<20480xf32, #tpu.memory_space<vmem>>, vector<16xf32>,
            tpu.vector_store %arg13[%swap3A_264], %max3A_263 {strides = array<i32>} : memref<20480xf32, #tpu.memory_space<vmem>>, vector<16xf32>,
            %add3A_266 = arith.constant 80 : i32
            %add3A_267 = vector.broadcast %add3A_266 : i32 to vector<16xi32>
            %add3A_268 = arith.addi %add3A_267, %iota3A : vector<16xi32>
            %broadcast_in_dim3A_269 = arith.constant 12 : i32
            %broadcast_in_dim3A_270 = vector.broadcast %broadcast_in_dim3A_269 : i32 to vector<16xi32>
            %gather3A_271 = tpu.vector_load_idx %arg15[%broadcast_in_dim3A_270, %add3A_268] : memref<16x144xf32, #tpu.memory_space<vmem>>[vector<16xi32>, vector<16xi32>], vector<16xf32>,
            %mul3A_272 = arith.constant 64 : i32
            %mul3A_273 = arith.muli %sub3A, %mul3A_272 : i32
            %add3A_274 = arith.constant 0 : i32
            %add3A_275 = arith.addi %mul3A_273, %add3A_274 : i32
            %get3A_276 = arith.index_cast %add3A_275 : i32 to index
            %get3A_277 = tpu.vector_load %arg14[%get3A_276] {strides = array<i32>} : memref<20480xf32, #tpu.memory_space<vmem>>, vector<16xf32>,
            %max3A_278 = arith.maximumf %get3A_277, %gather3A_271 : vector<16xf32>
            %swap3A_279 = arith.index_cast %add3A_275 : i32 to index
            %swap3A_280 = tpu.vector_load %arg14[%swap3A_279] {strides = array<i32>} : memref<20480xf32, #tpu.memory_space<vmem>>, vector<16xf32>,
            tpu.vector_store %arg14[%swap3A_279], %max3A_278 {strides = array<i32>} : memref<20480xf32, #tpu.memory_space<vmem>>, vector<16xf32>,
            %add3A_281 = arith.constant 96 : i32
            %add3A_282 = vector.broadcast %add3A_281 : i32 to vector<16xi32>
            %add3A_283 = arith.addi %add3A_282, %iota3A : vector<16xi32>
            %broadcast_in_dim3A_284 = arith.constant 12 : i32
            %broadcast_in_dim3A_285 = vector.broadcast %broadcast_in_dim3A_284 : i32 to vector<16xi32>
            %gather3A_286 = tpu.vector_load_idx %arg15[%broadcast_in_dim3A_285, %add3A_283] : memref<16x144xf32, #tpu.memory_space<vmem>>[vector<16xi32>, vector<16xi32>], vector<16xf32>,
            %mul3A_287 = arith.constant 64 : i32
            %mul3A_288 = arith.muli %sub3A, %mul3A_287 : i32
            %add3A_289 = arith.constant 16 : i32
            %add3A_290 = arith.addi %mul3A_288, %add3A_289 : i32
            %get3A_291 = arith.index_cast %add3A_290 : i32 to index
            %get3A_292 = tpu.vector_load %arg14[%get3A_291] {strides = array<i32>} : memref<20480xf32, #tpu.memory_space<vmem>>, vector<16xf32>,
            %max3A_293 = arith.maximumf %get3A_292, %gather3A_286 : vector<16xf32>
            %swap3A_294 = arith.index_cast %add3A_290 : i32 to index
            %swap3A_295 = tpu.vector_load %arg14[%swap3A_294] {strides = array<i32>} : memref<20480xf32, #tpu.memory_space<vmem>>, vector<16xf32>,
            tpu.vector_store %arg14[%swap3A_294], %max3A_293 {strides = array<i32>} : memref<20480xf32, #tpu.memory_space<vmem>>, vector<16xf32>,
            %add3A_296 = arith.constant 112 : i32
            %add3A_297 = vector.broadcast %add3A_296 : i32 to vector<16xi32>
            %add3A_298 = arith.addi %add3A_297, %iota3A : vector<16xi32>
            %broadcast_in_dim3A_299 = arith.constant 12 : i32
            %broadcast_in_dim3A_300 = vector.broadcast %broadcast_in_dim3A_299 : i32 to vector<16xi32>
            %gather3A_301 = tpu.vector_load_idx %arg15[%broadcast_in_dim3A_300, %add3A_298] : memref<16x144xf32, #tpu.memory_space<vmem>>[vector<16xi32>, vector<16xi32>], vector<16xf32>,
            %mul3A_302 = arith.constant 64 : i32
            %mul3A_303 = arith.muli %sub3A, %mul3A_302 : i32
            %add3A_304 = arith.constant 32 : i32
            %add3A_305 = arith.addi %mul3A_303, %add3A_304 : i32
            %get3A_306 = arith.index_cast %add3A_305 : i32 to index
            %get3A_307 = tpu.vector_load %arg14[%get3A_306] {strides = array<i32>} : memref<20480xf32, #tpu.memory_space<vmem>>, vector<16xf32>,
            %max3A_308 = arith.maximumf %get3A_307, %gather3A_301 : vector<16xf32>
            %swap3A_309 = arith.index_cast %add3A_305 : i32 to index
            %swap3A_310 = tpu.vector_load %arg14[%swap3A_309] {strides = array<i32>} : memref<20480xf32, #tpu.memory_space<vmem>>, vector<16xf32>,
            tpu.vector_store %arg14[%swap3A_309], %max3A_308 {strides = array<i32>} : memref<20480xf32, #tpu.memory_space<vmem>>, vector<16xf32>,
            %add3A_311 = arith.constant 128 : i32
            %add3A_312 = vector.broadcast %add3A_311 : i32 to vector<16xi32>
            %add3A_313 = arith.addi %add3A_312, %iota3A : vector<16xi32>
            %broadcast_in_dim3A_314 = arith.constant 12 : i32
            %broadcast_in_dim3A_315 = vector.broadcast %broadcast_in_dim3A_314 : i32 to vector<16xi32>
            %gather3A_316 = tpu.vector_load_idx %arg15[%broadcast_in_dim3A_315, %add3A_313] : memref<16x144xf32, #tpu.memory_space<vmem>>[vector<16xi32>, vector<16xi32>], vector<16xf32>,
            %mul3A_317 = arith.constant 64 : i32
            %mul3A_318 = arith.muli %sub3A, %mul3A_317 : i32
            %add3A_319 = arith.constant 48 : i32
            %add3A_320 = arith.addi %mul3A_318, %add3A_319 : i32
            %get3A_321 = arith.index_cast %add3A_320 : i32 to index
            %get3A_322 = tpu.vector_load %arg14[%get3A_321] {strides = array<i32>} : memref<20480xf32, #tpu.memory_space<vmem>>, vector<16xf32>,
            %max3A_323 = arith.maximumf %get3A_322, %gather3A_316 : vector<16xf32>
            %swap3A_324 = arith.index_cast %add3A_320 : i32 to index
            %swap3A_325 = tpu.vector_load %arg14[%swap3A_324] {strides = array<i32>} : memref<20480xf32, #tpu.memory_space<vmem>>, vector<16xf32>,
            tpu.vector_store %arg14[%swap3A_324], %max3A_323 {strides = array<i32>} : memref<20480xf32, #tpu.memory_space<vmem>>, vector<16xf32>,
          } else {
          }
          %slice3A_163 = vector.extract_strided_slice %convert_element_type3A_56 {offsets = [13], sizes = [1], strides = [1]} : vector<16xi32> to vector<1xi32>
          %squeeze3A_164 = vector.extract %slice3A_163[0] : i32 from vector<1xi32>
          %eq3A_165 = arith.constant 1 : i32
          %eq3A_166 = arith.cmpi eq, %squeeze3A_164, %eq3A_165 : i32
          %convert_element_type3A_167 = arith.extui %eq3A_166 : i1 to i32
          %cond3A_168 = arith.constant 0 : i32
          %cond3A_169 = arith.cmpi ne, %convert_element_type3A_167, %cond3A_168 : i32
          scf.if %cond3A_169 {
            %slice3A_184 = vector.extract_strided_slice %get3A_47 {offsets = [13], sizes = [1], strides = [1]} : vector<16xi32> to vector<1xi32>
            %squeeze3A_185 = vector.extract %slice3A_184[0] : i32 from vector<1xi32>
            %sub3A = arith.subi %squeeze3A_185, %mul3A_2 : i32
            %slice3A_186 = vector.extract_strided_slice %get3A_67 {offsets = [13], sizes = [1], strides = [1]} : vector<16xf32> to vector<1xf32>
            %squeeze3A_187 = vector.extract %slice3A_186[0] : f32 from vector<1xf32>
            %broadcast_in_dim3A_188 = arith.constant 13 : i32
            %broadcast_in_dim3A_189 = vector.broadcast %broadcast_in_dim3A_188 : i32 to vector<16xi32>
            %gather3A = tpu.vector_load_idx %arg15[%broadcast_in_dim3A_189, %iota3A] : memref<16x144xf32, #tpu.memory_space<vmem>>[vector<16xi32>, vector<16xi32>], vector<16xf32>,
            %lt3A_190 = arith.constant 5 : i32
            %lt3A_191 = vector.broadcast %lt3A_190 : i32 to vector<16xi32>
            %lt3A_192 = arith.cmpi slt, %iota3A, %lt3A_191 : vector<16xi32>
            %broadcast_in_dim3A_193 = vector.broadcast %squeeze3A_187 : f32 to vector<16xf32>
            %select_n3A_194 = arith.select %lt3A_192, %broadcast_in_dim3A_193, %select_n3A : vector<16xi1>, vector<16xf32>
            %mul3A_195 = arith.constant 16 : i32
            %mul3A_196 = arith.muli %sub3A, %mul3A_195 : i32
            %mul3A_197 = arith.mulf %gather3A, %select_n3A_194 : vector<16xf32>
            %swap3A = arith.index_cast %mul3A_196 : i32 to index
            %swap3A_198 = tpu.vector_load %arg12[%swap3A] {strides = array<i32>} : memref<5120xf32, #tpu.memory_space<vmem>>, vector<16xf32>,
            tpu.vector_store %arg12[%swap3A], %mul3A_197 {add = true, strides = array<i32>} : memref<5120xf32, #tpu.memory_space<vmem>>, vector<16xf32>,
            %add3A_199 = arith.constant 16 : i32
            %add3A_200 = vector.broadcast %add3A_199 : i32 to vector<16xi32>
            %add3A_201 = arith.addi %add3A_200, %iota3A : vector<16xi32>
            %broadcast_in_dim3A_202 = arith.constant 13 : i32
            %broadcast_in_dim3A_203 = vector.broadcast %broadcast_in_dim3A_202 : i32 to vector<16xi32>
            %gather3A_204 = tpu.vector_load_idx %arg15[%broadcast_in_dim3A_203, %add3A_201] : memref<16x144xf32, #tpu.memory_space<vmem>>[vector<16xi32>, vector<16xi32>], vector<16xf32>,
            %mul3A_205 = arith.constant 64 : i32
            %mul3A_206 = arith.muli %sub3A, %mul3A_205 : i32
            %add3A_207 = arith.constant 0 : i32
            %add3A_208 = arith.addi %mul3A_206, %add3A_207 : i32
            %get3A_209 = arith.index_cast %add3A_208 : i32 to index
            %get3A_210 = tpu.vector_load %arg13[%get3A_209] {strides = array<i32>} : memref<20480xf32, #tpu.memory_space<vmem>>, vector<16xf32>,
            %mul3A_211 = vector.broadcast %squeeze3A_187 : f32 to vector<16xf32>
            %mul3A_212 = arith.mulf %mul3A_211, %gather3A_204 : vector<16xf32>
            %max3A = arith.maximumf %get3A_210, %mul3A_212 : vector<16xf32>
            %swap3A_213 = arith.index_cast %add3A_208 : i32 to index
            %swap3A_214 = tpu.vector_load %arg13[%swap3A_213] {strides = array<i32>} : memref<20480xf32, #tpu.memory_space<vmem>>, vector<16xf32>,
            tpu.vector_store %arg13[%swap3A_213], %max3A {strides = array<i32>} : memref<20480xf32, #tpu.memory_space<vmem>>, vector<16xf32>,
            %add3A_215 = arith.constant 32 : i32
            %add3A_216 = vector.broadcast %add3A_215 : i32 to vector<16xi32>
            %add3A_217 = arith.addi %add3A_216, %iota3A : vector<16xi32>
            %broadcast_in_dim3A_218 = arith.constant 13 : i32
            %broadcast_in_dim3A_219 = vector.broadcast %broadcast_in_dim3A_218 : i32 to vector<16xi32>
            %gather3A_220 = tpu.vector_load_idx %arg15[%broadcast_in_dim3A_219, %add3A_217] : memref<16x144xf32, #tpu.memory_space<vmem>>[vector<16xi32>, vector<16xi32>], vector<16xf32>,
            %mul3A_221 = arith.constant 64 : i32
            %mul3A_222 = arith.muli %sub3A, %mul3A_221 : i32
            %add3A_223 = arith.constant 16 : i32
            %add3A_224 = arith.addi %mul3A_222, %add3A_223 : i32
            %get3A_225 = arith.index_cast %add3A_224 : i32 to index
            %get3A_226 = tpu.vector_load %arg13[%get3A_225] {strides = array<i32>} : memref<20480xf32, #tpu.memory_space<vmem>>, vector<16xf32>,
            %mul3A_227 = vector.broadcast %squeeze3A_187 : f32 to vector<16xf32>
            %mul3A_228 = arith.mulf %mul3A_227, %gather3A_220 : vector<16xf32>
            %max3A_229 = arith.maximumf %get3A_226, %mul3A_228 : vector<16xf32>
            %swap3A_230 = arith.index_cast %add3A_224 : i32 to index
            %swap3A_231 = tpu.vector_load %arg13[%swap3A_230] {strides = array<i32>} : memref<20480xf32, #tpu.memory_space<vmem>>, vector<16xf32>,
            tpu.vector_store %arg13[%swap3A_230], %max3A_229 {strides = array<i32>} : memref<20480xf32, #tpu.memory_space<vmem>>, vector<16xf32>,
            %add3A_232 = arith.constant 48 : i32
            %add3A_233 = vector.broadcast %add3A_232 : i32 to vector<16xi32>
            %add3A_234 = arith.addi %add3A_233, %iota3A : vector<16xi32>
            %broadcast_in_dim3A_235 = arith.constant 13 : i32
            %broadcast_in_dim3A_236 = vector.broadcast %broadcast_in_dim3A_235 : i32 to vector<16xi32>
            %gather3A_237 = tpu.vector_load_idx %arg15[%broadcast_in_dim3A_236, %add3A_234] : memref<16x144xf32, #tpu.memory_space<vmem>>[vector<16xi32>, vector<16xi32>], vector<16xf32>,
            %mul3A_238 = arith.constant 64 : i32
            %mul3A_239 = arith.muli %sub3A, %mul3A_238 : i32
            %add3A_240 = arith.constant 32 : i32
            %add3A_241 = arith.addi %mul3A_239, %add3A_240 : i32
            %get3A_242 = arith.index_cast %add3A_241 : i32 to index
            %get3A_243 = tpu.vector_load %arg13[%get3A_242] {strides = array<i32>} : memref<20480xf32, #tpu.memory_space<vmem>>, vector<16xf32>,
            %mul3A_244 = vector.broadcast %squeeze3A_187 : f32 to vector<16xf32>
            %mul3A_245 = arith.mulf %mul3A_244, %gather3A_237 : vector<16xf32>
            %max3A_246 = arith.maximumf %get3A_243, %mul3A_245 : vector<16xf32>
            %swap3A_247 = arith.index_cast %add3A_241 : i32 to index
            %swap3A_248 = tpu.vector_load %arg13[%swap3A_247] {strides = array<i32>} : memref<20480xf32, #tpu.memory_space<vmem>>, vector<16xf32>,
            tpu.vector_store %arg13[%swap3A_247], %max3A_246 {strides = array<i32>} : memref<20480xf32, #tpu.memory_space<vmem>>, vector<16xf32>,
            %add3A_249 = arith.constant 64 : i32
            %add3A_250 = vector.broadcast %add3A_249 : i32 to vector<16xi32>
            %add3A_251 = arith.addi %add3A_250, %iota3A : vector<16xi32>
            %broadcast_in_dim3A_252 = arith.constant 13 : i32
            %broadcast_in_dim3A_253 = vector.broadcast %broadcast_in_dim3A_252 : i32 to vector<16xi32>
            %gather3A_254 = tpu.vector_load_idx %arg15[%broadcast_in_dim3A_253, %add3A_251] : memref<16x144xf32, #tpu.memory_space<vmem>>[vector<16xi32>, vector<16xi32>], vector<16xf32>,
            %mul3A_255 = arith.constant 64 : i32
            %mul3A_256 = arith.muli %sub3A, %mul3A_255 : i32
            %add3A_257 = arith.constant 48 : i32
            %add3A_258 = arith.addi %mul3A_256, %add3A_257 : i32
            %get3A_259 = arith.index_cast %add3A_258 : i32 to index
            %get3A_260 = tpu.vector_load %arg13[%get3A_259] {strides = array<i32>} : memref<20480xf32, #tpu.memory_space<vmem>>, vector<16xf32>,
            %mul3A_261 = vector.broadcast %squeeze3A_187 : f32 to vector<16xf32>
            %mul3A_262 = arith.mulf %mul3A_261, %gather3A_254 : vector<16xf32>
            %max3A_263 = arith.maximumf %get3A_260, %mul3A_262 : vector<16xf32>
            %swap3A_264 = arith.index_cast %add3A_258 : i32 to index
            %swap3A_265 = tpu.vector_load %arg13[%swap3A_264] {strides = array<i32>} : memref<20480xf32, #tpu.memory_space<vmem>>, vector<16xf32>,
            tpu.vector_store %arg13[%swap3A_264], %max3A_263 {strides = array<i32>} : memref<20480xf32, #tpu.memory_space<vmem>>, vector<16xf32>,
            %add3A_266 = arith.constant 80 : i32
            %add3A_267 = vector.broadcast %add3A_266 : i32 to vector<16xi32>
            %add3A_268 = arith.addi %add3A_267, %iota3A : vector<16xi32>
            %broadcast_in_dim3A_269 = arith.constant 13 : i32
            %broadcast_in_dim3A_270 = vector.broadcast %broadcast_in_dim3A_269 : i32 to vector<16xi32>
            %gather3A_271 = tpu.vector_load_idx %arg15[%broadcast_in_dim3A_270, %add3A_268] : memref<16x144xf32, #tpu.memory_space<vmem>>[vector<16xi32>, vector<16xi32>], vector<16xf32>,
            %mul3A_272 = arith.constant 64 : i32
            %mul3A_273 = arith.muli %sub3A, %mul3A_272 : i32
            %add3A_274 = arith.constant 0 : i32
            %add3A_275 = arith.addi %mul3A_273, %add3A_274 : i32
            %get3A_276 = arith.index_cast %add3A_275 : i32 to index
            %get3A_277 = tpu.vector_load %arg14[%get3A_276] {strides = array<i32>} : memref<20480xf32, #tpu.memory_space<vmem>>, vector<16xf32>,
            %max3A_278 = arith.maximumf %get3A_277, %gather3A_271 : vector<16xf32>
            %swap3A_279 = arith.index_cast %add3A_275 : i32 to index
            %swap3A_280 = tpu.vector_load %arg14[%swap3A_279] {strides = array<i32>} : memref<20480xf32, #tpu.memory_space<vmem>>, vector<16xf32>,
            tpu.vector_store %arg14[%swap3A_279], %max3A_278 {strides = array<i32>} : memref<20480xf32, #tpu.memory_space<vmem>>, vector<16xf32>,
            %add3A_281 = arith.constant 96 : i32
            %add3A_282 = vector.broadcast %add3A_281 : i32 to vector<16xi32>
            %add3A_283 = arith.addi %add3A_282, %iota3A : vector<16xi32>
            %broadcast_in_dim3A_284 = arith.constant 13 : i32
            %broadcast_in_dim3A_285 = vector.broadcast %broadcast_in_dim3A_284 : i32 to vector<16xi32>
            %gather3A_286 = tpu.vector_load_idx %arg15[%broadcast_in_dim3A_285, %add3A_283] : memref<16x144xf32, #tpu.memory_space<vmem>>[vector<16xi32>, vector<16xi32>], vector<16xf32>,
            %mul3A_287 = arith.constant 64 : i32
            %mul3A_288 = arith.muli %sub3A, %mul3A_287 : i32
            %add3A_289 = arith.constant 16 : i32
            %add3A_290 = arith.addi %mul3A_288, %add3A_289 : i32
            %get3A_291 = arith.index_cast %add3A_290 : i32 to index
            %get3A_292 = tpu.vector_load %arg14[%get3A_291] {strides = array<i32>} : memref<20480xf32, #tpu.memory_space<vmem>>, vector<16xf32>,
            %max3A_293 = arith.maximumf %get3A_292, %gather3A_286 : vector<16xf32>
            %swap3A_294 = arith.index_cast %add3A_290 : i32 to index
            %swap3A_295 = tpu.vector_load %arg14[%swap3A_294] {strides = array<i32>} : memref<20480xf32, #tpu.memory_space<vmem>>, vector<16xf32>,
            tpu.vector_store %arg14[%swap3A_294], %max3A_293 {strides = array<i32>} : memref<20480xf32, #tpu.memory_space<vmem>>, vector<16xf32>,
            %add3A_296 = arith.constant 112 : i32
            %add3A_297 = vector.broadcast %add3A_296 : i32 to vector<16xi32>
            %add3A_298 = arith.addi %add3A_297, %iota3A : vector<16xi32>
            %broadcast_in_dim3A_299 = arith.constant 13 : i32
            %broadcast_in_dim3A_300 = vector.broadcast %broadcast_in_dim3A_299 : i32 to vector<16xi32>
            %gather3A_301 = tpu.vector_load_idx %arg15[%broadcast_in_dim3A_300, %add3A_298] : memref<16x144xf32, #tpu.memory_space<vmem>>[vector<16xi32>, vector<16xi32>], vector<16xf32>,
            %mul3A_302 = arith.constant 64 : i32
            %mul3A_303 = arith.muli %sub3A, %mul3A_302 : i32
            %add3A_304 = arith.constant 32 : i32
            %add3A_305 = arith.addi %mul3A_303, %add3A_304 : i32
            %get3A_306 = arith.index_cast %add3A_305 : i32 to index
            %get3A_307 = tpu.vector_load %arg14[%get3A_306] {strides = array<i32>} : memref<20480xf32, #tpu.memory_space<vmem>>, vector<16xf32>,
            %max3A_308 = arith.maximumf %get3A_307, %gather3A_301 : vector<16xf32>
            %swap3A_309 = arith.index_cast %add3A_305 : i32 to index
            %swap3A_310 = tpu.vector_load %arg14[%swap3A_309] {strides = array<i32>} : memref<20480xf32, #tpu.memory_space<vmem>>, vector<16xf32>,
            tpu.vector_store %arg14[%swap3A_309], %max3A_308 {strides = array<i32>} : memref<20480xf32, #tpu.memory_space<vmem>>, vector<16xf32>,
            %add3A_311 = arith.constant 128 : i32
            %add3A_312 = vector.broadcast %add3A_311 : i32 to vector<16xi32>
            %add3A_313 = arith.addi %add3A_312, %iota3A : vector<16xi32>
            %broadcast_in_dim3A_314 = arith.constant 13 : i32
            %broadcast_in_dim3A_315 = vector.broadcast %broadcast_in_dim3A_314 : i32 to vector<16xi32>
            %gather3A_316 = tpu.vector_load_idx %arg15[%broadcast_in_dim3A_315, %add3A_313] : memref<16x144xf32, #tpu.memory_space<vmem>>[vector<16xi32>, vector<16xi32>], vector<16xf32>,
            %mul3A_317 = arith.constant 64 : i32
            %mul3A_318 = arith.muli %sub3A, %mul3A_317 : i32
            %add3A_319 = arith.constant 48 : i32
            %add3A_320 = arith.addi %mul3A_318, %add3A_319 : i32
            %get3A_321 = arith.index_cast %add3A_320 : i32 to index
            %get3A_322 = tpu.vector_load %arg14[%get3A_321] {strides = array<i32>} : memref<20480xf32, #tpu.memory_space<vmem>>, vector<16xf32>,
            %max3A_323 = arith.maximumf %get3A_322, %gather3A_316 : vector<16xf32>
            %swap3A_324 = arith.index_cast %add3A_320 : i32 to index
            %swap3A_325 = tpu.vector_load %arg14[%swap3A_324] {strides = array<i32>} : memref<20480xf32, #tpu.memory_space<vmem>>, vector<16xf32>,
            tpu.vector_store %arg14[%swap3A_324], %max3A_323 {strides = array<i32>} : memref<20480xf32, #tpu.memory_space<vmem>>, vector<16xf32>,
          } else {
          }
          %slice3A_170 = vector.extract_strided_slice %convert_element_type3A_56 {offsets = [14], sizes = [1], strides = [1]} : vector<16xi32> to vector<1xi32>
          %squeeze3A_171 = vector.extract %slice3A_170[0] : i32 from vector<1xi32>
          %eq3A_172 = arith.constant 1 : i32
          %eq3A_173 = arith.cmpi eq, %squeeze3A_171, %eq3A_172 : i32
          %convert_element_type3A_174 = arith.extui %eq3A_173 : i1 to i32
          %cond3A_175 = arith.constant 0 : i32
          %cond3A_176 = arith.cmpi ne, %convert_element_type3A_174, %cond3A_175 : i32
          scf.if %cond3A_176 {
            %slice3A_184 = vector.extract_strided_slice %get3A_47 {offsets = [14], sizes = [1], strides = [1]} : vector<16xi32> to vector<1xi32>
            %squeeze3A_185 = vector.extract %slice3A_184[0] : i32 from vector<1xi32>
            %sub3A = arith.subi %squeeze3A_185, %mul3A_2 : i32
            %slice3A_186 = vector.extract_strided_slice %get3A_67 {offsets = [14], sizes = [1], strides = [1]} : vector<16xf32> to vector<1xf32>
            %squeeze3A_187 = vector.extract %slice3A_186[0] : f32 from vector<1xf32>
            %broadcast_in_dim3A_188 = arith.constant 14 : i32
            %broadcast_in_dim3A_189 = vector.broadcast %broadcast_in_dim3A_188 : i32 to vector<16xi32>
            %gather3A = tpu.vector_load_idx %arg15[%broadcast_in_dim3A_189, %iota3A] : memref<16x144xf32, #tpu.memory_space<vmem>>[vector<16xi32>, vector<16xi32>], vector<16xf32>,
            %lt3A_190 = arith.constant 5 : i32
            %lt3A_191 = vector.broadcast %lt3A_190 : i32 to vector<16xi32>
            %lt3A_192 = arith.cmpi slt, %iota3A, %lt3A_191 : vector<16xi32>
            %broadcast_in_dim3A_193 = vector.broadcast %squeeze3A_187 : f32 to vector<16xf32>
            %select_n3A_194 = arith.select %lt3A_192, %broadcast_in_dim3A_193, %select_n3A : vector<16xi1>, vector<16xf32>
            %mul3A_195 = arith.constant 16 : i32
            %mul3A_196 = arith.muli %sub3A, %mul3A_195 : i32
            %mul3A_197 = arith.mulf %gather3A, %select_n3A_194 : vector<16xf32>
            %swap3A = arith.index_cast %mul3A_196 : i32 to index
            %swap3A_198 = tpu.vector_load %arg12[%swap3A] {strides = array<i32>} : memref<5120xf32, #tpu.memory_space<vmem>>, vector<16xf32>,
            tpu.vector_store %arg12[%swap3A], %mul3A_197 {add = true, strides = array<i32>} : memref<5120xf32, #tpu.memory_space<vmem>>, vector<16xf32>,
            %add3A_199 = arith.constant 16 : i32
            %add3A_200 = vector.broadcast %add3A_199 : i32 to vector<16xi32>
            %add3A_201 = arith.addi %add3A_200, %iota3A : vector<16xi32>
            %broadcast_in_dim3A_202 = arith.constant 14 : i32
            %broadcast_in_dim3A_203 = vector.broadcast %broadcast_in_dim3A_202 : i32 to vector<16xi32>
            %gather3A_204 = tpu.vector_load_idx %arg15[%broadcast_in_dim3A_203, %add3A_201] : memref<16x144xf32, #tpu.memory_space<vmem>>[vector<16xi32>, vector<16xi32>], vector<16xf32>,
            %mul3A_205 = arith.constant 64 : i32
            %mul3A_206 = arith.muli %sub3A, %mul3A_205 : i32
            %add3A_207 = arith.constant 0 : i32
            %add3A_208 = arith.addi %mul3A_206, %add3A_207 : i32
            %get3A_209 = arith.index_cast %add3A_208 : i32 to index
            %get3A_210 = tpu.vector_load %arg13[%get3A_209] {strides = array<i32>} : memref<20480xf32, #tpu.memory_space<vmem>>, vector<16xf32>,
            %mul3A_211 = vector.broadcast %squeeze3A_187 : f32 to vector<16xf32>
            %mul3A_212 = arith.mulf %mul3A_211, %gather3A_204 : vector<16xf32>
            %max3A = arith.maximumf %get3A_210, %mul3A_212 : vector<16xf32>
            %swap3A_213 = arith.index_cast %add3A_208 : i32 to index
            %swap3A_214 = tpu.vector_load %arg13[%swap3A_213] {strides = array<i32>} : memref<20480xf32, #tpu.memory_space<vmem>>, vector<16xf32>,
            tpu.vector_store %arg13[%swap3A_213], %max3A {strides = array<i32>} : memref<20480xf32, #tpu.memory_space<vmem>>, vector<16xf32>,
            %add3A_215 = arith.constant 32 : i32
            %add3A_216 = vector.broadcast %add3A_215 : i32 to vector<16xi32>
            %add3A_217 = arith.addi %add3A_216, %iota3A : vector<16xi32>
            %broadcast_in_dim3A_218 = arith.constant 14 : i32
            %broadcast_in_dim3A_219 = vector.broadcast %broadcast_in_dim3A_218 : i32 to vector<16xi32>
            %gather3A_220 = tpu.vector_load_idx %arg15[%broadcast_in_dim3A_219, %add3A_217] : memref<16x144xf32, #tpu.memory_space<vmem>>[vector<16xi32>, vector<16xi32>], vector<16xf32>,
            %mul3A_221 = arith.constant 64 : i32
            %mul3A_222 = arith.muli %sub3A, %mul3A_221 : i32
            %add3A_223 = arith.constant 16 : i32
            %add3A_224 = arith.addi %mul3A_222, %add3A_223 : i32
            %get3A_225 = arith.index_cast %add3A_224 : i32 to index
            %get3A_226 = tpu.vector_load %arg13[%get3A_225] {strides = array<i32>} : memref<20480xf32, #tpu.memory_space<vmem>>, vector<16xf32>,
            %mul3A_227 = vector.broadcast %squeeze3A_187 : f32 to vector<16xf32>
            %mul3A_228 = arith.mulf %mul3A_227, %gather3A_220 : vector<16xf32>
            %max3A_229 = arith.maximumf %get3A_226, %mul3A_228 : vector<16xf32>
            %swap3A_230 = arith.index_cast %add3A_224 : i32 to index
            %swap3A_231 = tpu.vector_load %arg13[%swap3A_230] {strides = array<i32>} : memref<20480xf32, #tpu.memory_space<vmem>>, vector<16xf32>,
            tpu.vector_store %arg13[%swap3A_230], %max3A_229 {strides = array<i32>} : memref<20480xf32, #tpu.memory_space<vmem>>, vector<16xf32>,
            %add3A_232 = arith.constant 48 : i32
            %add3A_233 = vector.broadcast %add3A_232 : i32 to vector<16xi32>
            %add3A_234 = arith.addi %add3A_233, %iota3A : vector<16xi32>
            %broadcast_in_dim3A_235 = arith.constant 14 : i32
            %broadcast_in_dim3A_236 = vector.broadcast %broadcast_in_dim3A_235 : i32 to vector<16xi32>
            %gather3A_237 = tpu.vector_load_idx %arg15[%broadcast_in_dim3A_236, %add3A_234] : memref<16x144xf32, #tpu.memory_space<vmem>>[vector<16xi32>, vector<16xi32>], vector<16xf32>,
            %mul3A_238 = arith.constant 64 : i32
            %mul3A_239 = arith.muli %sub3A, %mul3A_238 : i32
            %add3A_240 = arith.constant 32 : i32
            %add3A_241 = arith.addi %mul3A_239, %add3A_240 : i32
            %get3A_242 = arith.index_cast %add3A_241 : i32 to index
            %get3A_243 = tpu.vector_load %arg13[%get3A_242] {strides = array<i32>} : memref<20480xf32, #tpu.memory_space<vmem>>, vector<16xf32>,
            %mul3A_244 = vector.broadcast %squeeze3A_187 : f32 to vector<16xf32>
            %mul3A_245 = arith.mulf %mul3A_244, %gather3A_237 : vector<16xf32>
            %max3A_246 = arith.maximumf %get3A_243, %mul3A_245 : vector<16xf32>
            %swap3A_247 = arith.index_cast %add3A_241 : i32 to index
            %swap3A_248 = tpu.vector_load %arg13[%swap3A_247] {strides = array<i32>} : memref<20480xf32, #tpu.memory_space<vmem>>, vector<16xf32>,
            tpu.vector_store %arg13[%swap3A_247], %max3A_246 {strides = array<i32>} : memref<20480xf32, #tpu.memory_space<vmem>>, vector<16xf32>,
            %add3A_249 = arith.constant 64 : i32
            %add3A_250 = vector.broadcast %add3A_249 : i32 to vector<16xi32>
            %add3A_251 = arith.addi %add3A_250, %iota3A : vector<16xi32>
            %broadcast_in_dim3A_252 = arith.constant 14 : i32
            %broadcast_in_dim3A_253 = vector.broadcast %broadcast_in_dim3A_252 : i32 to vector<16xi32>
            %gather3A_254 = tpu.vector_load_idx %arg15[%broadcast_in_dim3A_253, %add3A_251] : memref<16x144xf32, #tpu.memory_space<vmem>>[vector<16xi32>, vector<16xi32>], vector<16xf32>,
            %mul3A_255 = arith.constant 64 : i32
            %mul3A_256 = arith.muli %sub3A, %mul3A_255 : i32
            %add3A_257 = arith.constant 48 : i32
            %add3A_258 = arith.addi %mul3A_256, %add3A_257 : i32
            %get3A_259 = arith.index_cast %add3A_258 : i32 to index
            %get3A_260 = tpu.vector_load %arg13[%get3A_259] {strides = array<i32>} : memref<20480xf32, #tpu.memory_space<vmem>>, vector<16xf32>,
            %mul3A_261 = vector.broadcast %squeeze3A_187 : f32 to vector<16xf32>
            %mul3A_262 = arith.mulf %mul3A_261, %gather3A_254 : vector<16xf32>
            %max3A_263 = arith.maximumf %get3A_260, %mul3A_262 : vector<16xf32>
            %swap3A_264 = arith.index_cast %add3A_258 : i32 to index
            %swap3A_265 = tpu.vector_load %arg13[%swap3A_264] {strides = array<i32>} : memref<20480xf32, #tpu.memory_space<vmem>>, vector<16xf32>,
            tpu.vector_store %arg13[%swap3A_264], %max3A_263 {strides = array<i32>} : memref<20480xf32, #tpu.memory_space<vmem>>, vector<16xf32>,
            %add3A_266 = arith.constant 80 : i32
            %add3A_267 = vector.broadcast %add3A_266 : i32 to vector<16xi32>
            %add3A_268 = arith.addi %add3A_267, %iota3A : vector<16xi32>
            %broadcast_in_dim3A_269 = arith.constant 14 : i32
            %broadcast_in_dim3A_270 = vector.broadcast %broadcast_in_dim3A_269 : i32 to vector<16xi32>
            %gather3A_271 = tpu.vector_load_idx %arg15[%broadcast_in_dim3A_270, %add3A_268] : memref<16x144xf32, #tpu.memory_space<vmem>>[vector<16xi32>, vector<16xi32>], vector<16xf32>,
            %mul3A_272 = arith.constant 64 : i32
            %mul3A_273 = arith.muli %sub3A, %mul3A_272 : i32
            %add3A_274 = arith.constant 0 : i32
            %add3A_275 = arith.addi %mul3A_273, %add3A_274 : i32
            %get3A_276 = arith.index_cast %add3A_275 : i32 to index
            %get3A_277 = tpu.vector_load %arg14[%get3A_276] {strides = array<i32>} : memref<20480xf32, #tpu.memory_space<vmem>>, vector<16xf32>,
            %max3A_278 = arith.maximumf %get3A_277, %gather3A_271 : vector<16xf32>
            %swap3A_279 = arith.index_cast %add3A_275 : i32 to index
            %swap3A_280 = tpu.vector_load %arg14[%swap3A_279] {strides = array<i32>} : memref<20480xf32, #tpu.memory_space<vmem>>, vector<16xf32>,
            tpu.vector_store %arg14[%swap3A_279], %max3A_278 {strides = array<i32>} : memref<20480xf32, #tpu.memory_space<vmem>>, vector<16xf32>,
            %add3A_281 = arith.constant 96 : i32
            %add3A_282 = vector.broadcast %add3A_281 : i32 to vector<16xi32>
            %add3A_283 = arith.addi %add3A_282, %iota3A : vector<16xi32>
            %broadcast_in_dim3A_284 = arith.constant 14 : i32
            %broadcast_in_dim3A_285 = vector.broadcast %broadcast_in_dim3A_284 : i32 to vector<16xi32>
            %gather3A_286 = tpu.vector_load_idx %arg15[%broadcast_in_dim3A_285, %add3A_283] : memref<16x144xf32, #tpu.memory_space<vmem>>[vector<16xi32>, vector<16xi32>], vector<16xf32>,
            %mul3A_287 = arith.constant 64 : i32
            %mul3A_288 = arith.muli %sub3A, %mul3A_287 : i32
            %add3A_289 = arith.constant 16 : i32
            %add3A_290 = arith.addi %mul3A_288, %add3A_289 : i32
            %get3A_291 = arith.index_cast %add3A_290 : i32 to index
            %get3A_292 = tpu.vector_load %arg14[%get3A_291] {strides = array<i32>} : memref<20480xf32, #tpu.memory_space<vmem>>, vector<16xf32>,
            %max3A_293 = arith.maximumf %get3A_292, %gather3A_286 : vector<16xf32>
            %swap3A_294 = arith.index_cast %add3A_290 : i32 to index
            %swap3A_295 = tpu.vector_load %arg14[%swap3A_294] {strides = array<i32>} : memref<20480xf32, #tpu.memory_space<vmem>>, vector<16xf32>,
            tpu.vector_store %arg14[%swap3A_294], %max3A_293 {strides = array<i32>} : memref<20480xf32, #tpu.memory_space<vmem>>, vector<16xf32>,
            %add3A_296 = arith.constant 112 : i32
            %add3A_297 = vector.broadcast %add3A_296 : i32 to vector<16xi32>
            %add3A_298 = arith.addi %add3A_297, %iota3A : vector<16xi32>
            %broadcast_in_dim3A_299 = arith.constant 14 : i32
            %broadcast_in_dim3A_300 = vector.broadcast %broadcast_in_dim3A_299 : i32 to vector<16xi32>
            %gather3A_301 = tpu.vector_load_idx %arg15[%broadcast_in_dim3A_300, %add3A_298] : memref<16x144xf32, #tpu.memory_space<vmem>>[vector<16xi32>, vector<16xi32>], vector<16xf32>,
            %mul3A_302 = arith.constant 64 : i32
            %mul3A_303 = arith.muli %sub3A, %mul3A_302 : i32
            %add3A_304 = arith.constant 32 : i32
            %add3A_305 = arith.addi %mul3A_303, %add3A_304 : i32
            %get3A_306 = arith.index_cast %add3A_305 : i32 to index
            %get3A_307 = tpu.vector_load %arg14[%get3A_306] {strides = array<i32>} : memref<20480xf32, #tpu.memory_space<vmem>>, vector<16xf32>,
            %max3A_308 = arith.maximumf %get3A_307, %gather3A_301 : vector<16xf32>
            %swap3A_309 = arith.index_cast %add3A_305 : i32 to index
            %swap3A_310 = tpu.vector_load %arg14[%swap3A_309] {strides = array<i32>} : memref<20480xf32, #tpu.memory_space<vmem>>, vector<16xf32>,
            tpu.vector_store %arg14[%swap3A_309], %max3A_308 {strides = array<i32>} : memref<20480xf32, #tpu.memory_space<vmem>>, vector<16xf32>,
            %add3A_311 = arith.constant 128 : i32
            %add3A_312 = vector.broadcast %add3A_311 : i32 to vector<16xi32>
            %add3A_313 = arith.addi %add3A_312, %iota3A : vector<16xi32>
            %broadcast_in_dim3A_314 = arith.constant 14 : i32
            %broadcast_in_dim3A_315 = vector.broadcast %broadcast_in_dim3A_314 : i32 to vector<16xi32>
            %gather3A_316 = tpu.vector_load_idx %arg15[%broadcast_in_dim3A_315, %add3A_313] : memref<16x144xf32, #tpu.memory_space<vmem>>[vector<16xi32>, vector<16xi32>], vector<16xf32>,
            %mul3A_317 = arith.constant 64 : i32
            %mul3A_318 = arith.muli %sub3A, %mul3A_317 : i32
            %add3A_319 = arith.constant 48 : i32
            %add3A_320 = arith.addi %mul3A_318, %add3A_319 : i32
            %get3A_321 = arith.index_cast %add3A_320 : i32 to index
            %get3A_322 = tpu.vector_load %arg14[%get3A_321] {strides = array<i32>} : memref<20480xf32, #tpu.memory_space<vmem>>, vector<16xf32>,
            %max3A_323 = arith.maximumf %get3A_322, %gather3A_316 : vector<16xf32>
            %swap3A_324 = arith.index_cast %add3A_320 : i32 to index
            %swap3A_325 = tpu.vector_load %arg14[%swap3A_324] {strides = array<i32>} : memref<20480xf32, #tpu.memory_space<vmem>>, vector<16xf32>,
            tpu.vector_store %arg14[%swap3A_324], %max3A_323 {strides = array<i32>} : memref<20480xf32, #tpu.memory_space<vmem>>, vector<16xf32>,
          } else {
          }
          %slice3A_177 = vector.extract_strided_slice %convert_element_type3A_56 {offsets = [15], sizes = [1], strides = [1]} : vector<16xi32> to vector<1xi32>
          %squeeze3A_178 = vector.extract %slice3A_177[0] : i32 from vector<1xi32>
          %eq3A_179 = arith.constant 1 : i32
          %eq3A_180 = arith.cmpi eq, %squeeze3A_178, %eq3A_179 : i32
          %convert_element_type3A_181 = arith.extui %eq3A_180 : i1 to i32
          %cond3A_182 = arith.constant 0 : i32
          %cond3A_183 = arith.cmpi ne, %convert_element_type3A_181, %cond3A_182 : i32
          scf.if %cond3A_183 {
            %slice3A_184 = vector.extract_strided_slice %get3A_47 {offsets = [15], sizes = [1], strides = [1]} : vector<16xi32> to vector<1xi32>
            %squeeze3A_185 = vector.extract %slice3A_184[0] : i32 from vector<1xi32>
            %sub3A = arith.subi %squeeze3A_185, %mul3A_2 : i32
            %slice3A_186 = vector.extract_strided_slice %get3A_67 {offsets = [15], sizes = [1], strides = [1]} : vector<16xf32> to vector<1xf32>
            %squeeze3A_187 = vector.extract %slice3A_186[0] : f32 from vector<1xf32>
            %broadcast_in_dim3A_188 = arith.constant 15 : i32
            %broadcast_in_dim3A_189 = vector.broadcast %broadcast_in_dim3A_188 : i32 to vector<16xi32>
            %gather3A = tpu.vector_load_idx %arg15[%broadcast_in_dim3A_189, %iota3A] : memref<16x144xf32, #tpu.memory_space<vmem>>[vector<16xi32>, vector<16xi32>], vector<16xf32>,
            %lt3A_190 = arith.constant 5 : i32
            %lt3A_191 = vector.broadcast %lt3A_190 : i32 to vector<16xi32>
            %lt3A_192 = arith.cmpi slt, %iota3A, %lt3A_191 : vector<16xi32>
            %broadcast_in_dim3A_193 = vector.broadcast %squeeze3A_187 : f32 to vector<16xf32>
            %select_n3A_194 = arith.select %lt3A_192, %broadcast_in_dim3A_193, %select_n3A : vector<16xi1>, vector<16xf32>
            %mul3A_195 = arith.constant 16 : i32
            %mul3A_196 = arith.muli %sub3A, %mul3A_195 : i32
            %mul3A_197 = arith.mulf %gather3A, %select_n3A_194 : vector<16xf32>
            %swap3A = arith.index_cast %mul3A_196 : i32 to index
            %swap3A_198 = tpu.vector_load %arg12[%swap3A] {strides = array<i32>} : memref<5120xf32, #tpu.memory_space<vmem>>, vector<16xf32>,
            tpu.vector_store %arg12[%swap3A], %mul3A_197 {add = true, strides = array<i32>} : memref<5120xf32, #tpu.memory_space<vmem>>, vector<16xf32>,
            %add3A_199 = arith.constant 16 : i32
            %add3A_200 = vector.broadcast %add3A_199 : i32 to vector<16xi32>
            %add3A_201 = arith.addi %add3A_200, %iota3A : vector<16xi32>
            %broadcast_in_dim3A_202 = arith.constant 15 : i32
            %broadcast_in_dim3A_203 = vector.broadcast %broadcast_in_dim3A_202 : i32 to vector<16xi32>
            %gather3A_204 = tpu.vector_load_idx %arg15[%broadcast_in_dim3A_203, %add3A_201] : memref<16x144xf32, #tpu.memory_space<vmem>>[vector<16xi32>, vector<16xi32>], vector<16xf32>,
            %mul3A_205 = arith.constant 64 : i32
            %mul3A_206 = arith.muli %sub3A, %mul3A_205 : i32
            %add3A_207 = arith.constant 0 : i32
            %add3A_208 = arith.addi %mul3A_206, %add3A_207 : i32
            %get3A_209 = arith.index_cast %add3A_208 : i32 to index
            %get3A_210 = tpu.vector_load %arg13[%get3A_209] {strides = array<i32>} : memref<20480xf32, #tpu.memory_space<vmem>>, vector<16xf32>,
            %mul3A_211 = vector.broadcast %squeeze3A_187 : f32 to vector<16xf32>
            %mul3A_212 = arith.mulf %mul3A_211, %gather3A_204 : vector<16xf32>
            %max3A = arith.maximumf %get3A_210, %mul3A_212 : vector<16xf32>
            %swap3A_213 = arith.index_cast %add3A_208 : i32 to index
            %swap3A_214 = tpu.vector_load %arg13[%swap3A_213] {strides = array<i32>} : memref<20480xf32, #tpu.memory_space<vmem>>, vector<16xf32>,
            tpu.vector_store %arg13[%swap3A_213], %max3A {strides = array<i32>} : memref<20480xf32, #tpu.memory_space<vmem>>, vector<16xf32>,
            %add3A_215 = arith.constant 32 : i32
            %add3A_216 = vector.broadcast %add3A_215 : i32 to vector<16xi32>
            %add3A_217 = arith.addi %add3A_216, %iota3A : vector<16xi32>
            %broadcast_in_dim3A_218 = arith.constant 15 : i32
            %broadcast_in_dim3A_219 = vector.broadcast %broadcast_in_dim3A_218 : i32 to vector<16xi32>
            %gather3A_220 = tpu.vector_load_idx %arg15[%broadcast_in_dim3A_219, %add3A_217] : memref<16x144xf32, #tpu.memory_space<vmem>>[vector<16xi32>, vector<16xi32>], vector<16xf32>,
            %mul3A_221 = arith.constant 64 : i32
            %mul3A_222 = arith.muli %sub3A, %mul3A_221 : i32
            %add3A_223 = arith.constant 16 : i32
            %add3A_224 = arith.addi %mul3A_222, %add3A_223 : i32
            %get3A_225 = arith.index_cast %add3A_224 : i32 to index
            %get3A_226 = tpu.vector_load %arg13[%get3A_225] {strides = array<i32>} : memref<20480xf32, #tpu.memory_space<vmem>>, vector<16xf32>,
            %mul3A_227 = vector.broadcast %squeeze3A_187 : f32 to vector<16xf32>
            %mul3A_228 = arith.mulf %mul3A_227, %gather3A_220 : vector<16xf32>
            %max3A_229 = arith.maximumf %get3A_226, %mul3A_228 : vector<16xf32>
            %swap3A_230 = arith.index_cast %add3A_224 : i32 to index
            %swap3A_231 = tpu.vector_load %arg13[%swap3A_230] {strides = array<i32>} : memref<20480xf32, #tpu.memory_space<vmem>>, vector<16xf32>,
            tpu.vector_store %arg13[%swap3A_230], %max3A_229 {strides = array<i32>} : memref<20480xf32, #tpu.memory_space<vmem>>, vector<16xf32>,
            %add3A_232 = arith.constant 48 : i32
            %add3A_233 = vector.broadcast %add3A_232 : i32 to vector<16xi32>
            %add3A_234 = arith.addi %add3A_233, %iota3A : vector<16xi32>
            %broadcast_in_dim3A_235 = arith.constant 15 : i32
            %broadcast_in_dim3A_236 = vector.broadcast %broadcast_in_dim3A_235 : i32 to vector<16xi32>
            %gather3A_237 = tpu.vector_load_idx %arg15[%broadcast_in_dim3A_236, %add3A_234] : memref<16x144xf32, #tpu.memory_space<vmem>>[vector<16xi32>, vector<16xi32>], vector<16xf32>,
            %mul3A_238 = arith.constant 64 : i32
            %mul3A_239 = arith.muli %sub3A, %mul3A_238 : i32
            %add3A_240 = arith.constant 32 : i32
            %add3A_241 = arith.addi %mul3A_239, %add3A_240 : i32
            %get3A_242 = arith.index_cast %add3A_241 : i32 to index
            %get3A_243 = tpu.vector_load %arg13[%get3A_242] {strides = array<i32>} : memref<20480xf32, #tpu.memory_space<vmem>>, vector<16xf32>,
            %mul3A_244 = vector.broadcast %squeeze3A_187 : f32 to vector<16xf32>
            %mul3A_245 = arith.mulf %mul3A_244, %gather3A_237 : vector<16xf32>
            %max3A_246 = arith.maximumf %get3A_243, %mul3A_245 : vector<16xf32>
            %swap3A_247 = arith.index_cast %add3A_241 : i32 to index
            %swap3A_248 = tpu.vector_load %arg13[%swap3A_247] {strides = array<i32>} : memref<20480xf32, #tpu.memory_space<vmem>>, vector<16xf32>,
            tpu.vector_store %arg13[%swap3A_247], %max3A_246 {strides = array<i32>} : memref<20480xf32, #tpu.memory_space<vmem>>, vector<16xf32>,
            %add3A_249 = arith.constant 64 : i32
            %add3A_250 = vector.broadcast %add3A_249 : i32 to vector<16xi32>
            %add3A_251 = arith.addi %add3A_250, %iota3A : vector<16xi32>
            %broadcast_in_dim3A_252 = arith.constant 15 : i32
            %broadcast_in_dim3A_253 = vector.broadcast %broadcast_in_dim3A_252 : i32 to vector<16xi32>
            %gather3A_254 = tpu.vector_load_idx %arg15[%broadcast_in_dim3A_253, %add3A_251] : memref<16x144xf32, #tpu.memory_space<vmem>>[vector<16xi32>, vector<16xi32>], vector<16xf32>,
            %mul3A_255 = arith.constant 64 : i32
            %mul3A_256 = arith.muli %sub3A, %mul3A_255 : i32
            %add3A_257 = arith.constant 48 : i32
            %add3A_258 = arith.addi %mul3A_256, %add3A_257 : i32
            %get3A_259 = arith.index_cast %add3A_258 : i32 to index
            %get3A_260 = tpu.vector_load %arg13[%get3A_259] {strides = array<i32>} : memref<20480xf32, #tpu.memory_space<vmem>>, vector<16xf32>,
            %mul3A_261 = vector.broadcast %squeeze3A_187 : f32 to vector<16xf32>
            %mul3A_262 = arith.mulf %mul3A_261, %gather3A_254 : vector<16xf32>
            %max3A_263 = arith.maximumf %get3A_260, %mul3A_262 : vector<16xf32>
            %swap3A_264 = arith.index_cast %add3A_258 : i32 to index
            %swap3A_265 = tpu.vector_load %arg13[%swap3A_264] {strides = array<i32>} : memref<20480xf32, #tpu.memory_space<vmem>>, vector<16xf32>,
            tpu.vector_store %arg13[%swap3A_264], %max3A_263 {strides = array<i32>} : memref<20480xf32, #tpu.memory_space<vmem>>, vector<16xf32>,
            %add3A_266 = arith.constant 80 : i32
            %add3A_267 = vector.broadcast %add3A_266 : i32 to vector<16xi32>
            %add3A_268 = arith.addi %add3A_267, %iota3A : vector<16xi32>
            %broadcast_in_dim3A_269 = arith.constant 15 : i32
            %broadcast_in_dim3A_270 = vector.broadcast %broadcast_in_dim3A_269 : i32 to vector<16xi32>
            %gather3A_271 = tpu.vector_load_idx %arg15[%broadcast_in_dim3A_270, %add3A_268] : memref<16x144xf32, #tpu.memory_space<vmem>>[vector<16xi32>, vector<16xi32>], vector<16xf32>,
            %mul3A_272 = arith.constant 64 : i32
            %mul3A_273 = arith.muli %sub3A, %mul3A_272 : i32
            %add3A_274 = arith.constant 0 : i32
            %add3A_275 = arith.addi %mul3A_273, %add3A_274 : i32
            %get3A_276 = arith.index_cast %add3A_275 : i32 to index
            %get3A_277 = tpu.vector_load %arg14[%get3A_276] {strides = array<i32>} : memref<20480xf32, #tpu.memory_space<vmem>>, vector<16xf32>,
            %max3A_278 = arith.maximumf %get3A_277, %gather3A_271 : vector<16xf32>
            %swap3A_279 = arith.index_cast %add3A_275 : i32 to index
            %swap3A_280 = tpu.vector_load %arg14[%swap3A_279] {strides = array<i32>} : memref<20480xf32, #tpu.memory_space<vmem>>, vector<16xf32>,
            tpu.vector_store %arg14[%swap3A_279], %max3A_278 {strides = array<i32>} : memref<20480xf32, #tpu.memory_space<vmem>>, vector<16xf32>,
            %add3A_281 = arith.constant 96 : i32
            %add3A_282 = vector.broadcast %add3A_281 : i32 to vector<16xi32>
            %add3A_283 = arith.addi %add3A_282, %iota3A : vector<16xi32>
            %broadcast_in_dim3A_284 = arith.constant 15 : i32
            %broadcast_in_dim3A_285 = vector.broadcast %broadcast_in_dim3A_284 : i32 to vector<16xi32>
            %gather3A_286 = tpu.vector_load_idx %arg15[%broadcast_in_dim3A_285, %add3A_283] : memref<16x144xf32, #tpu.memory_space<vmem>>[vector<16xi32>, vector<16xi32>], vector<16xf32>,
            %mul3A_287 = arith.constant 64 : i32
            %mul3A_288 = arith.muli %sub3A, %mul3A_287 : i32
            %add3A_289 = arith.constant 16 : i32
            %add3A_290 = arith.addi %mul3A_288, %add3A_289 : i32
            %get3A_291 = arith.index_cast %add3A_290 : i32 to index
            %get3A_292 = tpu.vector_load %arg14[%get3A_291] {strides = array<i32>} : memref<20480xf32, #tpu.memory_space<vmem>>, vector<16xf32>,
            %max3A_293 = arith.maximumf %get3A_292, %gather3A_286 : vector<16xf32>
            %swap3A_294 = arith.index_cast %add3A_290 : i32 to index
            %swap3A_295 = tpu.vector_load %arg14[%swap3A_294] {strides = array<i32>} : memref<20480xf32, #tpu.memory_space<vmem>>, vector<16xf32>,
            tpu.vector_store %arg14[%swap3A_294], %max3A_293 {strides = array<i32>} : memref<20480xf32, #tpu.memory_space<vmem>>, vector<16xf32>,
            %add3A_296 = arith.constant 112 : i32
            %add3A_297 = vector.broadcast %add3A_296 : i32 to vector<16xi32>
            %add3A_298 = arith.addi %add3A_297, %iota3A : vector<16xi32>
            %broadcast_in_dim3A_299 = arith.constant 15 : i32
            %broadcast_in_dim3A_300 = vector.broadcast %broadcast_in_dim3A_299 : i32 to vector<16xi32>
            %gather3A_301 = tpu.vector_load_idx %arg15[%broadcast_in_dim3A_300, %add3A_298] : memref<16x144xf32, #tpu.memory_space<vmem>>[vector<16xi32>, vector<16xi32>], vector<16xf32>,
            %mul3A_302 = arith.constant 64 : i32
            %mul3A_303 = arith.muli %sub3A, %mul3A_302 : i32
            %add3A_304 = arith.constant 32 : i32
            %add3A_305 = arith.addi %mul3A_303, %add3A_304 : i32
            %get3A_306 = arith.index_cast %add3A_305 : i32 to index
            %get3A_307 = tpu.vector_load %arg14[%get3A_306] {strides = array<i32>} : memref<20480xf32, #tpu.memory_space<vmem>>, vector<16xf32>,
            %max3A_308 = arith.maximumf %get3A_307, %gather3A_301 : vector<16xf32>
            %swap3A_309 = arith.index_cast %add3A_305 : i32 to index
            %swap3A_310 = tpu.vector_load %arg14[%swap3A_309] {strides = array<i32>} : memref<20480xf32, #tpu.memory_space<vmem>>, vector<16xf32>,
            tpu.vector_store %arg14[%swap3A_309], %max3A_308 {strides = array<i32>} : memref<20480xf32, #tpu.memory_space<vmem>>, vector<16xf32>,
            %add3A_311 = arith.constant 128 : i32
            %add3A_312 = vector.broadcast %add3A_311 : i32 to vector<16xi32>
            %add3A_313 = arith.addi %add3A_312, %iota3A : vector<16xi32>
            %broadcast_in_dim3A_314 = arith.constant 15 : i32
            %broadcast_in_dim3A_315 = vector.broadcast %broadcast_in_dim3A_314 : i32 to vector<16xi32>
            %gather3A_316 = tpu.vector_load_idx %arg15[%broadcast_in_dim3A_315, %add3A_313] : memref<16x144xf32, #tpu.memory_space<vmem>>[vector<16xi32>, vector<16xi32>], vector<16xf32>,
            %mul3A_317 = arith.constant 64 : i32
            %mul3A_318 = arith.muli %sub3A, %mul3A_317 : i32
            %add3A_319 = arith.constant 48 : i32
            %add3A_320 = arith.addi %mul3A_318, %add3A_319 : i32
            %get3A_321 = arith.index_cast %add3A_320 : i32 to index
            %get3A_322 = tpu.vector_load %arg14[%get3A_321] {strides = array<i32>} : memref<20480xf32, #tpu.memory_space<vmem>>, vector<16xf32>,
            %max3A_323 = arith.maximumf %get3A_322, %gather3A_316 : vector<16xf32>
            %swap3A_324 = arith.index_cast %add3A_320 : i32 to index
            %swap3A_325 = tpu.vector_load %arg14[%swap3A_324] {strides = array<i32>} : memref<20480xf32, #tpu.memory_space<vmem>>, vector<16xf32>,
            tpu.vector_store %arg14[%swap3A_324], %max3A_323 {strides = array<i32>} : memref<20480xf32, #tpu.memory_space<vmem>>, vector<16xf32>,
          } else {
          }
        } else {
        }
      }
      %scan3A_42 = arith.constant 125 : i32
      %scan3A_43 = arith.constant 0 : i32
      scf.yield %scan3A_43 : i32
    }
    %scan3A_26 = arith.constant 80 : i32
    %mul3A_27 = arith.constant 16 : i32
    %mul3A_28 = arith.muli %mul3A_2, %mul3A_27 : i32
    "tpu.region"() ({
      %run_scoped3A = tpu.sem_alloc : memref<!tpu.dma_semaphore, #tpu.memory_space<semaphore_mem>>
      %dma_start3A = tpu.memref_slice %arg6[%mul3A_28] : memref<163840xf32, #tpu.memory_space<hbm>> -> memref<5120xf32, #tpu.memory_space<hbm>>
      %dma_start3A_33 = tpu.memref_slice %arg6[%mul3A_28] : memref<163840xf32, #tpu.memory_space<hbm>> -> memref<5120xf32, #tpu.memory_space<hbm>>
      tpu.enqueue_dma source(%arg12 : memref<5120xf32, #tpu.memory_space<vmem>>) target(%dma_start3A_33 : memref<5120xf32, #tpu.memory_space<hbm>>) target_semaphore(%run_scoped3A : memref<!tpu.dma_semaphore, #tpu.memory_space<semaphore_mem>>)
      %dma_wait3A = tpu.memref_slice %arg6[%mul3A_28] : memref<163840xf32, #tpu.memory_space<hbm>> -> memref<5120xf32, #tpu.memory_space<hbm>>
      %dma_wait3A_34 = tpu.memref_slice %arg6[%mul3A_28] : memref<163840xf32, #tpu.memory_space<hbm>> -> memref<5120xf32, #tpu.memory_space<hbm>>
      tpu.wait_dma2 semaphore(%run_scoped3A : memref<!tpu.dma_semaphore, #tpu.memory_space<semaphore_mem>>) src(%arg12 : memref<5120xf32, #tpu.memory_space<vmem>>) dst(%dma_wait3A_34 : memref<5120xf32, #tpu.memory_space<hbm>>)
      tpu.yield
    }) : () -> ()
    %mul3A_29 = arith.constant 64 : i32
    %mul3A_30 = arith.muli %mul3A_2, %mul3A_29 : i32
    "tpu.region"() ({
      %run_scoped3A = tpu.sem_alloc : memref<!tpu.dma_semaphore, #tpu.memory_space<semaphore_mem>>
      %dma_start3A = tpu.memref_slice %arg7[%mul3A_30] : memref<655360xf32, #tpu.memory_space<hbm>> -> memref<20480xf32, #tpu.memory_space<hbm>>
      %dma_start3A_33 = tpu.memref_slice %arg7[%mul3A_30] : memref<655360xf32, #tpu.memory_space<hbm>> -> memref<20480xf32, #tpu.memory_space<hbm>>
      tpu.enqueue_dma source(%arg13 : memref<20480xf32, #tpu.memory_space<vmem>>) target(%dma_start3A_33 : memref<20480xf32, #tpu.memory_space<hbm>>) target_semaphore(%run_scoped3A : memref<!tpu.dma_semaphore, #tpu.memory_space<semaphore_mem>>)
      %dma_wait3A = tpu.memref_slice %arg7[%mul3A_30] : memref<655360xf32, #tpu.memory_space<hbm>> -> memref<20480xf32, #tpu.memory_space<hbm>>
      %dma_wait3A_34 = tpu.memref_slice %arg7[%mul3A_30] : memref<655360xf32, #tpu.memory_space<hbm>> -> memref<20480xf32, #tpu.memory_space<hbm>>
      tpu.wait_dma2 semaphore(%run_scoped3A : memref<!tpu.dma_semaphore, #tpu.memory_space<semaphore_mem>>) src(%arg13 : memref<20480xf32, #tpu.memory_space<vmem>>) dst(%dma_wait3A_34 : memref<20480xf32, #tpu.memory_space<hbm>>)
      tpu.yield
    }) : () -> ()
    %mul3A_31 = arith.constant 64 : i32
    %mul3A_32 = arith.muli %mul3A_2, %mul3A_31 : i32
    "tpu.region"() ({
      %run_scoped3A = tpu.sem_alloc : memref<!tpu.dma_semaphore, #tpu.memory_space<semaphore_mem>>
      %dma_start3A = tpu.memref_slice %arg8[%mul3A_32] : memref<655360xf32, #tpu.memory_space<hbm>> -> memref<20480xf32, #tpu.memory_space<hbm>>
      %dma_start3A_33 = tpu.memref_slice %arg8[%mul3A_32] : memref<655360xf32, #tpu.memory_space<hbm>> -> memref<20480xf32, #tpu.memory_space<hbm>>
      tpu.enqueue_dma source(%arg14 : memref<20480xf32, #tpu.memory_space<vmem>>) target(%dma_start3A_33 : memref<20480xf32, #tpu.memory_space<hbm>>) target_semaphore(%run_scoped3A : memref<!tpu.dma_semaphore, #tpu.memory_space<semaphore_mem>>)
      %dma_wait3A = tpu.memref_slice %arg8[%mul3A_32] : memref<655360xf32, #tpu.memory_space<hbm>> -> memref<20480xf32, #tpu.memory_space<hbm>>
      %dma_wait3A_34 = tpu.memref_slice %arg8[%mul3A_32] : memref<655360xf32, #tpu.memory_space<hbm>> -> memref<20480xf32, #tpu.memory_space<hbm>>
      tpu.wait_dma2 semaphore(%run_scoped3A : memref<!tpu.dma_semaphore, #tpu.memory_space<semaphore_mem>>) src(%arg14 : memref<20480xf32, #tpu.memory_space<vmem>>) dst(%dma_wait3A_34 : memref<20480xf32, #tpu.memory_space<hbm>>)
      tpu.yield
    }) : () -> ()
    return
  }
}

module attributes {stable_mosaic.version = 14 : i64} {
  func.func @_tca_body(%arg0: i32, %arg1: memref<1280x8xf32, #tpu.memory_space<vmem>>, %arg2: memref<8x128xf32, #tpu.memory_space<vmem>>, %arg3: memref<1280x144xf32, #tpu.memory_space<vmem>>) attributes {dimension_semantics = [#tpu.dimension_semantics<arbitrary>], iteration_bounds = array<i64: 8>, scalar_prefetch = 0 : i64, scratch_operands = 0 : i64, tpu.core_type = #tpu.core_type<tc>, window_params = [{transform_indices = @transform_0, window_bounds = array<i64: 1280, 8>}, {pipeline_mode = #tpu.pipeline_mode<synchronous>, transform_indices = @transform_1, window_bounds = array<i64: 8, 128>}, {transform_indices = @transform_2, window_bounds = array<i64: 1280, 144>}]} {
    %get3A = arith.constant 0 : index
    %get3A_0 = arith.constant 0 : index
    %get3A_1 = vector.load %arg1[%get3A, %get3A_0] : memref<1280x8xf32, #tpu.memory_space<vmem>>, vector<1280x8xf32>
    %get3A_2 = arith.constant 0 : index
    %get3A_3 = arith.constant 0 : index
    %get3A_4 = vector.load %arg2[%get3A_2, %get3A_3] : memref<8x128xf32, #tpu.memory_space<vmem>>, vector<8x128xf32>
    %dot_general3A = arith.constant dense<0.000000e+00> : vector<1280x128xf32>
    %dot_general3A_5 = tpu.matmul %get3A_1, %get3A_4, %dot_general3A {dimension_numbers = #tpu.dot_dimension_numbers<[1], [0], [0], [1], [0, 0, 1, 1], [], []>, transpose_lhs_hint = false} : vector<1280x8xf32>, vector<8x128xf32>, vector<1280x128xf32> -> vector<1280x128xf32>
    %slice3A = vector.extract_strided_slice %get3A_1 {offsets = [0, 0], sizes = [1280, 5], strides = [1, 1]} : vector<1280x8xf32> to vector<1280x5xf32>
    %swap3A = arith.constant 0 : index
    %swap3A_6 = arith.constant 0 : index
    %swap3A_7 = vector.load %arg3[%swap3A, %swap3A_6] : memref<1280x144xf32, #tpu.memory_space<vmem>>, vector<1280x5xf32>
    tpu.vector_store %arg3[%swap3A, %swap3A_6], %slice3A {strides = array<i32>} : memref<1280x144xf32, #tpu.memory_space<vmem>>, vector<1280x5xf32>,
    %swap3A_8 = arith.constant 0 : index
    %swap3A_9 = arith.constant 5 : index
    %swap3A_10 = vector.load %arg3[%swap3A_8, %swap3A_9] : memref<1280x144xf32, #tpu.memory_space<vmem>>, vector<1280x5xf32>
    tpu.vector_store %arg3[%swap3A_8, %swap3A_9], %slice3A {strides = array<i32>} : memref<1280x144xf32, #tpu.memory_space<vmem>>, vector<1280x5xf32>,
    %broadcast_in_dim3A = arith.constant 1.000000e+00 : f32
    %broadcast_in_dim3A_11 = vector.broadcast %broadcast_in_dim3A : f32 to vector<1280x1xf32>
    %swap3A_12 = arith.constant 0 : index
    %swap3A_13 = arith.constant 10 : index
    %swap3A_14 = vector.load %arg3[%swap3A_12, %swap3A_13] : memref<1280x144xf32, #tpu.memory_space<vmem>>, vector<1280x1xf32>
    tpu.vector_store %arg3[%swap3A_12, %swap3A_13], %broadcast_in_dim3A_11 {strides = array<i32>} : memref<1280x144xf32, #tpu.memory_space<vmem>>, vector<1280x1xf32>,
    %broadcast_in_dim3A_15 = arith.constant 0.000000e+00 : f32
    %broadcast_in_dim3A_16 = vector.broadcast %broadcast_in_dim3A_15 : f32 to vector<1280x5xf32>
    %swap3A_17 = arith.constant 0 : index
    %swap3A_18 = arith.constant 11 : index
    %swap3A_19 = vector.load %arg3[%swap3A_17, %swap3A_18] : memref<1280x144xf32, #tpu.memory_space<vmem>>, vector<1280x5xf32>
    tpu.vector_store %arg3[%swap3A_17, %swap3A_18], %broadcast_in_dim3A_16 {strides = array<i32>} : memref<1280x144xf32, #tpu.memory_space<vmem>>, vector<1280x5xf32>,
    %swap3A_20 = arith.constant 0 : index
    %swap3A_21 = arith.constant 16 : index
    %swap3A_22 = vector.load %arg3[%swap3A_20, %swap3A_21] : memref<1280x144xf32, #tpu.memory_space<vmem>>, vector<1280x128xf32>
    tpu.vector_store %arg3[%swap3A_20, %swap3A_21], %dot_general3A_5 {strides = array<i32>} : memref<1280x144xf32, #tpu.memory_space<vmem>>, vector<1280x128xf32>,
    return
  }
  func.func @transform_0(%arg0: i32) -> (i32, i32) {
    %c0_i32 = arith.constant 0 : i32
    %c0_i32_0 = arith.constant 0 : i32
    return %arg0, %c0_i32 : i32, i32
  }
  func.func @transform_1(%arg0: i32) -> (i32, i32) {
    %c0_i32 = arith.constant 0 : i32
    %c0_i32_0 = arith.constant 0 : i32
    %c0_i32_1 = arith.constant 0 : i32
    return %c0_i32, %c0_i32_0 : i32, i32
  }
  func.func @transform_2(%arg0: i32) -> (i32, i32) {
    %c0_i32 = arith.constant 0 : i32
    %c0_i32_0 = arith.constant 0 : i32
    return %arg0, %c0_i32 : i32, i32
  }
}

module attributes {stable_mosaic.version = 14 : i64} {
  func.func @_ewsum_body(%arg0: memref<1250x128xf32, #tpu.memory_space<vmem>>, %arg1: memref<1x1xf32, #tpu.memory_space<vmem>>) attributes {dimension_semantics = [], scalar_prefetch = 0 : i64, scratch_operands = 0 : i64, tpu.core_type = #tpu.core_type<tc>} {
    %get3A = arith.constant 0 : index
    %get3A_0 = arith.constant 0 : index
    %get3A_1 = vector.load %arg0[%get3A, %get3A_0] : memref<1250x128xf32, #tpu.memory_space<vmem>>, vector<1250x128xf32>
    %reduce_sum3A = vector.shape_cast %get3A_1 : vector<1250x128xf32> to vector<1x1250x128xf32>
    %reduce_sum3A_2 = arith.constant dense<0.000000e+00> : vector<1xf32>
    %reduce_sum3A_3 = vector.multi_reduction <add>, %reduce_sum3A, %reduce_sum3A_2 [1, 2] : vector<1x1250x128xf32> to vector<1xf32>
    %reduce_sum3A_4 = vector.shape_cast %reduce_sum3A_3 : vector<1xf32> to vector<1x1x1xf32>
    %reduce_sum3A_5 = vector.extract %reduce_sum3A_4[0, 0, 0] : f32 from vector<1x1x1xf32>
    %reshape3A = vector.broadcast %reduce_sum3A_5 : f32 to vector<1x1xf32>
    %swap3A = arith.constant 0 : index
    %swap3A_6 = arith.constant 0 : index
    %swap3A_7 = vector.load %arg1[%swap3A, %swap3A_6] : memref<1x1xf32, #tpu.memory_space<vmem>>, vector<1x1xf32>
    tpu.vector_store %arg1[%swap3A, %swap3A_6], %reshape3A {strides = array<i32>} : memref<1x1xf32, #tpu.memory_space<vmem>>, vector<1x1xf32>,
    return
  }
}

</mosaic_0001>

<sc_bundles>
// kernel: kernel.5.cloned.1.call-start
scs
__scs_entry_jumppad:
0x0: {  	(pc) =	sbr.rel $0x88, $3  }
0x1: {  	(tag) =	ssettag $0x0;
	lr =	simm.s32 $0x1  }
0x2: {  	[smem:$0x3F8A] =	sst lr;
	_ =	strace $0xD0000000  }
0x3: {  	_ = 	snop  }
0x4: {  	_ = 	snop  }
0x5: {  	_ = 	snop  }
0x6: {  	_ = 	snop  }
0x7: {  	_ = 	snop  }
__scs_overlays_trampoline_lowered:
0x8: {  	[smem:$0x3F99] =	sst s0  }
0x9: {  	[smem:$0x3F9A] =	sst s1  }
0xa: {  	[smem:$0x3F9B] =	sst s2  }
0xb: {  	[smem:$0x3F9C] =	sst s3  }
0xc: {  	[smem:$0x3F9D] =	sst s4  }
0xd: {  	[smem:$0x3F9E] =	sst s5  }
0xe: {  	[smem:$0x3F9F] =	sst s6  }
0xf: {  	[smem:$0x3FA0] =	sst s7  }
0x10: {  	[smem:$0x3FA1] =	sst s8  }
0x11: {  	[smem:$0x3FA2] =	sst s9;
	s0 =	simm.s32 @!p0 $0x0  }
0x12: {  	s1 =	sld [smem:$0x3F88];
	s0 =	simm.s32 @p0 $0x1  }
0x13: {  	[smem:$0x3FA3] =	sst s0;
	s0 =	simm.s32 @!p1 $0x0  }
0x14: {  	s2 =	sld [smem:$0x3F87];
	s0 =	simm.s32 @p1 $0x1  }
0x15: {  	[smem:$0x3FA4] =	sst s0;
	s0 =	simm.s32 @!p2 $0x0  }
0x16: {  	s3 =	sld [smem:$0x3FDB];
	s0 =	simm.s32 @p2 $0x1  }
0x17: {  	s4 =	simm.s32 $0x1BF5;
	[smem:$0x3FA6] =	sst s0  }
0x18: {  	s0 =	sld [smem:$0x3F89];
	_ =	swait.ge [sflag:s4], $0x0  }
0x19: {  	s7 =	sld [smem:$0x3F8A]  }
0x1a: {  	s8 =	sadd.s32 $0xFFFFE003, lr  }
0x1b: {  	s9 =	sadd.s32 $0xFFFFFEF7, lr;
	s5 =	simm.s32 $0xFFFFFFFF;
	p2 =	slt.u32 s8, $0xFFFFF086  }
0x1c: {  	p1 =	slt.u32 s9, $0xF7A;
	s5 =	simm.s32 @!p2 $0x0  }
0x1d: {  	s5 =	simm.s32 @p1 $0x1;
	p0 =	seq.s32 s7, s2  }
0x1e: {  	s7 =	smul.u32 @!p0 $0xF7A, s2;
	p2 =	seq.s32 @!p0 s5, $0x0  }
0x1f: {  	s9 =	smul.u32 $0xF7A, s1;
	s8 =	simm.s32 @!p0 $0x1BF5;
	p2 =	por !p2, p0  }
0x20: {  	[sflag:s8] =	ssyncset.s32 @!p0 $0xFFFFF086;
	s6 =	sadd.s32 @!p0 s3, s7;
	s7 =	simm.s32 @!p0 $0x108  }
0x21: {  	s3 =	sadd.s32 s3, s9;
	s6 =	sadd.s32 @!p0 $0x88, s6;
	s7 =	simm.s32 @p2 $0x1082  }
0x22: {  	[simem:s7], [sflag:s8] =	dma.local @!p0 [hbm:s6], $0xF7A  }
0x23: {  	s9 =	sor.u32 $0xD0000000, s2;
	s6 =	simm.s32 $0x108;
	_ =	swait.ge @!p0 [sflag:s8], $0x0  }
0x24: {  	s3 =	sadd.s32 $0x88, s3;
	s6 =	simm.s32 @!p1 $0x1082;
	[sflag:s4] =	ssyncset.s32 $0xFFFFF086  }
0x25: {  	[simem:s6], [sflag:s4] =	dma.local [hbm:s3], $0xF7A  }
0x26: {  	[smem:$0x3F8A] =	sst s1;
	(tag) =	ssettag s2;
	_ =	strace s9  }
0x27: {  	s1 =	sld [smem:$0x3F9A]  }
0x28: {  	s2 =	sld [smem:$0x3F9B]  }
0x29: {  	s4 =	sld [smem:$0x3F9D]  }
0x2a: {  	p0 =	seq.s32 s5, $0x0;
	s5 =	sld [smem:$0x3F9E]  }
0x2b: {  	s6 =	sld [smem:$0x3F9F]  }
0x2c: {  	s7 =	sld [smem:$0x3FA0]  }
0x2d: {  	s3 =	simm.s32 $0x108;
	s8 =	sld [smem:$0x3FA1]  }
0x2e: {  	s3 =	simm.s32 @!p0 $0x1082;
	s9 =	sld [smem:$0x3FA2]  }
0x2f: {  	lr =	sadd.s32 s0, s3;
	s0 =	sld [smem:$0x3F99]  }
0x30: {  	s3 =	sld [smem:$0x3F9C]  }
0x31: {  	[smem:$0x3FA5] =	sst s10  }
0x32: {  	s10 =	sld [smem:$0x3FA3];
	_ =	sdelay $0x3  }
0x33: {  	p0 =	seq.s32 s10, $0x1;
	s10 =	sld [smem:$0x3FA5];
	_ =	sdelay $0x3  }
0x34: {  	[smem:$0x3FA5] =	sst s10  }
0x35: {  	s10 =	sld [smem:$0x3FA4];
	_ =	sdelay $0x3  }
0x36: {  	p1 =	seq.s32 s10, $0x1;
	s10 =	sld [smem:$0x3FA5];
	_ =	sdelay $0x3  }
0x37: {  	[smem:$0x3FA5] =	sst s10  }
0x38: {  	s10 =	sld [smem:$0x3FA6]  }
0x39: {  	_ = 	snop;
	(pc) =	sbr.ind lr, $3  }
0x3a: {  	_ = 	snop  }
0x3b: {  	_ = 	snop  }
0x3c: {  	p2 =	seq.s32 s10, $0x1;
	s10 =	sld [smem:$0x3FA5]  }
0x3d: {  	_ =	shalt  }
0x3e: {  	_ =	shalt  }
0x3f: {  	_ =	shalt  }
0x40: {  	_ =	shalt  }
0x41: {  	_ =	shalt  }
0x42: {  	_ =	shalt  }
0x43: {  	_ =	shalt  }
0x44: {  	_ =	shalt  }
0x45: {  	_ =	shalt  }
0x46: {  	_ =	shalt  }
0x47: {  	_ =	shalt  }
0x48: {  	_ =	shalt  }
0x49: {  	_ =	shalt  }
0x4a: {  	_ =	shalt  }
0x4b: {  	_ =	shalt  }
0x4c: {  	_ =	shalt  }
0x4d: {  	_ =	shalt  }
0x4e: {  	_ =	shalt  }
0x4f: {  	_ =	shalt  }
0x50: {  	_ =	shalt  }
0x51: {  	_ =	shalt  }
0x52: {  	_ =	shalt  }
0x53: {  	_ =	shalt  }
0x54: {  	_ =	shalt  }
0x55: {  	_ =	shalt  }
0x56: {  	_ =	shalt  }
0x57: {  	_ =	shalt  }
0x58: {  	_ =	shalt  }
0x59: {  	_ =	shalt  }
0x5a: {  	_ =	shalt  }
0x5b: {  	_ =	shalt  }
0x5c: {  	_ =	shalt  }
0x5d: {  	_ =	shalt  }
0x5e: {  	_ =	shalt  }
0x5f: {  	_ =	shalt  }
0x60: {  	_ =	shalt  }
0x61: {  	_ =	shalt  }
0x62: {  	_ =	shalt  }
0x63: {  	_ =	shalt  }
0x64: {  	_ =	shalt  }
0x65: {  	_ =	shalt  }
0x66: {  	_ =	shalt  }
0x67: {  	_ =	shalt  }
0x68: {  	_ =	shalt  }
0x69: {  	_ =	shalt  }
0x6a: {  	_ =	shalt  }
0x6b: {  	_ =	shalt  }
0x6c: {  	_ =	shalt  }
0x6d: {  	_ =	shalt  }
0x6e: {  	_ =	shalt  }
0x6f: {  	_ =	shalt  }
0x70: {  	_ =	shalt  }
0x71: {  	_ =	shalt  }
0x72: {  	_ =	shalt  }
0x73: {  	_ =	shalt  }
0x74: {  	_ =	shalt  }
0x75: {  	_ =	shalt  }
0x76: {  	_ =	shalt  }
0x77: {  	_ =	shalt  }
0x78: {  	_ =	shalt  }
0x79: {  	_ =	shalt  }
0x7a: {  	_ =	shalt  }
0x7b: {  	_ =	shalt  }
0x7c: {  	_ =	shalt  }
0x7d: {  	_ =	shalt  }
0x7e: {  	_ =	shalt  }
0x7f: {  	_ =	shalt  }
0x80: {  	_ =	shalt  }
0x81: {  	_ =	shalt  }
0x82: {  	_ =	shalt  }
0x83: {  	_ =	shalt  }
0x84: {  	_ =	shalt  }
0x85: {  	_ =	shalt  }
0x86: {  	_ =	shalt  }
0x87: {  	_ =	shalt  }
.Lfunc_end0:
.L_simem_size_0:
called_computation.3_lowered:
.L_overlay_start_0:
0x88: {  	s2 =	sld [smem:$0x3FD9]  }
0x89: {  	s3 =	sld [smem:$0x3FFE];
	_ =	sdelay $0x1  }
0x8a: {  	s1 =	srdreg.scid  }
0x8b: {  	s0 =	sand.u32 $0x1, s1  }
0x8c: {  	s17 =	sshll.u32 s0, $0xA;
	s2 =	sadd.s32 s3, s2  }
0x8d: {  	s2 =	sadd.s32 s2, s17  }
0x8e: {  	[smem:$0x3FB1] =	sst s2  }
0x8f: {  	_ = 	snop  }
0x90: {  	s2 =	sld [smem:$0x3FC6];
	(tm) =	ssettm $0x1  }
0x91: {  	s18 =	sld [smem:$0x3FFB];
	_ =	sdelay $0x3  }
0x92: {  	_ =	strace s18  }
0x93: {  	s3 =	sld [smem:$0x3FFC];
	_ =	sdelay $0x3  }
0x94: {  	_ =	strace s3  }
0x95: {  	s3 =	sld [smem:$0x3FFD];
	_ =	sdelay $0x3  }
0x96: {  	_ =	strace s3  }
0x97: {  	_ =	strace $0x8FFFFFFF  }
0x98: {  	s19 =	sld [smem:$0x3FDB];
	_ =	sdelay $0x1  }
0x99: {  	s4 =	simm.s32 $_scs_section_size  }
0x9a: {  	s5 =	simm.s32 $_size__tile_overlayer_lowered;
	s6 =	simm.s32 $_tile_overlayer_lowered  }
0x9b: {  	s22 =	simm.s32 $0x1BFF;
	s21 =	sshll.u32 s6, $0x1;
	s3 =	sadd.s32 s4, s19  }
0x9c: {  	s7 =	simm.s32 $0x0;
	s20 =	sshll.u32 s5, $0x1;
	s5 =	sadd.s32 s21, s3  }
0x9d: {  	[timem:s7], [sflag:s22] =	dma.local [hbm:s5], s20  }
0x9e: {  	_ =	swait.ge [sflag:s22], s20  }
0x9f: {  	s4 =	ssub.s32 $0x0, s20;
	[sflag:s22] =	ssyncset.done $0x0  }
0xa0: {  	[sflag:s22] =	ssyncadd.s32 s4;
	_ =	sdelay $0x1  }
0xa1: {  	s23 =	simm.s32 $0x1B8B  }
0xa2: {  	_ =	swait.ge [sflag:s23], $0x1  }
0xa3: {  	[sflag:s23] =	ssyncset.done $0x0  }
0xa4: {  	s25 =	simm.s32 $0x1B8E;
	s24 =	sld [smem:$0x3FFE];
	[sflag:s23] =	ssyncadd.s32 $0xFFFFFFFF  }
0xa5: {  	s26 =	simm.s32 $execute0_lowered;
	[smem:$0x3FD2] =	sst s25  }
0xa6: {  	s5 =	sshll.u32 s26, $0x1;
	_ =	strace $0x80000046;
	[dreg:$0x1] =	wrdreg $0xFFFFFFFF  }
0xa7: {  	s28 =	simm.s32 $_size_execute0_lowered;
	s3 =	sadd.s32 s3, s5;
	[dreg:$0x0] =	wrdreg $0x0  }
0xa8: {  	s5 =	sshll.u32 s28, $0x1;
	[dreg:$0x2] =	wrdreg s3  }
0xa9: {  	[dreg:$0x3] =	wrdreg s5  }
0xaa: {  	[dreg:$0x4] =	wrdreg $0xC0  }
0xab: {  	_ =	task [dreg:s7], $0x5FFFF  }
0xac: {  	[dreg:$0x1] =	wrdreg $0xFFFFFFFF  }
0xad: {  	[dreg:$0x0] =	wrdreg $0x60  }
0xae: {  	[dreg:$0x2] =	wrdreg s24  }
0xaf: {  	[dreg:$0x3] =	wrdreg s2  }
0xb0: {  	[dreg:$0x4] =	wrdreg $0x9  }
0xb1: {  	_ =	task.clear_ibuf [dreg:s7], $0x5FFFF;
	_ =	strace $0x90000046  }
0xb2: {  	s29 =	simm.s32 $0x9;
	_ =	strace $0x80000048  }
0xb3: {  	_ =	swait.ge [sflag:s29], $0x1  }
0xb4: {  	[sflag:s29] =	ssyncadd.s32 $0xFFFFFFFF  }
0xb5: {  	_ =	strace $0x90000048  }
0xb6: {  	_ =	sfence  }
0xb7: {  	s30 =	sld [smem:$0x0];
	_ =	sdelay $0x2  }
0xb8: {  	s31 =	sshll.u32 s1, $0xD;
	s1 =	sshrl.u32 s1, $0x2  }
0xb9: {  	s3 =	sand.u32 $0x4000, s31;
	s1 =	sadd.s32 s1, s30  }
0xba: {  	s0 =	sor.u32 s3, s0;
	s1 =	sshll.u32 s1, $0x11  }
0xbb: {  	s0 =	sor.u32 s1, s0  }
0xbc: {  	s0 =	sadd.s32 $0x8F2B, s0  }
0xbd: {  	[sflag:s0] =	ssyncadd.remote.s32 $0x1  }
0xbe: {  	_ =	sfence.sel $0xFFFF  }
0xbf: {  	[dreg:$0x0] =	wrdreg $0xFFFFFFFF;
	(pc) =	sbr.abs _section_cstart, $3  }
0xc0: {  	[dreg:$0x1] =	wrdreg $0xFFFFFFFF  }
0xc1: {  	_ =	task.clear_ibuf [dreg:s7], $0x2FFFF;
	_ =	strace $0x9FFFFFFF  }
0xc2: {  	(tm) =	ssettm $0x7FFFFFFF  }
0xc3: {  	_ =	shalt  }
tec
execute0_lowered:
.L_overlay_start_1:
0x0: {  	(tag) =	ssettag $0x1  }
0x1: {  	s2 =	rddreg [dreg:$0x0]  }
0x2: {  	s1 =	srdreg.scid;
	s0 =	stileid.u32  }
0x3: {  	s3 =	rddreg [dreg:$0x1];
	s4 =	simm.s32 $0x0;
	s12 =	simm.s32 $0x2  }
0x4: {  	s13 =	simm.s32 $0x7D0;
	s14 =	simm.s32 $0xFA0;
	s16 =	simm.s32 $0x1  }
0x5: {  	s17 =	simm.s32 $0x1770;
	s7 =	sand.u32 $0x1, s1;
	s5 =	sshll.u32 s0, $0x1  }
0x6: {  	s18 =	simm.s32 $0x2B70;
	s19 =	simm.s32 $0x7B70;
	s8 =	sor.u32 s7, s5  }
0x7: {  	s20 =	simm.s32 $0x0;
	s1 =	rddreg [dreg:$0x2];
	s9 =	smul.u32 $0x280, s8  }
0x8: {  	[smem:$0x7FF] =	sst s4;
	s6 =	sadd.s32 $0x5000, s2;
	s10 =	smul.u32 $0xA00, s8  }
.Ltmp0:
0x9: {  	_ =	strace $0x80000047;
	s11 =	ssub.s32 $0x2, s7;
	(pc) =	sbr.rel .LBB2_1-.Ltmp0, $4  }
0xa: {  	s5 =	sadd.s32 $0xA000, s2;
	s7 =	smul.u32 $0x140, s8;
	s31 =	sshrl.u32 s11, $0x1  }
0xb: {  	s11 =	ssub.s32 s11, s31;
	s30 =	sadd.s32 s9, s2;
	s10 =	sadd.s32 s10, s2  }
0xc: {  	v2 =	vimm.f32 $0.0e+00;
	v3 =	vimm.f32 $-3.000000010e+38;
	v4 =	vimm.s32 $0x0;
	s15 =	sadd.s32 $0x140, s7;
	s11 =	smax.u32 s11, $0x1;
	s8 =	sadd.s32 $0x37000, s30  }
0xd: {  	vm0 =	vmmov $0xffff;
	v0 =	vmov s7;
	s9 =	sadd.s32 $0x3C000, s10;
	s10 =	sadd.s32 $0x50000, s10;
	v1 =	vmov s15;
	s15 =	simm.s32 $0xCB70  }
.LBB2_11:
0xe: {  	[hbm4b:s8+s4] =	stream.linear.scatter [tilespmem:s17], [sflag:$0x2], $0x1400, $0x38;
	[tilespmem:$0xD470] =	vst v63  }
0xf: {  	_ =	swait.ge [sflag:s12], $0x1400  }
0x10: {  	[sflag:s12] =	ssyncset.done $0x0  }
0x11: {  	[sflag:s12] =	ssyncadd.s32 $0xFFFFEC00  }
0x12: {  	[hbm4b:s9+s4] =	stream.linear.scatter [tilespmem:s18], [sflag:$0x2], $0x5000, $0x38;
	[tilespmem:$0xD470] =	vst v63  }
0x13: {  	s20 =	sadd.s32 $0x1, s20;
	_ =	swait.ge [sflag:s12], $0x5000  }
0x14: {  	p0 =	sne.s32 s20, s11;
	[sflag:s12] =	ssyncset.done $0x0  }
.Ltmp1:
0x15: {  	[sflag:s12] =	ssyncadd.s32 $0xFFFFB000;
	(pc) =	sbr.rel @!p0 .LBB2_12-.Ltmp1, $4  }
0x16: {  	[hbm4b:s10+s4] =	stream.linear.scatter [tilespmem:s19], [sflag:$0x2], $0x5000, $0x38;
	[tilespmem:$0xD470] =	vst v63  }
0x17: {  	_ =	swait.ge [sflag:s12], $0x5000  }
0x18: {  	[sflag:s12] =	ssyncset.done $0x0  }
0x19: {  	[sflag:s12] =	ssyncadd.s32 $0xFFFFB000  }
.LBB2_1:
0x1a: {  	s21 =	simm.s32 $0x40;
	s22 =	simm.s32 $0x0  }
.LBB2_2:
0x1b: {  	p0 =	sne.s32 s21, $0x4FC0;
	[tilespmem:s22+$0x1770] =	vst v2;
	s22 =	smov.u32 s21;
	s21 =	sadd.s32 $0x40, s21  }
.Ltmp2:
0x1c: {  	(pc) =	sbr.rel @p0 .LBB2_2-.Ltmp2, $2  }
0x1d: {  	_ =	sdelay $0x2  }
0x1e: {  	s22 =	sshra.s32 s22, $0x2  }
0x1f: {  	[tilespmem:s22+$0x1770] =	vst v2;
	s21 =	simm.s32 $0x0;
	s22 =	simm.s32 $0x40;
	s23 =	simm.s32 $0x0  }
.LBB2_4:
0x20: {  	p0 =	sne.s32 s22, $0x13FC0;
	[tilespmem:s23+$0x2B70] =	vst v3;
	s24 =	smov.u32 s22;
	s22 =	sadd.s32 $0x40, s22  }
.Ltmp3:
0x21: {  	[tilespmem:s23+$0x7B70] =	vst v3;
	(pc) =	sbr.rel @p0 .LBB2_4-.Ltmp3, $2  }
0x22: {  	_ =	sdelay $0x2  }
0x23: {  	s23 =	sshra.s32 s24, $0x2  }
.Ltmp4:
0x24: {  	(pc) =	sbr.rel .LBB2_6-.Ltmp4, $3  }
0x25: {  	_ =	sdelay $0x1  }
0x26: {  	[tilespmem:s23+$0x2B70] =	vst v3  }
0x27: {  	[tilespmem:s23+$0x7B70] =	vst v3  }
.LBB2_10:
0x28: {  	s21 =	sadd.s32 $0x1, s21  }
0x29: {  	p0 =	sne.s32 s21, $0x50  }
.Ltmp5:
0x2a: {  	_ = 	snop;
	(pc) =	sbr.rel @!p0 .LBB2_11-.Ltmp5, $1  }
0x2b: {  	_ =	sdelay $0x3  }
.LBB2_6:
0x2c: {  	s23 =	smul.u32 $0xFA, s21;
	_ =	sdelay $0x1  }
0x2d: {  	s22 =	simm.s32 $0x0;
	s24 =	sadd.s32 s2, s23  }
0x2e: {  	[tilespmem:s22], [sflag:$0x2] =	stream.linear.gather [hbm4b:s24+s22], $0x7D0, $0x38;
	[tilespmem:$0xD470] =	vst v63  }
0x2f: {  	_ =	swait.ge [sflag:s12], $0x7D0  }
0x30: {  	[sflag:s12] =	ssyncset.done $0x0  }
0x31: {  	s31 =	sadd.s32 s6, s23;
	[sflag:s12] =	ssyncadd.s32 $0xFFFFF830  }
0x32: {  	[tilespmem:s13], [sflag:$0x2] =	stream.linear.gather [hbm4b:s31+s22], $0x7D0, $0x38;
	[tilespmem:$0xD470] =	vst v63  }
0x33: {  	_ =	swait.ge [sflag:s12], $0x7D0  }
0x34: {  	[sflag:s12] =	ssyncset.done $0x0  }
.Ltmp6:
0x35: {  	s23 =	sadd.s32 s3, s23;
	[sflag:s12] =	ssyncadd.s32 $0xFFFFF830;
	(pc) =	sbr.rel .LBB2_7-.Ltmp6, $4  }
0x36: {  	[tilespmem:s14], [sflag:$0x2] =	stream.linear.gather [hbm4b:s23+s22], $0x7D0, $0x38;
	[tilespmem:$0xD470] =	vst v63  }
0x37: {  	_ =	swait.ge [sflag:s12], $0x7D0  }
0x38: {  	[sflag:s12] =	ssyncset.done $0x0  }
0x39: {  	[sflag:s12] =	ssyncadd.s32 $0xFFFFF830  }
.LBB2_9:
0x3a: {  	s22 =	sadd.s32 $0x40, s22  }
0x3b: {  	p0 =	sne.s32 s22, $0x1F40  }
.Ltmp7:
0x3c: {  	_ = 	snop;
	(pc) =	sbr.rel @!p0 .LBB2_10-.Ltmp7, $1  }
0x3d: {  	_ =	sdelay $0x3  }
.LBB2_7:
0x3e: {  	s23 =	sshra.s32 s22, $0x2  }
0x3f: {  	v5 =	vld [tilespmem:s23+$0x0];
	_ =	sdelay $0x4  }
0x40: {  	vm1 =	vge.s32 v5, v0;
	vm2 =	vlt.s32 v5, v1  }
0x41: {  	vm1 =	vmand vm1, vm2  }
0x42: {  	v7 =	vsel vm1, $0x1, v4  }
0x43: {  	(xrf0) =	vadd.scan.msk.s32 $0xffff, v7;
	_ =	sdelay $0x5  }
0x44: {  	v6, _, _ =	vpop (xrf0)  }
0x45: {  	(v2sf) =	vpush v6, $0xF;
	_ =	sdelay $0xe  }
0x46: {  	s24 =	spop (v2sf)  }
0x47: {  	p0 =	slt.s32 s24, $0x1  }
.Ltmp8:
0x48: {  	_ = 	snop;
	(pc) =	sbr.rel @p0 .LBB2_9-.Ltmp8, $1  }
0x49: {  	_ =	sdelay $0x3  }
0x4a: {  	v6 =	vld [tilespmem:s23+$0x7D0];
	_ =	sdelay $0x4  }
0x4b: {  	v8 =	vnsel vm1, $0x0, v6;
	_ =	sdelay $0x4  }
0x4c: {  	v6 =	vld [tilespmem:s23+$0xFA0];
	[tilespmem:s15], [sflag:$0x1] =	stream.indirect_vreg.gather [hbm4b:s5+s4], $0x90, v8, vm0, $0xb8  }
0x4d: {  	_ =	swait.ge [sflag:s16], $0x900  }
0x4e: {  	(v2sf) =	vpush v7, $0x0;
	_ =	sdelay $0xe  }
0x4f: {  	s25 =	spop (v2sf)  }
0x50: {  	p1 =	seq.s32 s25, $0x0  }
0x51: {  	(v2sf) =	vpush @!p1 v5, $0x0;
	_ =	sdelay $0x6  }
0x52: {  	v8 =	vlaneseq.u32 @!p1;
	_ =	sdelay $0x2  }
0x53: {  	[sflag:s16] =	ssyncset.done $0x0  }
0x54: {  	[sflag:s16] =	ssyncadd.s32 $0xFFFFF700;
	s23 =	simm.s32 @!p1 $0xCB70  }
0x55: {  	v9 =	vld.idx.msk @!p1 [tilespmem:v8+s23+$0x0], $0xffff;
	_ =	sdelay $0x1  }
0x56: {  	v10 =	vbroadcast @!p1 v6, $0x0  }
0x57: {  	vm1 =	vmmov @!p1 $0x1f;
	v11 =	vor.u32 @!p1 $0x10, v8;
	s24 =	spop @!p1 (v2sf)  }
0x58: {  	v12 =	vnsel @!p1 vm1, $0x3F800000, v10;
	s24 =	ssub.s32 @!p1 s24, s7  }
0x59: {  	v9 =	vmul.f32 @!p1 v9, v12;
	s24 =	sshll.u32 @!p1 s24, $0x6  }
0x5a: {  	s25 =	sshra.s32 @!p1 s24, $0x2  }
0x5b: {  	[tilespmem:s25+$0x1770] =	vst.add.f32.msk @!p1 $0xffff, v9  }
0x5c: {  	v9 =	vld.idx.msk @!p1 [tilespmem:v11+s23+$0x0], $0xffff;
	_ =	sdelay $0x1  }
0x5d: {  	v11 =	vld @!p1 [tilespmem:s24+$0x2B70];
	_ =	sdelay $0x1  }
0x5e: {  	v12 =	vor.u32 @!p1 $0x20, v8  }
0x5f: {  	v9 =	vmul.f32 @!p1 v9, v10;
	_ =	sdelay $0x1  }
0x60: {  	v9 =	vmax.f32 @!p1 v11, v9  }
0x61: {  	[tilespmem:s24+$0x2B70] =	vst @!p1 v9  }
0x62: {  	v9 =	vld.idx.msk @!p1 [tilespmem:v12+s23+$0x0], $0xffff;
	_ =	sdelay $0x1  }
0x63: {  	v11 =	vld @!p1 [tilespmem:s24+$0x2B80];
	_ =	sdelay $0x1  }
0x64: {  	v12 =	vor.u32 @!p1 $0x30, v8  }
0x65: {  	v9 =	vmul.f32 @!p1 v9, v10;
	_ =	sdelay $0x1  }
0x66: {  	v9 =	vmax.f32 @!p1 v11, v9  }
0x67: {  	[tilespmem:s24+$0x2B80] =	vst @!p1 v9  }
0x68: {  	v9 =	vld.idx.msk @!p1 [tilespmem:v12+s23+$0x0], $0xffff;
	_ =	sdelay $0x1  }
0x69: {  	v11 =	vld @!p1 [tilespmem:s24+$0x2B90];
	_ =	sdelay $0x1  }
0x6a: {  	v12 =	vor.u32 @!p1 $0x40, v8  }
0x6b: {  	v9 =	vmul.f32 @!p1 v9, v10;
	_ =	sdelay $0x1  }
0x6c: {  	v9 =	vmax.f32 @!p1 v11, v9  }
0x6d: {  	[tilespmem:s24+$0x2B90] =	vst @!p1 v9  }
0x6e: {  	v9 =	vld.idx.msk @!p1 [tilespmem:v12+s23+$0x0], $0xffff;
	_ =	sdelay $0x1  }
0x6f: {  	v11 =	vld @!p1 [tilespmem:s24+$0x2BA0];
	_ =	sdelay $0x1  }
0x70: {  	v12 =	vor.u32 @!p1 $0x50, v8  }
0x71: {  	v9 =	vmul.f32 @!p1 v9, v10;
	_ =	sdelay $0x1  }
0x72: {  	v9 =	vmax.f32 @!p1 v11, v9  }
0x73: {  	(v2sf) =	vpush v7, $0x1;
	v10 =	vld @!p1 [tilespmem:s24+$0x7B70];
	[tilespmem:s24+$0x2BA0] =	vst @!p1 v9  }
0x74: {  	v9 =	vld.idx.msk @!p1 [tilespmem:v12+s23+$0x0], $0xffff;
	_ =	sdelay $0x1  }
0x75: {  	v11 =	vor.u32 @!p1 $0x60, v8;
	_ =	sdelay $0x2  }
0x76: {  	v9 =	vmax.f32 @!p1 v10, v9  }
0x77: {  	v10 =	vld @!p1 [tilespmem:s24+$0x7B80];
	[tilespmem:s24+$0x7B70] =	vst @!p1 v9  }
0x78: {  	v9 =	vld.idx.msk @!p1 [tilespmem:v11+s23+$0x0], $0xffff;
	_ =	sdelay $0x1  }
0x79: {  	v11 =	vor.u32 @!p1 $0x70, v8;
	_ =	sdelay $0x2  }
0x7a: {  	v9 =	vmax.f32 @!p1 v10, v9  }
0x7b: {  	v10 =	vld @!p1 [tilespmem:s24+$0x7B90];
	[tilespmem:s24+$0x7B80] =	vst @!p1 v9  }
0x7c: {  	s26 =	spop (v2sf);
	v9 =	vld.idx.msk @!p1 [tilespmem:v11+s23+$0x0], $0xffff  }
0x7d: {  	p0 =	seq.s32 s26, $0x0  }
0x7e: {  	(v2sf) =	vpush @!p0 v5, $0x1;
	v8 =	vor.u32 @!p1 $0x80, v8;
	_ =	sdelay $0x2  }
0x7f: {  	v9 =	vmax.f32 @!p1 v10, v9  }
0x80: {  	[tilespmem:s24+$0x7B90] =	vst @!p1 v9;
	v9 =	vld @!p1 [tilespmem:s24+$0x7BA0]  }
0x81: {  	v8 =	vld.idx.msk @!p1 [tilespmem:v8+s23+$0x0], $0xffff  }
0x82: {  	v10 =	vlaneseq.u32 @!p0  }
0x83: {  	v11 =	vor.u32 @!p0 $0x90, v10;
	_ =	sdelay $0x2  }
0x84: {  	v8 =	vmax.f32 @!p1 v9, v8  }
0x85: {  	s23 =	simm.s32 @!p0 $0xCB70;
	[tilespmem:s24+$0x7BA0] =	vst @!p1 v8  }
0x86: {  	v8 =	vld.idx.msk @!p0 [tilespmem:v11+s23+$0x0], $0xffff;
	_ =	sdelay $0x1  }
0x87: {  	v9 =	vbroadcast @!p0 v6, $0x1  }
0x88: {  	vm1 =	vmmov @!p0 $0x1f;
	s24 =	spop @!p0 (v2sf);
	v11 =	vor.u32 @!p0 $0xA0, v10  }
0x89: {  	s24 =	ssub.s32 @!p0 s24, s7;
	v12 =	vnsel @!p0 vm1, $0x3F800000, v9  }
0x8a: {  	s24 =	sshll.u32 @!p0 s24, $0x6;
	v8 =	vmul.f32 @!p0 v8, v12  }
0x8b: {  	s25 =	sshra.s32 @!p0 s24, $0x2  }
0x8c: {  	[tilespmem:s25+$0x1770] =	vst.add.f32.msk @!p0 $0xffff, v8  }
0x8d: {  	v8 =	vld.idx.msk @!p0 [tilespmem:v11+s23+$0x0], $0xffff;
	_ =	sdelay $0x1  }
0x8e: {  	v11 =	vld @!p0 [tilespmem:s24+$0x2B70];
	_ =	sdelay $0x1  }
0x8f: {  	v12 =	vor.u32 @!p0 $0xB0, v10  }
0x90: {  	v8 =	vmul.f32 @!p0 v8, v9;
	_ =	sdelay $0x1  }
0x91: {  	v8 =	vmax.f32 @!p0 v11, v8  }
0x92: {  	[tilespmem:s24+$0x2B70] =	vst @!p0 v8  }
0x93: {  	v8 =	vld.idx.msk @!p0 [tilespmem:v12+s23+$0x0], $0xffff;
	_ =	sdelay $0x1  }
0x94: {  	v11 =	vld @!p0 [tilespmem:s24+$0x2B80];
	_ =	sdelay $0x1  }
0x95: {  	v12 =	vor.u32 @!p0 $0xC0, v10  }
0x96: {  	v8 =	vmul.f32 @!p0 v8, v9;
	_ =	sdelay $0x1  }
0x97: {  	v8 =	vmax.f32 @!p0 v11, v8  }
0x98: {  	[tilespmem:s24+$0x2B80] =	vst @!p0 v8  }
0x99: {  	v8 =	vld.idx.msk @!p0 [tilespmem:v12+s23+$0x0], $0xffff;
	_ =	sdelay $0x1  }
0x9a: {  	v11 =	vld @!p0 [tilespmem:s24+$0x2B90];
	_ =	sdelay $0x1  }
0x9b: {  	v12 =	vor.u32 @!p0 $0xD0, v10  }
0x9c: {  	v8 =	vmul.f32 @!p0 v8, v9;
	_ =	sdelay $0x1  }
0x9d: {  	v8 =	vmax.f32 @!p0 v11, v8  }
0x9e: {  	[tilespmem:s24+$0x2B90] =	vst @!p0 v8  }
0x9f: {  	v8 =	vld.idx.msk @!p0 [tilespmem:v12+s23+$0x0], $0xffff;
	_ =	sdelay $0x1  }
0xa0: {  	v11 =	vld @!p0 [tilespmem:s24+$0x2BA0];
	_ =	sdelay $0x1  }
0xa1: {  	v12 =	vor.u32 @!p0 $0xE0, v10  }
0xa2: {  	v8 =	vmul.f32 @!p0 v8, v9;
	_ =	sdelay $0x1  }
0xa3: {  	v8 =	vmax.f32 @!p0 v11, v8  }
0xa4: {  	(v2sf) =	vpush v7, $0x2;
	v9 =	vld @!p0 [tilespmem:s24+$0x7B70];
	[tilespmem:s24+$0x2BA0] =	vst @!p0 v8  }
0xa5: {  	v8 =	vld.idx.msk @!p0 [tilespmem:v12+s23+$0x0], $0xffff;
	_ =	sdelay $0x1  }
0xa6: {  	v11 =	vor.u32 @!p0 $0xF0, v10;
	_ =	sdelay $0x2  }
0xa7: {  	v8 =	vmax.f32 @!p0 v9, v8  }
0xa8: {  	v9 =	vld @!p0 [tilespmem:s24+$0x7B80];
	[tilespmem:s24+$0x7B70] =	vst @!p0 v8  }
0xa9: {  	v8 =	vld.idx.msk @!p0 [tilespmem:v11+s23+$0x0], $0xffff;
	_ =	sdelay $0x1  }
0xaa: {  	v11 =	vor.u32 @!p0 $0x100, v10;
	_ =	sdelay $0x2  }
0xab: {  	v8 =	vmax.f32 @!p0 v9, v8  }
0xac: {  	v9 =	vld @!p0 [tilespmem:s24+$0x7B90];
	[tilespmem:s24+$0x7B80] =	vst @!p0 v8  }
0xad: {  	s28 =	spop (v2sf);
	v8 =	vld.idx.msk @!p0 [tilespmem:v11+s23+$0x0], $0xffff  }
0xae: {  	p1 =	seq.s32 s28, $0x0  }
0xaf: {  	(v2sf) =	vpush @!p1 v5, $0x2;
	v10 =	vor.u32 @!p0 $0x110, v10;
	_ =	sdelay $0x2  }
0xb0: {  	v8 =	vmax.f32 @!p0 v9, v8  }
0xb1: {  	v9 =	vld @!p0 [tilespmem:s24+$0x7BA0];
	[tilespmem:s24+$0x7B90] =	vst @!p0 v8  }
0xb2: {  	v8 =	vld.idx.msk @!p0 [tilespmem:v10+s23+$0x0], $0xffff  }
0xb3: {  	v10 =	vlaneseq.u32 @!p1  }
0xb4: {  	v11 =	vor.u32 @!p1 $0x120, v10;
	_ =	sdelay $0x2  }
0xb5: {  	v8 =	vmax.f32 @!p0 v9, v8  }
0xb6: {  	s23 =	simm.s32 @!p1 $0xCB70;
	[tilespmem:s24+$0x7BA0] =	vst @!p0 v8  }
0xb7: {  	v8 =	vld.idx.msk @!p1 [tilespmem:v11+s23+$0x0], $0xffff;
	_ =	sdelay $0x1  }
0xb8: {  	v9 =	vbroadcast @!p1 v6, $0x2  }
0xb9: {  	vm1 =	vmmov @!p1 $0x1f;
	s24 =	spop @!p1 (v2sf);
	v11 =	vor.u32 @!p1 $0x130, v10  }
0xba: {  	s24 =	ssub.s32 @!p1 s24, s7;
	v12 =	vnsel @!p1 vm1, $0x3F800000, v9  }
0xbb: {  	s24 =	sshll.u32 @!p1 s24, $0x6;
	v8 =	vmul.f32 @!p1 v8, v12  }
0xbc: {  	s25 =	sshra.s32 @!p1 s24, $0x2  }
0xbd: {  	[tilespmem:s25+$0x1770] =	vst.add.f32.msk @!p1 $0xffff, v8  }
0xbe: {  	v8 =	vld.idx.msk @!p1 [tilespmem:v11+s23+$0x0], $0xffff;
	_ =	sdelay $0x1  }
0xbf: {  	v11 =	vld @!p1 [tilespmem:s24+$0x2B70];
	_ =	sdelay $0x1  }
0xc0: {  	v12 =	vor.u32 @!p1 $0x140, v10  }
0xc1: {  	v8 =	vmul.f32 @!p1 v8, v9;
	_ =	sdelay $0x1  }
0xc2: {  	v8 =	vmax.f32 @!p1 v11, v8  }
0xc3: {  	[tilespmem:s24+$0x2B70] =	vst @!p1 v8  }
0xc4: {  	v8 =	vld.idx.msk @!p1 [tilespmem:v12+s23+$0x0], $0xffff;
	_ =	sdelay $0x1  }
0xc5: {  	v11 =	vld @!p1 [tilespmem:s24+$0x2B80];
	_ =	sdelay $0x1  }
0xc6: {  	v12 =	vor.u32 @!p1 $0x150, v10  }
0xc7: {  	v8 =	vmul.f32 @!p1 v8, v9;
	_ =	sdelay $0x1  }
0xc8: {  	v8 =	vmax.f32 @!p1 v11, v8  }
0xc9: {  	[tilespmem:s24+$0x2B80] =	vst @!p1 v8  }
0xca: {  	v8 =	vld.idx.msk @!p1 [tilespmem:v12+s23+$0x0], $0xffff;
	_ =	sdelay $0x1  }
0xcb: {  	v11 =	vld @!p1 [tilespmem:s24+$0x2B90];
	_ =	sdelay $0x1  }
0xcc: {  	v12 =	vor.u32 @!p1 $0x160, v10  }
0xcd: {  	v8 =	vmul.f32 @!p1 v8, v9;
	_ =	sdelay $0x1  }
0xce: {  	v8 =	vmax.f32 @!p1 v11, v8  }
0xcf: {  	[tilespmem:s24+$0x2B90] =	vst @!p1 v8  }
0xd0: {  	v8 =	vld.idx.msk @!p1 [tilespmem:v12+s23+$0x0], $0xffff;
	_ =	sdelay $0x1  }
0xd1: {  	v11 =	vld @!p1 [tilespmem:s24+$0x2BA0];
	_ =	sdelay $0x1  }
0xd2: {  	v12 =	vor.u32 @!p1 $0x170, v10  }
0xd3: {  	v8 =	vmul.f32 @!p1 v8, v9;
	_ =	sdelay $0x1  }
0xd4: {  	v8 =	vmax.f32 @!p1 v11, v8  }
0xd5: {  	(v2sf) =	vpush v7, $0x3;
	v9 =	vld @!p1 [tilespmem:s24+$0x7B70];
	[tilespmem:s24+$0x2BA0] =	vst @!p1 v8  }
0xd6: {  	v8 =	vld.idx.msk @!p1 [tilespmem:v12+s23+$0x0], $0xffff;
	_ =	sdelay $0x1  }
0xd7: {  	v11 =	vor.u32 @!p1 $0x180, v10;
	_ =	sdelay $0x2  }
0xd8: {  	v8 =	vmax.f32 @!p1 v9, v8  }
0xd9: {  	v9 =	vld @!p1 [tilespmem:s24+$0x7B80];
	[tilespmem:s24+$0x7B70] =	vst @!p1 v8  }
0xda: {  	v8 =	vld.idx.msk @!p1 [tilespmem:v11+s23+$0x0], $0xffff;
	_ =	sdelay $0x1  }
0xdb: {  	v11 =	vor.u32 @!p1 $0x190, v10;
	_ =	sdelay $0x2  }
0xdc: {  	v8 =	vmax.f32 @!p1 v9, v8  }
0xdd: {  	v9 =	vld @!p1 [tilespmem:s24+$0x7B90];
	[tilespmem:s24+$0x7B80] =	vst @!p1 v8  }
0xde: {  	s29 =	spop (v2sf);
	v8 =	vld.idx.msk @!p1 [tilespmem:v11+s23+$0x0], $0xffff  }
0xdf: {  	p0 =	seq.s32 s29, $0x0  }
0xe0: {  	(v2sf) =	vpush @!p0 v5, $0x3;
	v10 =	vor.u32 @!p1 $0x1A0, v10;
	_ =	sdelay $0x2  }
0xe1: {  	v8 =	vmax.f32 @!p1 v9, v8  }
0xe2: {  	v9 =	vld @!p1 [tilespmem:s24+$0x7BA0];
	[tilespmem:s24+$0x7B90] =	vst @!p1 v8  }
0xe3: {  	v8 =	vld.idx.msk @!p1 [tilespmem:v10+s23+$0x0], $0xffff  }
0xe4: {  	v10 =	vlaneseq.u32 @!p0  }
0xe5: {  	v11 =	vor.u32 @!p0 $0x1B0, v10;
	_ =	sdelay $0x2  }
0xe6: {  	v8 =	vmax.f32 @!p1 v9, v8  }
0xe7: {  	s23 =	simm.s32 @!p0 $0xCB70;
	[tilespmem:s24+$0x7BA0] =	vst @!p1 v8  }
0xe8: {  	v8 =	vld.idx.msk @!p0 [tilespmem:v11+s23+$0x0], $0xffff;
	_ =	sdelay $0x1  }
0xe9: {  	v9 =	vbroadcast @!p0 v6, $0x3  }
0xea: {  	vm1 =	vmmov @!p0 $0x1f;
	s24 =	spop @!p0 (v2sf);
	v11 =	vor.u32 @!p0 $0x1C0, v10  }
0xeb: {  	s24 =	ssub.s32 @!p0 s24, s7;
	v12 =	vnsel @!p0 vm1, $0x3F800000, v9  }
0xec: {  	s24 =	sshll.u32 @!p0 s24, $0x6;
	v8 =	vmul.f32 @!p0 v8, v12  }
0xed: {  	s25 =	sshra.s32 @!p0 s24, $0x2  }
0xee: {  	[tilespmem:s25+$0x1770] =	vst.add.f32.msk @!p0 $0xffff, v8  }
0xef: {  	v8 =	vld.idx.msk @!p0 [tilespmem:v11+s23+$0x0], $0xffff;
	_ =	sdelay $0x1  }
0xf0: {  	v11 =	vld @!p0 [tilespmem:s24+$0x2B70];
	_ =	sdelay $0x1  }
0xf1: {  	v12 =	vor.u32 @!p0 $0x1D0, v10  }
0xf2: {  	v8 =	vmul.f32 @!p0 v8, v9;
	_ =	sdelay $0x1  }
0xf3: {  	v8 =	vmax.f32 @!p0 v11, v8  }
0xf4: {  	[tilespmem:s24+$0x2B70] =	vst @!p0 v8  }
0xf5: {  	v8 =	vld.idx.msk @!p0 [tilespmem:v12+s23+$0x0], $0xffff;
	_ =	sdelay $0x1  }
0xf6: {  	v11 =	vld @!p0 [tilespmem:s24+$0x2B80];
	_ =	sdelay $0x1  }
0xf7: {  	v12 =	vor.u32 @!p0 $0x1E0, v10  }
0xf8: {  	v8 =	vmul.f32 @!p0 v8, v9;
	_ =	sdelay $0x1  }
0xf9: {  	v8 =	vmax.f32 @!p0 v11, v8  }
0xfa: {  	[tilespmem:s24+$0x2B80] =	vst @!p0 v8  }
0xfb: {  	v8 =	vld.idx.msk @!p0 [tilespmem:v12+s23+$0x0], $0xffff;
	_ =	sdelay $0x1  }
0xfc: {  	v11 =	vld @!p0 [tilespmem:s24+$0x2B90];
	_ =	sdelay $0x1  }
0xfd: {  	v12 =	vor.u32 @!p0 $0x1F0, v10  }
0xfe: {  	v8 =	vmul.f32 @!p0 v8, v9;
	_ =	sdelay $0x1  }
0xff: {  	v8 =	vmax.f32 @!p0 v11, v8  }
0x100: {  	[tilespmem:s24+$0x2B90] =	vst @!p0 v8  }
0x101: {  	v8 =	vld.idx.msk @!p0 [tilespmem:v12+s23+$0x0], $0xffff;
	_ =	sdelay $0x1  }
0x102: {  	v11 =	vld @!p0 [tilespmem:s24+$0x2BA0];
	_ =	sdelay $0x1  }
0x103: {  	v12 =	vor.u32 @!p0 $0x200, v10  }
0x104: {  	v8 =	vmul.f32 @!p0 v8, v9;
	_ =	sdelay $0x1  }
0x105: {  	v8 =	vmax.f32 @!p0 v11, v8  }
0x106: {  	(v2sf) =	vpush v7, $0x4;
	v9 =	vld @!p0 [tilespmem:s24+$0x7B70];
	[tilespmem:s24+$0x2BA0] =	vst @!p0 v8  }
0x107: {  	v8 =	vld.idx.msk @!p0 [tilespmem:v12+s23+$0x0], $0xffff;
	_ =	sdelay $0x1  }
0x108: {  	v11 =	vor.u32 @!p0 $0x210, v10;
	_ =	sdelay $0x2  }
0x109: {  	v8 =	vmax.f32 @!p0 v9, v8  }
0x10a: {  	v9 =	vld @!p0 [tilespmem:s24+$0x7B80];
	[tilespmem:s24+$0x7B70] =	vst @!p0 v8  }
0x10b: {  	v8 =	vld.idx.msk @!p0 [tilespmem:v11+s23+$0x0], $0xffff;
	_ =	sdelay $0x1  }
0x10c: {  	v11 =	vor.u32 @!p0 $0x220, v10;
	_ =	sdelay $0x2  }
0x10d: {  	v8 =	vmax.f32 @!p0 v9, v8  }
0x10e: {  	v9 =	vld @!p0 [tilespmem:s24+$0x7B90];
	[tilespmem:s24+$0x7B80] =	vst @!p0 v8  }
0x10f: {  	s30 =	spop (v2sf);
	v8 =	vld.idx.msk @!p0 [tilespmem:v11+s23+$0x0], $0xffff  }
0x110: {  	p1 =	seq.s32 s30, $0x0  }
0x111: {  	(v2sf) =	vpush @!p1 v5, $0x4;
	v10 =	vor.u32 @!p0 $0x230, v10;
	_ =	sdelay $0x2  }
0x112: {  	v8 =	vmax.f32 @!p0 v9, v8  }
0x113: {  	v9 =	vld @!p0 [tilespmem:s24+$0x7BA0];
	[tilespmem:s24+$0x7B90] =	vst @!p0 v8  }
0x114: {  	v8 =	vld.idx.msk @!p0 [tilespmem:v10+s23+$0x0], $0xffff  }
0x115: {  	v10 =	vlaneseq.u32 @!p1  }
0x116: {  	v11 =	vor.u32 @!p1 $0x240, v10;
	_ =	sdelay $0x2  }
0x117: {  	v8 =	vmax.f32 @!p0 v9, v8  }
0x118: {  	s23 =	simm.s32 @!p1 $0xCB70;
	[tilespmem:s24+$0x7BA0] =	vst @!p0 v8  }
0x119: {  	v8 =	vld.idx.msk @!p1 [tilespmem:v11+s23+$0x0], $0xffff;
	_ =	sdelay $0x1  }
0x11a: {  	v9 =	vbroadcast @!p1 v6, $0x4  }
0x11b: {  	vm1 =	vmmov @!p1 $0x1f;
	s24 =	spop @!p1 (v2sf);
	v11 =	vor.u32 @!p1 $0x250, v10  }
0x11c: {  	s24 =	ssub.s32 @!p1 s24, s7;
	v12 =	vnsel @!p1 vm1, $0x3F800000, v9  }
0x11d: {  	s24 =	sshll.u32 @!p1 s24, $0x6;
	v8 =	vmul.f32 @!p1 v8, v12  }
0x11e: {  	s25 =	sshra.s32 @!p1 s24, $0x2  }
0x11f: {  	[tilespmem:s25+$0x1770] =	vst.add.f32.msk @!p1 $0xffff, v8  }
0x120: {  	v8 =	vld.idx.msk @!p1 [tilespmem:v11+s23+$0x0], $0xffff;
	_ =	sdelay $0x1  }
0x121: {  	v11 =	vld @!p1 [tilespmem:s24+$0x2B70];
	_ =	sdelay $0x1  }
0x122: {  	v12 =	vor.u32 @!p1 $0x260, v10  }
0x123: {  	v8 =	vmul.f32 @!p1 v8, v9;
	_ =	sdelay $0x1  }
0x124: {  	v8 =	vmax.f32 @!p1 v11, v8  }
0x125: {  	[tilespmem:s24+$0x2B70] =	vst @!p1 v8  }
0x126: {  	v8 =	vld.idx.msk @!p1 [tilespmem:v12+s23+$0x0], $0xffff;
	_ =	sdelay $0x1  }
0x127: {  	v11 =	vld @!p1 [tilespmem:s24+$0x2B80];
	_ =	sdelay $0x1  }
0x128: {  	v12 =	vor.u32 @!p1 $0x270, v10  }
0x129: {  	v8 =	vmul.f32 @!p1 v8, v9;
	_ =	sdelay $0x1  }
0x12a: {  	v8 =	vmax.f32 @!p1 v11, v8  }
0x12b: {  	[tilespmem:s24+$0x2B80] =	vst @!p1 v8  }
0x12c: {  	v8 =	vld.idx.msk @!p1 [tilespmem:v12+s23+$0x0], $0xffff;
	_ =	sdelay $0x1  }
0x12d: {  	v11 =	vld @!p1 [tilespmem:s24+$0x2B90];
	_ =	sdelay $0x1  }
0x12e: {  	v12 =	vor.u32 @!p1 $0x280, v10  }
0x12f: {  	v8 =	vmul.f32 @!p1 v8, v9;
	_ =	sdelay $0x1  }
0x130: {  	v8 =	vmax.f32 @!p1 v11, v8  }
0x131: {  	[tilespmem:s24+$0x2B90] =	vst @!p1 v8  }
0x132: {  	v8 =	vld.idx.msk @!p1 [tilespmem:v12+s23+$0x0], $0xffff;
	_ =	sdelay $0x1  }
0x133: {  	v11 =	vld @!p1 [tilespmem:s24+$0x2BA0];
	_ =	sdelay $0x1  }
0x134: {  	v12 =	vor.u32 @!p1 $0x290, v10  }
0x135: {  	v8 =	vmul.f32 @!p1 v8, v9;
	_ =	sdelay $0x1  }
0x136: {  	v8 =	vmax.f32 @!p1 v11, v8  }
0x137: {  	(v2sf) =	vpush v7, $0x5;
	v9 =	vld @!p1 [tilespmem:s24+$0x7B70];
	[tilespmem:s24+$0x2BA0] =	vst @!p1 v8  }
0x138: {  	v8 =	vld.idx.msk @!p1 [tilespmem:v12+s23+$0x0], $0xffff;
	_ =	sdelay $0x1  }
0x139: {  	v11 =	vor.u32 @!p1 $0x2A0, v10;
	_ =	sdelay $0x2  }
0x13a: {  	v8 =	vmax.f32 @!p1 v9, v8  }
0x13b: {  	v9 =	vld @!p1 [tilespmem:s24+$0x7B80];
	[tilespmem:s24+$0x7B70] =	vst @!p1 v8  }
0x13c: {  	v8 =	vld.idx.msk @!p1 [tilespmem:v11+s23+$0x0], $0xffff;
	_ =	sdelay $0x1  }
0x13d: {  	v11 =	vor.u32 @!p1 $0x2B0, v10;
	_ =	sdelay $0x2  }
0x13e: {  	v8 =	vmax.f32 @!p1 v9, v8  }
0x13f: {  	v9 =	vld @!p1 [tilespmem:s24+$0x7B90];
	[tilespmem:s24+$0x7B80] =	vst @!p1 v8  }
0x140: {  	s31 =	spop (v2sf);
	v8 =	vld.idx.msk @!p1 [tilespmem:v11+s23+$0x0], $0xffff  }
0x141: {  	p0 =	seq.s32 s31, $0x0  }
0x142: {  	(v2sf) =	vpush @!p0 v5, $0x5;
	v10 =	vor.u32 @!p1 $0x2C0, v10;
	_ =	sdelay $0x2  }
0x143: {  	v8 =	vmax.f32 @!p1 v9, v8  }
0x144: {  	v9 =	vld @!p1 [tilespmem:s24+$0x7BA0];
	[tilespmem:s24+$0x7B90] =	vst @!p1 v8  }
0x145: {  	v8 =	vld.idx.msk @!p1 [tilespmem:v10+s23+$0x0], $0xffff  }
0x146: {  	v10 =	vlaneseq.u32 @!p0  }
0x147: {  	v11 =	vor.u32 @!p0 $0x2D0, v10;
	_ =	sdelay $0x2  }
0x148: {  	v8 =	vmax.f32 @!p1 v9, v8  }
0x149: {  	s23 =	simm.s32 @!p0 $0xCB70;
	[tilespmem:s24+$0x7BA0] =	vst @!p1 v8  }
0x14a: {  	v8 =	vld.idx.msk @!p0 [tilespmem:v11+s23+$0x0], $0xffff;
	_ =	sdelay $0x1  }
0x14b: {  	v9 =	vbroadcast @!p0 v6, $0x5  }
0x14c: {  	vm1 =	vmmov @!p0 $0x1f;
	s24 =	spop @!p0 (v2sf);
	v11 =	vor.u32 @!p0 $0x2E0, v10  }
0x14d: {  	s24 =	ssub.s32 @!p0 s24, s7;
	v12 =	vnsel @!p0 vm1, $0x3F800000, v9  }
0x14e: {  	s24 =	sshll.u32 @!p0 s24, $0x6;
	v8 =	vmul.f32 @!p0 v8, v12  }
0x14f: {  	s25 =	sshra.s32 @!p0 s24, $0x2  }
0x150: {  	[tilespmem:s25+$0x1770] =	vst.add.f32.msk @!p0 $0xffff, v8  }
0x151: {  	v8 =	vld.idx.msk @!p0 [tilespmem:v11+s23+$0x0], $0xffff;
	_ =	sdelay $0x1  }
0x152: {  	v11 =	vld @!p0 [tilespmem:s24+$0x2B70];
	_ =	sdelay $0x1  }
0x153: {  	v12 =	vor.u32 @!p0 $0x2F0, v10  }
0x154: {  	v8 =	vmul.f32 @!p0 v8, v9;
	_ =	sdelay $0x1  }
0x155: {  	v8 =	vmax.f32 @!p0 v11, v8  }
0x156: {  	[tilespmem:s24+$0x2B70] =	vst @!p0 v8  }
0x157: {  	v8 =	vld.idx.msk @!p0 [tilespmem:v12+s23+$0x0], $0xffff;
	_ =	sdelay $0x1  }
0x158: {  	v11 =	vld @!p0 [tilespmem:s24+$0x2B80];
	_ =	sdelay $0x1  }
0x159: {  	v12 =	vor.u32 @!p0 $0x300, v10  }
0x15a: {  	v8 =	vmul.f32 @!p0 v8, v9;
	_ =	sdelay $0x1  }
0x15b: {  	v8 =	vmax.f32 @!p0 v11, v8  }
0x15c: {  	[tilespmem:s24+$0x2B80] =	vst @!p0 v8  }
0x15d: {  	v8 =	vld.idx.msk @!p0 [tilespmem:v12+s23+$0x0], $0xffff;
	_ =	sdelay $0x1  }
0x15e: {  	v11 =	vld @!p0 [tilespmem:s24+$0x2B90];
	_ =	sdelay $0x1  }
0x15f: {  	v12 =	vor.u32 @!p0 $0x310, v10  }
0x160: {  	v8 =	vmul.f32 @!p0 v8, v9;
	_ =	sdelay $0x1  }
0x161: {  	v8 =	vmax.f32 @!p0 v11, v8  }
0x162: {  	[tilespmem:s24+$0x2B90] =	vst @!p0 v8  }
0x163: {  	v8 =	vld.idx.msk @!p0 [tilespmem:v12+s23+$0x0], $0xffff;
	_ =	sdelay $0x1  }
0x164: {  	v11 =	vld @!p0 [tilespmem:s24+$0x2BA0];
	_ =	sdelay $0x1  }
0x165: {  	v12 =	vor.u32 @!p0 $0x320, v10  }
0x166: {  	v8 =	vmul.f32 @!p0 v8, v9;
	_ =	sdelay $0x1  }
0x167: {  	v8 =	vmax.f32 @!p0 v11, v8  }
0x168: {  	(v2sf) =	vpush v7, $0x6;
	v9 =	vld @!p0 [tilespmem:s24+$0x7B70];
	[tilespmem:s24+$0x2BA0] =	vst @!p0 v8  }
0x169: {  	v8 =	vld.idx.msk @!p0 [tilespmem:v12+s23+$0x0], $0xffff;
	_ =	sdelay $0x1  }
0x16a: {  	v11 =	vor.u32 @!p0 $0x330, v10;
	_ =	sdelay $0x2  }
0x16b: {  	v8 =	vmax.f32 @!p0 v9, v8  }
0x16c: {  	v9 =	vld @!p0 [tilespmem:s24+$0x7B80];
	[tilespmem:s24+$0x7B70] =	vst @!p0 v8  }
0x16d: {  	v8 =	vld.idx.msk @!p0 [tilespmem:v11+s23+$0x0], $0xffff;
	_ =	sdelay $0x1  }
0x16e: {  	v11 =	vor.u32 @!p0 $0x340, v10;
	_ =	sdelay $0x2  }
0x16f: {  	v8 =	vmax.f32 @!p0 v9, v8  }
0x170: {  	v9 =	vld @!p0 [tilespmem:s24+$0x7B90];
	[tilespmem:s24+$0x7B80] =	vst @!p0 v8  }
0x171: {  	s26 =	spop (v2sf);
	v8 =	vld.idx.msk @!p0 [tilespmem:v11+s23+$0x0], $0xffff  }
0x172: {  	p1 =	seq.s32 s26, $0x0  }
0x173: {  	(v2sf) =	vpush @!p1 v5, $0x6;
	v10 =	vor.u32 @!p0 $0x350, v10;
	_ =	sdelay $0x2  }
0x174: {  	v8 =	vmax.f32 @!p0 v9, v8  }
0x175: {  	v9 =	vld @!p0 [tilespmem:s24+$0x7BA0];
	[tilespmem:s24+$0x7B90] =	vst @!p0 v8  }
0x176: {  	v8 =	vld.idx.msk @!p0 [tilespmem:v10+s23+$0x0], $0xffff  }
0x177: {  	v10 =	vlaneseq.u32 @!p1  }
0x178: {  	v11 =	vor.u32 @!p1 $0x360, v10;
	_ =	sdelay $0x2  }
0x179: {  	v8 =	vmax.f32 @!p0 v9, v8  }
0x17a: {  	s23 =	simm.s32 @!p1 $0xCB70;
	[tilespmem:s24+$0x7BA0] =	vst @!p0 v8  }
0x17b: {  	v8 =	vld.idx.msk @!p1 [tilespmem:v11+s23+$0x0], $0xffff;
	_ =	sdelay $0x1  }
0x17c: {  	v9 =	vbroadcast @!p1 v6, $0x6  }
0x17d: {  	vm1 =	vmmov @!p1 $0x1f;
	s24 =	spop @!p1 (v2sf);
	v11 =	vor.u32 @!p1 $0x370, v10  }
0x17e: {  	s24 =	ssub.s32 @!p1 s24, s7;
	v12 =	vnsel @!p1 vm1, $0x3F800000, v9  }
0x17f: {  	s24 =	sshll.u32 @!p1 s24, $0x6;
	v8 =	vmul.f32 @!p1 v8, v12  }
0x180: {  	s25 =	sshra.s32 @!p1 s24, $0x2  }
0x181: {  	[tilespmem:s25+$0x1770] =	vst.add.f32.msk @!p1 $0xffff, v8  }
0x182: {  	v8 =	vld.idx.msk @!p1 [tilespmem:v11+s23+$0x0], $0xffff;
	_ =	sdelay $0x1  }
0x183: {  	v11 =	vld @!p1 [tilespmem:s24+$0x2B70];
	_ =	sdelay $0x1  }
0x184: {  	v12 =	vor.u32 @!p1 $0x380, v10  }
0x185: {  	v8 =	vmul.f32 @!p1 v8, v9;
	_ =	sdelay $0x1  }
0x186: {  	v8 =	vmax.f32 @!p1 v11, v8  }
0x187: {  	[tilespmem:s24+$0x2B70] =	vst @!p1 v8  }
0x188: {  	v8 =	vld.idx.msk @!p1 [tilespmem:v12+s23+$0x0], $0xffff;
	_ =	sdelay $0x1  }
0x189: {  	v11 =	vld @!p1 [tilespmem:s24+$0x2B80];
	_ =	sdelay $0x1  }
0x18a: {  	v12 =	vor.u32 @!p1 $0x390, v10  }
0x18b: {  	v8 =	vmul.f32 @!p1 v8, v9;
	_ =	sdelay $0x1  }
0x18c: {  	v8 =	vmax.f32 @!p1 v11, v8  }
0x18d: {  	[tilespmem:s24+$0x2B80] =	vst @!p1 v8  }
0x18e: {  	v8 =	vld.idx.msk @!p1 [tilespmem:v12+s23+$0x0], $0xffff;
	_ =	sdelay $0x1  }
0x18f: {  	v11 =	vld @!p1 [tilespmem:s24+$0x2B90];
	_ =	sdelay $0x1  }
0x190: {  	v12 =	vor.u32 @!p1 $0x3A0, v10  }
0x191: {  	v8 =	vmul.f32 @!p1 v8, v9;
	_ =	sdelay $0x1  }
0x192: {  	v8 =	vmax.f32 @!p1 v11, v8  }
0x193: {  	[tilespmem:s24+$0x2B90] =	vst @!p1 v8  }
0x194: {  	v8 =	vld.idx.msk @!p1 [tilespmem:v12+s23+$0x0], $0xffff;
	_ =	sdelay $0x1  }
0x195: {  	v11 =	vld @!p1 [tilespmem:s24+$0x2BA0];
	_ =	sdelay $0x1  }
0x196: {  	v12 =	vor.u32 @!p1 $0x3B0, v10  }
0x197: {  	v8 =	vmul.f32 @!p1 v8, v9;
	_ =	sdelay $0x1  }
0x198: {  	v8 =	vmax.f32 @!p1 v11, v8  }
0x199: {  	(v2sf) =	vpush v7, $0x7;
	v9 =	vld @!p1 [tilespmem:s24+$0x7B70];
	[tilespmem:s24+$0x2BA0] =	vst @!p1 v8  }
0x19a: {  	v8 =	vld.idx.msk @!p1 [tilespmem:v12+s23+$0x0], $0xffff;
	_ =	sdelay $0x1  }
0x19b: {  	v11 =	vor.u32 @!p1 $0x3C0, v10;
	_ =	sdelay $0x2  }
0x19c: {  	v8 =	vmax.f32 @!p1 v9, v8  }
0x19d: {  	v9 =	vld @!p1 [tilespmem:s24+$0x7B80];
	[tilespmem:s24+$0x7B70] =	vst @!p1 v8  }
0x19e: {  	v8 =	vld.idx.msk @!p1 [tilespmem:v11+s23+$0x0], $0xffff;
	_ =	sdelay $0x1  }
0x19f: {  	v11 =	vor.u32 @!p1 $0x3D0, v10;
	_ =	sdelay $0x2  }
0x1a0: {  	v8 =	vmax.f32 @!p1 v9, v8  }
0x1a1: {  	v9 =	vld @!p1 [tilespmem:s24+$0x7B90];
	[tilespmem:s24+$0x7B80] =	vst @!p1 v8  }
0x1a2: {  	s28 =	spop (v2sf);
	v8 =	vld.idx.msk @!p1 [tilespmem:v11+s23+$0x0], $0xffff  }
0x1a3: {  	p0 =	seq.s32 s28, $0x0  }
0x1a4: {  	(v2sf) =	vpush @!p0 v5, $0x7;
	v10 =	vor.u32 @!p1 $0x3E0, v10;
	_ =	sdelay $0x2  }
0x1a5: {  	v8 =	vmax.f32 @!p1 v9, v8  }
0x1a6: {  	v9 =	vld @!p1 [tilespmem:s24+$0x7BA0];
	[tilespmem:s24+$0x7B90] =	vst @!p1 v8  }
0x1a7: {  	v8 =	vld.idx.msk @!p1 [tilespmem:v10+s23+$0x0], $0xffff  }
0x1a8: {  	v10 =	vlaneseq.u32 @!p0  }
0x1a9: {  	v11 =	vor.u32 @!p0 $0x3F0, v10;
	_ =	sdelay $0x2  }
0x1aa: {  	v8 =	vmax.f32 @!p1 v9, v8  }
0x1ab: {  	s23 =	simm.s32 @!p0 $0xCB70;
	[tilespmem:s24+$0x7BA0] =	vst @!p1 v8  }
0x1ac: {  	v8 =	vld.idx.msk @!p0 [tilespmem:v11+s23+$0x0], $0xffff;
	_ =	sdelay $0x1  }
0x1ad: {  	v9 =	vbroadcast @!p0 v6, $0x7  }
0x1ae: {  	vm1 =	vmmov @!p0 $0x1f;
	s24 =	spop @!p0 (v2sf);
	v11 =	vor.u32 @!p0 $0x400, v10  }
0x1af: {  	s24 =	ssub.s32 @!p0 s24, s7;
	v12 =	vnsel @!p0 vm1, $0x3F800000, v9  }
0x1b0: {  	s24 =	sshll.u32 @!p0 s24, $0x6;
	v8 =	vmul.f32 @!p0 v8, v12  }
0x1b1: {  	s25 =	sshra.s32 @!p0 s24, $0x2  }
0x1b2: {  	[tilespmem:s25+$0x1770] =	vst.add.f32.msk @!p0 $0xffff, v8  }
0x1b3: {  	v8 =	vld.idx.msk @!p0 [tilespmem:v11+s23+$0x0], $0xffff;
	_ =	sdelay $0x1  }
0x1b4: {  	v11 =	vld @!p0 [tilespmem:s24+$0x2B70];
	_ =	sdelay $0x1  }
0x1b5: {  	v12 =	vor.u32 @!p0 $0x410, v10  }
0x1b6: {  	v8 =	vmul.f32 @!p0 v8, v9;
	_ =	sdelay $0x1  }
0x1b7: {  	v8 =	vmax.f32 @!p0 v11, v8  }
0x1b8: {  	[tilespmem:s24+$0x2B70] =	vst @!p0 v8  }
0x1b9: {  	v8 =	vld.idx.msk @!p0 [tilespmem:v12+s23+$0x0], $0xffff;
	_ =	sdelay $0x1  }
0x1ba: {  	v11 =	vld @!p0 [tilespmem:s24+$0x2B80];
	_ =	sdelay $0x1  }
0x1bb: {  	v12 =	vor.u32 @!p0 $0x420, v10  }
0x1bc: {  	v8 =	vmul.f32 @!p0 v8, v9;
	_ =	sdelay $0x1  }
0x1bd: {  	v8 =	vmax.f32 @!p0 v11, v8  }
0x1be: {  	[tilespmem:s24+$0x2B80] =	vst @!p0 v8  }
0x1bf: {  	v8 =	vld.idx.msk @!p0 [tilespmem:v12+s23+$0x0], $0xffff;
	_ =	sdelay $0x1  }
0x1c0: {  	v11 =	vld @!p0 [tilespmem:s24+$0x2B90];
	_ =	sdelay $0x1  }
0x1c1: {  	v12 =	vor.u32 @!p0 $0x430, v10  }
0x1c2: {  	v8 =	vmul.f32 @!p0 v8, v9;
	_ =	sdelay $0x1  }
0x1c3: {  	v8 =	vmax.f32 @!p0 v11, v8  }
0x1c4: {  	[tilespmem:s24+$0x2B90] =	vst @!p0 v8  }
0x1c5: {  	v8 =	vld.idx.msk @!p0 [tilespmem:v12+s23+$0x0], $0xffff;
	_ =	sdelay $0x1  }
0x1c6: {  	v11 =	vld @!p0 [tilespmem:s24+$0x2BA0];
	_ =	sdelay $0x1  }
0x1c7: {  	v12 =	vor.u32 @!p0 $0x440, v10  }
0x1c8: {  	v8 =	vmul.f32 @!p0 v8, v9;
	_ =	sdelay $0x1  }
0x1c9: {  	v8 =	vmax.f32 @!p0 v11, v8  }
0x1ca: {  	(v2sf) =	vpush v7, $0x8;
	v9 =	vld @!p0 [tilespmem:s24+$0x7B70];
	[tilespmem:s24+$0x2BA0] =	vst @!p0 v8  }
0x1cb: {  	v8 =	vld.idx.msk @!p0 [tilespmem:v12+s23+$0x0], $0xffff;
	_ =	sdelay $0x1  }
0x1cc: {  	v11 =	vor.u32 @!p0 $0x450, v10;
	_ =	sdelay $0x2  }
0x1cd: {  	v8 =	vmax.f32 @!p0 v9, v8  }
0x1ce: {  	v9 =	vld @!p0 [tilespmem:s24+$0x7B80];
	[tilespmem:s24+$0x7B70] =	vst @!p0 v8  }
0x1cf: {  	v8 =	vld.idx.msk @!p0 [tilespmem:v11+s23+$0x0], $0xffff;
	_ =	sdelay $0x1  }
0x1d0: {  	v11 =	vor.u32 @!p0 $0x460, v10;
	_ =	sdelay $0x2  }
0x1d1: {  	v8 =	vmax.f32 @!p0 v9, v8  }
0x1d2: {  	v9 =	vld @!p0 [tilespmem:s24+$0x7B90];
	[tilespmem:s24+$0x7B80] =	vst @!p0 v8  }
0x1d3: {  	s29 =	spop (v2sf);
	v8 =	vld.idx.msk @!p0 [tilespmem:v11+s23+$0x0], $0xffff  }
0x1d4: {  	p1 =	seq.s32 s29, $0x0  }
0x1d5: {  	(v2sf) =	vpush @!p1 v5, $0x8;
	v10 =	vor.u32 @!p0 $0x470, v10;
	_ =	sdelay $0x2  }
0x1d6: {  	v8 =	vmax.f32 @!p0 v9, v8  }
0x1d7: {  	v9 =	vld @!p0 [tilespmem:s24+$0x7BA0];
	[tilespmem:s24+$0x7B90] =	vst @!p0 v8  }
0x1d8: {  	v8 =	vld.idx.msk @!p0 [tilespmem:v10+s23+$0x0], $0xffff  }
0x1d9: {  	v10 =	vlaneseq.u32 @!p1  }
0x1da: {  	v11 =	vor.u32 @!p1 $0x480, v10;
	_ =	sdelay $0x2  }
0x1db: {  	v8 =	vmax.f32 @!p0 v9, v8  }
0x1dc: {  	s23 =	simm.s32 @!p1 $0xCB70;
	[tilespmem:s24+$0x7BA0] =	vst @!p0 v8  }
0x1dd: {  	v8 =	vld.idx.msk @!p1 [tilespmem:v11+s23+$0x0], $0xffff;
	_ =	sdelay $0x1  }
0x1de: {  	v9 =	vbroadcast @!p1 v6, $0x8  }
0x1df: {  	vm1 =	vmmov @!p1 $0x1f;
	s24 =	spop @!p1 (v2sf);
	v11 =	vor.u32 @!p1 $0x490, v10  }
0x1e0: {  	s24 =	ssub.s32 @!p1 s24, s7;
	v12 =	vnsel @!p1 vm1, $0x3F800000, v9  }
0x1e1: {  	s24 =	sshll.u32 @!p1 s24, $0x6;
	v8 =	vmul.f32 @!p1 v8, v12  }
0x1e2: {  	s25 =	sshra.s32 @!p1 s24, $0x2  }
0x1e3: {  	[tilespmem:s25+$0x1770] =	vst.add.f32.msk @!p1 $0xffff, v8  }
0x1e4: {  	v8 =	vld.idx.msk @!p1 [tilespmem:v11+s23+$0x0], $0xffff;
	_ =	sdelay $0x1  }
0x1e5: {  	v11 =	vld @!p1 [tilespmem:s24+$0x2B70];
	_ =	sdelay $0x1  }
0x1e6: {  	v12 =	vor.u32 @!p1 $0x4A0, v10  }
0x1e7: {  	v8 =	vmul.f32 @!p1 v8, v9;
	_ =	sdelay $0x1  }
0x1e8: {  	v8 =	vmax.f32 @!p1 v11, v8  }
0x1e9: {  	[tilespmem:s24+$0x2B70] =	vst @!p1 v8  }
0x1ea: {  	v8 =	vld.idx.msk @!p1 [tilespmem:v12+s23+$0x0], $0xffff;
	_ =	sdelay $0x1  }
0x1eb: {  	v11 =	vld @!p1 [tilespmem:s24+$0x2B80];
	_ =	sdelay $0x1  }
0x1ec: {  	v12 =	vor.u32 @!p1 $0x4B0, v10  }
0x1ed: {  	v8 =	vmul.f32 @!p1 v8, v9;
	_ =	sdelay $0x1  }
0x1ee: {  	v8 =	vmax.f32 @!p1 v11, v8  }
0x1ef: {  	[tilespmem:s24+$0x2B80] =	vst @!p1 v8  }
0x1f0: {  	v8 =	vld.idx.msk @!p1 [tilespmem:v12+s23+$0x0], $0xffff;
	_ =	sdelay $0x1  }
0x1f1: {  	v11 =	vld @!p1 [tilespmem:s24+$0x2B90];
	_ =	sdelay $0x1  }
0x1f2: {  	v12 =	vor.u32 @!p1 $0x4C0, v10  }
0x1f3: {  	v8 =	vmul.f32 @!p1 v8, v9;
	_ =	sdelay $0x1  }
0x1f4: {  	v8 =	vmax.f32 @!p1 v11, v8  }
0x1f5: {  	[tilespmem:s24+$0x2B90] =	vst @!p1 v8  }
0x1f6: {  	v8 =	vld.idx.msk @!p1 [tilespmem:v12+s23+$0x0], $0xffff;
	_ =	sdelay $0x1  }
0x1f7: {  	v11 =	vld @!p1 [tilespmem:s24+$0x2BA0];
	_ =	sdelay $0x1  }
0x1f8: {  	v12 =	vor.u32 @!p1 $0x4D0, v10  }
0x1f9: {  	v8 =	vmul.f32 @!p1 v8, v9;
	_ =	sdelay $0x1  }
0x1fa: {  	v8 =	vmax.f32 @!p1 v11, v8  }
0x1fb: {  	(v2sf) =	vpush v7, $0x9;
	v9 =	vld @!p1 [tilespmem:s24+$0x7B70];
	[tilespmem:s24+$0x2BA0] =	vst @!p1 v8  }
0x1fc: {  	v8 =	vld.idx.msk @!p1 [tilespmem:v12+s23+$0x0], $0xffff;
	_ =	sdelay $0x1  }
0x1fd: {  	v11 =	vor.u32 @!p1 $0x4E0, v10;
	_ =	sdelay $0x2  }
0x1fe: {  	v8 =	vmax.f32 @!p1 v9, v8  }
0x1ff: {  	v9 =	vld @!p1 [tilespmem:s24+$0x7B80];
	[tilespmem:s24+$0x7B70] =	vst @!p1 v8  }
0x200: {  	v8 =	vld.idx.msk @!p1 [tilespmem:v11+s23+$0x0], $0xffff;
	_ =	sdelay $0x1  }
0x201: {  	v11 =	vor.u32 @!p1 $0x4F0, v10;
	_ =	sdelay $0x2  }
0x202: {  	v8 =	vmax.f32 @!p1 v9, v8  }
0x203: {  	v9 =	vld @!p1 [tilespmem:s24+$0x7B90];
	[tilespmem:s24+$0x7B80] =	vst @!p1 v8  }
0x204: {  	s30 =	spop (v2sf);
	v8 =	vld.idx.msk @!p1 [tilespmem:v11+s23+$0x0], $0xffff  }
0x205: {  	p0 =	seq.s32 s30, $0x0  }
0x206: {  	(v2sf) =	vpush @!p0 v5, $0x9;
	v10 =	vor.u32 @!p1 $0x500, v10;
	_ =	sdelay $0x2  }
0x207: {  	v8 =	vmax.f32 @!p1 v9, v8  }
0x208: {  	v9 =	vld @!p1 [tilespmem:s24+$0x7BA0];
	[tilespmem:s24+$0x7B90] =	vst @!p1 v8  }
0x209: {  	v8 =	vld.idx.msk @!p1 [tilespmem:v10+s23+$0x0], $0xffff  }
0x20a: {  	v10 =	vlaneseq.u32 @!p0  }
0x20b: {  	v11 =	vor.u32 @!p0 $0x510, v10;
	_ =	sdelay $0x2  }
0x20c: {  	v8 =	vmax.f32 @!p1 v9, v8  }
0x20d: {  	s23 =	simm.s32 @!p0 $0xCB70;
	[tilespmem:s24+$0x7BA0] =	vst @!p1 v8  }
0x20e: {  	v8 =	vld.idx.msk @!p0 [tilespmem:v11+s23+$0x0], $0xffff;
	_ =	sdelay $0x1  }
0x20f: {  	v9 =	vbroadcast @!p0 v6, $0x9  }
0x210: {  	vm1 =	vmmov @!p0 $0x1f;
	s24 =	spop @!p0 (v2sf);
	v11 =	vor.u32 @!p0 $0x520, v10  }
0x211: {  	s24 =	ssub.s32 @!p0 s24, s7;
	v12 =	vnsel @!p0 vm1, $0x3F800000, v9  }
0x212: {  	s24 =	sshll.u32 @!p0 s24, $0x6;
	v8 =	vmul.f32 @!p0 v8, v12  }
0x213: {  	s25 =	sshra.s32 @!p0 s24, $0x2  }
0x214: {  	[tilespmem:s25+$0x1770] =	vst.add.f32.msk @!p0 $0xffff, v8  }
0x215: {  	v8 =	vld.idx.msk @!p0 [tilespmem:v11+s23+$0x0], $0xffff;
	_ =	sdelay $0x1  }
0x216: {  	v11 =	vld @!p0 [tilespmem:s24+$0x2B70];
	_ =	sdelay $0x1  }
0x217: {  	v12 =	vor.u32 @!p0 $0x530, v10  }
0x218: {  	v8 =	vmul.f32 @!p0 v8, v9;
	_ =	sdelay $0x1  }
0x219: {  	v8 =	vmax.f32 @!p0 v11, v8  }
0x21a: {  	[tilespmem:s24+$0x2B70] =	vst @!p0 v8  }
0x21b: {  	v8 =	vld.idx.msk @!p0 [tilespmem:v12+s23+$0x0], $0xffff;
	_ =	sdelay $0x1  }
0x21c: {  	v11 =	vld @!p0 [tilespmem:s24+$0x2B80];
	_ =	sdelay $0x1  }
0x21d: {  	v12 =	vor.u32 @!p0 $0x540, v10  }
0x21e: {  	v8 =	vmul.f32 @!p0 v8, v9;
	_ =	sdelay $0x1  }
0x21f: {  	v8 =	vmax.f32 @!p0 v11, v8  }
0x220: {  	[tilespmem:s24+$0x2B80] =	vst @!p0 v8  }
0x221: {  	v8 =	vld.idx.msk @!p0 [tilespmem:v12+s23+$0x0], $0xffff;
	_ =	sdelay $0x1  }
0x222: {  	v11 =	vld @!p0 [tilespmem:s24+$0x2B90];
	_ =	sdelay $0x1  }
0x223: {  	v12 =	vor.u32 @!p0 $0x550, v10  }
0x224: {  	v8 =	vmul.f32 @!p0 v8, v9;
	_ =	sdelay $0x1  }
0x225: {  	v8 =	vmax.f32 @!p0 v11, v8  }
0x226: {  	[tilespmem:s24+$0x2B90] =	vst @!p0 v8  }
0x227: {  	v8 =	vld.idx.msk @!p0 [tilespmem:v12+s23+$0x0], $0xffff;
	_ =	sdelay $0x1  }
0x228: {  	v11 =	vld @!p0 [tilespmem:s24+$0x2BA0];
	_ =	sdelay $0x1  }
0x229: {  	v12 =	vor.u32 @!p0 $0x560, v10  }
0x22a: {  	v8 =	vmul.f32 @!p0 v8, v9;
	_ =	sdelay $0x1  }
0x22b: {  	v8 =	vmax.f32 @!p0 v11, v8  }
0x22c: {  	(v2sf) =	vpush v7, $0xA;
	v9 =	vld @!p0 [tilespmem:s24+$0x7B70];
	[tilespmem:s24+$0x2BA0] =	vst @!p0 v8  }
0x22d: {  	v8 =	vld.idx.msk @!p0 [tilespmem:v12+s23+$0x0], $0xffff;
	_ =	sdelay $0x1  }
0x22e: {  	v11 =	vor.u32 @!p0 $0x570, v10;
	_ =	sdelay $0x2  }
0x22f: {  	v8 =	vmax.f32 @!p0 v9, v8  }
0x230: {  	v9 =	vld @!p0 [tilespmem:s24+$0x7B80];
	[tilespmem:s24+$0x7B70] =	vst @!p0 v8  }
0x231: {  	v8 =	vld.idx.msk @!p0 [tilespmem:v11+s23+$0x0], $0xffff;
	_ =	sdelay $0x1  }
0x232: {  	v11 =	vor.u32 @!p0 $0x580, v10;
	_ =	sdelay $0x2  }
0x233: {  	v8 =	vmax.f32 @!p0 v9, v8  }
0x234: {  	v9 =	vld @!p0 [tilespmem:s24+$0x7B90];
	[tilespmem:s24+$0x7B80] =	vst @!p0 v8  }
0x235: {  	s31 =	spop (v2sf);
	v8 =	vld.idx.msk @!p0 [tilespmem:v11+s23+$0x0], $0xffff  }
0x236: {  	p1 =	seq.s32 s31, $0x0  }
0x237: {  	(v2sf) =	vpush @!p1 v5, $0xA;
	v10 =	vor.u32 @!p0 $0x590, v10;
	_ =	sdelay $0x2  }
0x238: {  	v8 =	vmax.f32 @!p0 v9, v8  }
0x239: {  	v9 =	vld @!p0 [tilespmem:s24+$0x7BA0];
	[tilespmem:s24+$0x7B90] =	vst @!p0 v8  }
0x23a: {  	v8 =	vld.idx.msk @!p0 [tilespmem:v10+s23+$0x0], $0xffff  }
0x23b: {  	v10 =	vlaneseq.u32 @!p1  }
0x23c: {  	v11 =	vor.u32 @!p1 $0x5A0, v10;
	_ =	sdelay $0x2  }
0x23d: {  	v8 =	vmax.f32 @!p0 v9, v8  }
0x23e: {  	s23 =	simm.s32 @!p1 $0xCB70;
	[tilespmem:s24+$0x7BA0] =	vst @!p0 v8  }
0x23f: {  	v8 =	vld.idx.msk @!p1 [tilespmem:v11+s23+$0x0], $0xffff;
	_ =	sdelay $0x1  }
0x240: {  	v9 =	vbroadcast @!p1 v6, $0xA  }
0x241: {  	vm1 =	vmmov @!p1 $0x1f;
	s24 =	spop @!p1 (v2sf);
	v11 =	vor.u32 @!p1 $0x5B0, v10  }
0x242: {  	s24 =	ssub.s32 @!p1 s24, s7;
	v12 =	vnsel @!p1 vm1, $0x3F800000, v9  }
0x243: {  	s24 =	sshll.u32 @!p1 s24, $0x6;
	v8 =	vmul.f32 @!p1 v8, v12  }
0x244: {  	s25 =	sshra.s32 @!p1 s24, $0x2  }
0x245: {  	[tilespmem:s25+$0x1770] =	vst.add.f32.msk @!p1 $0xffff, v8  }
0x246: {  	v8 =	vld.idx.msk @!p1 [tilespmem:v11+s23+$0x0], $0xffff;
	_ =	sdelay $0x1  }
0x247: {  	v11 =	vld @!p1 [tilespmem:s24+$0x2B70];
	_ =	sdelay $0x1  }
0x248: {  	v12 =	vor.u32 @!p1 $0x5C0, v10  }
0x249: {  	v8 =	vmul.f32 @!p1 v8, v9;
	_ =	sdelay $0x1  }
0x24a: {  	v8 =	vmax.f32 @!p1 v11, v8  }
0x24b: {  	[tilespmem:s24+$0x2B70] =	vst @!p1 v8  }
0x24c: {  	v8 =	vld.idx.msk @!p1 [tilespmem:v12+s23+$0x0], $0xffff;
	_ =	sdelay $0x1  }
0x24d: {  	v11 =	vld @!p1 [tilespmem:s24+$0x2B80];
	_ =	sdelay $0x1  }
0x24e: {  	v12 =	vor.u32 @!p1 $0x5D0, v10  }
0x24f: {  	v8 =	vmul.f32 @!p1 v8, v9;
	_ =	sdelay $0x1  }
0x250: {  	v8 =	vmax.f32 @!p1 v11, v8  }
0x251: {  	[tilespmem:s24+$0x2B80] =	vst @!p1 v8  }
0x252: {  	v8 =	vld.idx.msk @!p1 [tilespmem:v12+s23+$0x0], $0xffff;
	_ =	sdelay $0x1  }
0x253: {  	v11 =	vld @!p1 [tilespmem:s24+$0x2B90];
	_ =	sdelay $0x1  }
0x254: {  	v12 =	vor.u32 @!p1 $0x5E0, v10  }
0x255: {  	v8 =	vmul.f32 @!p1 v8, v9;
	_ =	sdelay $0x1  }
0x256: {  	v8 =	vmax.f32 @!p1 v11, v8  }
0x257: {  	[tilespmem:s24+$0x2B90] =	vst @!p1 v8  }
0x258: {  	v8 =	vld.idx.msk @!p1 [tilespmem:v12+s23+$0x0], $0xffff;
	_ =	sdelay $0x1  }
0x259: {  	v11 =	vld @!p1 [tilespmem:s24+$0x2BA0];
	_ =	sdelay $0x1  }
0x25a: {  	v12 =	vor.u32 @!p1 $0x5F0, v10  }
0x25b: {  	v8 =	vmul.f32 @!p1 v8, v9;
	_ =	sdelay $0x1  }
0x25c: {  	v8 =	vmax.f32 @!p1 v11, v8  }
0x25d: {  	(v2sf) =	vpush v7, $0xB;
	v9 =	vld @!p1 [tilespmem:s24+$0x7B70];
	[tilespmem:s24+$0x2BA0] =	vst @!p1 v8  }
0x25e: {  	v8 =	vld.idx.msk @!p1 [tilespmem:v12+s23+$0x0], $0xffff;
	_ =	sdelay $0x1  }
0x25f: {  	v11 =	vor.u32 @!p1 $0x600, v10;
	_ =	sdelay $0x2  }
0x260: {  	v8 =	vmax.f32 @!p1 v9, v8  }
0x261: {  	v9 =	vld @!p1 [tilespmem:s24+$0x7B80];
	[tilespmem:s24+$0x7B70] =	vst @!p1 v8  }
0x262: {  	v8 =	vld.idx.msk @!p1 [tilespmem:v11+s23+$0x0], $0xffff;
	_ =	sdelay $0x1  }
0x263: {  	v11 =	vor.u32 @!p1 $0x610, v10;
	_ =	sdelay $0x2  }
0x264: {  	v8 =	vmax.f32 @!p1 v9, v8  }
0x265: {  	v9 =	vld @!p1 [tilespmem:s24+$0x7B90];
	[tilespmem:s24+$0x7B80] =	vst @!p1 v8  }
0x266: {  	s26 =	spop (v2sf);
	v8 =	vld.idx.msk @!p1 [tilespmem:v11+s23+$0x0], $0xffff  }
0x267: {  	p0 =	seq.s32 s26, $0x0  }
0x268: {  	(v2sf) =	vpush @!p0 v5, $0xB;
	v10 =	vor.u32 @!p1 $0x620, v10;
	_ =	sdelay $0x2  }
0x269: {  	v8 =	vmax.f32 @!p1 v9, v8  }
0x26a: {  	v9 =	vld @!p1 [tilespmem:s24+$0x7BA0];
	[tilespmem:s24+$0x7B90] =	vst @!p1 v8  }
0x26b: {  	v8 =	vld.idx.msk @!p1 [tilespmem:v10+s23+$0x0], $0xffff  }
0x26c: {  	v10 =	vlaneseq.u32 @!p0  }
0x26d: {  	v11 =	vor.u32 @!p0 $0x630, v10;
	_ =	sdelay $0x2  }
0x26e: {  	v8 =	vmax.f32 @!p1 v9, v8  }
0x26f: {  	s23 =	simm.s32 @!p0 $0xCB70;
	[tilespmem:s24+$0x7BA0] =	vst @!p1 v8  }
0x270: {  	v8 =	vld.idx.msk @!p0 [tilespmem:v11+s23+$0x0], $0xffff;
	_ =	sdelay $0x1  }
0x271: {  	v9 =	vbroadcast @!p0 v6, $0xB  }
0x272: {  	vm1 =	vmmov @!p0 $0x1f;
	s24 =	spop @!p0 (v2sf);
	v11 =	vor.u32 @!p0 $0x640, v10  }
0x273: {  	s24 =	ssub.s32 @!p0 s24, s7;
	v12 =	vnsel @!p0 vm1, $0x3F800000, v9  }
0x274: {  	s24 =	sshll.u32 @!p0 s24, $0x6;
	v8 =	vmul.f32 @!p0 v8, v12  }
0x275: {  	s25 =	sshra.s32 @!p0 s24, $0x2  }
0x276: {  	[tilespmem:s25+$0x1770] =	vst.add.f32.msk @!p0 $0xffff, v8  }
0x277: {  	v8 =	vld.idx.msk @!p0 [tilespmem:v11+s23+$0x0], $0xffff;
	_ =	sdelay $0x1  }
0x278: {  	v11 =	vld @!p0 [tilespmem:s24+$0x2B70];
	_ =	sdelay $0x1  }
0x279: {  	v12 =	vor.u32 @!p0 $0x650, v10  }
0x27a: {  	v8 =	vmul.f32 @!p0 v8, v9;
	_ =	sdelay $0x1  }
0x27b: {  	v8 =	vmax.f32 @!p0 v11, v8  }
0x27c: {  	[tilespmem:s24+$0x2B70] =	vst @!p0 v8  }
0x27d: {  	v8 =	vld.idx.msk @!p0 [tilespmem:v12+s23+$0x0], $0xffff;
	_ =	sdelay $0x1  }
0x27e: {  	v11 =	vld @!p0 [tilespmem:s24+$0x2B80];
	_ =	sdelay $0x1  }
0x27f: {  	v12 =	vor.u32 @!p0 $0x660, v10  }
0x280: {  	v8 =	vmul.f32 @!p0 v8, v9;
	_ =	sdelay $0x1  }
0x281: {  	v8 =	vmax.f32 @!p0 v11, v8  }
0x282: {  	[tilespmem:s24+$0x2B80] =	vst @!p0 v8  }
0x283: {  	v8 =	vld.idx.msk @!p0 [tilespmem:v12+s23+$0x0], $0xffff;
	_ =	sdelay $0x1  }
0x284: {  	v11 =	vld @!p0 [tilespmem:s24+$0x2B90];
	_ =	sdelay $0x1  }
0x285: {  	v12 =	vor.u32 @!p0 $0x670, v10  }
0x286: {  	v8 =	vmul.f32 @!p0 v8, v9;
	_ =	sdelay $0x1  }
0x287: {  	v8 =	vmax.f32 @!p0 v11, v8  }
0x288: {  	[tilespmem:s24+$0x2B90] =	vst @!p0 v8  }
0x289: {  	v8 =	vld.idx.msk @!p0 [tilespmem:v12+s23+$0x0], $0xffff;
	_ =	sdelay $0x1  }
0x28a: {  	v11 =	vld @!p0 [tilespmem:s24+$0x2BA0];
	_ =	sdelay $0x1  }
0x28b: {  	v12 =	vor.u32 @!p0 $0x680, v10  }
0x28c: {  	v8 =	vmul.f32 @!p0 v8, v9;
	_ =	sdelay $0x1  }
0x28d: {  	v8 =	vmax.f32 @!p0 v11, v8  }
0x28e: {  	(v2sf) =	vpush v7, $0xC;
	v9 =	vld @!p0 [tilespmem:s24+$0x7B70];
	[tilespmem:s24+$0x2BA0] =	vst @!p0 v8  }
0x28f: {  	v8 =	vld.idx.msk @!p0 [tilespmem:v12+s23+$0x0], $0xffff;
	_ =	sdelay $0x1  }
0x290: {  	v11 =	vor.u32 @!p0 $0x690, v10;
	_ =	sdelay $0x2  }
0x291: {  	v8 =	vmax.f32 @!p0 v9, v8  }
0x292: {  	v9 =	vld @!p0 [tilespmem:s24+$0x7B80];
	[tilespmem:s24+$0x7B70] =	vst @!p0 v8  }
0x293: {  	v8 =	vld.idx.msk @!p0 [tilespmem:v11+s23+$0x0], $0xffff;
	_ =	sdelay $0x1  }
0x294: {  	v11 =	vor.u32 @!p0 $0x6A0, v10;
	_ =	sdelay $0x2  }
0x295: {  	v8 =	vmax.f32 @!p0 v9, v8  }
0x296: {  	v9 =	vld @!p0 [tilespmem:s24+$0x7B90];
	[tilespmem:s24+$0x7B80] =	vst @!p0 v8  }
0x297: {  	s28 =	spop (v2sf);
	v8 =	vld.idx.msk @!p0 [tilespmem:v11+s23+$0x0], $0xffff  }
0x298: {  	p1 =	seq.s32 s28, $0x0  }
0x299: {  	(v2sf) =	vpush @!p1 v5, $0xC;
	v10 =	vor.u32 @!p0 $0x6B0, v10;
	_ =	sdelay $0x2  }
0x29a: {  	v8 =	vmax.f32 @!p0 v9, v8  }
0x29b: {  	v9 =	vld @!p0 [tilespmem:s24+$0x7BA0];
	[tilespmem:s24+$0x7B90] =	vst @!p0 v8  }
0x29c: {  	v8 =	vld.idx.msk @!p0 [tilespmem:v10+s23+$0x0], $0xffff  }
0x29d: {  	v10 =	vlaneseq.u32 @!p1  }
0x29e: {  	v11 =	vor.u32 @!p1 $0x6C0, v10;
	_ =	sdelay $0x2  }
0x29f: {  	v8 =	vmax.f32 @!p0 v9, v8  }
0x2a0: {  	s23 =	simm.s32 @!p1 $0xCB70;
	[tilespmem:s24+$0x7BA0] =	vst @!p0 v8  }
0x2a1: {  	v8 =	vld.idx.msk @!p1 [tilespmem:v11+s23+$0x0], $0xffff;
	_ =	sdelay $0x1  }
0x2a2: {  	v9 =	vbroadcast @!p1 v6, $0xC  }
0x2a3: {  	vm1 =	vmmov @!p1 $0x1f;
	s24 =	spop @!p1 (v2sf);
	v11 =	vor.u32 @!p1 $0x6D0, v10  }
0x2a4: {  	s24 =	ssub.s32 @!p1 s24, s7;
	v12 =	vnsel @!p1 vm1, $0x3F800000, v9  }
0x2a5: {  	s24 =	sshll.u32 @!p1 s24, $0x6;
	v8 =	vmul.f32 @!p1 v8, v12  }
0x2a6: {  	s25 =	sshra.s32 @!p1 s24, $0x2  }
0x2a7: {  	[tilespmem:s25+$0x1770] =	vst.add.f32.msk @!p1 $0xffff, v8  }
0x2a8: {  	v8 =	vld.idx.msk @!p1 [tilespmem:v11+s23+$0x0], $0xffff;
	_ =	sdelay $0x1  }
0x2a9: {  	v11 =	vld @!p1 [tilespmem:s24+$0x2B70];
	_ =	sdelay $0x1  }
0x2aa: {  	v12 =	vor.u32 @!p1 $0x6E0, v10  }
0x2ab: {  	v8 =	vmul.f32 @!p1 v8, v9;
	_ =	sdelay $0x1  }
0x2ac: {  	v8 =	vmax.f32 @!p1 v11, v8  }
0x2ad: {  	[tilespmem:s24+$0x2B70] =	vst @!p1 v8  }
0x2ae: {  	v8 =	vld.idx.msk @!p1 [tilespmem:v12+s23+$0x0], $0xffff;
	_ =	sdelay $0x1  }
0x2af: {  	v11 =	vld @!p1 [tilespmem:s24+$0x2B80];
	_ =	sdelay $0x1  }
0x2b0: {  	v12 =	vor.u32 @!p1 $0x6F0, v10  }
0x2b1: {  	v8 =	vmul.f32 @!p1 v8, v9;
	_ =	sdelay $0x1  }
0x2b2: {  	v8 =	vmax.f32 @!p1 v11, v8  }
0x2b3: {  	[tilespmem:s24+$0x2B80] =	vst @!p1 v8  }
0x2b4: {  	v8 =	vld.idx.msk @!p1 [tilespmem:v12+s23+$0x0], $0xffff;
	_ =	sdelay $0x1  }
0x2b5: {  	v11 =	vld @!p1 [tilespmem:s24+$0x2B90];
	_ =	sdelay $0x1  }
0x2b6: {  	v12 =	vor.u32 @!p1 $0x700, v10  }
0x2b7: {  	v8 =	vmul.f32 @!p1 v8, v9;
	_ =	sdelay $0x1  }
0x2b8: {  	v8 =	vmax.f32 @!p1 v11, v8  }
0x2b9: {  	[tilespmem:s24+$0x2B90] =	vst @!p1 v8  }
0x2ba: {  	v8 =	vld.idx.msk @!p1 [tilespmem:v12+s23+$0x0], $0xffff;
	_ =	sdelay $0x1  }
0x2bb: {  	v11 =	vld @!p1 [tilespmem:s24+$0x2BA0];
	_ =	sdelay $0x1  }
0x2bc: {  	v12 =	vor.u32 @!p1 $0x710, v10  }
0x2bd: {  	v8 =	vmul.f32 @!p1 v8, v9;
	_ =	sdelay $0x1  }
0x2be: {  	v8 =	vmax.f32 @!p1 v11, v8  }
0x2bf: {  	(v2sf) =	vpush v7, $0xD;
	v9 =	vld @!p1 [tilespmem:s24+$0x7B70];
	[tilespmem:s24+$0x2BA0] =	vst @!p1 v8  }
0x2c0: {  	v8 =	vld.idx.msk @!p1 [tilespmem:v12+s23+$0x0], $0xffff;
	_ =	sdelay $0x1  }
0x2c1: {  	v11 =	vor.u32 @!p1 $0x720, v10;
	_ =	sdelay $0x2  }
0x2c2: {  	v8 =	vmax.f32 @!p1 v9, v8  }
0x2c3: {  	v9 =	vld @!p1 [tilespmem:s24+$0x7B80];
	[tilespmem:s24+$0x7B70] =	vst @!p1 v8  }
0x2c4: {  	v8 =	vld.idx.msk @!p1 [tilespmem:v11+s23+$0x0], $0xffff;
	_ =	sdelay $0x1  }
0x2c5: {  	v11 =	vor.u32 @!p1 $0x730, v10;
	_ =	sdelay $0x2  }
0x2c6: {  	v8 =	vmax.f32 @!p1 v9, v8  }
0x2c7: {  	v9 =	vld @!p1 [tilespmem:s24+$0x7B90];
	[tilespmem:s24+$0x7B80] =	vst @!p1 v8  }
0x2c8: {  	s29 =	spop (v2sf);
	v8 =	vld.idx.msk @!p1 [tilespmem:v11+s23+$0x0], $0xffff  }
0x2c9: {  	p0 =	seq.s32 s29, $0x0  }
0x2ca: {  	(v2sf) =	vpush @!p0 v5, $0xD;
	v10 =	vor.u32 @!p1 $0x740, v10;
	_ =	sdelay $0x2  }
0x2cb: {  	v8 =	vmax.f32 @!p1 v9, v8  }
0x2cc: {  	v9 =	vld @!p1 [tilespmem:s24+$0x7BA0];
	[tilespmem:s24+$0x7B90] =	vst @!p1 v8  }
0x2cd: {  	v8 =	vld.idx.msk @!p1 [tilespmem:v10+s23+$0x0], $0xffff  }
0x2ce: {  	v10 =	vlaneseq.u32 @!p0  }
0x2cf: {  	v11 =	vor.u32 @!p0 $0x750, v10;
	_ =	sdelay $0x2  }
0x2d0: {  	v8 =	vmax.f32 @!p1 v9, v8  }
0x2d1: {  	s23 =	simm.s32 @!p0 $0xCB70;
	[tilespmem:s24+$0x7BA0] =	vst @!p1 v8  }
0x2d2: {  	v8 =	vld.idx.msk @!p0 [tilespmem:v11+s23+$0x0], $0xffff;
	_ =	sdelay $0x1  }
0x2d3: {  	v9 =	vbroadcast @!p0 v6, $0xD  }
0x2d4: {  	vm1 =	vmmov @!p0 $0x1f;
	s24 =	spop @!p0 (v2sf);
	v11 =	vor.u32 @!p0 $0x760, v10  }
0x2d5: {  	s24 =	ssub.s32 @!p0 s24, s7;
	v12 =	vnsel @!p0 vm1, $0x3F800000, v9  }
0x2d6: {  	s24 =	sshll.u32 @!p0 s24, $0x6;
	v8 =	vmul.f32 @!p0 v8, v12  }
0x2d7: {  	s25 =	sshra.s32 @!p0 s24, $0x2  }
0x2d8: {  	[tilespmem:s25+$0x1770] =	vst.add.f32.msk @!p0 $0xffff, v8  }
0x2d9: {  	v8 =	vld.idx.msk @!p0 [tilespmem:v11+s23+$0x0], $0xffff;
	_ =	sdelay $0x1  }
0x2da: {  	v11 =	vld @!p0 [tilespmem:s24+$0x2B70];
	_ =	sdelay $0x1  }
0x2db: {  	v12 =	vor.u32 @!p0 $0x770, v10  }
0x2dc: {  	v8 =	vmul.f32 @!p0 v8, v9;
	_ =	sdelay $0x1  }
0x2dd: {  	v8 =	vmax.f32 @!p0 v11, v8  }
0x2de: {  	[tilespmem:s24+$0x2B70] =	vst @!p0 v8  }
0x2df: {  	v8 =	vld.idx.msk @!p0 [tilespmem:v12+s23+$0x0], $0xffff;
	_ =	sdelay $0x1  }
0x2e0: {  	v11 =	vld @!p0 [tilespmem:s24+$0x2B80];
	_ =	sdelay $0x1  }
0x2e1: {  	v12 =	vor.u32 @!p0 $0x780, v10  }
0x2e2: {  	v8 =	vmul.f32 @!p0 v8, v9;
	_ =	sdelay $0x1  }
0x2e3: {  	v8 =	vmax.f32 @!p0 v11, v8  }
0x2e4: {  	[tilespmem:s24+$0x2B80] =	vst @!p0 v8  }
0x2e5: {  	v8 =	vld.idx.msk @!p0 [tilespmem:v12+s23+$0x0], $0xffff;
	_ =	sdelay $0x1  }
0x2e6: {  	v11 =	vld @!p0 [tilespmem:s24+$0x2B90];
	_ =	sdelay $0x1  }
0x2e7: {  	v12 =	vor.u32 @!p0 $0x790, v10  }
0x2e8: {  	v8 =	vmul.f32 @!p0 v8, v9;
	_ =	sdelay $0x1  }
0x2e9: {  	v8 =	vmax.f32 @!p0 v11, v8  }
0x2ea: {  	[tilespmem:s24+$0x2B90] =	vst @!p0 v8  }
0x2eb: {  	v8 =	vld.idx.msk @!p0 [tilespmem:v12+s23+$0x0], $0xffff;
	_ =	sdelay $0x1  }
0x2ec: {  	v11 =	vld @!p0 [tilespmem:s24+$0x2BA0];
	_ =	sdelay $0x1  }
0x2ed: {  	v12 =	vor.u32 @!p0 $0x7A0, v10  }
0x2ee: {  	v8 =	vmul.f32 @!p0 v8, v9;
	_ =	sdelay $0x1  }
0x2ef: {  	v8 =	vmax.f32 @!p0 v11, v8  }
0x2f0: {  	(v2sf) =	vpush v7, $0xE;
	v9 =	vld @!p0 [tilespmem:s24+$0x7B70];
	[tilespmem:s24+$0x2BA0] =	vst @!p0 v8  }
0x2f1: {  	v8 =	vld.idx.msk @!p0 [tilespmem:v12+s23+$0x0], $0xffff;
	_ =	sdelay $0x1  }
0x2f2: {  	v11 =	vor.u32 @!p0 $0x7B0, v10;
	_ =	sdelay $0x2  }
0x2f3: {  	v8 =	vmax.f32 @!p0 v9, v8  }
0x2f4: {  	v9 =	vld @!p0 [tilespmem:s24+$0x7B80];
	[tilespmem:s24+$0x7B70] =	vst @!p0 v8  }
0x2f5: {  	v8 =	vld.idx.msk @!p0 [tilespmem:v11+s23+$0x0], $0xffff;
	_ =	sdelay $0x1  }
0x2f6: {  	v11 =	vor.u32 @!p0 $0x7C0, v10;
	_ =	sdelay $0x2  }
0x2f7: {  	v8 =	vmax.f32 @!p0 v9, v8  }
0x2f8: {  	v9 =	vld @!p0 [tilespmem:s24+$0x7B90];
	[tilespmem:s24+$0x7B80] =	vst @!p0 v8  }
0x2f9: {  	s30 =	spop (v2sf);
	v8 =	vld.idx.msk @!p0 [tilespmem:v11+s23+$0x0], $0xffff  }
0x2fa: {  	p1 =	seq.s32 s30, $0x0  }
0x2fb: {  	(v2sf) =	vpush @!p1 v5, $0xE;
	v10 =	vor.u32 @!p0 $0x7D0, v10;
	_ =	sdelay $0x2  }
0x2fc: {  	v8 =	vmax.f32 @!p0 v9, v8  }
0x2fd: {  	v9 =	vld @!p0 [tilespmem:s24+$0x7BA0];
	[tilespmem:s24+$0x7B90] =	vst @!p0 v8  }
0x2fe: {  	v8 =	vld.idx.msk @!p0 [tilespmem:v10+s23+$0x0], $0xffff  }
0x2ff: {  	v10 =	vlaneseq.u32 @!p1  }
0x300: {  	v11 =	vor.u32 @!p1 $0x7E0, v10;
	_ =	sdelay $0x2  }
0x301: {  	v8 =	vmax.f32 @!p0 v9, v8  }
0x302: {  	s23 =	simm.s32 @!p1 $0xCB70;
	[tilespmem:s24+$0x7BA0] =	vst @!p0 v8  }
0x303: {  	v8 =	vld.idx.msk @!p1 [tilespmem:v11+s23+$0x0], $0xffff;
	_ =	sdelay $0x1  }
0x304: {  	v9 =	vbroadcast @!p1 v6, $0xE  }
0x305: {  	vm1 =	vmmov @!p1 $0x1f;
	s24 =	spop @!p1 (v2sf);
	v11 =	vor.u32 @!p1 $0x7F0, v10  }
0x306: {  	s24 =	ssub.s32 @!p1 s24, s7;
	v12 =	vnsel @!p1 vm1, $0x3F800000, v9  }
0x307: {  	s24 =	sshll.u32 @!p1 s24, $0x6;
	v8 =	vmul.f32 @!p1 v8, v12  }
0x308: {  	s25 =	sshra.s32 @!p1 s24, $0x2  }
0x309: {  	[tilespmem:s25+$0x1770] =	vst.add.f32.msk @!p1 $0xffff, v8  }
0x30a: {  	v8 =	vld.idx.msk @!p1 [tilespmem:v11+s23+$0x0], $0xffff;
	_ =	sdelay $0x1  }
0x30b: {  	v11 =	vld @!p1 [tilespmem:s24+$0x2B70];
	_ =	sdelay $0x1  }
0x30c: {  	v12 =	vor.u32 @!p1 $0x800, v10  }
0x30d: {  	v8 =	vmul.f32 @!p1 v8, v9;
	_ =	sdelay $0x1  }
0x30e: {  	v8 =	vmax.f32 @!p1 v11, v8  }
0x30f: {  	[tilespmem:s24+$0x2B70] =	vst @!p1 v8  }
0x310: {  	v8 =	vld.idx.msk @!p1 [tilespmem:v12+s23+$0x0], $0xffff;
	_ =	sdelay $0x1  }
0x311: {  	v11 =	vld @!p1 [tilespmem:s24+$0x2B80];
	_ =	sdelay $0x1  }
0x312: {  	v12 =	vor.u32 @!p1 $0x810, v10  }
0x313: {  	v8 =	vmul.f32 @!p1 v8, v9;
	_ =	sdelay $0x1  }
0x314: {  	v8 =	vmax.f32 @!p1 v11, v8  }
0x315: {  	[tilespmem:s24+$0x2B80] =	vst @!p1 v8  }
0x316: {  	v8 =	vld.idx.msk @!p1 [tilespmem:v12+s23+$0x0], $0xffff;
	_ =	sdelay $0x1  }
0x317: {  	v11 =	vld @!p1 [tilespmem:s24+$0x2B90];
	_ =	sdelay $0x1  }
0x318: {  	v12 =	vor.u32 @!p1 $0x820, v10  }
0x319: {  	v8 =	vmul.f32 @!p1 v8, v9;
	_ =	sdelay $0x1  }
0x31a: {  	v8 =	vmax.f32 @!p1 v11, v8  }
0x31b: {  	[tilespmem:s24+$0x2B90] =	vst @!p1 v8  }
0x31c: {  	v8 =	vld.idx.msk @!p1 [tilespmem:v12+s23+$0x0], $0xffff;
	_ =	sdelay $0x1  }
0x31d: {  	v11 =	vld @!p1 [tilespmem:s24+$0x2BA0];
	_ =	sdelay $0x1  }
0x31e: {  	v12 =	vor.u32 @!p1 $0x830, v10  }
0x31f: {  	v8 =	vmul.f32 @!p1 v8, v9;
	_ =	sdelay $0x1  }
0x320: {  	v8 =	vmax.f32 @!p1 v11, v8  }
0x321: {  	(v2sf) =	vpush v7, $0xF;
	v9 =	vld @!p1 [tilespmem:s24+$0x7B70];
	[tilespmem:s24+$0x2BA0] =	vst @!p1 v8  }
0x322: {  	v8 =	vld.idx.msk @!p1 [tilespmem:v12+s23+$0x0], $0xffff;
	_ =	sdelay $0x1  }
0x323: {  	v11 =	vor.u32 @!p1 $0x840, v10;
	_ =	sdelay $0x2  }
0x324: {  	v7 =	vmax.f32 @!p1 v9, v8  }
0x325: {  	v8 =	vld @!p1 [tilespmem:s24+$0x7B80];
	[tilespmem:s24+$0x7B70] =	vst @!p1 v7  }
0x326: {  	v7 =	vld.idx.msk @!p1 [tilespmem:v11+s23+$0x0], $0xffff;
	_ =	sdelay $0x1  }
0x327: {  	v9 =	vor.u32 @!p1 $0x850, v10;
	_ =	sdelay $0x2  }
0x328: {  	v7 =	vmax.f32 @!p1 v8, v7  }
0x329: {  	v8 =	vld @!p1 [tilespmem:s24+$0x7B90];
	[tilespmem:s24+$0x7B80] =	vst @!p1 v7  }
0x32a: {  	s31 =	spop (v2sf);
	v7 =	vld.idx.msk @!p1 [tilespmem:v9+s23+$0x0], $0xffff  }
0x32b: {  	p0 =	seq.s32 s31, $0x0  }
0x32c: {  	(v2sf) =	vpush @!p0 v5, $0xF;
	v9 =	vor.u32 @!p1 $0x860, v10;
	_ =	sdelay $0x2  }
0x32d: {  	v5 =	vmax.f32 @!p1 v8, v7  }
0x32e: {  	v7 =	vld @!p1 [tilespmem:s24+$0x7BA0];
	[tilespmem:s24+$0x7B90] =	vst @!p1 v5  }
0x32f: {  	v5 =	vld.idx.msk @!p1 [tilespmem:v9+s23+$0x0], $0xffff  }
0x330: {  	v8 =	vlaneseq.u32 @!p0  }
0x331: {  	v9 =	vor.u32 @!p0 $0x870, v8;
	_ =	sdelay $0x2  }
0x332: {  	v5 =	vmax.f32 @!p1 v7, v5  }
0x333: {  	s23 =	simm.s32 @!p0 $0xCB70;
	[tilespmem:s24+$0x7BA0] =	vst @!p1 v5  }
0x334: {  	v5 =	vld.idx.msk @!p0 [tilespmem:v9+s23+$0x0], $0xffff;
	_ =	sdelay $0x1  }
0x335: {  	v6 =	vbroadcast @!p0 v6, $0xF  }
0x336: {  	vm1 =	vmmov @!p0 $0x1f;
	v7 =	vor.u32 @!p0 $0x880, v8;
	s24 =	spop @!p0 (v2sf)  }
0x337: {  	s24 =	ssub.s32 @!p0 s24, s7;
	v9 =	vnsel @!p0 vm1, $0x3F800000, v6  }
0x338: {  	s24 =	sshll.u32 @!p0 s24, $0x6;
	v5 =	vmul.f32 @!p0 v5, v9  }
0x339: {  	s25 =	sshra.s32 @!p0 s24, $0x2  }
0x33a: {  	[tilespmem:s25+$0x1770] =	vst.add.f32.msk @!p0 $0xffff, v5  }
0x33b: {  	v5 =	vld.idx.msk @!p0 [tilespmem:v7+s23+$0x0], $0xffff;
	_ =	sdelay $0x1  }
0x33c: {  	v7 =	vld @!p0 [tilespmem:s24+$0x2B70];
	_ =	sdelay $0x1  }
0x33d: {  	v9 =	vor.u32 @!p0 $0x890, v8  }
0x33e: {  	v5 =	vmul.f32 @!p0 v5, v6;
	_ =	sdelay $0x1  }
0x33f: {  	v5 =	vmax.f32 @!p0 v7, v5  }
0x340: {  	[tilespmem:s24+$0x2B70] =	vst @!p0 v5  }
0x341: {  	v5 =	vld.idx.msk @!p0 [tilespmem:v9+s23+$0x0], $0xffff;
	_ =	sdelay $0x1  }
0x342: {  	v7 =	vld @!p0 [tilespmem:s24+$0x2B80];
	_ =	sdelay $0x1  }
0x343: {  	v9 =	vor.u32 @!p0 $0x8A0, v8  }
0x344: {  	v5 =	vmul.f32 @!p0 v5, v6;
	_ =	sdelay $0x1  }
0x345: {  	v5 =	vmax.f32 @!p0 v7, v5  }
0x346: {  	[tilespmem:s24+$0x2B80] =	vst @!p0 v5  }
0x347: {  	v5 =	vld.idx.msk @!p0 [tilespmem:v9+s23+$0x0], $0xffff;
	_ =	sdelay $0x1  }
0x348: {  	v7 =	vld @!p0 [tilespmem:s24+$0x2B90];
	_ =	sdelay $0x1  }
0x349: {  	v9 =	vor.u32 @!p0 $0x8B0, v8  }
0x34a: {  	v5 =	vmul.f32 @!p0 v5, v6;
	_ =	sdelay $0x1  }
0x34b: {  	v5 =	vmax.f32 @!p0 v7, v5  }
0x34c: {  	[tilespmem:s24+$0x2B90] =	vst @!p0 v5  }
0x34d: {  	v5 =	vld.idx.msk @!p0 [tilespmem:v9+s23+$0x0], $0xffff;
	_ =	sdelay $0x1  }
0x34e: {  	v7 =	vld @!p0 [tilespmem:s24+$0x2BA0];
	_ =	sdelay $0x1  }
0x34f: {  	v9 =	vor.u32 @!p0 $0x8C0, v8  }
0x350: {  	v5 =	vmul.f32 @!p0 v5, v6;
	_ =	sdelay $0x1  }
0x351: {  	v5 =	vmax.f32 @!p0 v7, v5  }
0x352: {  	v6 =	vld @!p0 [tilespmem:s24+$0x7B70];
	[tilespmem:s24+$0x2BA0] =	vst @!p0 v5  }
0x353: {  	v5 =	vld.idx.msk @!p0 [tilespmem:v9+s23+$0x0], $0xffff;
	_ =	sdelay $0x1  }
0x354: {  	v7 =	vor.u32 @!p0 $0x8D0, v8;
	_ =	sdelay $0x2  }
0x355: {  	v5 =	vmax.f32 @!p0 v6, v5  }
0x356: {  	v6 =	vld @!p0 [tilespmem:s24+$0x7B80];
	[tilespmem:s24+$0x7B70] =	vst @!p0 v5  }
0x357: {  	v5 =	vld.idx.msk @!p0 [tilespmem:v7+s23+$0x0], $0xffff;
	_ =	sdelay $0x1  }
0x358: {  	v7 =	vor.u32 @!p0 $0x8E0, v8;
	_ =	sdelay $0x2  }
0x359: {  	v5 =	vmax.f32 @!p0 v6, v5  }
0x35a: {  	v6 =	vld @!p0 [tilespmem:s24+$0x7B90];
	[tilespmem:s24+$0x7B80] =	vst @!p0 v5  }
0x35b: {  	v5 =	vld.idx.msk @!p0 [tilespmem:v7+s23+$0x0], $0xffff;
	_ =	sdelay $0x1  }
0x35c: {  	v7 =	vor.u32 @!p0 $0x8F0, v8;
	_ =	sdelay $0x2  }
0x35d: {  	v5 =	vmax.f32 @!p0 v6, v5  }
0x35e: {  	v6 =	vld @!p0 [tilespmem:s24+$0x7BA0];
	[tilespmem:s24+$0x7B90] =	vst @!p0 v5  }
0x35f: {  	v5 =	vld.idx.msk @!p0 [tilespmem:v7+s23+$0x0], $0xffff;
	_ =	sdelay $0x1  }
.Ltmp9:
0x360: {  	_ = 	snop;
	(pc) =	sbr.rel .LBB2_9-.Ltmp9, $3  }
0x361: {  	_ =	sdelay $0x1  }
0x362: {  	v5 =	vmax.f32 @!p0 v6, v5  }
0x363: {  	[tilespmem:s24+$0x7BA0] =	vst @!p0 v5  }
.LBB2_12:
0x364: {  	_ =	sfence.sel $0x180000  }
0x365: {  	[bflag:$0x0] =	sbarrier.arrive $0xFFFF  }
0x366: {  	p0 =	sne.s32 s0, $0x0;
	_ =	strace $0x90000047  }
0x367: {  	s0 =	sadd.s32 @!p0 $0x100000, s1;
	[bflag:$0x2] =	sbarrier.arrive $0xFFFF  }
0x368: {  	[sflag:s0] =	ssyncadd.tile.s32 @!p0 $0x1;
	_ =	shalt  }
.Lfunc_end2:
_tile_overlayer_lowered:
.L_overlay_start_2:
0x369: {  	(tag) =	ssettag $0x2  }
0x36a: {  	s0 =	rddreg [dreg:$0x0];
	s2 =	stileid.u32  }
0x36b: {  	s1 =	rddreg [dreg:$0x1];
	p0 =	sne.s32 s2, $0x0  }
0x36c: {  	s3 =	rddreg [dreg:$0x2];
	[bflag:$0x3] =	sbarrier.arrive $0xFFFF;
	s2 =	simm.s32 @!p0 $0x1C02  }
0x36d: {  	[timem:s3], [sflag:s2] =	dma.local @!p0 [hbm:s0], s1  }
0x36e: {  	s0 =	simm.s32 @!p0 $0x2  }
0x36f: {  	_ =	swait.ge @!p0 [sflag:s0], s1  }
0x370: {  	s1 =	ssub.s32 @!p0 $0x0, s1;
	[sflag:s0] =	ssyncset.done @!p0 $0x0  }
0x371: {  	[sflag:s0] =	ssyncadd.s32 @!p0 s1  }
0x372: {  	[bflag:$0x3] =	sbarrier.arrive $0xFFFF  }
0x373: {  	_ =	shalt  }

// kernel: scatter_offload_async_start.1
scs
__scs_entry_jumppad:
0x0: {  	(pc) =	sbr.rel $0x88, $3  }
0x1: {  	(tag) =	ssettag $0x0;
	lr =	simm.s32 $0x1  }
0x2: {  	[smem:$0x3F8A] =	sst lr;
	_ =	strace $0xD0000000  }
0x3: {  	_ = 	snop  }
0x4: {  	_ = 	snop  }
0x5: {  	_ = 	snop  }
0x6: {  	_ = 	snop  }
0x7: {  	_ = 	snop  }
__scs_overlays_trampoline_lowered:
0x8: {  	[smem:$0x3F99] =	sst s0  }
0x9: {  	[smem:$0x3F9A] =	sst s1  }
0xa: {  	[smem:$0x3F9B] =	sst s2  }
0xb: {  	[smem:$0x3F9C] =	sst s3  }
0xc: {  	[smem:$0x3F9D] =	sst s4  }
0xd: {  	[smem:$0x3F9E] =	sst s5  }
0xe: {  	[smem:$0x3F9F] =	sst s6  }
0xf: {  	[smem:$0x3FA0] =	sst s7  }
0x10: {  	[smem:$0x3FA1] =	sst s8  }
0x11: {  	[smem:$0x3FA2] =	sst s9;
	s0 =	simm.s32 @!p0 $0x0  }
0x12: {  	s1 =	sld [smem:$0x3F88];
	s0 =	simm.s32 @p0 $0x1  }
0x13: {  	[smem:$0x3FA3] =	sst s0;
	s0 =	simm.s32 @!p1 $0x0  }
0x14: {  	s2 =	sld [smem:$0x3F87];
	s0 =	simm.s32 @p1 $0x1  }
0x15: {  	[smem:$0x3FA4] =	sst s0;
	s0 =	simm.s32 @!p2 $0x0  }
0x16: {  	s3 =	sld [smem:$0x3FDB];
	s0 =	simm.s32 @p2 $0x1  }
0x17: {  	s4 =	simm.s32 $0x1BF5;
	[smem:$0x3FA6] =	sst s0  }
0x18: {  	s0 =	sld [smem:$0x3F89];
	_ =	swait.ge [sflag:s4], $0x0  }
0x19: {  	s7 =	sld [smem:$0x3F8A]  }
0x1a: {  	s8 =	sadd.s32 $0xFFFFE003, lr  }
0x1b: {  	s9 =	sadd.s32 $0xFFFFFEF7, lr;
	s5 =	simm.s32 $0xFFFFFFFF;
	p2 =	slt.u32 s8, $0xFFFFF086  }
0x1c: {  	p1 =	slt.u32 s9, $0xF7A;
	s5 =	simm.s32 @!p2 $0x0  }
0x1d: {  	s5 =	simm.s32 @p1 $0x1;
	p0 =	seq.s32 s7, s2  }
0x1e: {  	s7 =	smul.u32 @!p0 $0xF7A, s2;
	p2 =	seq.s32 @!p0 s5, $0x0  }
0x1f: {  	s9 =	smul.u32 $0xF7A, s1;
	s8 =	simm.s32 @!p0 $0x1BF5;
	p2 =	por !p2, p0  }
0x20: {  	[sflag:s8] =	ssyncset.s32 @!p0 $0xFFFFF086;
	s6 =	sadd.s32 @!p0 s3, s7;
	s7 =	simm.s32 @!p0 $0x108  }
0x21: {  	s3 =	sadd.s32 s3, s9;
	s6 =	sadd.s32 @!p0 $0x88, s6;
	s7 =	simm.s32 @p2 $0x1082  }
0x22: {  	[simem:s7], [sflag:s8] =	dma.local @!p0 [hbm:s6], $0xF7A  }
0x23: {  	s9 =	sor.u32 $0xD0000000, s2;
	s6 =	simm.s32 $0x108;
	_ =	swait.ge @!p0 [sflag:s8], $0x0  }
0x24: {  	s3 =	sadd.s32 $0x88, s3;
	s6 =	simm.s32 @!p1 $0x1082;
	[sflag:s4] =	ssyncset.s32 $0xFFFFF086  }
0x25: {  	[simem:s6], [sflag:s4] =	dma.local [hbm:s3], $0xF7A  }
0x26: {  	[smem:$0x3F8A] =	sst s1;
	(tag) =	ssettag s2;
	_ =	strace s9  }
0x27: {  	s1 =	sld [smem:$0x3F9A]  }
0x28: {  	s2 =	sld [smem:$0x3F9B]  }
0x29: {  	s4 =	sld [smem:$0x3F9D]  }
0x2a: {  	p0 =	seq.s32 s5, $0x0;
	s5 =	sld [smem:$0x3F9E]  }
0x2b: {  	s6 =	sld [smem:$0x3F9F]  }
0x2c: {  	s7 =	sld [smem:$0x3FA0]  }
0x2d: {  	s3 =	simm.s32 $0x108;
	s8 =	sld [smem:$0x3FA1]  }
0x2e: {  	s3 =	simm.s32 @!p0 $0x1082;
	s9 =	sld [smem:$0x3FA2]  }
0x2f: {  	lr =	sadd.s32 s0, s3;
	s0 =	sld [smem:$0x3F99]  }
0x30: {  	s3 =	sld [smem:$0x3F9C]  }
0x31: {  	[smem:$0x3FA5] =	sst s10  }
0x32: {  	s10 =	sld [smem:$0x3FA3];
	_ =	sdelay $0x3  }
0x33: {  	p0 =	seq.s32 s10, $0x1;
	s10 =	sld [smem:$0x3FA5];
	_ =	sdelay $0x3  }
0x34: {  	[smem:$0x3FA5] =	sst s10  }
0x35: {  	s10 =	sld [smem:$0x3FA4];
	_ =	sdelay $0x3  }
0x36: {  	p1 =	seq.s32 s10, $0x1;
	s10 =	sld [smem:$0x3FA5];
	_ =	sdelay $0x3  }
0x37: {  	[smem:$0x3FA5] =	sst s10  }
0x38: {  	s10 =	sld [smem:$0x3FA6]  }
0x39: {  	_ = 	snop;
	(pc) =	sbr.ind lr, $3  }
0x3a: {  	_ = 	snop  }
0x3b: {  	_ = 	snop  }
0x3c: {  	p2 =	seq.s32 s10, $0x1;
	s10 =	sld [smem:$0x3FA5]  }
0x3d: {  	_ =	shalt  }
0x3e: {  	_ =	shalt  }
0x3f: {  	_ =	shalt  }
0x40: {  	_ =	shalt  }
0x41: {  	_ =	shalt  }
0x42: {  	_ =	shalt  }
0x43: {  	_ =	shalt  }
0x44: {  	_ =	shalt  }
0x45: {  	_ =	shalt  }
0x46: {  	_ =	shalt  }
0x47: {  	_ =	shalt  }
0x48: {  	_ =	shalt  }
0x49: {  	_ =	shalt  }
0x4a: {  	_ =	shalt  }
0x4b: {  	_ =	shalt  }
0x4c: {  	_ =	shalt  }
0x4d: {  	_ =	shalt  }
0x4e: {  	_ =	shalt  }
0x4f: {  	_ =	shalt  }
0x50: {  	_ =	shalt  }
0x51: {  	_ =	shalt  }
0x52: {  	_ =	shalt  }
0x53: {  	_ =	shalt  }
0x54: {  	_ =	shalt  }
0x55: {  	_ =	shalt  }
0x56: {  	_ =	shalt  }
0x57: {  	_ =	shalt  }
0x58: {  	_ =	shalt  }
0x59: {  	_ =	shalt  }
0x5a: {  	_ =	shalt  }
0x5b: {  	_ =	shalt  }
0x5c: {  	_ =	shalt  }
0x5d: {  	_ =	shalt  }
0x5e: {  	_ =	shalt  }
0x5f: {  	_ =	shalt  }
0x60: {  	_ =	shalt  }
0x61: {  	_ =	shalt  }
0x62: {  	_ =	shalt  }
0x63: {  	_ =	shalt  }
0x64: {  	_ =	shalt  }
0x65: {  	_ =	shalt  }
0x66: {  	_ =	shalt  }
0x67: {  	_ =	shalt  }
0x68: {  	_ =	shalt  }
0x69: {  	_ =	shalt  }
0x6a: {  	_ =	shalt  }
0x6b: {  	_ =	shalt  }
0x6c: {  	_ =	shalt  }
0x6d: {  	_ =	shalt  }
0x6e: {  	_ =	shalt  }
0x6f: {  	_ =	shalt  }
0x70: {  	_ =	shalt  }
0x71: {  	_ =	shalt  }
0x72: {  	_ =	shalt  }
0x73: {  	_ =	shalt  }
0x74: {  	_ =	shalt  }
0x75: {  	_ =	shalt  }
0x76: {  	_ =	shalt  }
0x77: {  	_ =	shalt  }
0x78: {  	_ =	shalt  }
0x79: {  	_ =	shalt  }
0x7a: {  	_ =	shalt  }
0x7b: {  	_ =	shalt  }
0x7c: {  	_ =	shalt  }
0x7d: {  	_ =	shalt  }
0x7e: {  	_ =	shalt  }
0x7f: {  	_ =	shalt  }
0x80: {  	_ =	shalt  }
0x81: {  	_ =	shalt  }
0x82: {  	_ =	shalt  }
0x83: {  	_ =	shalt  }
0x84: {  	_ =	shalt  }
0x85: {  	_ =	shalt  }
0x86: {  	_ =	shalt  }
0x87: {  	_ =	shalt  }
.Lfunc_end0:
.L_simem_size_0:
called_computation.1_lowered:
.L_overlay_start_0:
0x88: {  	s0 =	sld [smem:$0x3FD9]  }
0x89: {  	s1 =	sld [smem:$0x3FFE];
	_ =	sdelay $0x3  }
0x8a: {  	s0 =	sadd.s32 s1, s0  }
0x8b: {  	[smem:$0x3FB1] =	sst s0  }
0x8c: {  	_ = 	snop  }
0x8d: {  	(tm) =	ssettm $0x1  }
0x8e: {  	s15 =	sld [smem:$0x3FFB];
	_ =	sdelay $0x3  }
0x8f: {  	_ =	strace s15  }
0x90: {  	s0 =	sld [smem:$0x3FFC];
	_ =	sdelay $0x3  }
0x91: {  	_ =	strace s0  }
0x92: {  	s0 =	sld [smem:$0x3FFD];
	_ =	sdelay $0x3  }
0x93: {  	_ =	strace s0  }
0x94: {  	_ =	strace $0x8FFFFFFF  }
0x95: {  	s16 =	sld [smem:$0x3FDB];
	_ =	sdelay $0x1  }
0x96: {  	s17 =	simm.s32 $_scs_section_size  }
0x97: {  	s2 =	simm.s32 $_size__tile_overlayer_lowered;
	s3 =	simm.s32 $_tile_overlayer_lowered  }
0x98: {  	s20 =	simm.s32 $0x1BFF;
	s19 =	sshll.u32 s3, $0x1;
	s0 =	sadd.s32 s17, s16  }
0x99: {  	s4 =	simm.s32 $0x0;
	s18 =	sshll.u32 s2, $0x1;
	s2 =	sadd.s32 s19, s0  }
0x9a: {  	[timem:s4], [sflag:s20] =	dma.local [hbm:s2], s18  }
0x9b: {  	_ =	swait.ge [sflag:s20], s18  }
0x9c: {  	s1 =	ssub.s32 $0x0, s18;
	[sflag:s20] =	ssyncset.done $0x0  }
0x9d: {  	[sflag:s20] =	ssyncadd.s32 s1;
	_ =	sdelay $0x1  }
0x9e: {  	s21 =	simm.s32 $0x1B8B  }
0x9f: {  	_ =	swait.ge [sflag:s21], $0x1  }
0xa0: {  	[sflag:s21] =	ssyncset.done $0x0  }
0xa1: {  	s23 =	simm.s32 $0x1B8E;
	s22 =	sld [smem:$0x3FFE];
	[sflag:s21] =	ssyncadd.s32 $0xFFFFFFFF  }
0xa2: {  	s24 =	simm.s32 $execute0_lowered;
	[smem:$0x3FD2] =	sst s23  }
0xa3: {  	s2 =	sshll.u32 s24, $0x1;
	_ =	strace $0x8000004F;
	[dreg:$0x1] =	wrdreg $0xFFFFFFFF  }
0xa4: {  	s25 =	simm.s32 $_size_execute0_lowered;
	s0 =	sadd.s32 s0, s2;
	[dreg:$0x0] =	wrdreg $0x0  }
0xa5: {  	s2 =	sshll.u32 s25, $0x1;
	[dreg:$0x2] =	wrdreg s0  }
0xa6: {  	[dreg:$0x3] =	wrdreg s2  }
0xa7: {  	[dreg:$0x4] =	wrdreg $0xC0  }
0xa8: {  	_ =	task [dreg:s4], $0x5FFFF  }
0xa9: {  	[dreg:$0x1] =	wrdreg $0xFFFFFFFF  }
0xaa: {  	[dreg:$0x0] =	wrdreg $0x60  }
0xab: {  	[dreg:$0x2] =	wrdreg s22  }
0xac: {  	[dreg:$0x3] =	wrdreg $0x9  }
0xad: {  	_ =	task.clear_ibuf [dreg:s4], $0x4FFFF;
	_ =	strace $0x9000004F  }
0xae: {  	s26 =	simm.s32 $0x9;
	_ =	strace $0x80000051  }
0xaf: {  	_ =	swait.ge [sflag:s26], $0x1  }
0xb0: {  	[sflag:s26] =	ssyncadd.s32 $0xFFFFFFFF  }
0xb1: {  	_ =	strace $0x90000051  }
0xb2: {  	_ =	sfence  }
0xb3: {  	s28 =	sld [smem:$0x0];
	_ =	sdelay $0x1  }
0xb4: {  	s29 =	srdreg.scid  }
0xb5: {  	s30 =	sshll.u32 s29, $0xD;
	s31 =	sshrl.u32 s29, $0x2  }
0xb6: {  	s1 =	sand.u32 $0x1, s29;
	s2 =	sand.u32 $0x4000, s30;
	s0 =	sadd.s32 s31, s28  }
0xb7: {  	s1 =	sor.u32 s2, s1;
	s0 =	sshll.u32 s0, $0x11  }
0xb8: {  	s0 =	sor.u32 s0, s1  }
0xb9: {  	s0 =	sadd.s32 $0x8F2B, s0  }
0xba: {  	[sflag:s0] =	ssyncadd.remote.s32 $0x1  }
0xbb: {  	_ =	sfence.sel $0xFFFF  }
0xbc: {  	[dreg:$0x0] =	wrdreg $0xFFFFFFFF;
	(pc) =	sbr.abs _section_cstart, $3  }
0xbd: {  	[dreg:$0x1] =	wrdreg $0xFFFFFFFF  }
0xbe: {  	_ =	task.clear_ibuf [dreg:s4], $0x2FFFF;
	_ =	strace $0x9FFFFFFF  }
0xbf: {  	(tm) =	ssettm $0x7FFFFFFF  }
tec
execute0_lowered:
.L_overlay_start_1:
0x0: {  	(tag) =	ssettag $0x1  }
0x1: {  	s1 =	rddreg [dreg:$0x0];
	_ =	strace $0x80000050;
	s11 =	simm.s32 $0x1  }
0x2: {  	v0 =	vimm.s32 $0x0;
	[sflag:s11] =	ssyncpa.u1 $0x0  }
0x3: {  	[tilespmem:$0x28] =	vst v0  }
0x4: {  	[tilespmem:$0x38] =	vst v0  }
0x5: {  	[tilespmem:$0x48] =	vst v0  }
0x6: {  	[tilespmem:$0x58] =	vst v0  }
0x7: {  	[tilespmem:$0x68] =	vst v0  }
0x8: {  	[tilespmem:$0x78] =	vst v0  }
0x9: {  	[tilespmem:$0x88] =	vst v0  }
0xa: {  	[tilespmem:$0x98] =	vst v0  }
0xb: {  	[tilespmem:$0xA8] =	vst v0  }
0xc: {  	[tilespmem:$0xB8] =	vst v0  }
0xd: {  	[tilespmem:$0xC8] =	vst v0  }
0xe: {  	[tilespmem:$0xD8] =	vst v0  }
0xf: {  	[tilespmem:$0xE8] =	vst v0  }
0x10: {  	[tilespmem:$0xF8] =	vst v0  }
0x11: {  	[tilespmem:$0x108] =	vst v0  }
0x12: {  	[tilespmem:$0x118] =	vst v0  }
0x13: {  	[tilespmem:$0x128] =	vst v0  }
0x14: {  	[tilespmem:$0x138] =	vst v0  }
0x15: {  	[tilespmem:$0x148] =	vst v0  }
0x16: {  	[tilespmem:$0x158] =	vst v0  }
0x17: {  	[tilespmem:$0x168] =	vst v0  }
0x18: {  	[tilespmem:$0x178] =	vst v0  }
0x19: {  	[tilespmem:$0x188] =	vst v0  }
0x1a: {  	[tilespmem:$0x198] =	vst v0  }
0x1b: {  	[tilespmem:$0x1A8] =	vst v0  }
0x1c: {  	[tilespmem:$0x1B8] =	vst v0  }
0x1d: {  	[tilespmem:$0x1C8] =	vst v0  }
0x1e: {  	[tilespmem:$0x1D8] =	vst v0  }
0x1f: {  	[tilespmem:$0x1E8] =	vst v0  }
0x20: {  	[tilespmem:$0x1F8] =	vst v0  }
0x21: {  	[tilespmem:$0x208] =	vst v0  }
0x22: {  	[tilespmem:$0x218] =	vst v0  }
0x23: {  	[tilespmem:$0x228] =	vst v0  }
0x24: {  	[tilespmem:$0x238] =	vst v0  }
0x25: {  	[tilespmem:$0x248] =	vst v0  }
0x26: {  	[tilespmem:$0x258] =	vst v0  }
0x27: {  	[tilespmem:$0x268] =	vst v0  }
0x28: {  	[tilespmem:$0x278] =	vst v0  }
0x29: {  	[tilespmem:$0x288] =	vst v0  }
0x2a: {  	[tilespmem:$0x298] =	vst v0  }
0x2b: {  	[tilespmem:$0x2A8] =	vst v0  }
0x2c: {  	[tilespmem:$0x2B8] =	vst v0  }
0x2d: {  	[tilespmem:$0x2C8] =	vst v0  }
0x2e: {  	[tilespmem:$0x2D8] =	vst v0  }
0x2f: {  	[tilespmem:$0x2E8] =	vst v0  }
0x30: {  	[tilespmem:$0x2F8] =	vst v0  }
0x31: {  	[tilespmem:$0x308] =	vst v0  }
0x32: {  	[tilespmem:$0x318] =	vst v0  }
0x33: {  	[tilespmem:$0x328] =	vst v0  }
0x34: {  	[tilespmem:$0x338] =	vst v0  }
0x35: {  	[tilespmem:$0x348] =	vst v0  }
0x36: {  	[tilespmem:$0x358] =	vst v0  }
0x37: {  	[tilespmem:$0x368] =	vst v0  }
0x38: {  	[tilespmem:$0x378] =	vst v0  }
0x39: {  	[tilespmem:$0x388] =	vst v0  }
0x3a: {  	[tilespmem:$0x398] =	vst v0  }
0x3b: {  	[tilespmem:$0x3A8] =	vst v0  }
0x3c: {  	[tilespmem:$0x3B8] =	vst v0  }
0x3d: {  	[tilespmem:$0x3C8] =	vst v0  }
0x3e: {  	[tilespmem:$0x3D8] =	vst v0  }
0x3f: {  	[tilespmem:$0x3E8] =	vst v0  }
0x40: {  	[tilespmem:$0x3F8] =	vst v0  }
0x41: {  	[tilespmem:$0x408] =	vst v0  }
0x42: {  	[tilespmem:$0x418] =	vst v0  }
0x43: {  	[tilespmem:$0x428] =	vst v0  }
0x44: {  	[tilespmem:$0x438] =	vst v0  }
0x45: {  	[tilespmem:$0x448] =	vst v0  }
0x46: {  	[tilespmem:$0x458] =	vst v0  }
0x47: {  	[tilespmem:$0x468] =	vst v0  }
0x48: {  	[tilespmem:$0x478] =	vst v0  }
0x49: {  	[tilespmem:$0x488] =	vst v0  }
0x4a: {  	[tilespmem:$0x498] =	vst v0  }
0x4b: {  	[tilespmem:$0x4A8] =	vst v0  }
0x4c: {  	[tilespmem:$0x4B8] =	vst v0  }
0x4d: {  	[tilespmem:$0x4C8] =	vst v0  }
0x4e: {  	[tilespmem:$0x4D8] =	vst v0  }
0x4f: {  	[tilespmem:$0x4E8] =	vst v0  }
0x50: {  	[tilespmem:$0x4F8] =	vst v0  }
0x51: {  	[tilespmem:$0x508] =	vst v0  }
0x52: {  	[tilespmem:$0x518] =	vst v0  }
0x53: {  	[tilespmem:$0x528] =	vst v0  }
0x54: {  	[tilespmem:$0x538] =	vst v0  }
0x55: {  	[tilespmem:$0x548] =	vst v0  }
0x56: {  	[tilespmem:$0x558] =	vst v0  }
0x57: {  	[tilespmem:$0x568] =	vst v0  }
0x58: {  	[tilespmem:$0x578] =	vst v0  }
0x59: {  	[tilespmem:$0x588] =	vst v0  }
0x5a: {  	[tilespmem:$0x598] =	vst v0  }
0x5b: {  	[tilespmem:$0x5A8] =	vst v0  }
0x5c: {  	[tilespmem:$0x5B8] =	vst v0  }
0x5d: {  	[tilespmem:$0x5C8] =	vst v0  }
0x5e: {  	[tilespmem:$0x5D8] =	vst v0  }
0x5f: {  	[tilespmem:$0x5E8] =	vst v0  }
0x60: {  	[tilespmem:$0x5F8] =	vst v0  }
0x61: {  	[tilespmem:$0x608] =	vst v0  }
0x62: {  	[tilespmem:$0x618] =	vst v0  }
0x63: {  	[tilespmem:$0x628] =	vst v0  }
0x64: {  	[tilespmem:$0x638] =	vst v0  }
0x65: {  	[tilespmem:$0x648] =	vst v0  }
0x66: {  	[tilespmem:$0x658] =	vst v0  }
0x67: {  	[tilespmem:$0x668] =	vst v0  }
0x68: {  	[tilespmem:$0x678] =	vst v0  }
0x69: {  	[tilespmem:$0x688] =	vst v0  }
0x6a: {  	[tilespmem:$0x698] =	vst v0  }
0x6b: {  	[tilespmem:$0x6A8] =	vst v0  }
0x6c: {  	[tilespmem:$0x6B8] =	vst v0  }
0x6d: {  	[tilespmem:$0x6C8] =	vst v0  }
0x6e: {  	[tilespmem:$0x6D8] =	vst v0  }
0x6f: {  	[tilespmem:$0x6E8] =	vst v0  }
0x70: {  	[tilespmem:$0x6F8] =	vst v0  }
0x71: {  	[tilespmem:$0x708] =	vst v0  }
0x72: {  	[tilespmem:$0x718] =	vst v0  }
0x73: {  	[tilespmem:$0x728] =	vst v0  }
0x74: {  	[tilespmem:$0x738] =	vst v0  }
0x75: {  	[tilespmem:$0x748] =	vst v0  }
0x76: {  	[tilespmem:$0x758] =	vst v0  }
0x77: {  	[tilespmem:$0x768] =	vst v0  }
0x78: {  	[tilespmem:$0x778] =	vst v0  }
0x79: {  	[tilespmem:$0x788] =	vst v0  }
0x7a: {  	[tilespmem:$0x798] =	vst v0  }
0x7b: {  	[tilespmem:$0x7A8] =	vst v0  }
0x7c: {  	[tilespmem:$0x7B8] =	vst v0  }
0x7d: {  	[tilespmem:$0x7C8] =	vst v0  }
0x7e: {  	[tilespmem:$0x7D8] =	vst v0  }
0x7f: {  	[tilespmem:$0x7E8] =	vst v0  }
0x80: {  	[tilespmem:$0x7F8] =	vst v0  }
0x81: {  	[tilespmem:$0x808] =	vst v0  }
0x82: {  	[tilespmem:$0x818] =	vst v0  }
0x83: {  	[tilespmem:$0x828] =	vst v0  }
0x84: {  	[tilespmem:$0x838] =	vst v0  }
0x85: {  	[tilespmem:$0x848] =	vst v0  }
0x86: {  	[tilespmem:$0x858] =	vst v0  }
0x87: {  	[tilespmem:$0x868] =	vst v0  }
0x88: {  	[tilespmem:$0x878] =	vst v0  }
0x89: {  	[tilespmem:$0x888] =	vst v0  }
0x8a: {  	[tilespmem:$0x898] =	vst v0  }
0x8b: {  	[tilespmem:$0x8A8] =	vst v0  }
0x8c: {  	[tilespmem:$0x8B8] =	vst v0  }
0x8d: {  	[tilespmem:$0x8C8] =	vst v0  }
0x8e: {  	[tilespmem:$0x8D8] =	vst v0  }
0x8f: {  	[tilespmem:$0x8E8] =	vst v0  }
0x90: {  	[tilespmem:$0x8F8] =	vst v0  }
0x91: {  	[tilespmem:$0x908] =	vst v0  }
0x92: {  	[tilespmem:$0x918] =	vst v0  }
0x93: {  	[tilespmem:$0x928] =	vst v0  }
0x94: {  	[tilespmem:$0x938] =	vst v0  }
0x95: {  	[tilespmem:$0x948] =	vst v0  }
0x96: {  	[tilespmem:$0x958] =	vst v0  }
0x97: {  	[tilespmem:$0x968] =	vst v0  }
0x98: {  	[tilespmem:$0x978] =	vst v0  }
0x99: {  	[tilespmem:$0x988] =	vst v0  }
0x9a: {  	[tilespmem:$0x998] =	vst v0  }
0x9b: {  	[tilespmem:$0x9A8] =	vst v0  }
0x9c: {  	[tilespmem:$0x9B8] =	vst v0  }
0x9d: {  	[tilespmem:$0x9C8] =	vst v0  }
0x9e: {  	[tilespmem:$0x9D8] =	vst v0  }
0x9f: {  	[tilespmem:$0x9E8] =	vst v0  }
0xa0: {  	[tilespmem:$0x9F8] =	vst v0  }
0xa1: {  	[tilespmem:$0xA08] =	vst v0  }
0xa2: {  	[tilespmem:$0xA18] =	vst v0  }
0xa3: {  	[tilespmem:$0xA28] =	vst v0  }
0xa4: {  	[tilespmem:$0xA38] =	vst v0  }
0xa5: {  	[tilespmem:$0xA48] =	vst v0  }
0xa6: {  	[tilespmem:$0xA58] =	vst v0  }
0xa7: {  	[tilespmem:$0xA68] =	vst v0  }
0xa8: {  	[tilespmem:$0xA78] =	vst v0  }
0xa9: {  	[tilespmem:$0xA88] =	vst v0  }
0xaa: {  	[tilespmem:$0xA98] =	vst v0  }
0xab: {  	[tilespmem:$0xAA8] =	vst v0  }
0xac: {  	[tilespmem:$0xAB8] =	vst v0  }
0xad: {  	[tilespmem:$0xAC8] =	vst v0  }
0xae: {  	[tilespmem:$0xAD8] =	vst v0  }
0xaf: {  	[tilespmem:$0xAE8] =	vst v0  }
0xb0: {  	[tilespmem:$0xAF8] =	vst v0  }
0xb1: {  	[tilespmem:$0xB08] =	vst v0  }
0xb2: {  	[tilespmem:$0xB18] =	vst v0  }
0xb3: {  	[tilespmem:$0xB28] =	vst v0  }
0xb4: {  	[tilespmem:$0xB38] =	vst v0  }
0xb5: {  	[tilespmem:$0xB48] =	vst v0  }
0xb6: {  	[tilespmem:$0xB58] =	vst v0  }
0xb7: {  	[tilespmem:$0xB68] =	vst v0  }
0xb8: {  	[tilespmem:$0xB78] =	vst v0  }
0xb9: {  	[tilespmem:$0xB88] =	vst v0  }
0xba: {  	[tilespmem:$0xB98] =	vst v0  }
0xbb: {  	[tilespmem:$0xBA8] =	vst v0  }
0xbc: {  	[tilespmem:$0xBB8] =	vst v0  }
0xbd: {  	[tilespmem:$0xBC8] =	vst v0  }
0xbe: {  	[tilespmem:$0xBD8] =	vst v0  }
0xbf: {  	[tilespmem:$0xBE8] =	vst v0  }
0xc0: {  	[tilespmem:$0xBF8] =	vst v0  }
0xc1: {  	[tilespmem:$0xC08] =	vst v0  }
0xc2: {  	[tilespmem:$0xC18] =	vst v0  }
0xc3: {  	[tilespmem:$0xC28] =	vst v0  }
0xc4: {  	[tilespmem:$0xC38] =	vst v0  }
0xc5: {  	[tilespmem:$0xC48] =	vst v0  }
0xc6: {  	[tilespmem:$0xC58] =	vst v0  }
0xc7: {  	[tilespmem:$0xC68] =	vst v0  }
0xc8: {  	[tilespmem:$0xC78] =	vst v0  }
0xc9: {  	[tilespmem:$0xC88] =	vst v0  }
0xca: {  	[tilespmem:$0xC98] =	vst v0  }
0xcb: {  	[tilespmem:$0xCA8] =	vst v0  }
0xcc: {  	[tilespmem:$0xCB8] =	vst v0  }
0xcd: {  	[tilespmem:$0xCC8] =	vst v0  }
0xce: {  	[tilespmem:$0xCD8] =	vst v0  }
0xcf: {  	[tilespmem:$0xCE8] =	vst v0  }
0xd0: {  	[tilespmem:$0xCF8] =	vst v0  }
0xd1: {  	[tilespmem:$0xD08] =	vst v0  }
0xd2: {  	[tilespmem:$0xD18] =	vst v0  }
0xd3: {  	[tilespmem:$0xD28] =	vst v0  }
0xd4: {  	[tilespmem:$0xD38] =	vst v0  }
0xd5: {  	[tilespmem:$0xD48] =	vst v0  }
0xd6: {  	[tilespmem:$0xD58] =	vst v0  }
0xd7: {  	[tilespmem:$0xD68] =	vst v0  }
0xd8: {  	[tilespmem:$0xD78] =	vst v0  }
0xd9: {  	[tilespmem:$0xD88] =	vst v0  }
0xda: {  	[tilespmem:$0xD98] =	vst v0  }
0xdb: {  	[tilespmem:$0xDA8] =	vst v0  }
0xdc: {  	[tilespmem:$0xDB8] =	vst v0  }
0xdd: {  	[tilespmem:$0xDC8] =	vst v0  }
0xde: {  	[tilespmem:$0xDD8] =	vst v0  }
0xdf: {  	[tilespmem:$0xDE8] =	vst v0  }
0xe0: {  	[tilespmem:$0xDF8] =	vst v0  }
0xe1: {  	[tilespmem:$0xE08] =	vst v0  }
0xe2: {  	[tilespmem:$0xE18] =	vst v0  }
0xe3: {  	[tilespmem:$0xE28] =	vst v0  }
0xe4: {  	[tilespmem:$0xE38] =	vst v0  }
0xe5: {  	[tilespmem:$0xE48] =	vst v0  }
0xe6: {  	[tilespmem:$0xE58] =	vst v0  }
0xe7: {  	[tilespmem:$0xE68] =	vst v0  }
0xe8: {  	[tilespmem:$0xE78] =	vst v0  }
0xe9: {  	[tilespmem:$0xE88] =	vst v0  }
0xea: {  	[tilespmem:$0xE98] =	vst v0  }
0xeb: {  	[tilespmem:$0xEA8] =	vst v0  }
0xec: {  	[tilespmem:$0xEB8] =	vst v0  }
0xed: {  	[tilespmem:$0xEC8] =	vst v0  }
0xee: {  	[tilespmem:$0xED8] =	vst v0  }
0xef: {  	[tilespmem:$0xEE8] =	vst v0  }
0xf0: {  	[tilespmem:$0xEF8] =	vst v0  }
0xf1: {  	[tilespmem:$0xF08] =	vst v0  }
0xf2: {  	[tilespmem:$0xF18] =	vst v0  }
0xf3: {  	[tilespmem:$0xF28] =	vst v0  }
0xf4: {  	[tilespmem:$0xF38] =	vst v0  }
0xf5: {  	[tilespmem:$0xF48] =	vst v0  }
0xf6: {  	[tilespmem:$0xF58] =	vst v0  }
0xf7: {  	[tilespmem:$0xF68] =	vst v0  }
0xf8: {  	[tilespmem:$0xF78] =	vst v0  }
0xf9: {  	[tilespmem:$0xF88] =	vst v0  }
0xfa: {  	[tilespmem:$0xF98] =	vst v0  }
0xfb: {  	[tilespmem:$0xFA8] =	vst v0  }
0xfc: {  	[tilespmem:$0xFB8] =	vst v0  }
0xfd: {  	[tilespmem:$0xFC8] =	vst v0  }
0xfe: {  	[tilespmem:$0xFD8] =	vst v0  }
0xff: {  	[tilespmem:$0xFE8] =	vst v0  }
0x100: {  	[tilespmem:$0xFF8] =	vst v0  }
0x101: {  	[tilespmem:$0x1008] =	vst v0  }
0x102: {  	[tilespmem:$0x10D8] =	vst v0  }
0x103: {  	[tilespmem:$0x1B28] =	vst v0  }
0x104: {  	[tilespmem:$0x1B18] =	vst v0  }
0x105: {  	[tilespmem:$0x1B08] =	vst v0  }
0x106: {  	[tilespmem:$0x1AF8] =	vst v0  }
0x107: {  	[tilespmem:$0x1AE8] =	vst v0  }
0x108: {  	[tilespmem:$0x1AD8] =	vst v0  }
0x109: {  	[tilespmem:$0x1AC8] =	vst v0  }
0x10a: {  	[tilespmem:$0x1AB8] =	vst v0  }
0x10b: {  	[tilespmem:$0x1AA8] =	vst v0  }
0x10c: {  	[tilespmem:$0x1A98] =	vst v0  }
0x10d: {  	[tilespmem:$0x1A88] =	vst v0  }
0x10e: {  	[tilespmem:$0x1A78] =	vst v0  }
0x10f: {  	[tilespmem:$0x1A68] =	vst v0  }
0x110: {  	[tilespmem:$0x1A58] =	vst v0  }
0x111: {  	[tilespmem:$0x1A48] =	vst v0  }
0x112: {  	[tilespmem:$0x1A38] =	vst v0  }
0x113: {  	[tilespmem:$0x1A28] =	vst v0  }
0x114: {  	[tilespmem:$0x1A18] =	vst v0  }
0x115: {  	[tilespmem:$0x1A08] =	vst v0  }
0x116: {  	[tilespmem:$0x19F8] =	vst v0  }
0x117: {  	[tilespmem:$0x19E8] =	vst v0  }
0x118: {  	[tilespmem:$0x19D8] =	vst v0  }
0x119: {  	[tilespmem:$0x19C8] =	vst v0  }
0x11a: {  	[tilespmem:$0x19B8] =	vst v0  }
0x11b: {  	[tilespmem:$0x19A8] =	vst v0  }
0x11c: {  	[tilespmem:$0x1998] =	vst v0  }
0x11d: {  	[tilespmem:$0x1988] =	vst v0  }
0x11e: {  	[tilespmem:$0x1978] =	vst v0  }
0x11f: {  	[tilespmem:$0x1968] =	vst v0  }
0x120: {  	[tilespmem:$0x1958] =	vst v0  }
0x121: {  	[tilespmem:$0x1948] =	vst v0  }
0x122: {  	[tilespmem:$0x1938] =	vst v0  }
0x123: {  	[tilespmem:$0x1928] =	vst v0  }
0x124: {  	[tilespmem:$0x1918] =	vst v0  }
0x125: {  	[tilespmem:$0x1908] =	vst v0  }
0x126: {  	[tilespmem:$0x18F8] =	vst v0  }
0x127: {  	[tilespmem:$0x18E8] =	vst v0  }
0x128: {  	[tilespmem:$0x18D8] =	vst v0  }
0x129: {  	[tilespmem:$0x18C8] =	vst v0  }
0x12a: {  	[tilespmem:$0x18B8] =	vst v0  }
0x12b: {  	[tilespmem:$0x18A8] =	vst v0  }
0x12c: {  	[tilespmem:$0x1898] =	vst v0  }
0x12d: {  	[tilespmem:$0x1888] =	vst v0  }
0x12e: {  	[tilespmem:$0x1878] =	vst v0  }
0x12f: {  	[tilespmem:$0x1868] =	vst v0  }
0x130: {  	[tilespmem:$0x1858] =	vst v0  }
0x131: {  	[tilespmem:$0x1848] =	vst v0  }
0x132: {  	[tilespmem:$0x1838] =	vst v0  }
0x133: {  	[tilespmem:$0x1828] =	vst v0  }
0x134: {  	[tilespmem:$0x1818] =	vst v0  }
0x135: {  	[tilespmem:$0x1808] =	vst v0  }
0x136: {  	[tilespmem:$0x17F8] =	vst v0  }
0x137: {  	[tilespmem:$0x17E8] =	vst v0  }
0x138: {  	[tilespmem:$0x17D8] =	vst v0  }
0x139: {  	[tilespmem:$0x17C8] =	vst v0  }
0x13a: {  	[tilespmem:$0x17B8] =	vst v0  }
0x13b: {  	[tilespmem:$0x17A8] =	vst v0  }
0x13c: {  	[tilespmem:$0x1798] =	vst v0  }
0x13d: {  	[tilespmem:$0x1788] =	vst v0  }
0x13e: {  	[tilespmem:$0x1778] =	vst v0  }
0x13f: {  	[tilespmem:$0x1768] =	vst v0  }
0x140: {  	[tilespmem:$0x1758] =	vst v0  }
0x141: {  	[tilespmem:$0x1748] =	vst v0  }
0x142: {  	[tilespmem:$0x1738] =	vst v0  }
0x143: {  	[tilespmem:$0x1728] =	vst v0  }
0x144: {  	[tilespmem:$0x1718] =	vst v0  }
0x145: {  	[tilespmem:$0x1708] =	vst v0  }
0x146: {  	[tilespmem:$0x16F8] =	vst v0  }
0x147: {  	[tilespmem:$0x16E8] =	vst v0  }
0x148: {  	[tilespmem:$0x16D8] =	vst v0  }
0x149: {  	[tilespmem:$0x16C8] =	vst v0  }
0x14a: {  	[tilespmem:$0x16B8] =	vst v0  }
0x14b: {  	[tilespmem:$0x16A8] =	vst v0  }
0x14c: {  	[tilespmem:$0x1698] =	vst v0  }
0x14d: {  	[tilespmem:$0x1688] =	vst v0  }
0x14e: {  	[tilespmem:$0x1678] =	vst v0  }
0x14f: {  	[tilespmem:$0x1668] =	vst v0  }
0x150: {  	[tilespmem:$0x1658] =	vst v0  }
0x151: {  	[tilespmem:$0x1648] =	vst v0  }
0x152: {  	[tilespmem:$0x1638] =	vst v0  }
0x153: {  	[tilespmem:$0x1628] =	vst v0  }
0x154: {  	[tilespmem:$0x1618] =	vst v0  }
0x155: {  	[tilespmem:$0x1608] =	vst v0  }
0x156: {  	[tilespmem:$0x15F8] =	vst v0  }
0x157: {  	[tilespmem:$0x15E8] =	vst v0  }
0x158: {  	[tilespmem:$0x15D8] =	vst v0  }
0x159: {  	[tilespmem:$0x15C8] =	vst v0  }
0x15a: {  	[tilespmem:$0x15B8] =	vst v0  }
0x15b: {  	[tilespmem:$0x15A8] =	vst v0  }
0x15c: {  	[tilespmem:$0x1598] =	vst v0  }
0x15d: {  	[tilespmem:$0x1588] =	vst v0  }
0x15e: {  	[tilespmem:$0x1578] =	vst v0  }
0x15f: {  	[tilespmem:$0x1568] =	vst v0  }
0x160: {  	[tilespmem:$0x1558] =	vst v0  }
0x161: {  	[tilespmem:$0x1548] =	vst v0  }
0x162: {  	[tilespmem:$0x1538] =	vst v0  }
0x163: {  	[tilespmem:$0x1528] =	vst v0  }
0x164: {  	[tilespmem:$0x1518] =	vst v0  }
0x165: {  	[tilespmem:$0x1508] =	vst v0  }
0x166: {  	[tilespmem:$0x14F8] =	vst v0  }
0x167: {  	[tilespmem:$0x14E8] =	vst v0  }
0x168: {  	[tilespmem:$0x14D8] =	vst v0  }
0x169: {  	[tilespmem:$0x14C8] =	vst v0  }
0x16a: {  	[tilespmem:$0x14B8] =	vst v0  }
0x16b: {  	[tilespmem:$0x14A8] =	vst v0  }
0x16c: {  	[tilespmem:$0x1498] =	vst v0  }
0x16d: {  	[tilespmem:$0x1488] =	vst v0  }
0x16e: {  	[tilespmem:$0x1478] =	vst v0  }
0x16f: {  	[tilespmem:$0x1468] =	vst v0  }
0x170: {  	[tilespmem:$0x1458] =	vst v0  }
0x171: {  	[tilespmem:$0x1448] =	vst v0  }
0x172: {  	[tilespmem:$0x1438] =	vst v0  }
0x173: {  	[tilespmem:$0x1428] =	vst v0  }
0x174: {  	[tilespmem:$0x1418] =	vst v0  }
0x175: {  	[tilespmem:$0x1408] =	vst v0  }
0x176: {  	[tilespmem:$0x13F8] =	vst v0  }
0x177: {  	[tilespmem:$0x13E8] =	vst v0  }
0x178: {  	[tilespmem:$0x13D8] =	vst v0  }
0x179: {  	[tilespmem:$0x13C8] =	vst v0  }
0x17a: {  	[tilespmem:$0x13B8] =	vst v0  }
0x17b: {  	[tilespmem:$0x13A8] =	vst v0  }
0x17c: {  	[tilespmem:$0x1398] =	vst v0  }
0x17d: {  	[tilespmem:$0x1388] =	vst v0  }
0x17e: {  	[tilespmem:$0x1378] =	vst v0  }
0x17f: {  	[tilespmem:$0x1368] =	vst v0  }
0x180: {  	[tilespmem:$0x1358] =	vst v0  }
0x181: {  	[tilespmem:$0x1348] =	vst v0  }
0x182: {  	[tilespmem:$0x1338] =	vst v0  }
0x183: {  	[tilespmem:$0x1328] =	vst v0  }
0x184: {  	[tilespmem:$0x1318] =	vst v0  }
0x185: {  	[tilespmem:$0x1308] =	vst v0  }
0x186: {  	[tilespmem:$0x12F8] =	vst v0  }
0x187: {  	[tilespmem:$0x12E8] =	vst v0  }
0x188: {  	[tilespmem:$0x12D8] =	vst v0  }
0x189: {  	[tilespmem:$0x12C8] =	vst v0  }
0x18a: {  	[tilespmem:$0x12B8] =	vst v0  }
0x18b: {  	[tilespmem:$0x12A8] =	vst v0  }
0x18c: {  	[tilespmem:$0x1298] =	vst v0  }
0x18d: {  	[tilespmem:$0x1288] =	vst v0  }
0x18e: {  	[tilespmem:$0x1278] =	vst v0  }
0x18f: {  	[tilespmem:$0x1268] =	vst v0  }
0x190: {  	[tilespmem:$0x1258] =	vst v0  }
0x191: {  	[tilespmem:$0x1248] =	vst v0  }
0x192: {  	[tilespmem:$0x1238] =	vst v0  }
0x193: {  	[tilespmem:$0x1228] =	vst v0  }
0x194: {  	[tilespmem:$0x1218] =	vst v0  }
0x195: {  	[tilespmem:$0x1208] =	vst v0  }
0x196: {  	[tilespmem:$0x11F8] =	vst v0  }
0x197: {  	[tilespmem:$0x11E8] =	vst v0  }
0x198: {  	[tilespmem:$0x11D8] =	vst v0  }
0x199: {  	[tilespmem:$0x11C8] =	vst v0  }
0x19a: {  	[tilespmem:$0x11B8] =	vst v0  }
0x19b: {  	[tilespmem:$0x11A8] =	vst v0  }
0x19c: {  	[tilespmem:$0x1198] =	vst v0  }
0x19d: {  	[tilespmem:$0x1188] =	vst v0  }
0x19e: {  	[tilespmem:$0x1178] =	vst v0  }
0x19f: {  	[tilespmem:$0x1168] =	vst v0  }
0x1a0: {  	[tilespmem:$0x1158] =	vst v0  }
0x1a1: {  	[tilespmem:$0x1148] =	vst v0  }
0x1a2: {  	[tilespmem:$0x1138] =	vst v0  }
0x1a3: {  	[tilespmem:$0x1128] =	vst v0  }
0x1a4: {  	[tilespmem:$0x1118] =	vst v0  }
0x1a5: {  	s2 =	stileid.u32;
	[tilespmem:$0x1108] =	vst v0  }
0x1a6: {  	s0 =	smul.u32 $0x18, s2;
	[tilespmem:$0x10F8] =	vst v0  }
0x1a7: {  	s3 =	smin.u32 s2, $0xA;
	[tilespmem:$0x10E8] =	vst v0  }
0x1a8: {  	[tilespmem:$0x10B8] =	vst v0;
	s0 =	sadd.s32 s3, s0  }
0x1a9: {  	s4 =	simm.s32 $0x2A30;
	p0 =	slt.u32 s2, $0xA;
	[tilespmem:$0x10C8] =	vst v0;
	s3 =	smul.u32 $0x1B0, s0  }
0x1aa: {  	s4 =	simm.s32 @!p0 $0x2880;
	[tilespmem:$0x10A8] =	vst v0  }
0x1ab: {  	[tilespmem:$0x1038] =	vst v0;
	s0 =	sadd.s32 s4, s3  }
0x1ac: {  	[tilespmem:$0x1098] =	vst v0;
	s4 =	smin.u32 s0, $0x29810  }
0x1ad: {  	[tilespmem:$0x1088] =	vst v0;
	s0 =	ssub.s32 s4, s3  }
0x1ae: {  	s5 =	simm.s32 $0x2;
	[tilespmem:$0x1078] =	vst v0;
	p0 =	sgt.s32 s0, $0x0  }
0x1af: {  	s8 =	simm.s32 $0x7;
	s13 =	simm.s32 $0x8;
	[tilespmem:$0x1068] =	vst v0;
	s0 =	simm.s32 @!p0 $0x0  }
0x1b0: {  	s30 =	simm.s32 $0x9;
	p4 =	por $0x0, $0x0;
	[tilespmem:$0x1058] =	vst v0;
	s6 =	smulhi.u32 $0x4BDA12F7, s0  }
0x1b1: {  	s14 =	simm.s32 $0xA;
	s18 =	simm.s32 $0x0;
	s15 =	simm.s32 $0x0;
	[tilespmem:$0x1048] =	vst v0  }
0x1b2: {  	s17 =	simm.s32 $0x0;
	s7 =	sadd.s32 $0x2223A00, s1;
	[tilespmem:$0x1028] =	vst v0;
	s12 =	sshrl.u32 s6, $0x7  }
0x1b3: {  	s31 =	sshll.u32 s2, $0x5;
	[tilespmem:$0x1018] =	vst v0;
	[sflag:s5] =	ssyncpa.u1 $0x0;
	v0 =	vimm.s32 $0xFFFFFFFF;
	s10 =	smul.u32 $0x1B0, s12  }
.Ltmp0:
0x1b4: {  	s5 =	sadd.s32 $0x73C00, s1;
	[tilespmem:$0x3648] =	vst v0;
	[sflag:s8] =	ssyncpa.u1 $0x0;
	(pc) =	sbr.rel .LBB2_1-.Ltmp0, $4  }
0x1b5: {  	[dreg:$0x2] =	wrdreg s31;
	[sflag:s13] =	ssyncpa.u1 $0x0;
	p0 =	sne.s32 s0, s10  }
0x1b6: {  	s13 =	simm.s32 $0x0;
	[sflag:s30] =	ssyncpa.u1 $0x0;
	s11 =	simm.s32 @!p0 $0x0  }
0x1b7: {  	s16 =	smov.u32 s3;
	[dreg:$0x3] =	wrdreg s3;
	s11 =	sadd.s32 s11, s12  }
0x1b8: {  	v0 =	vlaneseq.u32;
	s6 =	sadd.s32 $0x6E800, s1;
	p0 =	por $0x1, $0x1;
	s8 =	sadd.s32 $0x1, s11  }
.LBB2_18:
0x1b9: {  	s0 =	simm.s32 $0x2  }
0x1ba: {  	_ =	swait.ge [sflag:s0], $0x0  }
0x1bb: {  	[sflag:s0] =	ssyncset.done $0x0;
	s0 =	simm.s32 $0x0  }
.LBB2_19:
0x1bc: {  	_ =	swait.ge [sflag:s14], s0  }
0x1bd: {  	s31 =	ssub.s32 $0x0, s0;
	v1 =	vmov s20;
	vm0 =	veq.s32 v0, $0x0;
	[sflag:s14] =	ssyncset.done $0x0  }
0x1be: {  	vm15 =	veq.s32 v0, $0x2;
	v1 =	vsel vm0, s24, v1;
	[sflag:s14] =	ssyncadd.s32 s31  }
0x1bf: {  	v1 =	vsel vm15, s18, v1;
	[sflag:s14] =	ssyncpa.u1 $0x1  }
0x1c0: {  	[tilespmem:$0x3648] =	vst v1  }
.LBB2_20:
0x1c1: {  	s0 =	sadd.s32 $0x1B0, s16  }
0x1c2: {  	s2 =	smov.u32 s3;
	p1 =	slt.s32 s0, s4  }
0x1c3: {  	s2 =	smov.u32 @p1 s0;
	p1 =	sne.s32 s17, s8  }
.Ltmp1:
0x1c4: {  	_ = 	snop;
	(pc) =	sbr.rel @!p1 .LBB2_21-.Ltmp1, $4  }
0x1c5: {  	_ = 	snop  }
0x1c6: {  	s18 =	smov.u32 s15  }
0x1c7: {  	s31 =	sadd.s32 $0x1, s17;
	s15 =	smov.u32 s16;
	p0 =	por !p0, !p0  }
0x1c8: {  	p4 =	por !p4, !p4;
	s17 =	smov.u32 s31;
	s16 =	smov.u32 s2  }
.LBB2_1:
0x1c9: {  	p2 =	sge.u32 s17, s11  }
0x1ca: {  	s0 =	smulhi.u32 @!p2 $0xAAAAAAAB, s17  }
0x1cb: {  	s19 =	smov.u32 s16;
	p3 =	sgt.s32 @!p2 s16, $0x29660  }
0x1cc: {  	s20 =	sshra.s32 @!p2 s16, $0x1F;
	p3 =	por !p3, p2;
	s0 =	sshrl.u32 @!p2 s0, $0x1  }
0x1cd: {  	s20 =	sand.u32 @!p2 s20, s16;
	s19 =	simm.s32 @p3 $0x29660;
	s0 =	smul.u32 @!p2 $0x3, s0  }
0x1ce: {  	s19 =	ssub.s32 @!p2 s19, s20  }
0x1cf: {  	s19 =	sadd.s32 @!p2 $0xFFFD69A0, s19;
	s0 =	ssub.s32 @!p2 s17, s0  }
0x1d0: {  	s20 =	sshll.u32 @!p2 s19, $0x2;
	p3 =	sgt.s32 @!p2 s19, $0x1AF;
	s0 =	smul.u32 @!p2 $0x6C0, s0  }
0x1d1: {  	s21 =	sand.u32 @!p2 $0x7, s16;
	s19 =	ssub.s32 @!p2 $0x6C0, s20;
	p3 =	por !p3, p2  }
0x1d2: {  	s20 =	sshrl.u32 @!p2 s16, $0x3;
	s19 =	sshrl.u32 @!p2 s19, $0x2;
	s0 =	sshrl.u32 @!p2 s0, $0x2  }
0x1d3: {  	s20 =	sadd.s32 @!p2 s5, s20;
	s19 =	simm.s32 @!p3 $0x0;
	s0 =	sadd.s32 @!p2 $0x3878, s0  }
0x1d4: {  	[tilespmem:s0], [sflag:$0x8] =	stream.linear.gather @!p2 [hbm4b:s20+s21], s19, $0x38;
	[tilespmem:$0x1F0E8] =	vst v63  }
0x1d5: {  	s20 =	sadd.s32 $0xFFFFFFFF, s17  }
0x1d6: {  	p2 =	sge.u32 s20, s11  }
0x1d7: {  	p3 =	sgt.s32 @!p2 s15, $0x29660  }
0x1d8: {  	s0 =	smov.u32 s15;
	s19 =	sshra.s32 @!p2 s15, $0x1F;
	p3 =	por !p3, p2  }
0x1d9: {  	s19 =	sand.u32 @!p2 s19, s15;
	s0 =	simm.s32 @p3 $0x29660  }
0x1da: {  	s0 =	ssub.s32 @!p2 s0, s19  }
0x1db: {  	s0 =	sadd.s32 @!p2 $0xFFFD69A0, s0  }
0x1dc: {  	s19 =	sshll.u32 @!p2 s0, $0x2  }
0x1dd: {  	p3 =	sgt.s32 @!p2 s0, $0x1AF;
	s0 =	ssub.s32 @!p2 $0x6C0, s19  }
0x1de: {  	p3 =	por !p3, p2;
	s0 =	sshrl.u32 @!p2 s0, $0x2  }
0x1df: {  	s21 =	simm.s32 @!p2 $0x8;
	s19 =	sand.u32 @!p2 $0x1, s20;
	s0 =	simm.s32 @!p3 $0x0  }
0x1e0: {  	s19 =	smul.u32 @!p2 $0x6C0, s19;
	_ =	swait.ge @!p2 [sflag:s21], s0  }
0x1e1: {  	s22 =	ssub.s32 @!p2 $0x0, s0;
	[sflag:s21] =	ssyncset.done @!p2 $0x0  }
0x1e2: {  	s19 =	sshrl.u32 @!p2 s19, $0x2;
	[sflag:s21] =	ssyncadd.s32 @!p2 s22;
	s21 =	sshrl.u32 @!p2 s15, $0x3  }
0x1e3: {  	s19 =	sadd.s32 @!p2 $0x3D88, s19;
	s22 =	sand.u32 @!p2 $0x7, s15;
	s21 =	sadd.s32 @!p2 s6, s21  }
0x1e4: {  	[tilespmem:s19], [sflag:$0x9] =	stream.linear.gather @!p2 [hbm4b:s21+s22], s0, $0x38;
	[tilespmem:$0x1F0E8] =	vst v63  }
0x1e5: {  	s19 =	ssub.s32 @!p2 $0x29810, s15  }
0x1e6: {  	p3 =	slt.s32 @!p2 s19, $0x1  }
0x1e7: {  	p3 =	por p2, p3  }
.Ltmp2:
0x1e8: {  	_ = 	snop;
	(pc) =	sbr.rel @p3 .LBB2_7-.Ltmp2, $1  }
0x1e9: {  	_ =	sdelay $0x3  }
0x1ea: {  	s0 =	smulhi.u32 $0xAAAAAAAB, s20;
	_ =	sdelay $0x1  }
0x1eb: {  	s0 =	sshrl.u32 s0, $0x1  }
0x1ec: {  	s0 =	smul.u32 $0x3, s0;
	_ =	sdelay $0x1  }
0x1ed: {  	s0 =	ssub.s32 s20, s0  }
0x1ee: {  	s21 =	simm.s32 $0x1;
	s0 =	smul.u32 $0x6C0, s0  }
.Ltmp3:
0x1ef: {  	s21 =	simm.s32 @!p0 $0x0;
	(pc) =	sbr.rel .LBB2_4-.Ltmp3, $4  }
0x1f0: {  	s31 =	smul.u32 $0x36000, s21  }
0x1f1: {  	p3 =	slt.s32 @!p2 s19, $0x1B0;
	s0 =	sshrl.u32 s0, $0x2  }
0x1f2: {  	p2 =	por !p3, p2;
	s20 =	sshrl.u32 s31, $0x2;
	s0 =	sadd.s32 $0x3878, s0  }
0x1f3: {  	s19 =	simm.s32 @p2 $0x1B0;
	s21 =	simm.s32 $0x0;
	s20 =	sadd.s32 $0x40E8, s20;
	v1 =	vmov s0  }
.LBB2_3:
0x1f4: {  	p2 =	sge.s32 s21, s19  }
.Ltmp4:
0x1f5: {  	_ = 	snop;
	(pc) =	sbr.rel @p2 .LBB2_7-.Ltmp4, $2  }
0x1f6: {  	_ =	sdelay $0x2  }
0x1f7: {  	s20 =	sadd.s32 $0x800, s20  }
.LBB2_4:
0x1f8: {  	p2 =	sle.s32 s19, s21  }
.Ltmp5:
0x1f9: {  	_ = 	snop;
	(pc) =	sbr.rel @p2 .LBB2_3-.Ltmp5, $2  }
0x1fa: {  	_ =	sdelay $0x2  }
0x1fb: {  	s22 =	smov.u32 s21;
	s21 =	sadd.s32 $0x10, s21  }
0x1fc: {  	s0 =	ssub.s32 s19, s22  }
0x1fd: {  	p2 =	slt.s32 s0, $0x10  }
0x1fe: {  	s0 =	simm.s32 @!p2 $0x10  }
0x1ff: {  	v2 =	vmov s0  }
0x200: {  	vm0 =	vgt.s32 v2, v0;
	_ =	sdelay $0x5  }
0x201: {  	v2 =	vld.idx.msk [tilespmem:v1+s22+$0x0 ss:$0x1], vm0;
	_ =	sdelay $0x2  }
0x202: {  	s23 =	smov.u32 s19;
	p2 =	slt.s32 s21, s19  }
0x203: {  	s24 =	smov.u32 s20;
	s25 =	simm.s32 $0x0;
	s23 =	smov.u32 @p2 s21  }
.LBB2_6:
0x204: {  	(v2sf) =	vpush v2, s25;
	_ =	sdelay $0xc  }
0x205: {  	s25 =	sadd.s32 $0x1, s25  }
0x206: {  	s31 =	sadd.s32 s25, s22  }
0x207: {  	p2 =	slt.s32 s31, s23;
	s0 =	spop (v2sf)  }
.Ltmp6:
0x208: {  	s0 =	sshll.u32 s0, $0x4;
	(pc) =	sbr.rel @p2 .LBB2_6-.Ltmp6, $4  }
0x209: {  	s0 =	sand.u32 $0x1FFFFFF0, s0  }
0x20a: {  	s0 =	sadd.s32 s7, s0  }
0x20b: {  	[tilespmem:s24], [sflag:$0x7] =	stream.linear.gather [hbm4b:s0+s13], $0x2, $0x38;
	[tilespmem:$0x1F0E8] =	vst v63  }
0x20c: {  	s24 =	sadd.s32 $0x80, s24  }
.Ltmp7:
0x20d: {  	_ = 	snop;
	(pc) =	sbr.rel .LBB2_3-.Ltmp7, $1  }
0x20e: {  	_ =	sdelay $0x3  }
.LBB2_7:
0x20f: {  	p2 =	slt.u32 s17, $0x2  }
.Ltmp8:
0x210: {  	_ = 	snop;
	(pc) =	sbr.rel @p2 .LBB2_20-.Ltmp8, $1  }
0x211: {  	_ =	sdelay $0x3  }
0x212: {  	p2 =	sgt.s32 s18, $0x29660;
	s0 =	smov.u32 s18  }
0x213: {  	s19 =	sshra.s32 s18, $0x1F;
	s20 =	ssub.s32 $0x29810, s18;
	s0 =	simm.s32 @!p2 $0x29660  }
0x214: {  	s19 =	sand.u32 s19, s18;
	p2 =	slt.s32 s20, $0x1B0;
	s21 =	smov.u32 s20  }
0x215: {  	s0 =	ssub.s32 s0, s19;
	s21 =	simm.s32 @!p2 $0x1B0  }
0x216: {  	s0 =	sadd.s32 $0xFFFD69A0, s0;
	s26 =	sshll.u32 s21, $0x1  }
0x217: {  	s2 =	simm.s32 $0x7;
	s28 =	sshll.u32 s0, $0x2;
	s19 =	sand.u32 $0x3FFFFFFE, s26  }
0x218: {  	p2 =	sgt.s32 s0, $0x1AF;
	s29 =	ssub.s32 $0x6C0, s28;
	_ =	swait.ge [sflag:s2], s19  }
0x219: {  	s19 =	ssub.s32 $0x0, s19;
	[sflag:s2] =	ssyncset.done $0x0;
	s0 =	sshrl.u32 s29, $0x2  }
0x21a: {  	s30 =	simm.s32 $0x9;
	[sflag:s2] =	ssyncadd.s32 s19;
	s0 =	simm.s32 @p2 $0x0  }
0x21b: {  	_ =	swait.ge [sflag:s30], s0  }
0x21c: {  	s0 =	ssub.s32 $0x0, s0;
	[sflag:s30] =	ssyncset.done $0x0  }
0x21d: {  	[sflag:s30] =	ssyncadd.s32 s0  }
0x21e: {  	v1 =	vld [tilespmem:$0x3648];
	_ =	sdelay $0x4  }
0x21f: {  	(v2sf) =	vpush v1, $0x0  }
0x220: {  	(v2sf) =	vpush v1, $0x1  }
0x221: {  	(v2sf) =	vpush v1, $0x2;
	_ =	sdelay $0x3  }
0x222: {  	s0 =	sadd.s32 $0x1B0, s18  }
0x223: {  	p2 =	slt.s32 s4, s0  }
0x224: {  	s0 =	smov.u32 @p2 s4;
	p2 =	sgt.s32 s20, $0x0  }
0x225: {  	s22 =	ssub.s32 s0, s18;
	s20 =	simm.s32 @!p2 $0x0  }
0x226: {  	p2 =	slt.s32 s20, s22  }
0x227: {  	s22 =	smov.u32 @p2 s20  }
0x228: {  	s21 =	simm.s32 $0x1;
	p2 =	slt.s32 s22, $0x1  }
.Ltmp9:
0x229: {  	s21 =	simm.s32 @!p4 $0x0;
	(pc) =	sbr.rel @p2 .LBB2_12-.Ltmp9, $4  }
0x22a: {  	s31 =	smul.u32 $0x6C0, s21  }
0x22b: {  	s23 =	spop (v2sf)  }
0x22c: {  	s0 =	sshrl.u32 s31, $0x2;
	s25 =	spop (v2sf)  }
0x22d: {  	s19 =	sadd.s32 $0x3D88, s0;
	s18 =	spop (v2sf)  }
0x22e: {  	s0 =	smin.u32 s22, $0x10  }
0x22f: {  	v1 =	vmov s0  }
0x230: {  	p3 =	sgt.s32 s22, $0x10;
	vm1 =	vgt.u32 v1, v0  }
.Ltmp10:
0x231: {  	_ = 	snop;
	(pc) =	sbr.rel @!p3 .LBB2_11-.Ltmp10, $2  }
0x232: {  	_ =	sdelay $0x2  }
0x233: {  	s24 =	simm.s32 $0x10;
	s26 =	sadd.s32 $0xFFFFFFF0, s22;
	s20 =	smov.u32 s19;
	vm0 =	vmmov vm1  }
.LBB2_10:
0x234: {  	s0 =	smin.u32 s26, $0x10;
	s24 =	sadd.s32 $0x10, s24;
	v1 =	vld.msk [tilespmem:s20+$0x0 ss:$0x1], vm1  }
0x235: {  	v2 =	vmov s0;
	p3 =	slt.s32 s24, s22  }
0x236: {  	vm1 =	vgt.u32 v2, v0  }
.Ltmp11:
0x237: {  	(pc) =	sbr.rel @p3 .LBB2_10-.Ltmp11, $3  }
0x238: {  	_ =	sdelay $0x1  }
0x239: {  	v1 =	vshll.u32 v1, $0x4  }
0x23a: {  	s26 =	sadd.s32 $0xFFFFFFF0, s26;
	[tilespmem:s20+$0x0] =	vst.msk vm0, v1;
	s20 =	sadd.s32 $0x10, s20;
	vm0 =	vmmov vm1  }
.LBB2_11:
0x23b: {  	_ =	sdelay $0x4  }
0x23c: {  	v1 =	vld.msk [tilespmem:s20+$0x0 ss:$0x1], vm1;
	_ =	sdelay $0x4  }
0x23d: {  	v1 =	vshll.u32 v1, $0x4  }
0x23e: {  	[tilespmem:s20+$0x0] =	vst.msk vm0, v1  }
.LBB2_12:
0x23f: {  	s0 =	sand.u32 $0x1, s17  }
0x240: {  	s0 =	smul.u32 $0x1B0, s0  }
0x241: {  	p3 =	sne.s32 s25, $0xFFFFFFFF  }
0x242: {  	v1 =	vld.msk @!p3 [tilespmem:s0+$0x3D88], $0x1;
	_ =	sdelay $0x4  }
0x243: {  	(v2sf) =	vpush @!p3 v1, $0x0;
	_ =	sdelay $0xc  }
.Ltmp12:
0x244: {  	_ = 	snop;
	(pc) =	sbr.rel @p2 .LBB2_18-.Ltmp12, $4  }
0x245: {  	_ = 	snop  }
0x246: {  	s24 =	spop @!p3 (v2sf)  }
0x247: {  	s18 =	simm.s32 @!p3 $0x0;
	s20 =	smov.u32 s24  }
0x248: {  	[sflag:s14] =	ssyncpa.u1 $0x0;
	s24 =	smov.u32 @p3 s23;
	s20 =	smov.u32 @p3 s25  }
0x249: {  	v1 =	vld.msk [tilespmem:s19+$0x0], $0x1;
	_ =	sdelay $0x4  }
0x24a: {  	(v2sf) =	vpush v1, $0x0;
	_ =	sdelay $0xd  }
0x24b: {  	s0 =	simm.s32 @!p4 $0x0  }
0x24c: {  	s26 =	smul.u32 $0x36000, s21;
	s25 =	ssub.s32 $0x0, s22;
	s28 =	spop (v2sf)  }
0x24d: {  	s0 =	simm.s32 @p4 $0x1;
	s23 =	sadd.s32 $0x1, s25;
	p2 =	seq.s32 s24, s28  }
0x24e: {  	[smem:$0x7FD] =	sst s0;
	s0 =	sshrl.u32 s26, $0x2;
	p3 =	sgt.s32 @!p2 s24, $0x0  }
0x24f: {  	s21 =	sadd.s32 $0x40E8, s0;
	s0 =	smov.u32 s24;
	p3 =	por !p3, p2  }
0x250: {  	s0 =	simm.s32 @p3 $0x0;
	p3 =	seq.s32 s23, $0x0  }
.Ltmp13:
0x251: {  	_ = 	snop;
	(pc) =	sbr.rel @p3 .LBB2_15-.Ltmp13, $4  }
0x252: {  	s3 =	smov.u32 s8;
	s12 =	smov.u32 s5;
	s8 =	smov.u32 s6  }
0x253: {  	s22 =	simm.s32 $0x0;
	s29 =	simm.s32 @!p2 $0x1;
	s0 =	smin.u32 @!p2 s0, $0x270FF  }
0x254: {  	s30 =	simm.s32 @!p2 $0x1B38;
	s29 =	smov.u32 @p2 s22;
	s26 =	sand.u32 @!p2 $0x3FFF8, s0  }
0x255: {  	s31 =	sand.u32 @!p2 $0x7, s0;
	s0 =	sadd.s32 @!p2 s1, s26;
	s26 =	sadd.s32 $0x1, s19  }
.LBB2_14:
0x256: {  	s2 =	smov.u32 s29  }
0x257: {  	[tilespmem:s30], [sflag:$0x2] =	stream.linear.gather @!p2 [hbm4b:s0+s31], $0x2, $0x38;
	[tilespmem:$0x1F0E8] =	vst v63  }
0x258: {  	s23 =	sadd.s32 $0x1, s23;
	s0 =	smov.u32 s28;
	v1 =	vld.msk [tilespmem:s26+$0x0], $0x1  }
0x259: {  	p3 =	seq.s32 s23, $0x0;
	_ =	sdelay $0x3  }
0x25a: {  	(v2sf) =	vpush v1, $0x0;
	_ =	sdelay $0xe  }
0x25b: {  	s28 =	spop (v2sf)  }
0x25c: {  	p2 =	seq.s32 s0, s28  }
0x25d: {  	p4 =	sgt.s32 @!p2 s0, $0x0;
	s30 =	sshll.u32 @!p2 s29, $0x6;
	s29 =	sadd.s32 @!p2 $0x1, s29  }
.Ltmp14:
0x25e: {  	p4 =	por !p4, p2;
	s30 =	sshra.s32 @!p2 s30, $0x2;
	(pc) =	sbr.rel @!p3 .LBB2_14-.Ltmp14, $4  }
0x25f: {  	s29 =	smov.u32 @p2 s2;
	s0 =	simm.s32 @p4 $0x0;
	s30 =	sadd.s32 @!p2 $0x1B38, s30  }
0x260: {  	s0 =	smin.u32 @!p2 s0, $0x270FF  }
0x261: {  	s2 =	sand.u32 @!p2 $0x3FFF8, s0;
	s31 =	sand.u32 @!p2 $0x7, s0  }
0x262: {  	s26 =	sadd.s32 $0x1, s26;
	s0 =	sadd.s32 @!p2 s1, s2  }
.LBB2_15:
0x263: {  	[tilespmem:s30], [sflag:$0x2] =	stream.linear.gather @!p2 [hbm4b:s0+s31], $0x2, $0x38;
	[tilespmem:$0x1F0E8] =	vst v63  }
0x264: {  	s31 =	sshll.u32 s29, $0x1  }
0x265: {  	s2 =	simm.s32 $0x2;
	s0 =	sand.u32 $0x3FFFFFFE, s31  }
0x266: {  	_ =	swait.ge [sflag:s2], s0  }
0x267: {  	s0 =	ssub.s32 $0x0, s0;
	[sflag:s2] =	ssyncset.done $0x0  }
0x268: {  	[sflag:s2] =	ssyncadd.s32 s0  }
0x269: {  	v1 =	vld.msk [tilespmem:s19+$0x0], $0x1;
	_ =	sdelay $0x4  }
0x26a: {  	(v2sf) =	vpush v1, $0x0;
	_ =	sdelay $0xe  }
0x26b: {  	s23 =	spop (v2sf)  }
0x26c: {  	p2 =	sne.s32 s24, s23  }
0x26d: {  	p4 =	sne.s32 @p2 s24, s20  }
0x26e: {  	p3 =	por !p4, !p2  }
0x26f: {  	s0 =	simm.s32 @!p3 $0x0  }
0x270: {  	v1 =	vld.msk @!p3 [tilespmem:s0+$0x1B38], $0x3  }
0x271: {  	p5 =	sgt.u32 @!p3 s24, $0x270FF  }
0x272: {  	s2 =	sshll.u32 @!p3 s18, $0x6;
	p6 =	por @p2 p5, !p4  }
0x273: {  	s2 =	sshra.s32 @!p3 s2, $0x2;
	p1 =	por p6, !p2;
	p6 =	por p4, !p2  }
0x274: {  	s26 =	sadd.s32 @!p3 $0x28, s2;
	s28 =	sand.u32 @!p1 $0x3FFF8, s24;
	s29 =	sshll.u32 @!p6 s18, $0x6  }
0x275: {  	s24 =	sand.u32 @!p1 $0x7, s24;
	[tilespmem:s2+$0x28] =	vst.add.f32.msk @!p3 $0x3, v1;
	s2 =	sadd.s32 @!p1 s1, s28;
	s28 =	sshra.s32 @!p6 s29, $0x2  }
0x276: {  	[hbm4b:s2+s24] =	stream.linear.scatter @!p1 [tilespmem:s26], [sflag:$0xA], $0x2, $0x38;
	[tilespmem:$0x1F0E8] =	vst v63  }
0x277: {  	s0 =	rddreg [dreg:$0x2];
	s2 =	sadd.s32 @!p6 $0x28, s28;
	s24 =	simm.s32 @!p6 $0x1  }
0x278: {  	[spmem:s0] =	stream.linear.scatter @!p6 [tilespmem:s2], [sflag:$0x1], $0x2, $0x38;
	[tilespmem:$0x1F0E8] =	vst v63  }
0x279: {  	s0 =	sadd.s32 @p2 $0x1, s18;
	_ =	swait.ge @!p6 [sflag:s24], $0x2  }
0x27a: {  	s2 =	sshrl.u32 @p2 s0, $0x4;
	[sflag:s24] =	ssyncset.done @!p6 $0x0  }
0x27b: {  	s2 =	smulhi.u32 @p2 $0x97B425F, s2;
	[sflag:s24] =	ssyncadd.s32 @!p6 $0xFFFFFFFE  }
0x27c: {  	s24 =	sadd.s32 $0x1, s25;
	v1 =	vld.msk @p2 [tilespmem:s21+$0x0], $0x3  }
0x27d: {  	p1 =	por @p2 !p5, !p4;
	s2 =	smul.u32 @p2 $0x1B0, s2;
	p4 =	seq.s32 s24, $0x0  }
.Ltmp15:
0x27e: {  	p1 =	por !p1, !p2;
	s25 =	simm.s32 @!p3 $0x0;
	(pc) =	sbr.rel @p4 .LBB2_17-.Ltmp15, $4  }
0x27f: {  	s26 =	sshll.u32 @!p2 s18, $0x6;
	s25 =	simm.s32 @!p1 $0x8;
	s0 =	ssub.s32 @p2 s0, s2  }
0x280: {  	s26 =	sshra.s32 @!p2 s26, $0x2;
	s28 =	sadd.s32 @!p3 $0x0, s25;
	s29 =	sshll.u32 @p2 s0, $0x4  }
0x281: {  	s25 =	simm.s32 $0x0;
	s2 =	simm.s32 @p2 $0x1;
	s28 =	smov.u32 @p3 s22;
	[tilespmem:s29+$0x28] =	vst.msk @p2 $0x3, v1  }
0x282: {  	s18 =	smov.u32 @p2 s0;
	s25 =	smov.u32 @p2 s28;
	s22 =	smov.u32 @p2 s2;
	v1 =	vld.msk @!p2 [tilespmem:s21+$0x0], $0x3  }
.LBB2_16:
0x283: {  	_ =	sdelay $0x3  }
0x284: {  	s19 =	sadd.s32 $0x1, s19;
	[tilespmem:s26+$0x28] =	vst.add.f32.msk @!p2 $0x3, v1  }
0x285: {  	v1 =	vld.msk [tilespmem:s19+$0x0], $0x1;
	_ =	sdelay $0x4  }
0x286: {  	(v2sf) =	vpush v1, $0x0;
	_ =	sdelay $0xe  }
0x287: {  	s0 =	smov.u32 s23;
	s23 =	spop (v2sf)  }
0x288: {  	p2 =	sne.s32 s0, s23  }
0x289: {  	p5 =	sne.s32 @p2 s0, s20  }
0x28a: {  	p4 =	por !p5, !p2  }
0x28b: {  	s30 =	sshll.u32 @!p4 s22, $0x6  }
0x28c: {  	s30 =	sshra.s32 @!p4 s30, $0x2  }
0x28d: {  	p1 =	sgt.u32 @!p4 s0, $0x270FF;
	v1 =	vld.msk @!p4 [tilespmem:s30+$0x1B38], $0x3  }
0x28e: {  	s31 =	sshll.u32 @!p4 s18, $0x6;
	p6 =	por @p2 p1, !p5;
	p1 =	por @p2 !p1, !p5  }
0x28f: {  	s5 =	simm.s32 @!p4 $0x0;
	s31 =	sshra.s32 @!p4 s31, $0x2;
	p1 =	por !p1, !p2  }
0x290: {  	p5 =	por p5, !p2;
	s5 =	simm.s32 @!p1 $0x8;
	p1 =	por p6, !p2  }
0x291: {  	s30 =	sadd.s32 @!p4 $0x28, s31;
	s6 =	sshll.u32 @!p5 s18, $0x6;
	s10 =	sand.u32 @!p1 $0x3FFF8, s0  }
0x292: {  	s6 =	sshra.s32 @!p5 s6, $0x2;
	s0 =	sand.u32 @!p1 $0x7, s0;
	s10 =	sadd.s32 @!p1 s1, s10;
	[tilespmem:s31+$0x28] =	vst.add.f32.msk @!p4 $0x3, v1  }
0x293: {  	[hbm4b:s10+s0] =	stream.linear.scatter @!p1 [tilespmem:s30], [sflag:$0xA], $0x2, $0x38;
	[tilespmem:$0x1F0E8] =	vst v63  }
0x294: {  	s2 =	rddreg [dreg:$0x2];
	s0 =	sadd.s32 @!p5 $0x28, s6;
	s6 =	simm.s32 @!p5 $0x1  }
0x295: {  	[spmem:s2] =	stream.linear.scatter @!p5 [tilespmem:s0], [sflag:$0x1], $0x2, $0x38;
	[tilespmem:$0x1F0E8] =	vst v63  }
0x296: {  	s28 =	sadd.s32 @p2 $0x1, s18;
	_ =	swait.ge @!p5 [sflag:s6], $0x2  }
0x297: {  	s29 =	sshrl.u32 @p2 s28, $0x4;
	[sflag:s6] =	ssyncset.done @!p5 $0x0  }
0x298: {  	s21 =	sadd.s32 $0x80, s21;
	s29 =	smulhi.u32 @p2 $0x97B425F, s29;
	[sflag:s6] =	ssyncadd.s32 @!p5 $0xFFFFFFFE  }
0x299: {  	s24 =	sadd.s32 $0x1, s24;
	v1 =	vld.msk @p2 [tilespmem:s21+$0x0], $0x3  }
0x29a: {  	p3 =	seq.s32 s24, $0x0;
	s29 =	smul.u32 @p2 $0x1B0, s29  }
.Ltmp16:
0x29b: {  	_ = 	snop;
	(pc) =	sbr.rel @!p3 .LBB2_16-.Ltmp16, $4  }
0x29c: {  	s28 =	ssub.s32 @p2 s28, s29  }
0x29d: {  	s26 =	sshll.u32 @!p2 s18, $0x6;
	s5 =	sadd.s32 @!p4 s5, s25;
	s10 =	sshll.u32 @p2 s28, $0x4  }
0x29e: {  	s9 =	sadd.s32 @p2 $0x1, s22;
	s26 =	sshra.s32 @!p2 s26, $0x2;
	s5 =	smov.u32 @p4 s25;
	[tilespmem:s10+$0x28] =	vst.msk @p2 $0x3, v1  }
0x29f: {  	s22 =	smov.u32 @p2 s9;
	s18 =	smov.u32 @p2 s28;
	s25 =	smov.u32 @p2 s5;
	v1 =	vld.msk @!p2 [tilespmem:s21+$0x0], $0x3  }
.LBB2_17:
.Ltmp17:
0x2a0: {  	_ = 	snop;
	(pc) =	sbr.rel .LBB2_19-.Ltmp17, $4  }
0x2a1: {  	s2 =	sld [smem:$0x7FD]  }
0x2a2: {  	s0 =	sshrl.u32 s25, $0x2  }
0x2a3: {  	s24 =	smov.u32 s23;
	s6 =	smov.u32 s8;
	s5 =	smov.u32 s12  }
0x2a4: {  	s8 =	smov.u32 s3;
	s3 =	rddreg [dreg:$0x3];
	p4 =	seq.s32 s2, $0x1;
	[tilespmem:s26+$0x28] =	vst.add.f32.msk @!p2 $0x3, v1  }
.LBB2_21:
0x2a5: {  	_ =	sfence.sel $0x180000  }
0x2a6: {  	s0 =	simm.s32 $0x7;
	[bflag:$0x0] =	sbarrier.arrive $0xFFFF  }
0x2a7: {  	s25 =	simm.s32 $0x8;
	[sflag:s0] =	ssyncpa.u1 $0x1  }
0x2a8: {  	s26 =	simm.s32 $0x9;
	[sflag:s25] =	ssyncpa.u1 $0x1  }
0x2a9: {  	s28 =	simm.s32 $0x2;
	[sflag:s26] =	ssyncpa.u1 $0x1  }
0x2aa: {  	[sflag:s28] =	ssyncpa.u1 $0x1  }
0x2ab: {  	v0 =	vld [tilespmem:$0x3648];
	_ =	sdelay $0x4  }
0x2ac: {  	(v2sf) =	vpush v0, $0x0  }
0x2ad: {  	(v2sf) =	vpush v0, $0x1;
	_ =	sdelay $0x1  }
0x2ae: {  	(v2sf) =	vpush v0, $0x2;
	_ =	sdelay $0xb  }
0x2af: {  	s0 =	spop (v2sf)  }
0x2b0: {  	s2 =	spop (v2sf)  }
0x2b1: {  	s3 =	smov.u32 s0;
	p0 =	sne.s32 s0, s2  }
0x2b2: {  	s4 =	spop (v2sf);
	s3 =	simm.s32 @!p0 $0xFFFFFFFF  }
0x2b3: {  	v2 =	vimm.s32 $0x1;
	v3 =	vlaneseq.u32;
	p0 =	seq.s32 s4, $0xFFFFFFFF;
	v1 =	vmov s3  }
0x2b4: {  	s7 =	stileid.u32;
	v0 =	vperm.xlane v0, v2;
	p1 =	sne.s32 @!p0 s0, s2;
	v1 =	vperm.xlane v1, v3  }
0x2b5: {  	vm0 =	vcmask $0x3F04;
	s6 =	simm.s32 $0x3648;
	s0 =	simm.s32 @!p0 $0x1;
	p1 =	por !p1, p0  }
0x2b6: {  	s3 =	sshll.u32 s7, $0x1;
	s2 =	sshll.u32 @!p0 s4, $0x6;
	s0 =	simm.s32 @p1 $0x0;
	v0 =	vsel vm0, v1, v0  }
0x2b7: {  	s5 =	sor.u32 $0x200, s3;
	s2 =	sshra.s32 @!p0 s2, $0x2;
	s0 =	sor.u32 @!p0 s0, s3;
	[tilespmem:$0x3648] =	vst v0  }
0x2b8: {  	[spmem:s5] =	stream.linear.scatter [tilespmem:s6], [sflag:$0x1], $0x2, $0x38;
	[tilespmem:$0x1F0E8] =	vst v63  }
0x2b9: {  	s2 =	sadd.s32 @!p0 $0x28, s2;
	s0 =	sshll.u32 @!p0 s0, $0x4  }
0x2ba: {  	[spmem:s0] =	stream.linear.scatter @!p0 [tilespmem:s2], [sflag:$0x1], $0x10, $0x38;
	[tilespmem:$0x1F0E8] =	vst v63  }
0x2bb: {  	s0 =	simm.s32 @!p0 $0x12  }
0x2bc: {  	s3 =	simm.s32 $0x1;
	s0 =	simm.s32 @p0 $0x2  }
0x2bd: {  	_ =	swait.ge [sflag:s3], s0  }
0x2be: {  	s0 =	ssub.s32 $0x0, s0;
	[sflag:s3] =	ssyncset.done $0x0  }
0x2bf: {  	[sflag:s3] =	ssyncadd.s32 s0  }
0x2c0: {  	_ =	sfence.stream.spmem  }
0x2c1: {  	s29 =	simm.s32 $0x3;
	[bflag:$0x0] =	sbarrier.arrive $0xFFFF  }
0x2c2: {  	s30 =	simm.s32 $0x4;
	[sflag:s29] =	ssyncpa.u1 $0x1  }
0x2c3: {  	s31 =	simm.s32 $0x3C;
	[sflag:s30] =	ssyncpa.u1 $0x1  }
0x2c4: {  	p0 =	sne.s32 s7, $0x0;
	[sflag:s31] =	ssyncpa.u1 $0x1  }
0x2c5: {  	_ =	sfence @p0  }
0x2c6: {  	[sflag:s3] =	ssyncpa.u1 @p0 $0x1  }
0x2c7: {  	_ =	strace @p0 $0x90000050  }
0x2c8: {  	[bflag:$0x2] =	sbarrier.arrive @p0 $0xFFFF  }
0x2c9: {  	_ =	shalt @p0  }
.LBB2_22:
0x2ca: {  	_ =	sfence.stream.spmem;
	s0 =	simm.s32 $0x5  }
0x2cb: {  	s2 =	simm.s32 $0x200;
	s3 =	simm.s32 $0x3658;
	[sflag:s0] =	ssyncpa.u1 $0x0  }
0x2cc: {  	[tilespmem:s3], [sflag:$0x5] =	stream.linear.gather [spmem:s2], $0x20, $0x38;
	[tilespmem:$0x1F0E8] =	vst v63  }
0x2cd: {  	s30 =	simm.s32 $0x3678;
	s2 =	simm.s32 $0x0  }
0x2ce: {  	[tilespmem:s30], [sflag:$0x5] =	stream.linear.gather [spmem:s2], $0x200, $0x38;
	[tilespmem:$0x1F0E8] =	vst v63  }
.Ltmp18:
0x2cf: {  	_ = 	snop;
	(pc) =	sbr.rel .LBB2_23-.Ltmp18, $4  }
0x2d0: {  	_ =	swait.ge [sflag:s0], $0x220  }
0x2d1: {  	[sflag:s0] =	ssyncset.done $0x0  }
0x2d2: {  	s31 =	simm.s32 $0x6;
	[sflag:s0] =	ssyncadd.s32 $0xFFFFFDE0  }
0x2d3: {  	s3 =	simm.s32 $0x0;
	[sflag:s31] =	ssyncpa.u1 $0x0  }
.LBB2_28:
0x2d4: {  	p0 =	slt.u32 s4, $0x27100  }
0x2d5: {  	s0 =	sand.u32 @p0 $0x3FFF8, s4  }
0x2d6: {  	s4 =	sand.u32 @p0 $0x7, s4;
	s5 =	simm.s32 @p0 $0x3638;
	s0 =	sadd.s32 @p0 s1, s0  }
0x2d7: {  	[tilespmem:s5], [sflag:$0x6] =	stream.linear.gather @p0 [hbm4b:s0+s4], $0x2, $0x38;
	[tilespmem:$0x1F0E8] =	vst v63  }
0x2d8: {  	s0 =	simm.s32 @p0 $0x6  }
0x2d9: {  	_ =	swait.ge @p0 [sflag:s0], $0x2  }
0x2da: {  	[sflag:s0] =	ssyncset.done @p0 $0x0  }
0x2db: {  	[sflag:s0] =	ssyncadd.s32 @p0 $0xFFFFFFFE  }
0x2dc: {  	v1 =	vld @p0 [tilespmem:$0x3638];
	_ =	sdelay $0x2  }
0x2dd: {  	s0 =	sshll.u32 @p0 s3, $0x6  }
0x2de: {  	s5 =	sshll.u32 @!p0 s3, $0x6;
	s4 =	sshrl.u32 @p0 s0, $0x2  }
0x2df: {  	s5 =	smov.u32 @p0 s0;
	[tilespmem:s4+$0x3678] =	vst.add.f32.msk @p0 $0xffff, v1  }
0x2e0: {  	s0 =	sshrl.u32 s5, $0x2;
	[tilespmem:s2+$0x3658] =	vst.msk $0x1, v0  }
0x2e1: {  	v0 =	vld [tilespmem:s0+$0x3678];
	_ =	sdelay $0x2  }
0x2e2: {  	s31 =	sshll.u32 s2, $0x6  }
0x2e3: {  	s0 =	sshra.s32 s31, $0x2  }
0x2e4: {  	s2 =	sadd.s32 $0x1, s2;
	[tilespmem:s0+$0x3678] =	vst v0  }
.LBB2_30:
0x2e5: {  	s3 =	sadd.s32 $0x1, s3  }
0x2e6: {  	p0 =	sne.s32 s3, $0x20  }
.Ltmp19:
0x2e7: {  	_ = 	snop;
	(pc) =	sbr.rel @!p0 .LBB2_31-.Ltmp19, $1  }
0x2e8: {  	_ =	sdelay $0x3  }
.LBB2_23:
0x2e9: {  	v0 =	vld.msk [tilespmem:s3+$0x3658], $0x1;
	_ =	sdelay $0x4  }
0x2ea: {  	(v2sf) =	vpush v0, $0x0;
	_ =	sdelay $0xe  }
0x2eb: {  	s4 =	spop (v2sf)  }
0x2ec: {  	p0 =	seq.s32 s4, $0xFFFFFFFF  }
.Ltmp20:
0x2ed: {  	_ = 	snop;
	(pc) =	sbr.rel @p0 .LBB2_30-.Ltmp20, $1  }
0x2ee: {  	_ =	sdelay $0x3  }
0x2ef: {  	p0 =	slt.s32 s2, $0x1  }
.Ltmp21:
0x2f0: {  	_ = 	snop;
	(pc) =	sbr.rel @p0 .LBB2_28-.Ltmp21, $1  }
0x2f1: {  	_ =	sdelay $0x3  }
0x2f2: {  	s5 =	simm.s32 $0x3658;
	p0 =	por $0x0, $0x0  }
0x2f3: {  	v1 =	vld.msk @!p0 [tilespmem:s5+$0x0], $0x1;
	_ =	sdelay $0x4  }
0x2f4: {  	(v2sf) =	vpush @!p0 v1, $0x0;
	_ =	sdelay $0xd  }
0x2f5: {  	p2 =	sne.s32 s2, $0x1  }
.Ltmp22:
0x2f6: {  	s0 =	spop @!p0 (v2sf);
	(pc) =	sbr.rel @!p2 .LBB2_27-.Ltmp22, $4  }
0x2f7: {  	p1 =	seq.s32 @!p0 s4, s0  }
0x2f8: {  	s6 =	simm.s32 $0x0;
	p1 =	por !p1, p0  }
0x2f9: {  	s0 =	simm.s32 $0xFFFFFFFF;
	s6 =	simm.s32 @p1 $0xFFFFFFFF  }
0x2fa: {  	s7 =	simm.s32 $0x1;
	s6 =	smov.u32 @p0 s0  }
.LBB2_26:
0x2fb: {  	s0 =	smov.u32 s6;
	p0 =	sne.s32 s6, $0xFFFFFFFF  }
0x2fc: {  	s5 =	sadd.s32 $0x1, s5;
	s6 =	smov.u32 s7;
	s7 =	sadd.s32 $0x1, s7  }
0x2fd: {  	p1 =	sne.s32 s2, s7;
	v1 =	vld.msk @!p0 [tilespmem:s5+$0x0], $0x1;
	_ =	sdelay $0x4  }
0x2fe: {  	(v2sf) =	vpush @!p0 v1, $0x0;
	_ =	sdelay $0xe  }
.Ltmp23:
0x2ff: {  	s8 =	spop @!p0 (v2sf);
	(pc) =	sbr.rel @p1 .LBB2_26-.Ltmp23, $4  }
0x300: {  	p2 =	seq.s32 @!p0 s4, s8  }
0x301: {  	p2 =	por !p2, p0  }
0x302: {  	s6 =	simm.s32 @p2 $0xFFFFFFFF  }
0x303: {  	s6 =	smov.u32 @p0 s0  }
.LBB2_27:
0x304: {  	p0 =	sne.s32 s6, $0xFFFFFFFF  }
.Ltmp24:
0x305: {  	_ = 	snop;
	(pc) =	sbr.rel @!p0 .LBB2_28-.Ltmp24, $1  }
0x306: {  	_ =	sdelay $0x3  }
0x307: {  	s0 =	sshll.u32 s3, $0x4  }
0x308: {  	s0 =	sand.u32 $0x3FFFFFF0, s0  }
0x309: {  	v0 =	vld [tilespmem:s0+$0x3678]  }
.Ltmp25:
0x30a: {  	_ = 	snop;
	(pc) =	sbr.rel .LBB2_30-.Ltmp25, $4  }
0x30b: {  	_ = 	snop  }
0x30c: {  	s31 =	sshll.u32 s6, $0x6  }
0x30d: {  	s0 =	sshra.s32 s31, $0x2  }
0x30e: {  	[tilespmem:s0+$0x3678] =	vst.add.f32.msk $0xffff, v0  }
.LBB2_31:
0x30f: {  	p0 =	slt.s32 s2, $0x1  }
.Ltmp26:
0x310: {  	_ = 	snop;
	(pc) =	sbr.rel @p0 .LBB2_35-.Ltmp26, $3  }
0x311: {  	_ =	sdelay $0x1  }
0x312: {  	s0 =	simm.s32 $0x6  }
0x313: {  	s3 =	simm.s32 $0x0;
	[sflag:s0] =	ssyncpa.u1 $0x1  }
0x314: {  	s0 =	simm.s32 $0x3658  }
0x315: {  	v0 =	vld.msk [tilespmem:s0+$0x0], $0x1;
	_ =	sdelay $0x4  }
0x316: {  	(v2sf) =	vpush v0, $0x0;
	_ =	sdelay $0xd  }
0x317: {  	s2 =	sadd.s32 $0xFFFFFFFF, s2  }
0x318: {  	p1 =	sne.s32 s2, $0x0;
	s0 =	spop (v2sf)  }
.Ltmp27:
0x319: {  	p0 =	sgt.u32 s0, $0x270FF;
	(pc) =	sbr.rel @!p1 .LBB2_34-.Ltmp27, $4  }
0x31a: {  	s4 =	simm.s32 $0x3678;
	s5 =	sand.u32 @!p0 $0x3FFF8, s0  }
0x31b: {  	s6 =	simm.s32 $0x0;
	s0 =	sand.u32 @!p0 $0x7, s0;
	s5 =	sadd.s32 @!p0 s1, s5  }
0x31c: {  	[hbm4b:s5+s0] =	stream.linear.scatter @!p0 [tilespmem:s4], [sflag:$0x5], $0x2, $0x38;
	[tilespmem:$0x1F0E8] =	vst v63  }
0x31d: {  	s6 =	simm.s32 @!p0 $0x8;
	s5 =	simm.s32 $0x3659  }
.LBB2_33:
0x31e: {  	v0 =	vld.msk [tilespmem:s5+$0x0], $0x1;
	s2 =	sadd.s32 $0xFFFFFFFF, s2;
	s3 =	sadd.s32 s3, s6  }
0x31f: {  	p0 =	sne.s32 s2, $0x0;
	_ =	sdelay $0x3  }
0x320: {  	(v2sf) =	vpush v0, $0x0;
	_ =	sdelay $0xe  }
.Ltmp28:
0x321: {  	s0 =	spop (v2sf);
	(pc) =	sbr.rel @p0 .LBB2_33-.Ltmp28, $4  }
0x322: {  	s6 =	simm.s32 $0x0;
	p1 =	sgt.u32 s0, $0x270FF  }
0x323: {  	s4 =	sadd.s32 $0x10, s4;
	s6 =	simm.s32 @!p1 $0x8;
	s7 =	sand.u32 @!p1 $0x3FFF8, s0  }
0x324: {  	s5 =	sadd.s32 $0x1, s5;
	s0 =	sand.u32 @!p1 $0x7, s0;
	s7 =	sadd.s32 @!p1 s1, s7  }
0x325: {  	[hbm4b:s7+s0] =	stream.linear.scatter @!p1 [tilespmem:s4], [sflag:$0x5], $0x2, $0x38;
	[tilespmem:$0x1F0E8] =	vst v63  }
.LBB2_34:
0x326: {  	s0 =	sadd.s32 s3, s6  }
0x327: {  	s3 =	sshrl.u32 s0, $0x2  }
.LBB2_35:
0x328: {  	s0 =	simm.s32 $0x5  }
0x329: {  	_ =	swait.ge [sflag:s0], s3  }
0x32a: {  	s1 =	ssub.s32 $0x0, s3;
	[sflag:s0] =	ssyncset.done $0x0  }
0x32b: {  	[sflag:s0] =	ssyncadd.s32 s1  }
0x32c: {  	[sflag:s0] =	ssyncpa.u1 $0x1  }
0x32d: {  	s30 =	simm.s32 $0x1;
	_ =	sfence  }
0x32e: {  	[sflag:s30] =	ssyncpa.u1 $0x1  }
0x32f: {  	_ =	strace $0x90000050  }
0x330: {  	[bflag:$0x2] =	sbarrier.arrive $0xFFFF  }
0x331: {  	s31 =	rddreg [dreg:$0x1]  }
0x332: {  	s0 =	sadd.s32 $0x100000, s31  }
0x333: {  	[sflag:s0] =	ssyncadd.tile.s32 $0x1;
	_ =	shalt  }
.Lfunc_end2:
_tile_overlayer_lowered:
.L_overlay_start_2:
0x334: {  	(tag) =	ssettag $0x2  }
0x335: {  	s0 =	rddreg [dreg:$0x0];
	s2 =	stileid.u32  }
0x336: {  	s1 =	rddreg [dreg:$0x1];
	p0 =	sne.s32 s2, $0x0  }
0x337: {  	s3 =	rddreg [dreg:$0x2];
	[bflag:$0x3] =	sbarrier.arrive $0xFFFF;
	s2 =	simm.s32 @!p0 $0x1C01  }
0x338: {  	[timem:s3], [sflag:s2] =	dma.local @!p0 [hbm:s0], s1  }
0x339: {  	s0 =	simm.s32 @!p0 $0x1  }
0x33a: {  	_ =	swait.ge @!p0 [sflag:s0], s1  }
0x33b: {  	s1 =	ssub.s32 @!p0 $0x0, s1;
	[sflag:s0] =	ssyncset.done @!p0 $0x0  }
0x33c: {  	[sflag:s0] =	ssyncadd.s32 @!p0 s1  }
0x33d: {  	[bflag:$0x3] =	sbarrier.arrive $0xFFFF  }
0x33e: {  	_ =	shalt  }

// kernel: scatter_offload_async_start.2
scs
__scs_entry_jumppad:
0x0: {  	(pc) =	sbr.rel $0x88, $3  }
0x1: {  	(tag) =	ssettag $0x0;
	lr =	simm.s32 $0x1  }
0x2: {  	[smem:$0x3F8A] =	sst lr;
	_ =	strace $0xD0000000  }
0x3: {  	_ = 	snop  }
0x4: {  	_ = 	snop  }
0x5: {  	_ = 	snop  }
0x6: {  	_ = 	snop  }
0x7: {  	_ = 	snop  }
__scs_overlays_trampoline_lowered:
0x8: {  	[smem:$0x3F99] =	sst s0  }
0x9: {  	[smem:$0x3F9A] =	sst s1  }
0xa: {  	[smem:$0x3F9B] =	sst s2  }
0xb: {  	[smem:$0x3F9C] =	sst s3  }
0xc: {  	[smem:$0x3F9D] =	sst s4  }
0xd: {  	[smem:$0x3F9E] =	sst s5  }
0xe: {  	[smem:$0x3F9F] =	sst s6  }
0xf: {  	[smem:$0x3FA0] =	sst s7  }
0x10: {  	[smem:$0x3FA1] =	sst s8  }
0x11: {  	[smem:$0x3FA2] =	sst s9;
	s0 =	simm.s32 @!p0 $0x0  }
0x12: {  	s1 =	sld [smem:$0x3F88];
	s0 =	simm.s32 @p0 $0x1  }
0x13: {  	[smem:$0x3FA3] =	sst s0;
	s0 =	simm.s32 @!p1 $0x0  }
0x14: {  	s2 =	sld [smem:$0x3F87];
	s0 =	simm.s32 @p1 $0x1  }
0x15: {  	[smem:$0x3FA4] =	sst s0;
	s0 =	simm.s32 @!p2 $0x0  }
0x16: {  	s3 =	sld [smem:$0x3FDB];
	s0 =	simm.s32 @p2 $0x1  }
0x17: {  	s4 =	simm.s32 $0x1BF5;
	[smem:$0x3FA6] =	sst s0  }
0x18: {  	s0 =	sld [smem:$0x3F89];
	_ =	swait.ge [sflag:s4], $0x0  }
0x19: {  	s7 =	sld [smem:$0x3F8A]  }
0x1a: {  	s8 =	sadd.s32 $0xFFFFE003, lr  }
0x1b: {  	s9 =	sadd.s32 $0xFFFFFEF7, lr;
	s5 =	simm.s32 $0xFFFFFFFF;
	p2 =	slt.u32 s8, $0xFFFFF086  }
0x1c: {  	p1 =	slt.u32 s9, $0xF7A;
	s5 =	simm.s32 @!p2 $0x0  }
0x1d: {  	s5 =	simm.s32 @p1 $0x1;
	p0 =	seq.s32 s7, s2  }
0x1e: {  	s7 =	smul.u32 @!p0 $0xF7A, s2;
	p2 =	seq.s32 @!p0 s5, $0x0  }
0x1f: {  	s9 =	smul.u32 $0xF7A, s1;
	s8 =	simm.s32 @!p0 $0x1BF5;
	p2 =	por !p2, p0  }
0x20: {  	[sflag:s8] =	ssyncset.s32 @!p0 $0xFFFFF086;
	s6 =	sadd.s32 @!p0 s3, s7;
	s7 =	simm.s32 @!p0 $0x108  }
0x21: {  	s3 =	sadd.s32 s3, s9;
	s6 =	sadd.s32 @!p0 $0x88, s6;
	s7 =	simm.s32 @p2 $0x1082  }
0x22: {  	[simem:s7], [sflag:s8] =	dma.local @!p0 [hbm:s6], $0xF7A  }
0x23: {  	s9 =	sor.u32 $0xD0000000, s2;
	s6 =	simm.s32 $0x108;
	_ =	swait.ge @!p0 [sflag:s8], $0x0  }
0x24: {  	s3 =	sadd.s32 $0x88, s3;
	s6 =	simm.s32 @!p1 $0x1082;
	[sflag:s4] =	ssyncset.s32 $0xFFFFF086  }
0x25: {  	[simem:s6], [sflag:s4] =	dma.local [hbm:s3], $0xF7A  }
0x26: {  	[smem:$0x3F8A] =	sst s1;
	(tag) =	ssettag s2;
	_ =	strace s9  }
0x27: {  	s1 =	sld [smem:$0x3F9A]  }
0x28: {  	s2 =	sld [smem:$0x3F9B]  }
0x29: {  	s4 =	sld [smem:$0x3F9D]  }
0x2a: {  	p0 =	seq.s32 s5, $0x0;
	s5 =	sld [smem:$0x3F9E]  }
0x2b: {  	s6 =	sld [smem:$0x3F9F]  }
0x2c: {  	s7 =	sld [smem:$0x3FA0]  }
0x2d: {  	s3 =	simm.s32 $0x108;
	s8 =	sld [smem:$0x3FA1]  }
0x2e: {  	s3 =	simm.s32 @!p0 $0x1082;
	s9 =	sld [smem:$0x3FA2]  }
0x2f: {  	lr =	sadd.s32 s0, s3;
	s0 =	sld [smem:$0x3F99]  }
0x30: {  	s3 =	sld [smem:$0x3F9C]  }
0x31: {  	[smem:$0x3FA5] =	sst s10  }
0x32: {  	s10 =	sld [smem:$0x3FA3];
	_ =	sdelay $0x3  }
0x33: {  	p0 =	seq.s32 s10, $0x1;
	s10 =	sld [smem:$0x3FA5];
	_ =	sdelay $0x3  }
0x34: {  	[smem:$0x3FA5] =	sst s10  }
0x35: {  	s10 =	sld [smem:$0x3FA4];
	_ =	sdelay $0x3  }
0x36: {  	p1 =	seq.s32 s10, $0x1;
	s10 =	sld [smem:$0x3FA5];
	_ =	sdelay $0x3  }
0x37: {  	[smem:$0x3FA5] =	sst s10  }
0x38: {  	s10 =	sld [smem:$0x3FA6]  }
0x39: {  	_ = 	snop;
	(pc) =	sbr.ind lr, $3  }
0x3a: {  	_ = 	snop  }
0x3b: {  	_ = 	snop  }
0x3c: {  	p2 =	seq.s32 s10, $0x1;
	s10 =	sld [smem:$0x3FA5]  }
0x3d: {  	_ =	shalt  }
0x3e: {  	_ =	shalt  }
0x3f: {  	_ =	shalt  }
0x40: {  	_ =	shalt  }
0x41: {  	_ =	shalt  }
0x42: {  	_ =	shalt  }
0x43: {  	_ =	shalt  }
0x44: {  	_ =	shalt  }
0x45: {  	_ =	shalt  }
0x46: {  	_ =	shalt  }
0x47: {  	_ =	shalt  }
0x48: {  	_ =	shalt  }
0x49: {  	_ =	shalt  }
0x4a: {  	_ =	shalt  }
0x4b: {  	_ =	shalt  }
0x4c: {  	_ =	shalt  }
0x4d: {  	_ =	shalt  }
0x4e: {  	_ =	shalt  }
0x4f: {  	_ =	shalt  }
0x50: {  	_ =	shalt  }
0x51: {  	_ =	shalt  }
0x52: {  	_ =	shalt  }
0x53: {  	_ =	shalt  }
0x54: {  	_ =	shalt  }
0x55: {  	_ =	shalt  }
0x56: {  	_ =	shalt  }
0x57: {  	_ =	shalt  }
0x58: {  	_ =	shalt  }
0x59: {  	_ =	shalt  }
0x5a: {  	_ =	shalt  }
0x5b: {  	_ =	shalt  }
0x5c: {  	_ =	shalt  }
0x5d: {  	_ =	shalt  }
0x5e: {  	_ =	shalt  }
0x5f: {  	_ =	shalt  }
0x60: {  	_ =	shalt  }
0x61: {  	_ =	shalt  }
0x62: {  	_ =	shalt  }
0x63: {  	_ =	shalt  }
0x64: {  	_ =	shalt  }
0x65: {  	_ =	shalt  }
0x66: {  	_ =	shalt  }
0x67: {  	_ =	shalt  }
0x68: {  	_ =	shalt  }
0x69: {  	_ =	shalt  }
0x6a: {  	_ =	shalt  }
0x6b: {  	_ =	shalt  }
0x6c: {  	_ =	shalt  }
0x6d: {  	_ =	shalt  }
0x6e: {  	_ =	shalt  }
0x6f: {  	_ =	shalt  }
0x70: {  	_ =	shalt  }
0x71: {  	_ =	shalt  }
0x72: {  	_ =	shalt  }
0x73: {  	_ =	shalt  }
0x74: {  	_ =	shalt  }
0x75: {  	_ =	shalt  }
0x76: {  	_ =	shalt  }
0x77: {  	_ =	shalt  }
0x78: {  	_ =	shalt  }
0x79: {  	_ =	shalt  }
0x7a: {  	_ =	shalt  }
0x7b: {  	_ =	shalt  }
0x7c: {  	_ =	shalt  }
0x7d: {  	_ =	shalt  }
0x7e: {  	_ =	shalt  }
0x7f: {  	_ =	shalt  }
0x80: {  	_ =	shalt  }
0x81: {  	_ =	shalt  }
0x82: {  	_ =	shalt  }
0x83: {  	_ =	shalt  }
0x84: {  	_ =	shalt  }
0x85: {  	_ =	shalt  }
0x86: {  	_ =	shalt  }
0x87: {  	_ =	shalt  }
.Lfunc_end0:
.L_simem_size_0:
called_computation.2_lowered:
.L_overlay_start_0:
0x88: {  	s0 =	sld [smem:$0x3FD9]  }
0x89: {  	s1 =	sld [smem:$0x3FFE];
	_ =	sdelay $0x3  }
0x8a: {  	s0 =	sadd.s32 s1, s0  }
0x8b: {  	[smem:$0x3FB1] =	sst s0  }
0x8c: {  	_ = 	snop  }
0x8d: {  	s0 =	sld [smem:$0x3FD0];
	(tm) =	ssettm $0x1  }
0x8e: {  	s16 =	sld [smem:$0x3FFB];
	_ =	sdelay $0x3  }
0x8f: {  	_ =	strace s16  }
0x90: {  	s1 =	sld [smem:$0x3FFC];
	_ =	sdelay $0x3  }
0x91: {  	_ =	strace s1  }
0x92: {  	s1 =	sld [smem:$0x3FFD];
	_ =	sdelay $0x3  }
0x93: {  	_ =	strace s1  }
0x94: {  	_ =	strace $0x8FFFFFFF  }
0x95: {  	s17 =	sld [smem:$0x3FDB];
	_ =	sdelay $0x1  }
0x96: {  	s2 =	simm.s32 $_scs_section_size  }
0x97: {  	s3 =	simm.s32 $_size__tile_overlayer_lowered;
	s4 =	simm.s32 $_tile_overlayer_lowered  }
0x98: {  	s20 =	simm.s32 $0x1BFF;
	s19 =	sshll.u32 s4, $0x1;
	s1 =	sadd.s32 s2, s17  }
0x99: {  	s5 =	simm.s32 $0x0;
	s18 =	sshll.u32 s3, $0x1;
	s3 =	sadd.s32 s19, s1  }
0x9a: {  	[timem:s5], [sflag:s20] =	dma.local [hbm:s3], s18  }
0x9b: {  	_ =	swait.ge [sflag:s20], s18  }
0x9c: {  	s2 =	ssub.s32 $0x0, s18;
	[sflag:s20] =	ssyncset.done $0x0  }
0x9d: {  	[sflag:s20] =	ssyncadd.s32 s2;
	_ =	sdelay $0x1  }
0x9e: {  	s21 =	simm.s32 $0x1B8B  }
0x9f: {  	_ =	swait.ge [sflag:s21], $0x1  }
0xa0: {  	[sflag:s21] =	ssyncset.done $0x0  }
0xa1: {  	s23 =	simm.s32 $0x1B8E;
	s22 =	sld [smem:$0x3FFE];
	[sflag:s21] =	ssyncadd.s32 $0xFFFFFFFF  }
0xa2: {  	s24 =	simm.s32 $execute0_lowered;
	[smem:$0x3FD2] =	sst s23  }
0xa3: {  	s3 =	sshll.u32 s24, $0x1;
	_ =	strace $0x8000004C;
	[dreg:$0x1] =	wrdreg $0xFFFFFFFF  }
0xa4: {  	s25 =	simm.s32 $_size_execute0_lowered;
	s1 =	sadd.s32 s1, s3;
	[dreg:$0x0] =	wrdreg $0x0  }
0xa5: {  	s3 =	sshll.u32 s25, $0x1;
	[dreg:$0x2] =	wrdreg s1  }
0xa6: {  	[dreg:$0x3] =	wrdreg s3  }
0xa7: {  	[dreg:$0x4] =	wrdreg $0xC0  }
0xa8: {  	_ =	task [dreg:s5], $0x5FFFF  }
0xa9: {  	[dreg:$0x1] =	wrdreg $0xFFFFFFFF  }
0xaa: {  	[dreg:$0x0] =	wrdreg $0x60  }
0xab: {  	[dreg:$0x2] =	wrdreg s0  }
0xac: {  	[dreg:$0x3] =	wrdreg s22  }
0xad: {  	[dreg:$0x4] =	wrdreg $0xA  }
0xae: {  	_ =	task.clear_ibuf [dreg:s5], $0x5FFFF;
	_ =	strace $0x9000004C  }
0xaf: {  	s26 =	simm.s32 $0xA;
	_ =	strace $0x8000004E  }
0xb0: {  	_ =	swait.ge [sflag:s26], $0x1  }
0xb1: {  	[sflag:s26] =	ssyncadd.s32 $0xFFFFFFFF  }
0xb2: {  	_ =	strace $0x9000004E  }
0xb3: {  	_ =	sfence  }
0xb4: {  	s28 =	sld [smem:$0x0];
	_ =	sdelay $0x1  }
0xb5: {  	s29 =	srdreg.scid  }
0xb6: {  	s30 =	sshll.u32 s29, $0xD;
	s31 =	sshrl.u32 s29, $0x2  }
0xb7: {  	s2 =	sand.u32 $0x4000, s30;
	s1 =	sand.u32 $0x1, s29;
	s0 =	sadd.s32 s31, s28  }
0xb8: {  	s1 =	sor.u32 s2, s1;
	s0 =	sshll.u32 s0, $0x11  }
0xb9: {  	s0 =	sor.u32 s0, s1  }
0xba: {  	s0 =	sadd.s32 $0x8F2B, s0  }
0xbb: {  	[sflag:s0] =	ssyncadd.remote.s32 $0x1  }
0xbc: {  	_ =	sfence.sel $0xFFFF  }
0xbd: {  	[dreg:$0x0] =	wrdreg $0xFFFFFFFF;
	(pc) =	sbr.abs _section_cstart, $3  }
0xbe: {  	[dreg:$0x1] =	wrdreg $0xFFFFFFFF  }
0xbf: {  	_ =	task.clear_ibuf [dreg:s5], $0x2FFFF;
	_ =	strace $0x9FFFFFFF  }
0xc0: {  	(tm) =	ssettm $0x7FFFFFFF  }
0xc1: {  	_ =	shalt  }
tec
execute0_lowered:
.L_overlay_start_1:
0x0: {  	(tag) =	ssettag $0x1  }
0x1: {  	s1 =	rddreg [dreg:$0x0]  }
0x2: {  	s0 =	rddreg [dreg:$0x1]  }
0x3: {  	s6 =	stileid.u32;
	_ =	strace $0x8000004D;
	s2 =	simm.s32 $0x1  }
0x4: {  	v1 =	vimm.s32 $0xFFFFFFFF;
	s3 =	smin.u32 s6, $0x9;
	[sflag:s2] =	ssyncpa.u1 $0x0  }
0x5: {  	s3 =	sadd.s32 s6, s3;
	[tilespmem:$0x10] =	vst v1  }
0x6: {  	s4 =	simm.s32 $0x3520;
	v0 =	vimm.f32 $0.0e+00;
	p0 =	slt.u32 s6, $0x9;
	[tilespmem:$0x20] =	vst v1;
	s3 =	smul.u32 $0x1A90, s3  }
0x7: {  	s4 =	simm.s32 @!p0 $0x1A90;
	[tilespmem:$0x30] =	vst v0  }
0x8: {  	[tilespmem:$0x40] =	vst v0;
	s4 =	sadd.s32 s4, s3  }
0x9: {  	[tilespmem:$0x50] =	vst v0;
	s4 =	smin.u32 s4, $0x29810  }
0xa: {  	[tilespmem:$0x60] =	vst v1;
	s9 =	ssub.s32 s4, s3  }
0xb: {  	s7 =	simm.s32 $0x2;
	s8 =	simm.s32 $0x8;
	[tilespmem:$0x70] =	vst v1;
	p0 =	sgt.s32 s9, $0x0  }
0xc: {  	s31 =	simm.s32 $0x9;
	s16 =	simm.s32 $0x0;
	[tilespmem:$0x80] =	vst v1;
	s9 =	simm.s32 @!p0 $0x0  }
0xd: {  	s17 =	simm.s32 $0xF0;
	s18 =	simm.s32 $0xFFFFFFFF;
	v1 =	vimm.s32 $0x0;
	[tilespmem:$0xB0] =	vst v0;
	s5 =	smulhi.u32 $0x134679AD, s9  }
0xe: {  	s19 =	simm.s32 $0xFFFFCBE0;
	s20 =	simm.s32 $0xFFFFFFFE;
	s21 =	simm.s32 $0xF;
	[tilespmem:$0x90] =	vst v1  }
0xf: {  	[tilespmem:$0xA0] =	vst v1;
	[sflag:s7] =	ssyncpa.u1 $0x0;
	s7 =	simm.s32 $0x7;
	s10 =	sshrl.u32 s5, $0x9  }
0x10: {  	s25 =	simm.s32 $0x0;
	[sflag:s7] =	ssyncpa.u1 $0x0;
	s11 =	smul.u32 $0x1A90, s10  }
0x11: {  	s24 =	simm.s32 $0x0;
	s14 =	sshllo.u32 s6, $0x1;
	[sflag:s8] =	ssyncpa.u1 $0x0  }
.Ltmp0:
0x12: {  	s23 =	smov.u32 s3;
	p0 =	sne.s32 s9, s11;
	(pc) =	sbr.rel .LBB2_1-.Ltmp0, $4  }
0x13: {  	s5 =	sadd.s32 $0x79000, s0;
	s0 =	sadd.s32 $0x27200, s0;
	s2 =	simm.s32 @!p0 $0x0  }
0x14: {  	[sflag:s31] =	ssyncpa.u1 $0x0;
	[dreg:$0x3] =	wrdreg s0;
	s9 =	sadd.s32 s2, s10  }
0x15: {  	vm0 =	vmmov $0xffff;
	v2 =	vlaneseq.u32;
	p0 =	por $0x0, $0x0;
	s10 =	sshll.u32 s6, $0x1;
	s11 =	sadd.s32 $0x1, s9  }
0x16: {  	vm1 =	vmxor vm1, vm1;
	vm2 =	vmmov $0x1;
	vm3 =	vcmask $0x3F3C;
	s12 =	sadd.s32 $0x2, s9;
	s13 =	sor.u32 $0x81, s10;
	s15 =	sor.u32 $0x80, s10  }
.LBB2_9:
0x17: {  	p1 =	slt.u32 s24, $0x3  }
0x18: {  	s0 =	simm.s32 @!p1 $0x2  }
0x19: {  	_ =	swait.ge @!p1 [sflag:s0], $0x1A90  }
0x1a: {  	[sflag:s0] =	ssyncset.done @!p1 $0x0  }
0x1b: {  	[sflag:s0] =	ssyncadd.s32 @!p1 $0xFFFFE570;
	s0 =	simm.s32 @!p1 $0x9  }
0x1c: {  	_ =	swait.ge @!p1 [sflag:s0], $0x10  }
0x1d: {  	[sflag:s0] =	ssyncset.done @!p1 $0x0  }
0x1e: {  	[sflag:s0] =	ssyncadd.s32 @!p1 $0xFFFFFFF0;
	p1 =	sne.s32 s24, s12  }
.Ltmp1:
0x1f: {  	s2 =	sadd.s32 $0x1A90, s23;
	(pc) =	sbr.rel @!p1 .LBB2_10-.Ltmp1, $4  }
0x20: {  	s6 =	smov.u32 s3;
	s31 =	sadd.s32 $0x1, s24;
	s17 =	sadd.s32 $0x1A90, s17  }
0x21: {  	s18 =	sadd.s32 $0x1, s18;
	s25 =	smov.u32 s23;
	p2 =	slt.s32 s2, s4  }
0x22: {  	p0 =	por !p0, !p0;
	s19 =	sadd.s32 $0x1A90, s19;
	s6 =	smov.u32 @p2 s2  }
0x23: {  	s20 =	sadd.s32 $0x1, s20;
	s23 =	smov.u32 s6;
	s24 =	smov.u32 s31  }
.LBB2_1:
0x24: {  	p1 =	sge.u32 s24, s9  }
0x25: {  	s0 =	smulhi.u32 @!p1 $0xAAAAAAAB, s24;
	_ =	sdelay $0x1  }
0x26: {  	s0 =	sshrl.u32 @!p1 s0, $0x1  }
0x27: {  	s0 =	smul.u32 @!p1 $0x3, s0;
	_ =	sdelay $0x1  }
0x28: {  	s0 =	ssub.s32 @!p1 s24, s0  }
0x29: {  	s0 =	smul.u32 @!p1 $0x6A40, s0;
	_ =	sdelay $0x1  }
0x2a: {  	s2 =	sshrl.u32 @!p1 s23, $0x3;
	s0 =	sshrl.u32 @!p1 s0, $0x2  }
0x2b: {  	s22 =	sand.u32 @!p1 $0x7, s23;
	s2 =	sadd.s32 @!p1 s5, s2;
	s0 =	sadd.s32 @!p1 $0x100, s0  }
0x2c: {  	[tilespmem:s0], [sflag:$0x7] =	stream.linear.gather @!p1 [hbm4b:s2+s22], $0x1A90, $0x38;
	[tilespmem:$0xF030] =	vst v63  }
0x2d: {  	s0 =	sadd.s32 $0xFFFFFFFF, s24  }
0x2e: {  	p1 =	sge.u32 s0, s9  }
.Ltmp2:
0x2f: {  	_ = 	snop;
	(pc) =	sbr.rel @p1 .LBB2_5-.Ltmp2, $1  }
0x30: {  	_ =	sdelay $0x3  }
0x31: {  	s2 =	smulhi.u32 $0xAAAAAAAB, s0;
	_ =	sdelay $0x1  }
0x32: {  	s2 =	sshrl.u32 s2, $0x1  }
0x33: {  	s2 =	smul.u32 $0x3, s2;
	_ =	sdelay $0x1  }
0x34: {  	s2 =	ssub.s32 s0, s2  }
0x35: {  	s2 =	smul.u32 $0x6A40, s2  }
0x36: {  	_ =	swait.ge [sflag:s7], $0x1A90  }
0x37: {  	[sflag:s7] =	ssyncset.done $0x0;
	s2 =	sshrl.u32 s2, $0x2  }
0x38: {  	[sflag:s7] =	ssyncadd.s32 $0xFFFFE570;
	(ifvalue) =	ssetifvalue $0xFFFFFFFF;
	v3 =	vld.msk [tilespmem:s2+$0x100 ss:$0x1], $0xffff;
	_ =	sdelay $0x2  }
0x39: {  	s30 =	smulhi.u32 $0xAAAAAAAB, s18;
	p1 =	sne.s32 s24, $0x1  }
0x3a: {  	v4 =	vimm.s32 @!p1 $0x0  }
0x3b: {  	s2 =	sshrl.u32 s30, $0x1;
	v4 =	vperm.xlane @!p1 v3, v4  }
0x3c: {  	s22 =	sshll.u32 s24, $0x4;
	s2 =	smul.u32 $0xFFFEC140, s2;
	vm4 =	vlt.u32 v3, $0x2800  }
0x3d: {  	s22 =	sand.u32 $0x10, s22;
	v3 =	vnsel vm4, $0xFFFFFFFE, v3;
	vm4 =	vlt.u32 @!p1 v4, $0x2800  }
0x3e: {  	s2 =	sshra.s32 s2, $0x2;
	[tilespmem:s22+$0x60] =	vst v3;
	v3 =	vnsel @!p1 vm4, $0xFFFFFFFE, v4  }
0x3f: {  	s28 =	sadd.s32 s2, s17;
	[tilespmem:$0x80] =	vst @!p1 v3  }
0x40: {  	v3 =	vld.msk [tilespmem:s28+$0x0 ss:$0x1], $0xffff;
	_ =	sdelay $0x4  }
0x41: {  	(xrf1) =	vunique.msk.u32 $0xffff, v3;
	_ =	sdelay $0xd  }
0x42: {  	v4 =	vimm.s32 $0xFFFFFFFF;
	v5, _, _ =	vpop (xrf1)  }
0x43: {  	vm5 =	vne.s32 v3, v4;
	vm4 =	veq.s32 v5, v2  }
0x44: {  	vm6 =	vlt.u32 v3, $0x2800;
	vm4 =	vmand vm5, vm4  }
0x45: {  	vm4 =	vmand vm6, vm4  }
0x46: {  	v4 =	vnsel vm4, $0xFFFFFFFF, v3  }
0x47: {  	s31 =	sand.u32 $0x1, s0  }
0x48: {  	s0 =	simm.s32 $0x1A90;
	p1 =	seq.s32 s31, $0x1  }
0x49: {  	s0 =	simm.s32 @!p1 $0x0  }
0x4a: {  	s26 =	sadd.s32 $0x6B30, s0;
	(ifvalue) =	ssetifvalue $0xFFFFFFFF  }
0x4b: {  	v3 =	vperm.xlane v3, v1;
	[tilespmem:s26], [sflag:$0x8] =	stream.indirect_vreg.gather [hbm4b:s1+s16], $0x1, v4, vm0, $0x4038;
	v4 =	vnsel vm6, $0xFFFFFFFE, v4;
	[tilespmem:$0xF030] =	vst v63  }
0x4c: {  	s2 =	simm.s32 $0x0;
	s22 =	sadd.s32 $0xFFFFFFF0, s28;
	[tilespmem:s28+$0x0] =	vst v4  }
.LBB2_3:
0x4d: {  	v4 =	vld.msk [tilespmem:s22+$0x0 ss:$0x1], $0xffff;
	s2 =	sadd.s32 $0x10, s2;
	v5 =	vmov v3;
	s28 =	smov.u32 s22  }
0x4e: {  	p1 =	slt.u32 s2, $0x1A80;
	_ =	sdelay $0x4  }
0x4f: {  	v3 =	vperm.xlane v4, v1;
	(xrf1) =	vunique.msk.u32 $0xffff, v4;
	_ =	sdelay $0xd  }
0x50: {  	v6, _, _ =	vpop (xrf1)  }
0x51: {  	vm5 =	vne.s32 v4, v5;
	vm4 =	veq.s32 v6, v2  }
0x52: {  	vm6 =	vlt.u32 v4, $0x2800;
	vm4 =	vmand vm5, vm4  }
0x53: {  	vm4 =	vmand vm6, vm4  }
0x54: {  	v4 =	vnsel vm4, $0xFFFFFFFF, v4  }
.Ltmp3:
0x55: {  	v5 =	vnsel vm6, $0xFFFFFFFE, v4;
	(pc) =	sbr.rel @p1 .LBB2_3-.Ltmp3, $3  }
0x56: {  	_ =	sdelay $0x1  }
0x57: {  	s22 =	sadd.s32 $0xFFFFFFF0, s22;
	s26 =	sadd.s32 $0xFFFFFFF0, s26;
	(ifvalue) =	ssetifvalue $0xFFFFFFFF  }
0x58: {  	[tilespmem:s26], [sflag:$0x8] =	stream.indirect_vreg.gather [hbm4b:s1+s16], $0x1, v4, vm0, $0x4038;
	[tilespmem:s28+$0x0] =	vst v5  }
0x59: {  	s2 =	sshrl.u32 s25, $0x3;
	s6 =	rddreg [dreg:$0x3]  }
0x5a: {  	s0 =	sadd.s32 $0x85D0, s0;
	s2 =	sadd.s32 s6, s2  }
0x5b: {  	[tilespmem:s0], [sflag:$0x8] =	stream.linear.gather [hbm:s2], $0x1A90, $0x38;
	[tilespmem:$0xF030] =	vst v63  }
.LBB2_5:
0x5c: {  	p1 =	slt.u32 s24, $0x2  }
0x5d: {  	p2 =	sge.u32 @!p1 s24, s12  }
0x5e: {  	p1 =	por p1, p2  }
.Ltmp4:
0x5f: {  	_ = 	snop;
	(pc) =	sbr.rel @p1 .LBB2_9-.Ltmp4, $1  }
0x60: {  	_ =	sdelay $0x3  }
0x61: {  	s0 =	sadd.s32 $0xFFFFFFFE, s24  }
0x62: {  	s2 =	smulhi.u32 $0xAAAAAAAB, s0;
	_ =	sdelay $0x1  }
0x63: {  	s2 =	sshrl.u32 s2, $0x1  }
0x64: {  	s2 =	smul.u32 $0x3, s2;
	_ =	sdelay $0x1  }
0x65: {  	s0 =	ssub.s32 s0, s2  }
0x66: {  	_ =	swait.ge [sflag:s8], $0x3520;
	s0 =	smul.u32 $0x1A90, s0  }
0x67: {  	p1 =	sne.s32 s24, s11;
	[sflag:s8] =	ssyncset.done $0x0  }
0x68: {  	[sflag:s8] =	ssyncadd.s32 $0xFFFFCAE0;
	s2 =	sadd.s32 @!p1 $0x1B8F, s0  }
0x69: {  	[spmem:s13] =	stream.linear.scatter @!p1 [tilespmem:s2], [sflag:$0x1], $0x1, $0x38;
	[tilespmem:$0xF030] =	vst v63  }
0x6a: {  	s2 =	simm.s32 @!p1 $0x1  }
0x6b: {  	_ =	swait.ge @!p1 [sflag:s2], $0x1  }
0x6c: {  	s22 =	sshll.u32 s24, $0x4;
	[sflag:s2] =	ssyncset.done @!p1 $0x0  }
0x6d: {  	s25 =	sand.u32 $0x10, s22;
	[sflag:s2] =	ssyncadd.s32 @!p1 $0xFFFFFFFF  }
0x6e: {  	s2 =	sxor.u32 $0x10, s25;
	v4 =	vld [tilespmem:s25+$0x10]  }
0x6f: {  	v5 =	vld [tilespmem:s2+$0x60]  }
0x70: {  	v3 =	vld [tilespmem:$0x80];
	_ =	sdelay $0x2  }
0x71: {  	(v2sf) =	vpush v4, $0x0  }
0x72: {  	(v2sf) =	vpush v5, $0x0  }
0x73: {  	(v2sf) =	vpush v3, $0x0;
	_ =	sdelay $0xc  }
0x74: {  	s6 =	spop (v2sf)  }
0x75: {  	s28 =	spop (v2sf)  }
0x76: {  	s26 =	spop (v2sf)  }
0x77: {  	p2 =	seq.s32 s6, s28;
	p3 =	seq.s32 s26, s6  }
0x78: {  	p3 =	por p2, p3  }
0x79: {  	s6 =	sand.u32 $0x1, s24;
	v4 =	vpsel p3, $0xFFFFFFFF, v4  }
0x7a: {  	s28 =	smul.u32 $0x1A90, s6;
	[tilespmem:s25+$0x10] =	vst.msk $0x1, v4  }
0x7b: {  	v4 =	vld [tilespmem:$0x30]  }
0x7c: {  	v5 =	vld [tilespmem:s28+$0x85D0]  }
0x7d: {  	v6 =	vld [tilespmem:s25+$0x40];
	_ =	sdelay $0x3  }
0x7e: {  	vm4 =	vmmov vm1;
	v5 =	vadd.f32 v5, v4  }
0x7f: {  	vm5 =	vmmov vm2;
	vm4 =	vmmov @p2 vm2;
	v4 =	vadd.f32 v6, v4  }
0x80: {  	s22 =	sshll.u32 s6, $0x4;
	vm5 =	vmmov @p3 vm1;
	[tilespmem:s28+$0x85D0] =	vst.msk vm4, v5  }
0x81: {  	[tilespmem:s22+$0xF010] =	vst.msk vm5, v4  }
0x82: {  	v4 =	vld [tilespmem:s28+$0x6B30];
	_ =	sdelay $0x3  }
0x83: {  	v5 =	vimm.f32 $0.0e+00  }
0x84: {  	v4 =	vshift.insert v4, v5, s21  }
0x85: {  	s29 =	sor.u32 $0x40, s2  }
0x86: {  	[tilespmem:s29+$0x0] =	vst.msk $0x1, v4  }
0x87: {  	[tilespmem:s28+$0x6B3F] =	vst.msk $0x1, v5  }
0x88: {  	v4 =	vld [tilespmem:s0+$0x1B80];
	_ =	sdelay $0x1  }
0x89: {  	s29 =	smulhi.u32 $0xAAAAAAAB, s20;
	s0 =	simm.s32 $0x1  }
0x8a: {  	s0 =	simm.s32 @!p0 $0x0  }
0x8b: {  	s29 =	sshrl.u32 s29, $0x1;
	s0 =	smul.u32 $0x6A40, s0  }
0x8c: {  	s29 =	smul.u32 $0xFFFEC140, s29;
	v4 =	vshift.insert v4, v1, s21  }
0x8d: {  	s0 =	sshrl.u32 s0, $0x2  }
0x8e: {  	s29 =	sshra.s32 s29, $0x2;
	s30 =	sadd.s32 $0x85D0, s0;
	[tilespmem:s2+$0x10] =	vst.msk $0x1, v4  }
0x8f: {  	s6 =	sadd.s32 s29, s19;
	v6 =	vld [tilespmem:s30+$0x0]  }
0x90: {  	v7 =	vld [tilespmem:s6+$0x0];
	_ =	sdelay $0x3  }
0x91: {  	v5 =	vadd.f32 v6, v5  }
0x92: {  	vm4 =	vne.s32 v7, $0xFFFFFFFF  }
0x93: {  	(xrf2) =	vadd.seg.scan.f32 vm4, v5;
	_ =	sdelay $0x3  }
0x94: {  	s31 =	sadd.s32 $0x50B0, s0;
	v5 =	vperm.xlane v4, v1  }
0x95: {  	v6 =	vld [tilespmem:s31+$0x0]  }
0x96: {  	vm5 =	veq.s32 v7, v3;
	vm6 =	veq.s32 v7, v5  }
0x97: {  	vm7 =	vgt.u32 v7, $0xFFFFFFFD;
	vm6 =	vmor vm6, vm5  }
0x98: {  	vm6 =	vmor vm6, vm7  }
0x99: {  	v9 =	vld [tilespmem:$0xA0];
	v7 =	vsel vm6, $0xFFFFFFFF, v7  }
0x9a: {  	v10 =	vld [tilespmem:$0x90];
	v6 =	vsel vm5, $0x0, v6;
	v8, _, _ =	vpop (xrf2)  }
0x9b: {  	v6 =	vadd.f32 v8, v6  }
0x9c: {  	s0 =	sadd.s32 $0xBAF0, s0  }
0x9d: {  	vm4 =	vmand vm4, vm3;
	[tilespmem:s0+$0x0] =	vst v6;
	(ifvalue) =	ssetifvalue $0xFFFFFFFF  }
0x9e: {  	vm6 =	veq.s32 v9, $0x1;
	[hbm4b:s1+s16] =	stream.indirect_vreg.scatter [tilespmem:s0], [sflag:$0x2], $0x1, v7, vm0, $0x4038;
	v7 =	vsel vm4, $0x0, v8;
	[tilespmem:$0xF030] =	vst v63  }
0x9f: {  	s29 =	sadd.s32 $0xF010, s22;
	s22 =	sadd.s32 $0x10, s6;
	s2 =	simm.s32 $0x0;
	vm4 =	vmor vm6, vm5;
	v6 =	vsel vm5, v8, v10;
	v7 =	vshift.insert v7, v0, s21  }
.LBB2_7:
0xa0: {  	v8 =	vld [tilespmem:s22+$0x0];
	s30 =	sadd.s32 $0x10, s30  }
0xa1: {  	s31 =	sadd.s32 $0x10, s31;
	v9 =	vld [tilespmem:s30+$0x0]  }
0xa2: {  	s2 =	sadd.s32 $0x10, s2;
	v10 =	vld [tilespmem:s31+$0x0]  }
0xa3: {  	p2 =	slt.u32 s2, $0x1A80;
	_ =	sdelay $0x2  }
0xa4: {  	v7 =	vadd.f32 v9, v7  }
0xa5: {  	vm5 =	vne.s32 v8, $0xFFFFFFFF  }
0xa6: {  	vm6 =	vmand vm5, vm3;
	(xrf2) =	vadd.seg.scan.f32 vm5, v7;
	_ =	sdelay $0x5  }
0xa7: {  	vm7 =	veq.s32 v8, v5;
	vm5 =	veq.s32 v8, v3  }
0xa8: {  	vm8 =	vgt.u32 v8, $0xFFFFFFFD;
	vm4 =	vmor vm4, vm5;
	vm7 =	vmor vm7, vm5  }
0xa9: {  	vm7 =	vmor vm7, vm8  }
0xaa: {  	v8 =	vsel vm7, $0xFFFFFFFF, v8  }
.Ltmp5:
0xab: {  	v7 =	vsel vm5, $0x0, v10;
	v9, _, _ =	vpop (xrf2);
	(pc) =	sbr.rel @p2 .LBB2_7-.Ltmp5, $4  }
0xac: {  	v6 =	vsel vm5, v9, v6;
	v10 =	vadd.f32 v9, v7;
	v7 =	vsel vm6, $0x0, v9  }
0xad: {  	s0 =	sadd.s32 $0x10, s0;
	v7 =	vshift.insert v7, v0, s21  }
0xae: {  	s22 =	sadd.s32 $0x10, s22;
	[tilespmem:s0+$0x0] =	vst v10;
	(ifvalue) =	ssetifvalue $0xFFFFFFFF  }
0xaf: {  	[hbm4b:s1+s16] =	stream.indirect_vreg.scatter [tilespmem:s0], [sflag:$0x2], $0x1, v8, vm0, $0x4038;
	[tilespmem:$0xF030] =	vst v63  }
0xb0: {  	v3 =	vld [tilespmem:s28+$0xD570];
	_ =	sdelay $0x4  }
0xb1: {  	v3 =	vshift.insert v3, v0, s21  }
0xb2: {  	s0 =	simm.s32 $0x30  }
0xb3: {  	[tilespmem:s0+$0x0] =	vst.msk $0x1, v3  }
0xb4: {  	v3 =	vsel vm4, $0x1, v1;
	[tilespmem:$0x90] =	vst v6  }
0xb5: {  	s0 =	sadd.s32 @!p1 $0xD57F, s28;
	[tilespmem:$0xA0] =	vst v3  }
0xb6: {  	[spmem:s14] =	stream.linear.scatter @!p1 [tilespmem:s0], [sflag:$0x1], $0x1, $0x38;
	[tilespmem:$0xF030] =	vst v63  }
0xb7: {  	s0 =	simm.s32 @!p1 $0x1  }
0xb8: {  	v3 =	vmctz.xlane @!p1 vm4;
	_ =	swait.ge @!p1 [sflag:s0], $0x1  }
0xb9: {  	(v2sf) =	vpush @!p1 v4, $0x0  }
0xba: {  	(v2sf) =	vpush @!p1 v3, $0x0;
	_ =	sdelay $0xd  }
0xbb: {  	s2 =	spop @!p1 (v2sf)  }
0xbc: {  	s6 =	spop @!p1 (v2sf)  }
0xbd: {  	p2 =	sne.s32 @!p1 s26, s2;
	p3 =	slt.s32 @!p1 s6, $0xF  }
0xbe: {  	[sflag:s0] =	ssyncset.done @!p1 $0x0;
	p2 =	por p2, p1;
	p3 =	por !p3, p1  }
0xbf: {  	[sflag:s0] =	ssyncadd.s32 @!p1 $0xFFFFFFFF;
	v3 =	vimm.s32 @!p2 $0xFFFFFFFF;
	s6 =	simm.s32 @p3 $0xF  }
0xc0: {  	[tilespmem:$0x80] =	vst @!p2 v3;
	s2 =	sadd.s32 @!p1 $0x90, s6  }
0xc1: {  	[spmem:s10] =	stream.linear.scatter @!p1 [tilespmem:s2], [sflag:$0x1], $0x1, $0x38;
	[tilespmem:$0xF030] =	vst v63  }
0xc2: {  	_ =	swait.ge @!p1 [sflag:s0], $0x1  }
0xc3: {  	[sflag:s0] =	ssyncset.done @!p1 $0x0  }
0xc4: {  	s2 =	simm.s32 @!p1 $0x80;
	[sflag:s0] =	ssyncadd.s32 @!p1 $0xFFFFFFFF  }
0xc5: {  	[spmem:s15] =	stream.linear.scatter @!p1 [tilespmem:s2], [sflag:$0x1], $0x1, $0x38;
	[tilespmem:$0xF030] =	vst v63  }
0xc6: {  	_ =	swait.ge @!p1 [sflag:s0], $0x1  }
0xc7: {  	[sflag:s0] =	ssyncset.done @!p1 $0x0  }
0xc8: {  	[sflag:s0] =	ssyncadd.s32 @!p1 $0xFFFFFFFF;
	(ifvalue) =	ssetifvalue $0xFFFFFFFF;
	v3 =	vld [tilespmem:s25+$0x10];
	_ =	sdelay $0x3  }
.Ltmp6:
0xc9: {  	_ = 	snop;
	(pc) =	sbr.rel .LBB2_9-.Ltmp6, $3  }
0xca: {  	_ =	sdelay $0x1  }
0xcb: {  	(ifvalue) =	ssetifvalue $0xFFFFFFFF  }
0xcc: {  	[hbm4b:s1+s16] =	stream.indirect_vreg.scatter [tilespmem:s29], [sflag:$0x9], $0x1, v3, vm0, $0x4038;
	[tilespmem:$0xF030] =	vst v63  }
.LBB2_10:
0xcd: {  	_ =	sfence.sel $0x180000  }
0xce: {  	s0 =	simm.s32 $0x7;
	[bflag:$0x0] =	sbarrier.arrive $0xFFFF  }
0xcf: {  	s26 =	simm.s32 $0x8;
	[sflag:s0] =	ssyncpa.u1 $0x1  }
0xd0: {  	s28 =	simm.s32 $0x9;
	[sflag:s26] =	ssyncpa.u1 $0x1  }
0xd1: {  	[sflag:s28] =	ssyncpa.u1 $0x1  }
0xd2: {  	_ =	sfence.stream.spmem  }
0xd3: {  	s29 =	simm.s32 $0x3;
	[bflag:$0x0] =	sbarrier.arrive $0xFFFF  }
0xd4: {  	s30 =	simm.s32 $0x4;
	[sflag:s29] =	ssyncpa.u1 $0x1  }
0xd5: {  	s31 =	simm.s32 $0x3C;
	s2 =	stileid.u32;
	[sflag:s30] =	ssyncpa.u1 $0x1  }
0xd6: {  	p0 =	sne.s32 s2, $0x0;
	[sflag:s31] =	ssyncpa.u1 $0x1  }
0xd7: {  	s0 =	simm.s32 @p0 $0x1;
	_ =	sfence @p0  }
0xd8: {  	[sflag:s0] =	ssyncpa.u1 @p0 $0x1;
	s0 =	simm.s32 @p0 $0x2  }
0xd9: {  	[sflag:s0] =	ssyncpa.u1 @p0 $0x1  }
0xda: {  	_ =	strace @p0 $0x9000004D  }
0xdb: {  	[bflag:$0x2] =	sbarrier.arrive @p0 $0xFFFF  }
0xdc: {  	_ =	shalt @p0  }
.LBB2_11:
0xdd: {  	_ =	sfence.stream.spmem;
	s0 =	simm.s32 $0x5  }
0xde: {  	s2 =	simm.s32 $0x80;
	s3 =	simm.s32 $0xC0;
	[sflag:s0] =	ssyncpa.u1 $0x0  }
0xdf: {  	[tilespmem:s3], [sflag:$0x5] =	stream.linear.gather [spmem:s2], $0x20, $0x38;
	[tilespmem:$0xF030] =	vst v63  }
0xe0: {  	s2 =	simm.s32 $0x0;
	s3 =	simm.s32 $0xE0  }
0xe1: {  	[tilespmem:s3], [sflag:$0x5] =	stream.linear.gather [spmem:s2], $0x20, $0x38;
	[tilespmem:$0xF030] =	vst v63  }
.Ltmp7:
0xe2: {  	_ = 	snop;
	(pc) =	sbr.rel .LBB2_12-.Ltmp7, $4  }
0xe3: {  	_ =	swait.ge [sflag:s0], $0x40  }
0xe4: {  	[sflag:s0] =	ssyncset.done $0x0  }
0xe5: {  	s31 =	simm.s32 $0x6;
	[sflag:s0] =	ssyncadd.s32 $0xFFFFFFC0  }
0xe6: {  	s4 =	simm.s32 $0x0;
	[sflag:s31] =	ssyncpa.u1 $0x0  }
.LBB2_17:
0xe7: {  	p0 =	sgt.u32 s5, $0x27FF  }
0xe8: {  	s0 =	sshrl.u32 @!p0 s5, $0x3  }
0xe9: {  	s5 =	sand.u32 @!p0 $0x7, s5;
	s6 =	simm.s32 @!p0 $0xB0;
	s0 =	sadd.s32 @!p0 s1, s0  }
0xea: {  	[tilespmem:s6], [sflag:$0x6] =	stream.linear.gather @!p0 [hbm4b:s0+s5], $0x1, $0x38;
	[tilespmem:$0xF030] =	vst v63  }
0xeb: {  	s0 =	simm.s32 @!p0 $0x6  }
0xec: {  	_ =	swait.ge @!p0 [sflag:s0], $0x1  }
0xed: {  	[sflag:s0] =	ssyncset.done @!p0 $0x0  }
0xee: {  	[sflag:s0] =	ssyncadd.s32 @!p0 $0xFFFFFFFF  }
0xef: {  	v2 =	vmov @!p0 s4;
	v1 =	vld.msk @!p0 [tilespmem:$0xB0], $0x1;
	_ =	sdelay $0x3  }
0xf0: {  	s0 =	simm.s32 @!p0 $0xE0  }
0xf1: {  	[tilespmem:v2+s0+$0x0], v1 =	vst.idx.ret.add.f32.msk @!p0 $0x1, v1  }
0xf2: {  	[tilespmem:s2+$0xC0] =	vst.msk $0x1, v0  }
0xf3: {  	v0 =	vld.msk [tilespmem:s4+$0xE0], $0x1;
	_ =	sdelay $0x4  }
0xf4: {  	[tilespmem:s2+$0xE0] =	vst.msk $0x1, v0;
	s2 =	sadd.s32 $0x1, s2  }
.LBB2_19:
0xf5: {  	s4 =	sadd.s32 $0x1, s4  }
0xf6: {  	p0 =	sne.s32 s4, $0x20  }
.Ltmp8:
0xf7: {  	_ = 	snop;
	(pc) =	sbr.rel @!p0 .LBB2_20-.Ltmp8, $1  }
0xf8: {  	_ =	sdelay $0x3  }
.LBB2_12:
0xf9: {  	v0 =	vld.msk [tilespmem:s4+$0xC0], $0x1;
	_ =	sdelay $0x4  }
0xfa: {  	(v2sf) =	vpush v0, $0x0;
	_ =	sdelay $0xe  }
0xfb: {  	s5 =	spop (v2sf)  }
0xfc: {  	p0 =	seq.s32 s5, $0xFFFFFFFF  }
.Ltmp9:
0xfd: {  	_ = 	snop;
	(pc) =	sbr.rel @p0 .LBB2_19-.Ltmp9, $1  }
0xfe: {  	_ =	sdelay $0x3  }
0xff: {  	p0 =	slt.s32 s2, $0x1  }
.Ltmp10:
0x100: {  	_ = 	snop;
	(pc) =	sbr.rel @p0 .LBB2_17-.Ltmp10, $1  }
0x101: {  	_ =	sdelay $0x3  }
0x102: {  	s0 =	simm.s32 $0xC0;
	p0 =	por $0x0, $0x0  }
0x103: {  	v1 =	vld.msk @!p0 [tilespmem:s0+$0x0], $0x1;
	_ =	sdelay $0x4  }
0x104: {  	(v2sf) =	vpush @!p0 v1, $0x0;
	_ =	sdelay $0xd  }
0x105: {  	p2 =	sne.s32 s2, $0x1  }
.Ltmp11:
0x106: {  	s6 =	spop @!p0 (v2sf);
	(pc) =	sbr.rel @!p2 .LBB2_16-.Ltmp11, $4  }
0x107: {  	p1 =	seq.s32 @!p0 s5, s6  }
0x108: {  	s6 =	simm.s32 $0x0;
	p1 =	por !p1, p0  }
0x109: {  	s8 =	simm.s32 $0xFFFFFFFF;
	s6 =	simm.s32 @p1 $0xFFFFFFFF  }
0x10a: {  	s7 =	simm.s32 $0x1;
	s6 =	smov.u32 @p0 s8  }
.LBB2_15:
0x10b: {  	s8 =	smov.u32 s6;
	p0 =	sne.s32 s6, $0xFFFFFFFF  }
0x10c: {  	s0 =	sadd.s32 $0x1, s0;
	s6 =	smov.u32 s7;
	s7 =	sadd.s32 $0x1, s7  }
0x10d: {  	p1 =	sne.s32 s2, s7;
	v1 =	vld.msk @!p0 [tilespmem:s0+$0x0], $0x1;
	_ =	sdelay $0x4  }
0x10e: {  	(v2sf) =	vpush @!p0 v1, $0x0;
	_ =	sdelay $0xe  }
.Ltmp12:
0x10f: {  	s9 =	spop @!p0 (v2sf);
	(pc) =	sbr.rel @p1 .LBB2_15-.Ltmp12, $4  }
0x110: {  	p2 =	seq.s32 @!p0 s5, s9  }
0x111: {  	p2 =	por !p2, p0  }
0x112: {  	s6 =	simm.s32 @p2 $0xFFFFFFFF  }
0x113: {  	s6 =	smov.u32 @p0 s8  }
.LBB2_16:
0x114: {  	p0 =	sne.s32 s6, $0xFFFFFFFF  }
.Ltmp13:
0x115: {  	_ = 	snop;
	(pc) =	sbr.rel @!p0 .LBB2_17-.Ltmp13, $1  }
0x116: {  	_ =	sdelay $0x3  }
0x117: {  	v0 =	vld.msk [tilespmem:s4+$0xE0], $0x1;
	v1 =	vmov s6  }
.Ltmp14:
0x118: {  	_ = 	snop;
	(pc) =	sbr.rel .LBB2_19-.Ltmp14, $2  }
0x119: {  	_ =	sdelay $0x2  }
0x11a: {  	[tilespmem:v1+s3+$0x0], v0 =	vst.idx.ret.add.f32.msk $0x1, v0  }
.LBB2_20:
0x11b: {  	p0 =	slt.s32 s2, $0x1  }
.Ltmp15:
0x11c: {  	_ = 	snop;
	(pc) =	sbr.rel @p0 .LBB2_24-.Ltmp15, $3  }
0x11d: {  	_ =	sdelay $0x1  }
0x11e: {  	s0 =	simm.s32 $0x6  }
0x11f: {  	s3 =	simm.s32 $0x0;
	[sflag:s0] =	ssyncpa.u1 $0x1  }
0x120: {  	s0 =	simm.s32 $0xC0  }
0x121: {  	v0 =	vld.msk [tilespmem:s0+$0x0], $0x1;
	_ =	sdelay $0x4  }
0x122: {  	(v2sf) =	vpush v0, $0x0;
	_ =	sdelay $0xe  }
0x123: {  	s2 =	sadd.s32 $0xFFFFFFFF, s2;
	s4 =	spop (v2sf)  }
0x124: {  	p1 =	sne.s32 s2, $0x0;
	p0 =	sgt.u32 s4, $0x27FF  }
.Ltmp16:
0x125: {  	s5 =	sshrl.u32 @!p0 s4, $0x3;
	(pc) =	sbr.rel @!p1 .LBB2_23-.Ltmp16, $4  }
0x126: {  	s0 =	simm.s32 $0xE0;
	s4 =	sand.u32 @!p0 $0x7, s4;
	s5 =	sadd.s32 @!p0 s1, s5  }
0x127: {  	[hbm4b:s5+s4] =	stream.linear.scatter @!p0 [tilespmem:s0], [sflag:$0x5], $0x1, $0x38;
	[tilespmem:$0xF030] =	vst v63  }
0x128: {  	s5 =	simm.s32 $0x0  }
0x129: {  	s4 =	simm.s32 $0xC1;
	s5 =	simm.s32 @!p0 $0x4  }
.LBB2_22:
0x12a: {  	v0 =	vld.msk [tilespmem:s4+$0x0], $0x1;
	s2 =	sadd.s32 $0xFFFFFFFF, s2;
	s3 =	sadd.s32 s3, s5  }
0x12b: {  	p0 =	sne.s32 s2, $0x0;
	_ =	sdelay $0x3  }
0x12c: {  	(v2sf) =	vpush v0, $0x0;
	_ =	sdelay $0xe  }
.Ltmp17:
0x12d: {  	s6 =	spop (v2sf);
	(pc) =	sbr.rel @p0 .LBB2_22-.Ltmp17, $4  }
0x12e: {  	s5 =	simm.s32 $0x0;
	p1 =	sgt.u32 s6, $0x27FF  }
0x12f: {  	s0 =	sadd.s32 $0x1, s0;
	s5 =	simm.s32 @!p1 $0x4;
	s7 =	sshrl.u32 @!p1 s6, $0x3  }
0x130: {  	s4 =	sadd.s32 $0x1, s4;
	s6 =	sand.u32 @!p1 $0x7, s6;
	s7 =	sadd.s32 @!p1 s1, s7  }
0x131: {  	[hbm4b:s7+s6] =	stream.linear.scatter @!p1 [tilespmem:s0], [sflag:$0x5], $0x1, $0x38;
	[tilespmem:$0xF030] =	vst v63  }
.LBB2_23:
0x132: {  	s0 =	sadd.s32 s3, s5  }
0x133: {  	s3 =	sshrl.u32 s0, $0x2  }
.LBB2_24:
0x134: {  	s0 =	simm.s32 $0x5  }
0x135: {  	_ =	swait.ge [sflag:s0], s3  }
0x136: {  	s1 =	ssub.s32 $0x0, s3;
	[sflag:s0] =	ssyncset.done $0x0  }
0x137: {  	[sflag:s0] =	ssyncadd.s32 s1  }
0x138: {  	[sflag:s0] =	ssyncpa.u1 $0x1  }
0x139: {  	s29 =	simm.s32 $0x1;
	_ =	sfence  }
0x13a: {  	s30 =	simm.s32 $0x2;
	[sflag:s29] =	ssyncpa.u1 $0x1  }
0x13b: {  	[sflag:s30] =	ssyncpa.u1 $0x1  }
0x13c: {  	_ =	strace $0x9000004D  }
0x13d: {  	[bflag:$0x2] =	sbarrier.arrive $0xFFFF  }
0x13e: {  	s31 =	rddreg [dreg:$0x2]  }
0x13f: {  	s0 =	sadd.s32 $0x100000, s31  }
0x140: {  	[sflag:s0] =	ssyncadd.tile.s32 $0x1;
	_ =	shalt  }
.Lfunc_end2:
_tile_overlayer_lowered:
.L_overlay_start_2:
0x141: {  	(tag) =	ssettag $0x2  }
0x142: {  	s0 =	rddreg [dreg:$0x0];
	s2 =	stileid.u32  }
0x143: {  	s1 =	rddreg [dreg:$0x1];
	p0 =	sne.s32 s2, $0x0  }
0x144: {  	s3 =	rddreg [dreg:$0x2];
	[bflag:$0x3] =	sbarrier.arrive $0xFFFF;
	s2 =	simm.s32 @!p0 $0x1C01  }
0x145: {  	[timem:s3], [sflag:s2] =	dma.local @!p0 [hbm:s0], s1  }
0x146: {  	s0 =	simm.s32 @!p0 $0x1  }
0x147: {  	_ =	swait.ge @!p0 [sflag:s0], s1  }
0x148: {  	s1 =	ssub.s32 @!p0 $0x0, s1;
	[sflag:s0] =	ssyncset.done @!p0 $0x0  }
0x149: {  	[sflag:s0] =	ssyncadd.s32 @!p0 s1  }
0x14a: {  	[bflag:$0x3] =	sbarrier.arrive $0xFFFF  }
0x14b: {  	_ =	shalt  }

// kernel: scatter_offload_async_start
scs
__scs_entry_jumppad:
0x0: {  	(pc) =	sbr.rel $0x88, $3  }
0x1: {  	(tag) =	ssettag $0x0;
	lr =	simm.s32 $0x1  }
0x2: {  	[smem:$0x3F8A] =	sst lr;
	_ =	strace $0xD0000000  }
0x3: {  	_ = 	snop  }
0x4: {  	_ = 	snop  }
0x5: {  	_ = 	snop  }
0x6: {  	_ = 	snop  }
0x7: {  	_ = 	snop  }
__scs_overlays_trampoline_lowered:
0x8: {  	[smem:$0x3F99] =	sst s0  }
0x9: {  	[smem:$0x3F9A] =	sst s1  }
0xa: {  	[smem:$0x3F9B] =	sst s2  }
0xb: {  	[smem:$0x3F9C] =	sst s3  }
0xc: {  	[smem:$0x3F9D] =	sst s4  }
0xd: {  	[smem:$0x3F9E] =	sst s5  }
0xe: {  	[smem:$0x3F9F] =	sst s6  }
0xf: {  	[smem:$0x3FA0] =	sst s7  }
0x10: {  	[smem:$0x3FA1] =	sst s8  }
0x11: {  	[smem:$0x3FA2] =	sst s9;
	s0 =	simm.s32 @!p0 $0x0  }
0x12: {  	s1 =	sld [smem:$0x3F88];
	s0 =	simm.s32 @p0 $0x1  }
0x13: {  	[smem:$0x3FA3] =	sst s0;
	s0 =	simm.s32 @!p1 $0x0  }
0x14: {  	s2 =	sld [smem:$0x3F87];
	s0 =	simm.s32 @p1 $0x1  }
0x15: {  	[smem:$0x3FA4] =	sst s0;
	s0 =	simm.s32 @!p2 $0x0  }
0x16: {  	s3 =	sld [smem:$0x3FDB];
	s0 =	simm.s32 @p2 $0x1  }
0x17: {  	s4 =	simm.s32 $0x1BF5;
	[smem:$0x3FA6] =	sst s0  }
0x18: {  	s0 =	sld [smem:$0x3F89];
	_ =	swait.ge [sflag:s4], $0x0  }
0x19: {  	s7 =	sld [smem:$0x3F8A]  }
0x1a: {  	s8 =	sadd.s32 $0xFFFFE003, lr  }
0x1b: {  	s9 =	sadd.s32 $0xFFFFFEF7, lr;
	s5 =	simm.s32 $0xFFFFFFFF;
	p2 =	slt.u32 s8, $0xFFFFF086  }
0x1c: {  	p1 =	slt.u32 s9, $0xF7A;
	s5 =	simm.s32 @!p2 $0x0  }
0x1d: {  	s5 =	simm.s32 @p1 $0x1;
	p0 =	seq.s32 s7, s2  }
0x1e: {  	s7 =	smul.u32 @!p0 $0xF7A, s2;
	p2 =	seq.s32 @!p0 s5, $0x0  }
0x1f: {  	s9 =	smul.u32 $0xF7A, s1;
	s8 =	simm.s32 @!p0 $0x1BF5;
	p2 =	por !p2, p0  }
0x20: {  	[sflag:s8] =	ssyncset.s32 @!p0 $0xFFFFF086;
	s6 =	sadd.s32 @!p0 s3, s7;
	s7 =	simm.s32 @!p0 $0x108  }
0x21: {  	s3 =	sadd.s32 s3, s9;
	s6 =	sadd.s32 @!p0 $0x88, s6;
	s7 =	simm.s32 @p2 $0x1082  }
0x22: {  	[simem:s7], [sflag:s8] =	dma.local @!p0 [hbm:s6], $0xF7A  }
0x23: {  	s9 =	sor.u32 $0xD0000000, s2;
	s6 =	simm.s32 $0x108;
	_ =	swait.ge @!p0 [sflag:s8], $0x0  }
0x24: {  	s3 =	sadd.s32 $0x88, s3;
	s6 =	simm.s32 @!p1 $0x1082;
	[sflag:s4] =	ssyncset.s32 $0xFFFFF086  }
0x25: {  	[simem:s6], [sflag:s4] =	dma.local [hbm:s3], $0xF7A  }
0x26: {  	[smem:$0x3F8A] =	sst s1;
	(tag) =	ssettag s2;
	_ =	strace s9  }
0x27: {  	s1 =	sld [smem:$0x3F9A]  }
0x28: {  	s2 =	sld [smem:$0x3F9B]  }
0x29: {  	s4 =	sld [smem:$0x3F9D]  }
0x2a: {  	p0 =	seq.s32 s5, $0x0;
	s5 =	sld [smem:$0x3F9E]  }
0x2b: {  	s6 =	sld [smem:$0x3F9F]  }
0x2c: {  	s7 =	sld [smem:$0x3FA0]  }
0x2d: {  	s3 =	simm.s32 $0x108;
	s8 =	sld [smem:$0x3FA1]  }
0x2e: {  	s3 =	simm.s32 @!p0 $0x1082;
	s9 =	sld [smem:$0x3FA2]  }
0x2f: {  	lr =	sadd.s32 s0, s3;
	s0 =	sld [smem:$0x3F99]  }
0x30: {  	s3 =	sld [smem:$0x3F9C]  }
0x31: {  	[smem:$0x3FA5] =	sst s10  }
0x32: {  	s10 =	sld [smem:$0x3FA3];
	_ =	sdelay $0x3  }
0x33: {  	p0 =	seq.s32 s10, $0x1;
	s10 =	sld [smem:$0x3FA5];
	_ =	sdelay $0x3  }
0x34: {  	[smem:$0x3FA5] =	sst s10  }
0x35: {  	s10 =	sld [smem:$0x3FA4];
	_ =	sdelay $0x3  }
0x36: {  	p1 =	seq.s32 s10, $0x1;
	s10 =	sld [smem:$0x3FA5];
	_ =	sdelay $0x3  }
0x37: {  	[smem:$0x3FA5] =	sst s10  }
0x38: {  	s10 =	sld [smem:$0x3FA6]  }
0x39: {  	_ = 	snop;
	(pc) =	sbr.ind lr, $3  }
0x3a: {  	_ = 	snop  }
0x3b: {  	_ = 	snop  }
0x3c: {  	p2 =	seq.s32 s10, $0x1;
	s10 =	sld [smem:$0x3FA5]  }
0x3d: {  	_ =	shalt  }
0x3e: {  	_ =	shalt  }
0x3f: {  	_ =	shalt  }
0x40: {  	_ =	shalt  }
0x41: {  	_ =	shalt  }
0x42: {  	_ =	shalt  }
0x43: {  	_ =	shalt  }
0x44: {  	_ =	shalt  }
0x45: {  	_ =	shalt  }
0x46: {  	_ =	shalt  }
0x47: {  	_ =	shalt  }
0x48: {  	_ =	shalt  }
0x49: {  	_ =	shalt  }
0x4a: {  	_ =	shalt  }
0x4b: {  	_ =	shalt  }
0x4c: {  	_ =	shalt  }
0x4d: {  	_ =	shalt  }
0x4e: {  	_ =	shalt  }
0x4f: {  	_ =	shalt  }
0x50: {  	_ =	shalt  }
0x51: {  	_ =	shalt  }
0x52: {  	_ =	shalt  }
0x53: {  	_ =	shalt  }
0x54: {  	_ =	shalt  }
0x55: {  	_ =	shalt  }
0x56: {  	_ =	shalt  }
0x57: {  	_ =	shalt  }
0x58: {  	_ =	shalt  }
0x59: {  	_ =	shalt  }
0x5a: {  	_ =	shalt  }
0x5b: {  	_ =	shalt  }
0x5c: {  	_ =	shalt  }
0x5d: {  	_ =	shalt  }
0x5e: {  	_ =	shalt  }
0x5f: {  	_ =	shalt  }
0x60: {  	_ =	shalt  }
0x61: {  	_ =	shalt  }
0x62: {  	_ =	shalt  }
0x63: {  	_ =	shalt  }
0x64: {  	_ =	shalt  }
0x65: {  	_ =	shalt  }
0x66: {  	_ =	shalt  }
0x67: {  	_ =	shalt  }
0x68: {  	_ =	shalt  }
0x69: {  	_ =	shalt  }
0x6a: {  	_ =	shalt  }
0x6b: {  	_ =	shalt  }
0x6c: {  	_ =	shalt  }
0x6d: {  	_ =	shalt  }
0x6e: {  	_ =	shalt  }
0x6f: {  	_ =	shalt  }
0x70: {  	_ =	shalt  }
0x71: {  	_ =	shalt  }
0x72: {  	_ =	shalt  }
0x73: {  	_ =	shalt  }
0x74: {  	_ =	shalt  }
0x75: {  	_ =	shalt  }
0x76: {  	_ =	shalt  }
0x77: {  	_ =	shalt  }
0x78: {  	_ =	shalt  }
0x79: {  	_ =	shalt  }
0x7a: {  	_ =	shalt  }
0x7b: {  	_ =	shalt  }
0x7c: {  	_ =	shalt  }
0x7d: {  	_ =	shalt  }
0x7e: {  	_ =	shalt  }
0x7f: {  	_ =	shalt  }
0x80: {  	_ =	shalt  }
0x81: {  	_ =	shalt  }
0x82: {  	_ =	shalt  }
0x83: {  	_ =	shalt  }
0x84: {  	_ =	shalt  }
0x85: {  	_ =	shalt  }
0x86: {  	_ =	shalt  }
0x87: {  	_ =	shalt  }
.Lfunc_end0:
.L_simem_size_0:
called_computation_lowered:
.L_overlay_start_0:
0x88: {  	s0 =	sld [smem:$0x3FD9]  }
0x89: {  	s1 =	sld [smem:$0x3FFE];
	_ =	sdelay $0x3  }
0x8a: {  	s0 =	sadd.s32 s1, s0  }
0x8b: {  	[smem:$0x3FB1] =	sst s0  }
0x8c: {  	_ = 	snop  }
0x8d: {  	(tm) =	ssettm $0x1  }
0x8e: {  	s15 =	sld [smem:$0x3FFB];
	_ =	sdelay $0x3  }
0x8f: {  	_ =	strace s15  }
0x90: {  	s0 =	sld [smem:$0x3FFC];
	_ =	sdelay $0x3  }
0x91: {  	_ =	strace s0  }
0x92: {  	s0 =	sld [smem:$0x3FFD];
	_ =	sdelay $0x3  }
0x93: {  	_ =	strace s0  }
0x94: {  	_ =	strace $0x8FFFFFFF  }
0x95: {  	s16 =	sld [smem:$0x3FDB];
	_ =	sdelay $0x1  }
0x96: {  	s17 =	simm.s32 $_scs_section_size  }
0x97: {  	s2 =	simm.s32 $_size__tile_overlayer_lowered;
	s3 =	simm.s32 $_tile_overlayer_lowered  }
0x98: {  	s20 =	simm.s32 $0x1BFF;
	s19 =	sshll.u32 s3, $0x1;
	s0 =	sadd.s32 s17, s16  }
0x99: {  	s4 =	simm.s32 $0x0;
	s18 =	sshll.u32 s2, $0x1;
	s2 =	sadd.s32 s19, s0  }
0x9a: {  	[timem:s4], [sflag:s20] =	dma.local [hbm:s2], s18  }
0x9b: {  	_ =	swait.ge [sflag:s20], s18  }
0x9c: {  	s1 =	ssub.s32 $0x0, s18;
	[sflag:s20] =	ssyncset.done $0x0  }
0x9d: {  	[sflag:s20] =	ssyncadd.s32 s1;
	_ =	sdelay $0x1  }
0x9e: {  	s21 =	simm.s32 $0x1B8B  }
0x9f: {  	_ =	swait.ge [sflag:s21], $0x1  }
0xa0: {  	[sflag:s21] =	ssyncset.done $0x0  }
0xa1: {  	s23 =	simm.s32 $0x1B8E;
	s22 =	sld [smem:$0x3FFE];
	[sflag:s21] =	ssyncadd.s32 $0xFFFFFFFF  }
0xa2: {  	s24 =	simm.s32 $execute0_lowered;
	[smem:$0x3FD2] =	sst s23  }
0xa3: {  	s2 =	sshll.u32 s24, $0x1;
	_ =	strace $0x80000049;
	[dreg:$0x1] =	wrdreg $0xFFFFFFFF  }
0xa4: {  	s25 =	simm.s32 $_size_execute0_lowered;
	s0 =	sadd.s32 s0, s2;
	[dreg:$0x0] =	wrdreg $0x0  }
0xa5: {  	s2 =	sshll.u32 s25, $0x1;
	[dreg:$0x2] =	wrdreg s0  }
0xa6: {  	[dreg:$0x3] =	wrdreg s2  }
0xa7: {  	[dreg:$0x4] =	wrdreg $0xC0  }
0xa8: {  	_ =	task [dreg:s4], $0x5FFFF  }
0xa9: {  	[dreg:$0x1] =	wrdreg $0xFFFFFFFF  }
0xaa: {  	[dreg:$0x0] =	wrdreg $0x60  }
0xab: {  	[dreg:$0x2] =	wrdreg s22  }
0xac: {  	[dreg:$0x3] =	wrdreg $0x9  }
0xad: {  	_ =	task.clear_ibuf [dreg:s4], $0x4FFFF;
	_ =	strace $0x90000049  }
0xae: {  	s26 =	simm.s32 $0x9;
	_ =	strace $0x8000004B  }
0xaf: {  	_ =	swait.ge [sflag:s26], $0x1  }
0xb0: {  	[sflag:s26] =	ssyncadd.s32 $0xFFFFFFFF  }
0xb1: {  	_ =	strace $0x9000004B  }
0xb2: {  	_ =	sfence  }
0xb3: {  	s28 =	sld [smem:$0x0];
	_ =	sdelay $0x1  }
0xb4: {  	s29 =	srdreg.scid  }
0xb5: {  	s30 =	sshll.u32 s29, $0xD;
	s31 =	sshrl.u32 s29, $0x2  }
0xb6: {  	s1 =	sand.u32 $0x1, s29;
	s2 =	sand.u32 $0x4000, s30;
	s0 =	sadd.s32 s31, s28  }
0xb7: {  	s1 =	sor.u32 s2, s1;
	s0 =	sshll.u32 s0, $0x11  }
0xb8: {  	s0 =	sor.u32 s0, s1  }
0xb9: {  	s0 =	sadd.s32 $0x8F2B, s0  }
0xba: {  	[sflag:s0] =	ssyncadd.remote.s32 $0x1  }
0xbb: {  	_ =	sfence.sel $0xFFFF  }
0xbc: {  	[dreg:$0x0] =	wrdreg $0xFFFFFFFF;
	(pc) =	sbr.abs _section_cstart, $3  }
0xbd: {  	[dreg:$0x1] =	wrdreg $0xFFFFFFFF  }
0xbe: {  	_ =	task.clear_ibuf [dreg:s4], $0x2FFFF;
	_ =	strace $0x9FFFFFFF  }
0xbf: {  	(tm) =	ssettm $0x7FFFFFFF  }
tec
execute0_lowered:
.L_overlay_start_1:
0x0: {  	(tag) =	ssettag $0x1  }
0x1: {  	s1 =	rddreg [dreg:$0x0];
	_ =	strace $0x8000004A;
	s11 =	simm.s32 $0x1  }
0x2: {  	v0 =	vimm.s32 $0x0;
	[sflag:s11] =	ssyncpa.u1 $0x0  }
0x3: {  	[tilespmem:$0x28] =	vst v0  }
0x4: {  	[tilespmem:$0x38] =	vst v0  }
0x5: {  	[tilespmem:$0x48] =	vst v0  }
0x6: {  	[tilespmem:$0x58] =	vst v0  }
0x7: {  	[tilespmem:$0x68] =	vst v0  }
0x8: {  	[tilespmem:$0x78] =	vst v0  }
0x9: {  	[tilespmem:$0x88] =	vst v0  }
0xa: {  	[tilespmem:$0x98] =	vst v0  }
0xb: {  	[tilespmem:$0xA8] =	vst v0  }
0xc: {  	[tilespmem:$0xB8] =	vst v0  }
0xd: {  	[tilespmem:$0xC8] =	vst v0  }
0xe: {  	[tilespmem:$0xD8] =	vst v0  }
0xf: {  	[tilespmem:$0xE8] =	vst v0  }
0x10: {  	[tilespmem:$0xF8] =	vst v0  }
0x11: {  	[tilespmem:$0x108] =	vst v0  }
0x12: {  	[tilespmem:$0x118] =	vst v0  }
0x13: {  	[tilespmem:$0x128] =	vst v0  }
0x14: {  	[tilespmem:$0x138] =	vst v0  }
0x15: {  	[tilespmem:$0x148] =	vst v0  }
0x16: {  	[tilespmem:$0x158] =	vst v0  }
0x17: {  	[tilespmem:$0x168] =	vst v0  }
0x18: {  	[tilespmem:$0x178] =	vst v0  }
0x19: {  	[tilespmem:$0x188] =	vst v0  }
0x1a: {  	[tilespmem:$0x198] =	vst v0  }
0x1b: {  	[tilespmem:$0x1A8] =	vst v0  }
0x1c: {  	[tilespmem:$0x1B8] =	vst v0  }
0x1d: {  	[tilespmem:$0x1C8] =	vst v0  }
0x1e: {  	[tilespmem:$0x1D8] =	vst v0  }
0x1f: {  	[tilespmem:$0x1E8] =	vst v0  }
0x20: {  	[tilespmem:$0x1F8] =	vst v0  }
0x21: {  	[tilespmem:$0x208] =	vst v0  }
0x22: {  	[tilespmem:$0x218] =	vst v0  }
0x23: {  	[tilespmem:$0x228] =	vst v0  }
0x24: {  	[tilespmem:$0x238] =	vst v0  }
0x25: {  	[tilespmem:$0x248] =	vst v0  }
0x26: {  	[tilespmem:$0x258] =	vst v0  }
0x27: {  	[tilespmem:$0x268] =	vst v0  }
0x28: {  	[tilespmem:$0x278] =	vst v0  }
0x29: {  	[tilespmem:$0x288] =	vst v0  }
0x2a: {  	[tilespmem:$0x298] =	vst v0  }
0x2b: {  	[tilespmem:$0x2A8] =	vst v0  }
0x2c: {  	[tilespmem:$0x2B8] =	vst v0  }
0x2d: {  	[tilespmem:$0x2C8] =	vst v0  }
0x2e: {  	[tilespmem:$0x2D8] =	vst v0  }
0x2f: {  	[tilespmem:$0x2E8] =	vst v0  }
0x30: {  	[tilespmem:$0x2F8] =	vst v0  }
0x31: {  	[tilespmem:$0x308] =	vst v0  }
0x32: {  	[tilespmem:$0x318] =	vst v0  }
0x33: {  	[tilespmem:$0x328] =	vst v0  }
0x34: {  	[tilespmem:$0x338] =	vst v0  }
0x35: {  	[tilespmem:$0x348] =	vst v0  }
0x36: {  	[tilespmem:$0x358] =	vst v0  }
0x37: {  	[tilespmem:$0x368] =	vst v0  }
0x38: {  	[tilespmem:$0x378] =	vst v0  }
0x39: {  	[tilespmem:$0x388] =	vst v0  }
0x3a: {  	[tilespmem:$0x398] =	vst v0  }
0x3b: {  	[tilespmem:$0x3A8] =	vst v0  }
0x3c: {  	[tilespmem:$0x3B8] =	vst v0  }
0x3d: {  	[tilespmem:$0x3C8] =	vst v0  }
0x3e: {  	[tilespmem:$0x3D8] =	vst v0  }
0x3f: {  	[tilespmem:$0x3E8] =	vst v0  }
0x40: {  	[tilespmem:$0x3F8] =	vst v0  }
0x41: {  	[tilespmem:$0x408] =	vst v0  }
0x42: {  	[tilespmem:$0x418] =	vst v0  }
0x43: {  	[tilespmem:$0x428] =	vst v0  }
0x44: {  	[tilespmem:$0x438] =	vst v0  }
0x45: {  	[tilespmem:$0x448] =	vst v0  }
0x46: {  	[tilespmem:$0x458] =	vst v0  }
0x47: {  	[tilespmem:$0x468] =	vst v0  }
0x48: {  	[tilespmem:$0x478] =	vst v0  }
0x49: {  	[tilespmem:$0x488] =	vst v0  }
0x4a: {  	[tilespmem:$0x498] =	vst v0  }
0x4b: {  	[tilespmem:$0x4A8] =	vst v0  }
0x4c: {  	[tilespmem:$0x4B8] =	vst v0  }
0x4d: {  	[tilespmem:$0x4C8] =	vst v0  }
0x4e: {  	[tilespmem:$0x4D8] =	vst v0  }
0x4f: {  	[tilespmem:$0x4E8] =	vst v0  }
0x50: {  	[tilespmem:$0x4F8] =	vst v0  }
0x51: {  	[tilespmem:$0x508] =	vst v0  }
0x52: {  	[tilespmem:$0x518] =	vst v0  }
0x53: {  	[tilespmem:$0x528] =	vst v0  }
0x54: {  	[tilespmem:$0x538] =	vst v0  }
0x55: {  	[tilespmem:$0x548] =	vst v0  }
0x56: {  	[tilespmem:$0x558] =	vst v0  }
0x57: {  	[tilespmem:$0x568] =	vst v0  }
0x58: {  	[tilespmem:$0x578] =	vst v0  }
0x59: {  	[tilespmem:$0x588] =	vst v0  }
0x5a: {  	[tilespmem:$0x598] =	vst v0  }
0x5b: {  	[tilespmem:$0x5A8] =	vst v0  }
0x5c: {  	[tilespmem:$0x5B8] =	vst v0  }
0x5d: {  	[tilespmem:$0x5C8] =	vst v0  }
0x5e: {  	[tilespmem:$0x5D8] =	vst v0  }
0x5f: {  	[tilespmem:$0x5E8] =	vst v0  }
0x60: {  	[tilespmem:$0x5F8] =	vst v0  }
0x61: {  	[tilespmem:$0x608] =	vst v0  }
0x62: {  	[tilespmem:$0x618] =	vst v0  }
0x63: {  	[tilespmem:$0x628] =	vst v0  }
0x64: {  	[tilespmem:$0x638] =	vst v0  }
0x65: {  	[tilespmem:$0x648] =	vst v0  }
0x66: {  	[tilespmem:$0x658] =	vst v0  }
0x67: {  	[tilespmem:$0x668] =	vst v0  }
0x68: {  	[tilespmem:$0x678] =	vst v0  }
0x69: {  	[tilespmem:$0x688] =	vst v0  }
0x6a: {  	[tilespmem:$0x698] =	vst v0  }
0x6b: {  	[tilespmem:$0x6A8] =	vst v0  }
0x6c: {  	[tilespmem:$0x6B8] =	vst v0  }
0x6d: {  	[tilespmem:$0x6C8] =	vst v0  }
0x6e: {  	[tilespmem:$0x6D8] =	vst v0  }
0x6f: {  	[tilespmem:$0x6E8] =	vst v0  }
0x70: {  	[tilespmem:$0x6F8] =	vst v0  }
0x71: {  	[tilespmem:$0x708] =	vst v0  }
0x72: {  	[tilespmem:$0x718] =	vst v0  }
0x73: {  	[tilespmem:$0x728] =	vst v0  }
0x74: {  	[tilespmem:$0x738] =	vst v0  }
0x75: {  	[tilespmem:$0x748] =	vst v0  }
0x76: {  	[tilespmem:$0x758] =	vst v0  }
0x77: {  	[tilespmem:$0x768] =	vst v0  }
0x78: {  	[tilespmem:$0x778] =	vst v0  }
0x79: {  	[tilespmem:$0x788] =	vst v0  }
0x7a: {  	[tilespmem:$0x798] =	vst v0  }
0x7b: {  	[tilespmem:$0x7A8] =	vst v0  }
0x7c: {  	[tilespmem:$0x7B8] =	vst v0  }
0x7d: {  	[tilespmem:$0x7C8] =	vst v0  }
0x7e: {  	[tilespmem:$0x7D8] =	vst v0  }
0x7f: {  	[tilespmem:$0x7E8] =	vst v0  }
0x80: {  	[tilespmem:$0x7F8] =	vst v0  }
0x81: {  	[tilespmem:$0x808] =	vst v0  }
0x82: {  	[tilespmem:$0x818] =	vst v0  }
0x83: {  	[tilespmem:$0x828] =	vst v0  }
0x84: {  	[tilespmem:$0x838] =	vst v0  }
0x85: {  	[tilespmem:$0x848] =	vst v0  }
0x86: {  	[tilespmem:$0x858] =	vst v0  }
0x87: {  	[tilespmem:$0x868] =	vst v0  }
0x88: {  	[tilespmem:$0x878] =	vst v0  }
0x89: {  	[tilespmem:$0x888] =	vst v0  }
0x8a: {  	[tilespmem:$0x898] =	vst v0  }
0x8b: {  	[tilespmem:$0x8A8] =	vst v0  }
0x8c: {  	[tilespmem:$0x8B8] =	vst v0  }
0x8d: {  	[tilespmem:$0x8C8] =	vst v0  }
0x8e: {  	[tilespmem:$0x8D8] =	vst v0  }
0x8f: {  	[tilespmem:$0x8E8] =	vst v0  }
0x90: {  	[tilespmem:$0x8F8] =	vst v0  }
0x91: {  	[tilespmem:$0x908] =	vst v0  }
0x92: {  	[tilespmem:$0x918] =	vst v0  }
0x93: {  	[tilespmem:$0x928] =	vst v0  }
0x94: {  	[tilespmem:$0x938] =	vst v0  }
0x95: {  	[tilespmem:$0x948] =	vst v0  }
0x96: {  	[tilespmem:$0x958] =	vst v0  }
0x97: {  	[tilespmem:$0x968] =	vst v0  }
0x98: {  	[tilespmem:$0x978] =	vst v0  }
0x99: {  	[tilespmem:$0x988] =	vst v0  }
0x9a: {  	[tilespmem:$0x998] =	vst v0  }
0x9b: {  	[tilespmem:$0x9A8] =	vst v0  }
0x9c: {  	[tilespmem:$0x9B8] =	vst v0  }
0x9d: {  	[tilespmem:$0x9C8] =	vst v0  }
0x9e: {  	[tilespmem:$0x9D8] =	vst v0  }
0x9f: {  	[tilespmem:$0x9E8] =	vst v0  }
0xa0: {  	[tilespmem:$0x9F8] =	vst v0  }
0xa1: {  	[tilespmem:$0xA08] =	vst v0  }
0xa2: {  	[tilespmem:$0xA18] =	vst v0  }
0xa3: {  	[tilespmem:$0xA28] =	vst v0  }
0xa4: {  	[tilespmem:$0xA38] =	vst v0  }
0xa5: {  	[tilespmem:$0xA48] =	vst v0  }
0xa6: {  	[tilespmem:$0xA58] =	vst v0  }
0xa7: {  	[tilespmem:$0xA68] =	vst v0  }
0xa8: {  	[tilespmem:$0xA78] =	vst v0  }
0xa9: {  	[tilespmem:$0xA88] =	vst v0  }
0xaa: {  	[tilespmem:$0xA98] =	vst v0  }
0xab: {  	[tilespmem:$0xAA8] =	vst v0  }
0xac: {  	[tilespmem:$0xAB8] =	vst v0  }
0xad: {  	[tilespmem:$0xAC8] =	vst v0  }
0xae: {  	[tilespmem:$0xAD8] =	vst v0  }
0xaf: {  	[tilespmem:$0xAE8] =	vst v0  }
0xb0: {  	[tilespmem:$0xAF8] =	vst v0  }
0xb1: {  	[tilespmem:$0xB08] =	vst v0  }
0xb2: {  	[tilespmem:$0xB18] =	vst v0  }
0xb3: {  	[tilespmem:$0xB28] =	vst v0  }
0xb4: {  	[tilespmem:$0xB38] =	vst v0  }
0xb5: {  	[tilespmem:$0xB48] =	vst v0  }
0xb6: {  	[tilespmem:$0xB58] =	vst v0  }
0xb7: {  	[tilespmem:$0xB68] =	vst v0  }
0xb8: {  	[tilespmem:$0xB78] =	vst v0  }
0xb9: {  	[tilespmem:$0xB88] =	vst v0  }
0xba: {  	[tilespmem:$0xB98] =	vst v0  }
0xbb: {  	[tilespmem:$0xBA8] =	vst v0  }
0xbc: {  	[tilespmem:$0xBB8] =	vst v0  }
0xbd: {  	[tilespmem:$0xBC8] =	vst v0  }
0xbe: {  	[tilespmem:$0xBD8] =	vst v0  }
0xbf: {  	[tilespmem:$0xBE8] =	vst v0  }
0xc0: {  	[tilespmem:$0xBF8] =	vst v0  }
0xc1: {  	[tilespmem:$0xC08] =	vst v0  }
0xc2: {  	[tilespmem:$0xC18] =	vst v0  }
0xc3: {  	[tilespmem:$0xC28] =	vst v0  }
0xc4: {  	[tilespmem:$0xC38] =	vst v0  }
0xc5: {  	[tilespmem:$0xC48] =	vst v0  }
0xc6: {  	[tilespmem:$0xC58] =	vst v0  }
0xc7: {  	[tilespmem:$0xC68] =	vst v0  }
0xc8: {  	[tilespmem:$0xC78] =	vst v0  }
0xc9: {  	[tilespmem:$0xC88] =	vst v0  }
0xca: {  	[tilespmem:$0xC98] =	vst v0  }
0xcb: {  	[tilespmem:$0xCA8] =	vst v0  }
0xcc: {  	[tilespmem:$0xCB8] =	vst v0  }
0xcd: {  	[tilespmem:$0xCC8] =	vst v0  }
0xce: {  	[tilespmem:$0xCD8] =	vst v0  }
0xcf: {  	[tilespmem:$0xCE8] =	vst v0  }
0xd0: {  	[tilespmem:$0xCF8] =	vst v0  }
0xd1: {  	[tilespmem:$0xD08] =	vst v0  }
0xd2: {  	[tilespmem:$0xD18] =	vst v0  }
0xd3: {  	[tilespmem:$0xD28] =	vst v0  }
0xd4: {  	[tilespmem:$0xD38] =	vst v0  }
0xd5: {  	[tilespmem:$0xD48] =	vst v0  }
0xd6: {  	[tilespmem:$0xD58] =	vst v0  }
0xd7: {  	[tilespmem:$0xD68] =	vst v0  }
0xd8: {  	[tilespmem:$0xD78] =	vst v0  }
0xd9: {  	[tilespmem:$0xD88] =	vst v0  }
0xda: {  	[tilespmem:$0xD98] =	vst v0  }
0xdb: {  	[tilespmem:$0xDA8] =	vst v0  }
0xdc: {  	[tilespmem:$0xDB8] =	vst v0  }
0xdd: {  	[tilespmem:$0xDC8] =	vst v0  }
0xde: {  	[tilespmem:$0xDD8] =	vst v0  }
0xdf: {  	[tilespmem:$0xDE8] =	vst v0  }
0xe0: {  	[tilespmem:$0xDF8] =	vst v0  }
0xe1: {  	[tilespmem:$0xE08] =	vst v0  }
0xe2: {  	[tilespmem:$0xE18] =	vst v0  }
0xe3: {  	[tilespmem:$0xE28] =	vst v0  }
0xe4: {  	[tilespmem:$0xE38] =	vst v0  }
0xe5: {  	[tilespmem:$0xE48] =	vst v0  }
0xe6: {  	[tilespmem:$0xE58] =	vst v0  }
0xe7: {  	[tilespmem:$0xE68] =	vst v0  }
0xe8: {  	[tilespmem:$0xE78] =	vst v0  }
0xe9: {  	[tilespmem:$0xE88] =	vst v0  }
0xea: {  	[tilespmem:$0xE98] =	vst v0  }
0xeb: {  	[tilespmem:$0xEA8] =	vst v0  }
0xec: {  	[tilespmem:$0xEB8] =	vst v0  }
0xed: {  	[tilespmem:$0xEC8] =	vst v0  }
0xee: {  	[tilespmem:$0xED8] =	vst v0  }
0xef: {  	[tilespmem:$0xEE8] =	vst v0  }
0xf0: {  	[tilespmem:$0xEF8] =	vst v0  }
0xf1: {  	[tilespmem:$0xF08] =	vst v0  }
0xf2: {  	[tilespmem:$0xF18] =	vst v0  }
0xf3: {  	[tilespmem:$0xF28] =	vst v0  }
0xf4: {  	[tilespmem:$0xF38] =	vst v0  }
0xf5: {  	[tilespmem:$0xF48] =	vst v0  }
0xf6: {  	[tilespmem:$0xF58] =	vst v0  }
0xf7: {  	[tilespmem:$0xF68] =	vst v0  }
0xf8: {  	[tilespmem:$0xF78] =	vst v0  }
0xf9: {  	[tilespmem:$0xF88] =	vst v0  }
0xfa: {  	[tilespmem:$0xF98] =	vst v0  }
0xfb: {  	[tilespmem:$0xFA8] =	vst v0  }
0xfc: {  	[tilespmem:$0xFB8] =	vst v0  }
0xfd: {  	[tilespmem:$0xFC8] =	vst v0  }
0xfe: {  	[tilespmem:$0xFD8] =	vst v0  }
0xff: {  	[tilespmem:$0xFE8] =	vst v0  }
0x100: {  	[tilespmem:$0xFF8] =	vst v0  }
0x101: {  	[tilespmem:$0x1008] =	vst v0  }
0x102: {  	[tilespmem:$0x10D8] =	vst v0  }
0x103: {  	[tilespmem:$0x1B28] =	vst v0  }
0x104: {  	[tilespmem:$0x1B18] =	vst v0  }
0x105: {  	[tilespmem:$0x1B08] =	vst v0  }
0x106: {  	[tilespmem:$0x1AF8] =	vst v0  }
0x107: {  	[tilespmem:$0x1AE8] =	vst v0  }
0x108: {  	[tilespmem:$0x1AD8] =	vst v0  }
0x109: {  	[tilespmem:$0x1AC8] =	vst v0  }
0x10a: {  	[tilespmem:$0x1AB8] =	vst v0  }
0x10b: {  	[tilespmem:$0x1AA8] =	vst v0  }
0x10c: {  	[tilespmem:$0x1A98] =	vst v0  }
0x10d: {  	[tilespmem:$0x1A88] =	vst v0  }
0x10e: {  	[tilespmem:$0x1A78] =	vst v0  }
0x10f: {  	[tilespmem:$0x1A68] =	vst v0  }
0x110: {  	[tilespmem:$0x1A58] =	vst v0  }
0x111: {  	[tilespmem:$0x1A48] =	vst v0  }
0x112: {  	[tilespmem:$0x1A38] =	vst v0  }
0x113: {  	[tilespmem:$0x1A28] =	vst v0  }
0x114: {  	[tilespmem:$0x1A18] =	vst v0  }
0x115: {  	[tilespmem:$0x1A08] =	vst v0  }
0x116: {  	[tilespmem:$0x19F8] =	vst v0  }
0x117: {  	[tilespmem:$0x19E8] =	vst v0  }
0x118: {  	[tilespmem:$0x19D8] =	vst v0  }
0x119: {  	[tilespmem:$0x19C8] =	vst v0  }
0x11a: {  	[tilespmem:$0x19B8] =	vst v0  }
0x11b: {  	[tilespmem:$0x19A8] =	vst v0  }
0x11c: {  	[tilespmem:$0x1998] =	vst v0  }
0x11d: {  	[tilespmem:$0x1988] =	vst v0  }
0x11e: {  	[tilespmem:$0x1978] =	vst v0  }
0x11f: {  	[tilespmem:$0x1968] =	vst v0  }
0x120: {  	[tilespmem:$0x1958] =	vst v0  }
0x121: {  	[tilespmem:$0x1948] =	vst v0  }
0x122: {  	[tilespmem:$0x1938] =	vst v0  }
0x123: {  	[tilespmem:$0x1928] =	vst v0  }
0x124: {  	[tilespmem:$0x1918] =	vst v0  }
0x125: {  	[tilespmem:$0x1908] =	vst v0  }
0x126: {  	[tilespmem:$0x18F8] =	vst v0  }
0x127: {  	[tilespmem:$0x18E8] =	vst v0  }
0x128: {  	[tilespmem:$0x18D8] =	vst v0  }
0x129: {  	[tilespmem:$0x18C8] =	vst v0  }
0x12a: {  	[tilespmem:$0x18B8] =	vst v0  }
0x12b: {  	[tilespmem:$0x18A8] =	vst v0  }
0x12c: {  	[tilespmem:$0x1898] =	vst v0  }
0x12d: {  	[tilespmem:$0x1888] =	vst v0  }
0x12e: {  	[tilespmem:$0x1878] =	vst v0  }
0x12f: {  	[tilespmem:$0x1868] =	vst v0  }
0x130: {  	[tilespmem:$0x1858] =	vst v0  }
0x131: {  	[tilespmem:$0x1848] =	vst v0  }
0x132: {  	[tilespmem:$0x1838] =	vst v0  }
0x133: {  	[tilespmem:$0x1828] =	vst v0  }
0x134: {  	[tilespmem:$0x1818] =	vst v0  }
0x135: {  	[tilespmem:$0x1808] =	vst v0  }
0x136: {  	[tilespmem:$0x17F8] =	vst v0  }
0x137: {  	[tilespmem:$0x17E8] =	vst v0  }
0x138: {  	[tilespmem:$0x17D8] =	vst v0  }
0x139: {  	[tilespmem:$0x17C8] =	vst v0  }
0x13a: {  	[tilespmem:$0x17B8] =	vst v0  }
0x13b: {  	[tilespmem:$0x17A8] =	vst v0  }
0x13c: {  	[tilespmem:$0x1798] =	vst v0  }
0x13d: {  	[tilespmem:$0x1788] =	vst v0  }
0x13e: {  	[tilespmem:$0x1778] =	vst v0  }
0x13f: {  	[tilespmem:$0x1768] =	vst v0  }
0x140: {  	[tilespmem:$0x1758] =	vst v0  }
0x141: {  	[tilespmem:$0x1748] =	vst v0  }
0x142: {  	[tilespmem:$0x1738] =	vst v0  }
0x143: {  	[tilespmem:$0x1728] =	vst v0  }
0x144: {  	[tilespmem:$0x1718] =	vst v0  }
0x145: {  	[tilespmem:$0x1708] =	vst v0  }
0x146: {  	[tilespmem:$0x16F8] =	vst v0  }
0x147: {  	[tilespmem:$0x16E8] =	vst v0  }
0x148: {  	[tilespmem:$0x16D8] =	vst v0  }
0x149: {  	[tilespmem:$0x16C8] =	vst v0  }
0x14a: {  	[tilespmem:$0x16B8] =	vst v0  }
0x14b: {  	[tilespmem:$0x16A8] =	vst v0  }
0x14c: {  	[tilespmem:$0x1698] =	vst v0  }
0x14d: {  	[tilespmem:$0x1688] =	vst v0  }
0x14e: {  	[tilespmem:$0x1678] =	vst v0  }
0x14f: {  	[tilespmem:$0x1668] =	vst v0  }
0x150: {  	[tilespmem:$0x1658] =	vst v0  }
0x151: {  	[tilespmem:$0x1648] =	vst v0  }
0x152: {  	[tilespmem:$0x1638] =	vst v0  }
0x153: {  	[tilespmem:$0x1628] =	vst v0  }
0x154: {  	[tilespmem:$0x1618] =	vst v0  }
0x155: {  	[tilespmem:$0x1608] =	vst v0  }
0x156: {  	[tilespmem:$0x15F8] =	vst v0  }
0x157: {  	[tilespmem:$0x15E8] =	vst v0  }
0x158: {  	[tilespmem:$0x15D8] =	vst v0  }
0x159: {  	[tilespmem:$0x15C8] =	vst v0  }
0x15a: {  	[tilespmem:$0x15B8] =	vst v0  }
0x15b: {  	[tilespmem:$0x15A8] =	vst v0  }
0x15c: {  	[tilespmem:$0x1598] =	vst v0  }
0x15d: {  	[tilespmem:$0x1588] =	vst v0  }
0x15e: {  	[tilespmem:$0x1578] =	vst v0  }
0x15f: {  	[tilespmem:$0x1568] =	vst v0  }
0x160: {  	[tilespmem:$0x1558] =	vst v0  }
0x161: {  	[tilespmem:$0x1548] =	vst v0  }
0x162: {  	[tilespmem:$0x1538] =	vst v0  }
0x163: {  	[tilespmem:$0x1528] =	vst v0  }
0x164: {  	[tilespmem:$0x1518] =	vst v0  }
0x165: {  	[tilespmem:$0x1508] =	vst v0  }
0x166: {  	[tilespmem:$0x14F8] =	vst v0  }
0x167: {  	[tilespmem:$0x14E8] =	vst v0  }
0x168: {  	[tilespmem:$0x14D8] =	vst v0  }
0x169: {  	[tilespmem:$0x14C8] =	vst v0  }
0x16a: {  	[tilespmem:$0x14B8] =	vst v0  }
0x16b: {  	[tilespmem:$0x14A8] =	vst v0  }
0x16c: {  	[tilespmem:$0x1498] =	vst v0  }
0x16d: {  	[tilespmem:$0x1488] =	vst v0  }
0x16e: {  	[tilespmem:$0x1478] =	vst v0  }
0x16f: {  	[tilespmem:$0x1468] =	vst v0  }
0x170: {  	[tilespmem:$0x1458] =	vst v0  }
0x171: {  	[tilespmem:$0x1448] =	vst v0  }
0x172: {  	[tilespmem:$0x1438] =	vst v0  }
0x173: {  	[tilespmem:$0x1428] =	vst v0  }
0x174: {  	[tilespmem:$0x1418] =	vst v0  }
0x175: {  	[tilespmem:$0x1408] =	vst v0  }
0x176: {  	[tilespmem:$0x13F8] =	vst v0  }
0x177: {  	[tilespmem:$0x13E8] =	vst v0  }
0x178: {  	[tilespmem:$0x13D8] =	vst v0  }
0x179: {  	[tilespmem:$0x13C8] =	vst v0  }
0x17a: {  	[tilespmem:$0x13B8] =	vst v0  }
0x17b: {  	[tilespmem:$0x13A8] =	vst v0  }
0x17c: {  	[tilespmem:$0x1398] =	vst v0  }
0x17d: {  	[tilespmem:$0x1388] =	vst v0  }
0x17e: {  	[tilespmem:$0x1378] =	vst v0  }
0x17f: {  	[tilespmem:$0x1368] =	vst v0  }
0x180: {  	[tilespmem:$0x1358] =	vst v0  }
0x181: {  	[tilespmem:$0x1348] =	vst v0  }
0x182: {  	[tilespmem:$0x1338] =	vst v0  }
0x183: {  	[tilespmem:$0x1328] =	vst v0  }
0x184: {  	[tilespmem:$0x1318] =	vst v0  }
0x185: {  	[tilespmem:$0x1308] =	vst v0  }
0x186: {  	[tilespmem:$0x12F8] =	vst v0  }
0x187: {  	[tilespmem:$0x12E8] =	vst v0  }
0x188: {  	[tilespmem:$0x12D8] =	vst v0  }
0x189: {  	[tilespmem:$0x12C8] =	vst v0  }
0x18a: {  	[tilespmem:$0x12B8] =	vst v0  }
0x18b: {  	[tilespmem:$0x12A8] =	vst v0  }
0x18c: {  	[tilespmem:$0x1298] =	vst v0  }
0x18d: {  	[tilespmem:$0x1288] =	vst v0  }
0x18e: {  	[tilespmem:$0x1278] =	vst v0  }
0x18f: {  	[tilespmem:$0x1268] =	vst v0  }
0x190: {  	[tilespmem:$0x1258] =	vst v0  }
0x191: {  	[tilespmem:$0x1248] =	vst v0  }
0x192: {  	[tilespmem:$0x1238] =	vst v0  }
0x193: {  	[tilespmem:$0x1228] =	vst v0  }
0x194: {  	[tilespmem:$0x1218] =	vst v0  }
0x195: {  	[tilespmem:$0x1208] =	vst v0  }
0x196: {  	[tilespmem:$0x11F8] =	vst v0  }
0x197: {  	[tilespmem:$0x11E8] =	vst v0  }
0x198: {  	[tilespmem:$0x11D8] =	vst v0  }
0x199: {  	[tilespmem:$0x11C8] =	vst v0  }
0x19a: {  	[tilespmem:$0x11B8] =	vst v0  }
0x19b: {  	[tilespmem:$0x11A8] =	vst v0  }
0x19c: {  	[tilespmem:$0x1198] =	vst v0  }
0x19d: {  	[tilespmem:$0x1188] =	vst v0  }
0x19e: {  	[tilespmem:$0x1178] =	vst v0  }
0x19f: {  	[tilespmem:$0x1168] =	vst v0  }
0x1a0: {  	[tilespmem:$0x1158] =	vst v0  }
0x1a1: {  	[tilespmem:$0x1148] =	vst v0  }
0x1a2: {  	[tilespmem:$0x1138] =	vst v0  }
0x1a3: {  	[tilespmem:$0x1128] =	vst v0  }
0x1a4: {  	s2 =	stileid.u32;
	[tilespmem:$0x1118] =	vst v0  }
0x1a5: {  	s0 =	smul.u32 $0x18, s2;
	[tilespmem:$0x1108] =	vst v0  }
0x1a6: {  	s3 =	smin.u32 s2, $0xA;
	[tilespmem:$0x10F8] =	vst v0  }
0x1a7: {  	[tilespmem:$0x10E8] =	vst v0;
	s0 =	sadd.s32 s3, s0  }
0x1a8: {  	s4 =	simm.s32 $0x2A30;
	p0 =	slt.u32 s2, $0xA;
	[tilespmem:$0x10B8] =	vst v0;
	s3 =	smul.u32 $0x1B0, s0  }
0x1a9: {  	s4 =	simm.s32 @!p0 $0x2880;
	[tilespmem:$0x10C8] =	vst v0  }
0x1aa: {  	[tilespmem:$0x10A8] =	vst v0;
	s0 =	sadd.s32 s4, s3  }
0x1ab: {  	[tilespmem:$0x1038] =	vst v0;
	s4 =	smin.u32 s0, $0x29810  }
0x1ac: {  	[tilespmem:$0x1098] =	vst v0;
	s0 =	ssub.s32 s4, s3  }
0x1ad: {  	[tilespmem:$0x1088] =	vst v0;
	p0 =	sgt.s32 s0, $0x0  }
0x1ae: {  	s5 =	simm.s32 $0x2;
	s29 =	simm.s32 $0x7;
	[tilespmem:$0x1078] =	vst v0;
	s0 =	simm.s32 @!p0 $0x0  }
0x1af: {  	s13 =	simm.s32 $0x8;
	s30 =	simm.s32 $0x9;
	[tilespmem:$0x1068] =	vst v0;
	s6 =	smulhi.u32 $0x4BDA12F7, s0  }
0x1b0: {  	p4 =	por $0x0, $0x0;
	s14 =	simm.s32 $0xA;
	s18 =	simm.s32 $0x0;
	[tilespmem:$0x1058] =	vst v0  }
0x1b1: {  	s15 =	simm.s32 $0x0;
	s17 =	simm.s32 $0x0;
	[tilespmem:$0x1048] =	vst v0;
	s12 =	sshrl.u32 s6, $0x7  }
0x1b2: {  	s7 =	sadd.s32 $0x2223A00, s1;
	s8 =	sadd.s32 $0x73C00, s1;
	[tilespmem:$0x1028] =	vst v0;
	s10 =	smul.u32 $0x1B0, s12  }
.Ltmp0:
0x1b3: {  	s31 =	sshll.u32 s2, $0x5;
	[tilespmem:$0x1018] =	vst v0;
	[sflag:s5] =	ssyncpa.u1 $0x0;
	v0 =	vimm.s32 $0xFFFFFFFF;
	(pc) =	sbr.rel .LBB2_1-.Ltmp0, $4  }
0x1b4: {  	[dreg:$0x2] =	wrdreg s31;
	[tilespmem:$0x3648] =	vst v0;
	[sflag:s29] =	ssyncpa.u1 $0x0;
	p0 =	sne.s32 s0, s10  }
0x1b5: {  	[sflag:s13] =	ssyncpa.u1 $0x0;
	s13 =	simm.s32 $0x0;
	s11 =	simm.s32 @!p0 $0x0  }
0x1b6: {  	[sflag:s30] =	ssyncpa.u1 $0x0;
	s16 =	smov.u32 s3;
	s11 =	sadd.s32 s11, s12  }
0x1b7: {  	v0 =	vlaneseq.u32;
	s6 =	sadd.s32 $0x6E800, s1;
	p0 =	por $0x1, $0x1;
	s12 =	sadd.s32 $0x1, s11  }
.LBB2_18:
0x1b8: {  	s0 =	simm.s32 $0x2  }
0x1b9: {  	_ =	swait.ge [sflag:s0], $0x0  }
0x1ba: {  	[sflag:s0] =	ssyncset.done $0x0;
	s0 =	simm.s32 $0x0  }
.LBB2_19:
0x1bb: {  	_ =	swait.ge [sflag:s14], s0  }
0x1bc: {  	s31 =	ssub.s32 $0x0, s0;
	v1 =	vmov s20;
	vm0 =	veq.s32 v0, $0x0;
	[sflag:s14] =	ssyncset.done $0x0  }
0x1bd: {  	vm15 =	veq.s32 v0, $0x2;
	v1 =	vsel vm0, s24, v1;
	[sflag:s14] =	ssyncadd.s32 s31  }
0x1be: {  	v1 =	vsel vm15, s18, v1;
	[sflag:s14] =	ssyncpa.u1 $0x1  }
0x1bf: {  	[tilespmem:$0x3648] =	vst v1  }
.LBB2_20:
0x1c0: {  	s0 =	sadd.s32 $0x1B0, s16  }
0x1c1: {  	s2 =	smov.u32 s3;
	p1 =	slt.s32 s0, s4  }
0x1c2: {  	s2 =	smov.u32 @p1 s0;
	p1 =	sne.s32 s17, s12  }
.Ltmp1:
0x1c3: {  	_ = 	snop;
	(pc) =	sbr.rel @!p1 .LBB2_21-.Ltmp1, $4  }
0x1c4: {  	_ = 	snop  }
0x1c5: {  	s18 =	smov.u32 s15  }
0x1c6: {  	s31 =	sadd.s32 $0x1, s17;
	s15 =	smov.u32 s16;
	p0 =	por !p0, !p0  }
0x1c7: {  	p4 =	por !p4, !p4;
	s17 =	smov.u32 s31;
	s16 =	smov.u32 s2  }
.LBB2_1:
0x1c8: {  	p2 =	sge.u32 s17, s11  }
0x1c9: {  	s0 =	smulhi.u32 @!p2 $0xAAAAAAAB, s17  }
0x1ca: {  	s19 =	smov.u32 s16;
	p3 =	sgt.s32 @!p2 s16, $0x29660  }
0x1cb: {  	s20 =	sshra.s32 @!p2 s16, $0x1F;
	p3 =	por !p3, p2;
	s0 =	sshrl.u32 @!p2 s0, $0x1  }
0x1cc: {  	s20 =	sand.u32 @!p2 s20, s16;
	s19 =	simm.s32 @p3 $0x29660;
	s0 =	smul.u32 @!p2 $0x3, s0  }
0x1cd: {  	s19 =	ssub.s32 @!p2 s19, s20  }
0x1ce: {  	s19 =	sadd.s32 @!p2 $0xFFFD69A0, s19;
	s0 =	ssub.s32 @!p2 s17, s0  }
0x1cf: {  	s20 =	sshll.u32 @!p2 s19, $0x2;
	p3 =	sgt.s32 @!p2 s19, $0x1AF;
	s0 =	smul.u32 @!p2 $0x6C0, s0  }
0x1d0: {  	s21 =	sand.u32 @!p2 $0x7, s16;
	s19 =	ssub.s32 @!p2 $0x6C0, s20;
	p3 =	por !p3, p2  }
0x1d1: {  	s20 =	sshrl.u32 @!p2 s16, $0x3;
	s19 =	sshrl.u32 @!p2 s19, $0x2;
	s0 =	sshrl.u32 @!p2 s0, $0x2  }
0x1d2: {  	s20 =	sadd.s32 @!p2 s8, s20;
	s19 =	simm.s32 @!p3 $0x0;
	s0 =	sadd.s32 @!p2 $0x3878, s0  }
0x1d3: {  	[tilespmem:s0], [sflag:$0x8] =	stream.linear.gather @!p2 [hbm4b:s20+s21], s19, $0x38;
	[tilespmem:$0x1F0E8] =	vst v63  }
0x1d4: {  	s20 =	sadd.s32 $0xFFFFFFFF, s17  }
0x1d5: {  	p2 =	sge.u32 s20, s11  }
0x1d6: {  	p3 =	sgt.s32 @!p2 s15, $0x29660  }
0x1d7: {  	s0 =	smov.u32 s15;
	s19 =	sshra.s32 @!p2 s15, $0x1F;
	p3 =	por !p3, p2  }
0x1d8: {  	s19 =	sand.u32 @!p2 s19, s15;
	s0 =	simm.s32 @p3 $0x29660  }
0x1d9: {  	s0 =	ssub.s32 @!p2 s0, s19  }
0x1da: {  	s0 =	sadd.s32 @!p2 $0xFFFD69A0, s0  }
0x1db: {  	s19 =	sshll.u32 @!p2 s0, $0x2  }
0x1dc: {  	p3 =	sgt.s32 @!p2 s0, $0x1AF;
	s0 =	ssub.s32 @!p2 $0x6C0, s19  }
0x1dd: {  	p3 =	por !p3, p2;
	s0 =	sshrl.u32 @!p2 s0, $0x2  }
0x1de: {  	s21 =	simm.s32 @!p2 $0x8;
	s19 =	sand.u32 @!p2 $0x1, s20;
	s0 =	simm.s32 @!p3 $0x0  }
0x1df: {  	s19 =	smul.u32 @!p2 $0x6C0, s19;
	_ =	swait.ge @!p2 [sflag:s21], s0  }
0x1e0: {  	s22 =	ssub.s32 @!p2 $0x0, s0;
	[sflag:s21] =	ssyncset.done @!p2 $0x0  }
0x1e1: {  	s19 =	sshrl.u32 @!p2 s19, $0x2;
	[sflag:s21] =	ssyncadd.s32 @!p2 s22;
	s21 =	sshrl.u32 @!p2 s15, $0x3  }
0x1e2: {  	s19 =	sadd.s32 @!p2 $0x3D88, s19;
	s22 =	sand.u32 @!p2 $0x7, s15;
	s21 =	sadd.s32 @!p2 s6, s21  }
0x1e3: {  	[tilespmem:s19], [sflag:$0x9] =	stream.linear.gather @!p2 [hbm4b:s21+s22], s0, $0x38;
	[tilespmem:$0x1F0E8] =	vst v63  }
0x1e4: {  	s19 =	ssub.s32 @!p2 $0x29810, s15  }
0x1e5: {  	p3 =	slt.s32 @!p2 s19, $0x1  }
0x1e6: {  	p3 =	por p2, p3  }
.Ltmp2:
0x1e7: {  	_ = 	snop;
	(pc) =	sbr.rel @p3 .LBB2_7-.Ltmp2, $1  }
0x1e8: {  	_ =	sdelay $0x3  }
0x1e9: {  	s0 =	smulhi.u32 $0xAAAAAAAB, s20;
	_ =	sdelay $0x1  }
0x1ea: {  	s0 =	sshrl.u32 s0, $0x1  }
0x1eb: {  	s0 =	smul.u32 $0x3, s0;
	_ =	sdelay $0x1  }
0x1ec: {  	s0 =	ssub.s32 s20, s0  }
0x1ed: {  	s21 =	simm.s32 $0x1;
	s0 =	smul.u32 $0x6C0, s0  }
.Ltmp3:
0x1ee: {  	s21 =	simm.s32 @!p0 $0x0;
	(pc) =	sbr.rel .LBB2_4-.Ltmp3, $4  }
0x1ef: {  	s31 =	smul.u32 $0x36000, s21  }
0x1f0: {  	p3 =	slt.s32 @!p2 s19, $0x1B0;
	s0 =	sshrl.u32 s0, $0x2  }
0x1f1: {  	p2 =	por !p3, p2;
	s20 =	sshrl.u32 s31, $0x2;
	s0 =	sadd.s32 $0x3878, s0  }
0x1f2: {  	s19 =	simm.s32 @p2 $0x1B0;
	s21 =	simm.s32 $0x0;
	s20 =	sadd.s32 $0x40E8, s20;
	v1 =	vmov s0  }
.LBB2_3:
0x1f3: {  	p2 =	sge.s32 s21, s19  }
.Ltmp4:
0x1f4: {  	_ = 	snop;
	(pc) =	sbr.rel @p2 .LBB2_7-.Ltmp4, $2  }
0x1f5: {  	_ =	sdelay $0x2  }
0x1f6: {  	s20 =	sadd.s32 $0x800, s20  }
.LBB2_4:
0x1f7: {  	p2 =	sle.s32 s19, s21  }
.Ltmp5:
0x1f8: {  	_ = 	snop;
	(pc) =	sbr.rel @p2 .LBB2_3-.Ltmp5, $2  }
0x1f9: {  	_ =	sdelay $0x2  }
0x1fa: {  	s22 =	smov.u32 s21;
	s21 =	sadd.s32 $0x10, s21  }
0x1fb: {  	s0 =	ssub.s32 s19, s22  }
0x1fc: {  	p2 =	slt.s32 s0, $0x10  }
0x1fd: {  	s0 =	simm.s32 @!p2 $0x10  }
0x1fe: {  	v2 =	vmov s0  }
0x1ff: {  	vm0 =	vgt.s32 v2, v0;
	_ =	sdelay $0x5  }
0x200: {  	v2 =	vld.idx.msk [tilespmem:v1+s22+$0x0 ss:$0x1], vm0;
	_ =	sdelay $0x2  }
0x201: {  	s23 =	smov.u32 s19;
	p2 =	slt.s32 s21, s19  }
0x202: {  	s24 =	smov.u32 s20;
	s25 =	simm.s32 $0x0;
	s23 =	smov.u32 @p2 s21  }
.LBB2_6:
0x203: {  	(v2sf) =	vpush v2, s25;
	_ =	sdelay $0xc  }
0x204: {  	s25 =	sadd.s32 $0x1, s25  }
0x205: {  	s31 =	sadd.s32 s25, s22  }
0x206: {  	p2 =	slt.s32 s31, s23;
	s0 =	spop (v2sf)  }
.Ltmp6:
0x207: {  	s0 =	sshll.u32 s0, $0x4;
	(pc) =	sbr.rel @p2 .LBB2_6-.Ltmp6, $4  }
0x208: {  	s0 =	sand.u32 $0x1FFFFFF0, s0  }
0x209: {  	s0 =	sadd.s32 s7, s0  }
0x20a: {  	[tilespmem:s24], [sflag:$0x7] =	stream.linear.gather [hbm4b:s0+s13], $0x2, $0x38;
	[tilespmem:$0x1F0E8] =	vst v63  }
0x20b: {  	s24 =	sadd.s32 $0x80, s24  }
.Ltmp7:
0x20c: {  	_ = 	snop;
	(pc) =	sbr.rel .LBB2_3-.Ltmp7, $1  }
0x20d: {  	_ =	sdelay $0x3  }
.LBB2_7:
0x20e: {  	p2 =	slt.u32 s17, $0x2  }
.Ltmp8:
0x20f: {  	_ = 	snop;
	(pc) =	sbr.rel @p2 .LBB2_20-.Ltmp8, $1  }
0x210: {  	_ =	sdelay $0x3  }
0x211: {  	p2 =	sgt.s32 s18, $0x29660;
	s0 =	smov.u32 s18  }
0x212: {  	s19 =	sshra.s32 s18, $0x1F;
	s20 =	ssub.s32 $0x29810, s18;
	s0 =	simm.s32 @!p2 $0x29660  }
0x213: {  	s19 =	sand.u32 s19, s18;
	p2 =	slt.s32 s20, $0x1B0;
	s21 =	smov.u32 s20  }
0x214: {  	s0 =	ssub.s32 s0, s19;
	s21 =	simm.s32 @!p2 $0x1B0  }
0x215: {  	s0 =	sadd.s32 $0xFFFD69A0, s0;
	s26 =	sshll.u32 s21, $0x1  }
0x216: {  	s2 =	simm.s32 $0x7;
	s28 =	sshll.u32 s0, $0x2;
	s19 =	sand.u32 $0x3FFFFFFE, s26  }
0x217: {  	p2 =	sgt.s32 s0, $0x1AF;
	s29 =	ssub.s32 $0x6C0, s28;
	_ =	swait.ge [sflag:s2], s19  }
0x218: {  	s19 =	ssub.s32 $0x0, s19;
	[sflag:s2] =	ssyncset.done $0x0;
	s0 =	sshrl.u32 s29, $0x2  }
0x219: {  	s30 =	simm.s32 $0x9;
	[sflag:s2] =	ssyncadd.s32 s19;
	s0 =	simm.s32 @p2 $0x0  }
0x21a: {  	_ =	swait.ge [sflag:s30], s0  }
0x21b: {  	s0 =	ssub.s32 $0x0, s0;
	[sflag:s30] =	ssyncset.done $0x0  }
0x21c: {  	[sflag:s30] =	ssyncadd.s32 s0  }
0x21d: {  	v1 =	vld [tilespmem:$0x3648];
	_ =	sdelay $0x4  }
0x21e: {  	(v2sf) =	vpush v1, $0x0  }
0x21f: {  	(v2sf) =	vpush v1, $0x1  }
0x220: {  	(v2sf) =	vpush v1, $0x2;
	_ =	sdelay $0x3  }
0x221: {  	s0 =	sadd.s32 $0x1B0, s18  }
0x222: {  	p2 =	slt.s32 s4, s0  }
0x223: {  	s0 =	smov.u32 @p2 s4;
	p2 =	sgt.s32 s20, $0x0  }
0x224: {  	s22 =	ssub.s32 s0, s18;
	s20 =	simm.s32 @!p2 $0x0  }
0x225: {  	p2 =	slt.s32 s20, s22  }
0x226: {  	s22 =	smov.u32 @p2 s20  }
0x227: {  	s21 =	simm.s32 $0x1;
	p2 =	slt.s32 s22, $0x1  }
.Ltmp9:
0x228: {  	s21 =	simm.s32 @!p4 $0x0;
	(pc) =	sbr.rel @p2 .LBB2_12-.Ltmp9, $4  }
0x229: {  	s31 =	smul.u32 $0x6C0, s21  }
0x22a: {  	s23 =	spop (v2sf)  }
0x22b: {  	s0 =	sshrl.u32 s31, $0x2;
	s25 =	spop (v2sf)  }
0x22c: {  	s19 =	sadd.s32 $0x3D88, s0;
	s18 =	spop (v2sf)  }
0x22d: {  	s0 =	smin.u32 s22, $0x10  }
0x22e: {  	v1 =	vmov s0  }
0x22f: {  	p3 =	sgt.s32 s22, $0x10;
	vm1 =	vgt.u32 v1, v0  }
.Ltmp10:
0x230: {  	_ = 	snop;
	(pc) =	sbr.rel @!p3 .LBB2_11-.Ltmp10, $2  }
0x231: {  	_ =	sdelay $0x2  }
0x232: {  	s24 =	simm.s32 $0x10;
	s26 =	sadd.s32 $0xFFFFFFF0, s22;
	s20 =	smov.u32 s19;
	vm0 =	vmmov vm1  }
.LBB2_10:
0x233: {  	s0 =	smin.u32 s26, $0x10;
	s24 =	sadd.s32 $0x10, s24;
	v1 =	vld.msk [tilespmem:s20+$0x0 ss:$0x1], vm1  }
0x234: {  	v2 =	vmov s0;
	p3 =	slt.s32 s24, s22  }
0x235: {  	vm1 =	vgt.u32 v2, v0  }
.Ltmp11:
0x236: {  	(pc) =	sbr.rel @p3 .LBB2_10-.Ltmp11, $3  }
0x237: {  	_ =	sdelay $0x1  }
0x238: {  	v1 =	vshll.u32 v1, $0x4  }
0x239: {  	s26 =	sadd.s32 $0xFFFFFFF0, s26;
	[tilespmem:s20+$0x0] =	vst.msk vm0, v1;
	s20 =	sadd.s32 $0x10, s20;
	vm0 =	vmmov vm1  }
.LBB2_11:
0x23a: {  	_ =	sdelay $0x4  }
0x23b: {  	v1 =	vld.msk [tilespmem:s20+$0x0 ss:$0x1], vm1;
	_ =	sdelay $0x4  }
0x23c: {  	v1 =	vshll.u32 v1, $0x4  }
0x23d: {  	[tilespmem:s20+$0x0] =	vst.msk vm0, v1  }
.LBB2_12:
0x23e: {  	s0 =	sand.u32 $0x1, s17  }
0x23f: {  	s20 =	smul.u32 $0x1B0, s0  }
0x240: {  	p3 =	sne.s32 s25, $0xFFFFFFFF  }
0x241: {  	v1 =	vld.msk @!p3 [tilespmem:s20+$0x3D88], $0x1;
	_ =	sdelay $0x4  }
0x242: {  	(v2sf) =	vpush @!p3 v1, $0x0;
	_ =	sdelay $0x9  }
0x243: {  	s0 =	smul.u32 $0xD800, s0;
	_ =	sdelay $0x1  }
0x244: {  	v1 =	vld.msk @!p3 [tilespmem:s0+$0x40E8], $0x3  }
.Ltmp12:
0x245: {  	_ = 	snop;
	(pc) =	sbr.rel @p2 .LBB2_18-.Ltmp12, $4  }
0x246: {  	_ = 	snop  }
0x247: {  	s24 =	spop @!p3 (v2sf)  }
0x248: {  	s18 =	simm.s32 @!p3 $0x0;
	s0 =	simm.s32 @!p3 $0x28;
	s20 =	smov.u32 s24  }
0x249: {  	[tilespmem:s0+$0x0] =	vst.msk @!p3 $0x3, v1;
	[sflag:s14] =	ssyncpa.u1 $0x0;
	s24 =	smov.u32 @p3 s23;
	s20 =	smov.u32 @p3 s25  }
0x24a: {  	v1 =	vld.msk [tilespmem:s19+$0x0], $0x1;
	_ =	sdelay $0x4  }
0x24b: {  	(v2sf) =	vpush v1, $0x0;
	_ =	sdelay $0xd  }
0x24c: {  	s0 =	simm.s32 @!p4 $0x0  }
0x24d: {  	s26 =	smul.u32 $0x36000, s21;
	s25 =	ssub.s32 $0x0, s22;
	s28 =	spop (v2sf)  }
0x24e: {  	s0 =	simm.s32 @p4 $0x1;
	s23 =	sadd.s32 $0x1, s25;
	p2 =	seq.s32 s24, s28  }
0x24f: {  	[smem:$0x7FD] =	sst s0;
	s0 =	sshrl.u32 s26, $0x2;
	p3 =	sgt.s32 @!p2 s24, $0x0  }
0x250: {  	s21 =	sadd.s32 $0x40E8, s0;
	s0 =	smov.u32 s24;
	p3 =	por !p3, p2  }
0x251: {  	s0 =	simm.s32 @p3 $0x0;
	p3 =	seq.s32 s23, $0x0  }
.Ltmp13:
0x252: {  	_ = 	snop;
	(pc) =	sbr.rel @p3 .LBB2_15-.Ltmp13, $4  }
0x253: {  	_ = 	snop  }
0x254: {  	s22 =	simm.s32 $0x0;
	s29 =	simm.s32 @!p2 $0x1;
	s0 =	smin.u32 @!p2 s0, $0x270FF  }
0x255: {  	s30 =	simm.s32 @!p2 $0x1B38;
	s29 =	smov.u32 @p2 s22;
	s26 =	sand.u32 @!p2 $0x3FFF8, s0  }
0x256: {  	s31 =	sand.u32 @!p2 $0x7, s0;
	s0 =	sadd.s32 @!p2 s1, s26;
	s26 =	sadd.s32 $0x1, s19  }
.LBB2_14:
0x257: {  	s2 =	smov.u32 s29  }
0x258: {  	[tilespmem:s30], [sflag:$0x2] =	stream.linear.gather @!p2 [hbm4b:s0+s31], $0x2, $0x38;
	[tilespmem:$0x1F0E8] =	vst v63  }
0x259: {  	s23 =	sadd.s32 $0x1, s23;
	s0 =	smov.u32 s28;
	v1 =	vld.msk [tilespmem:s26+$0x0], $0x1  }
0x25a: {  	p3 =	seq.s32 s23, $0x0;
	_ =	sdelay $0x3  }
0x25b: {  	(v2sf) =	vpush v1, $0x0;
	_ =	sdelay $0xe  }
0x25c: {  	s28 =	spop (v2sf)  }
0x25d: {  	p2 =	seq.s32 s0, s28  }
0x25e: {  	p4 =	sgt.s32 @!p2 s0, $0x0;
	s30 =	sshll.u32 @!p2 s29, $0x6;
	s29 =	sadd.s32 @!p2 $0x1, s29  }
.Ltmp14:
0x25f: {  	p4 =	por !p4, p2;
	s30 =	sshra.s32 @!p2 s30, $0x2;
	(pc) =	sbr.rel @!p3 .LBB2_14-.Ltmp14, $4  }
0x260: {  	s29 =	smov.u32 @p2 s2;
	s0 =	simm.s32 @p4 $0x0;
	s30 =	sadd.s32 @!p2 $0x1B38, s30  }
0x261: {  	s0 =	smin.u32 @!p2 s0, $0x270FF  }
0x262: {  	s2 =	sand.u32 @!p2 $0x3FFF8, s0;
	s31 =	sand.u32 @!p2 $0x7, s0  }
0x263: {  	s26 =	sadd.s32 $0x1, s26;
	s0 =	sadd.s32 @!p2 s1, s2  }
.LBB2_15:
0x264: {  	[tilespmem:s30], [sflag:$0x2] =	stream.linear.gather @!p2 [hbm4b:s0+s31], $0x2, $0x38;
	[tilespmem:$0x1F0E8] =	vst v63  }
0x265: {  	s31 =	sshll.u32 s29, $0x1  }
0x266: {  	s2 =	simm.s32 $0x2;
	s0 =	sand.u32 $0x3FFFFFFE, s31  }
0x267: {  	_ =	swait.ge [sflag:s2], s0  }
0x268: {  	s0 =	ssub.s32 $0x0, s0;
	[sflag:s2] =	ssyncset.done $0x0  }
0x269: {  	[sflag:s2] =	ssyncadd.s32 s0  }
0x26a: {  	v1 =	vld.msk [tilespmem:s19+$0x0], $0x1;
	_ =	sdelay $0x4  }
0x26b: {  	(v2sf) =	vpush v1, $0x0;
	_ =	sdelay $0xe  }
0x26c: {  	s23 =	spop (v2sf)  }
0x26d: {  	p2 =	sne.s32 s24, s23  }
0x26e: {  	p4 =	sne.s32 @p2 s24, s20  }
0x26f: {  	p3 =	por !p4, !p2  }
0x270: {  	s0 =	sshll.u32 @!p3 s18, $0x6;
	s2 =	simm.s32 @!p3 $0x0  }
0x271: {  	s0 =	sshra.s32 @!p3 s0, $0x2;
	v1 =	vld.msk @!p3 [tilespmem:s2+$0x1B38], $0x3  }
0x272: {  	v2 =	vld.msk @!p3 [tilespmem:s0+$0x28], $0x3;
	_ =	sdelay $0x1  }
0x273: {  	p5 =	sgt.u32 @!p3 s24, $0x270FF  }
0x274: {  	p6 =	por @p2 p5, !p4  }
0x275: {  	p1 =	por p6, !p2;
	p6 =	por p4, !p2  }
0x276: {  	s26 =	sadd.s32 @!p3 $0x28, s0;
	s2 =	sand.u32 @!p1 $0x3FFF8, s24;
	s28 =	sshll.u32 @!p6 s18, $0x6;
	v1 =	vmax.f32 @!p3 v1, v2  }
0x277: {  	s24 =	sand.u32 @!p1 $0x7, s24;
	s2 =	sadd.s32 @!p1 s1, s2;
	[tilespmem:s0+$0x28] =	vst.msk @!p3 $0x3, v1;
	s0 =	sshra.s32 @!p6 s28, $0x2  }
0x278: {  	[hbm4b:s2+s24] =	stream.linear.scatter @!p1 [tilespmem:s26], [sflag:$0xA], $0x2, $0x38;
	[tilespmem:$0x1F0E8] =	vst v63  }
0x279: {  	s29 =	rddreg [dreg:$0x2];
	s0 =	sadd.s32 @!p6 $0x28, s0;
	s2 =	simm.s32 @!p6 $0x1  }
0x27a: {  	[spmem:s29] =	stream.linear.scatter @!p6 [tilespmem:s0], [sflag:$0x1], $0x2, $0x38;
	[tilespmem:$0x1F0E8] =	vst v63  }
0x27b: {  	s0 =	sadd.s32 @p2 $0x1, s18;
	_ =	swait.ge @!p6 [sflag:s2], $0x2  }
0x27c: {  	s24 =	sshrl.u32 @p2 s0, $0x4;
	[sflag:s2] =	ssyncset.done @!p6 $0x0  }
0x27d: {  	s26 =	smulhi.u32 @p2 $0x97B425F, s24;
	[sflag:s2] =	ssyncadd.s32 @!p6 $0xFFFFFFFE  }
0x27e: {  	v1 =	vld.msk @p2 [tilespmem:s21+$0x0], $0x3  }
0x27f: {  	p1 =	por @p2 !p5, !p4;
	s24 =	sadd.s32 $0x1, s25;
	s2 =	smul.u32 @p2 $0x1B0, s26  }
0x280: {  	p1 =	por !p1, !p2;
	p6 =	seq.s32 s24, $0x0  }
.Ltmp15:
0x281: {  	s26 =	simm.s32 @!p3 $0x0;
	s0 =	ssub.s32 @p2 s0, s2;
	(pc) =	sbr.rel @p6 .LBB2_17-.Ltmp15, $4  }
0x282: {  	s26 =	simm.s32 @!p1 $0x8;
	s28 =	sshll.u32 @p2 s0, $0x4  }
0x283: {  	s29 =	simm.s32 @p2 $0x1;
	s2 =	sshll.u32 @!p2 s18, $0x6;
	s26 =	sadd.s32 @!p3 $0x0, s26;
	[tilespmem:s28+$0x28] =	vst.msk @p2 $0x3, v1  }
0x284: {  	s25 =	simm.s32 $0x0;
	s26 =	smov.u32 @p3 s22;
	s28 =	sshra.s32 @!p2 s2, $0x2;
	v1 =	vld.msk @!p2 [tilespmem:s21+$0x0], $0x3  }
0x285: {  	s25 =	smov.u32 @p2 s29;
	s18 =	smov.u32 @p2 s0;
	s22 =	smov.u32 @p2 s26;
	v2 =	vld.msk @!p2 [tilespmem:s28+$0x28], $0x3  }
.LBB2_16:
0x286: {  	_ =	sdelay $0x3  }
0x287: {  	v1 =	vmax.f32 @!p2 v1, v2  }
0x288: {  	s19 =	sadd.s32 $0x1, s19;
	[tilespmem:s28+$0x28] =	vst.msk @!p2 $0x3, v1  }
0x289: {  	v1 =	vld.msk [tilespmem:s19+$0x0], $0x1;
	_ =	sdelay $0x4  }
0x28a: {  	(v2sf) =	vpush v1, $0x0;
	_ =	sdelay $0xe  }
0x28b: {  	s26 =	smov.u32 s23;
	s23 =	spop (v2sf)  }
0x28c: {  	p2 =	sne.s32 s26, s23  }
0x28d: {  	p5 =	sne.s32 @p2 s26, s20  }
0x28e: {  	s0 =	sadd.s32 @p2 $0x1, s18;
	p4 =	por !p5, !p2  }
0x28f: {  	s28 =	sshll.u32 @!p2 s18, $0x6;
	s29 =	sadd.s32 @p2 $0x1, s25;
	s30 =	sshll.u32 @!p4 s25, $0x6  }
0x290: {  	s2 =	sshrl.u32 @p2 s0, $0x4;
	s31 =	sshll.u32 @!p4 s18, $0x6;
	s30 =	sshra.s32 @!p4 s30, $0x2  }
0x291: {  	p1 =	sgt.u32 @!p4 s26, $0x270FF;
	s2 =	smulhi.u32 @p2 $0x97B425F, s2;
	s31 =	sshra.s32 @!p4 s31, $0x2;
	v1 =	vld.msk @!p4 [tilespmem:s30+$0x1B38], $0x3  }
0x292: {  	s5 =	simm.s32 @!p4 $0x0;
	s25 =	smov.u32 @p2 s29;
	s29 =	rddreg [dreg:$0x2];
	v2 =	vld.msk @!p4 [tilespmem:s31+$0x28], $0x3  }
0x293: {  	p6 =	por @p2 p1, !p5;
	p1 =	por @p2 !p1, !p5;
	p5 =	por p5, !p2  }
0x294: {  	s30 =	sadd.s32 @!p4 $0x28, s31;
	p6 =	por p6, !p2;
	p1 =	por !p1, !p2  }
0x295: {  	s2 =	smul.u32 @p2 $0x1B0, s2;
	s10 =	sshll.u32 @!p5 s18, $0x6;
	s5 =	simm.s32 @!p1 $0x8  }
0x296: {  	s9 =	sand.u32 @!p6 $0x3FFF8, s26;
	s26 =	sand.u32 @!p6 $0x7, s26;
	s5 =	sadd.s32 @!p4 s5, s22  }
0x297: {  	s9 =	sadd.s32 @!p6 s1, s9;
	s0 =	ssub.s32 @p2 s0, s2;
	s5 =	smov.u32 @p4 s22;
	v1 =	vmax.f32 @!p4 v1, v2  }
0x298: {  	s2 =	sshll.u32 @p2 s0, $0x4;
	s22 =	smov.u32 @p2 s5;
	s5 =	sshra.s32 @!p5 s10, $0x2;
	[tilespmem:s31+$0x28] =	vst.msk @!p4 $0x3, v1  }
0x299: {  	[hbm4b:s9+s26] =	stream.linear.scatter @!p6 [tilespmem:s30], [sflag:$0xA], $0x2, $0x38;
	[tilespmem:$0x1F0E8] =	vst v63  }
0x29a: {  	s18 =	smov.u32 @p2 s0;
	s0 =	sadd.s32 @!p5 $0x28, s5;
	s5 =	simm.s32 @!p5 $0x1  }
0x29b: {  	[spmem:s29] =	stream.linear.scatter @!p5 [tilespmem:s0], [sflag:$0x1], $0x2, $0x38;
	[tilespmem:$0x1F0E8] =	vst v63  }
0x29c: {  	_ =	swait.ge @!p5 [sflag:s5], $0x2  }
0x29d: {  	[sflag:s5] =	ssyncset.done @!p5 $0x0  }
0x29e: {  	s21 =	sadd.s32 $0x80, s21;
	[sflag:s5] =	ssyncadd.s32 @!p5 $0xFFFFFFFE  }
0x29f: {  	v1 =	vld.msk @p2 [tilespmem:s21+$0x0], $0x3  }
0x2a0: {  	s24 =	sadd.s32 $0x1, s24  }
0x2a1: {  	p3 =	seq.s32 s24, $0x0  }
.Ltmp16:
0x2a2: {  	_ = 	snop;
	(pc) =	sbr.rel @!p3 .LBB2_16-.Ltmp16, $4  }
0x2a3: {  	_ = 	snop  }
0x2a4: {  	[tilespmem:s2+$0x28] =	vst.msk @p2 $0x3, v1  }
0x2a5: {  	s28 =	sshra.s32 @!p2 s28, $0x2;
	v1 =	vld.msk @!p2 [tilespmem:s21+$0x0], $0x3  }
0x2a6: {  	v2 =	vld.msk @!p2 [tilespmem:s28+$0x28], $0x3  }
.LBB2_17:
0x2a7: {  	_ = 	snop  }
.Ltmp17:
0x2a8: {  	_ = 	snop;
	(pc) =	sbr.rel .LBB2_19-.Ltmp17, $3  }
0x2a9: {  	s2 =	sld [smem:$0x7FD];
	_ =	sdelay $0x1  }
0x2aa: {  	v1 =	vmax.f32 @!p2 v1, v2  }
0x2ab: {  	s0 =	sshrl.u32 s22, $0x2;
	s24 =	smov.u32 s23;
	p4 =	seq.s32 s2, $0x1;
	[tilespmem:s28+$0x28] =	vst.msk @!p2 $0x3, v1  }
.LBB2_21:
0x2ac: {  	_ =	sfence.sel $0x180000  }
0x2ad: {  	s0 =	simm.s32 $0x7;
	[bflag:$0x0] =	sbarrier.arrive $0xFFFF  }
0x2ae: {  	s25 =	simm.s32 $0x8;
	[sflag:s0] =	ssyncpa.u1 $0x1  }
0x2af: {  	s26 =	simm.s32 $0x9;
	[sflag:s25] =	ssyncpa.u1 $0x1  }
0x2b0: {  	s28 =	simm.s32 $0x2;
	[sflag:s26] =	ssyncpa.u1 $0x1  }
0x2b1: {  	[sflag:s28] =	ssyncpa.u1 $0x1  }
0x2b2: {  	v0 =	vld [tilespmem:$0x3648];
	_ =	sdelay $0x4  }
0x2b3: {  	(v2sf) =	vpush v0, $0x0  }
0x2b4: {  	(v2sf) =	vpush v0, $0x1;
	_ =	sdelay $0x1  }
0x2b5: {  	(v2sf) =	vpush v0, $0x2;
	_ =	sdelay $0xb  }
0x2b6: {  	s0 =	spop (v2sf)  }
0x2b7: {  	s2 =	spop (v2sf)  }
0x2b8: {  	s3 =	smov.u32 s0;
	p0 =	sne.s32 s0, s2  }
0x2b9: {  	s4 =	spop (v2sf);
	s3 =	simm.s32 @!p0 $0xFFFFFFFF  }
0x2ba: {  	v2 =	vimm.s32 $0x1;
	v3 =	vlaneseq.u32;
	p0 =	seq.s32 s4, $0xFFFFFFFF;
	v1 =	vmov s3  }
0x2bb: {  	s7 =	stileid.u32;
	v0 =	vperm.xlane v0, v2;
	p1 =	sne.s32 @!p0 s0, s2;
	v1 =	vperm.xlane v1, v3  }
0x2bc: {  	vm0 =	vcmask $0x3F04;
	s6 =	simm.s32 $0x3648;
	s0 =	simm.s32 @!p0 $0x1;
	p1 =	por !p1, p0  }
0x2bd: {  	s3 =	sshll.u32 s7, $0x1;
	s2 =	sshll.u32 @!p0 s4, $0x6;
	s0 =	simm.s32 @p1 $0x0;
	v0 =	vsel vm0, v1, v0  }
0x2be: {  	s5 =	sor.u32 $0x200, s3;
	s2 =	sshra.s32 @!p0 s2, $0x2;
	s0 =	sor.u32 @!p0 s0, s3;
	[tilespmem:$0x3648] =	vst v0  }
0x2bf: {  	[spmem:s5] =	stream.linear.scatter [tilespmem:s6], [sflag:$0x1], $0x2, $0x38;
	[tilespmem:$0x1F0E8] =	vst v63  }
0x2c0: {  	s2 =	sadd.s32 @!p0 $0x28, s2;
	s0 =	sshll.u32 @!p0 s0, $0x4  }
0x2c1: {  	[spmem:s0] =	stream.linear.scatter @!p0 [tilespmem:s2], [sflag:$0x1], $0x10, $0x38;
	[tilespmem:$0x1F0E8] =	vst v63  }
0x2c2: {  	s0 =	simm.s32 @!p0 $0x12  }
0x2c3: {  	s3 =	simm.s32 $0x1;
	s0 =	simm.s32 @p0 $0x2  }
0x2c4: {  	_ =	swait.ge [sflag:s3], s0  }
0x2c5: {  	s0 =	ssub.s32 $0x0, s0;
	[sflag:s3] =	ssyncset.done $0x0  }
0x2c6: {  	[sflag:s3] =	ssyncadd.s32 s0  }
0x2c7: {  	_ =	sfence.stream.spmem  }
0x2c8: {  	s29 =	simm.s32 $0x3;
	[bflag:$0x0] =	sbarrier.arrive $0xFFFF  }
0x2c9: {  	s30 =	simm.s32 $0x4;
	[sflag:s29] =	ssyncpa.u1 $0x1  }
0x2ca: {  	s31 =	simm.s32 $0x3C;
	[sflag:s30] =	ssyncpa.u1 $0x1  }
0x2cb: {  	p0 =	sne.s32 s7, $0x0;
	[sflag:s31] =	ssyncpa.u1 $0x1  }
0x2cc: {  	_ =	sfence @p0  }
0x2cd: {  	[sflag:s3] =	ssyncpa.u1 @p0 $0x1  }
0x2ce: {  	_ =	strace @p0 $0x9000004A  }
0x2cf: {  	[bflag:$0x2] =	sbarrier.arrive @p0 $0xFFFF  }
0x2d0: {  	_ =	shalt @p0  }
.LBB2_22:
0x2d1: {  	_ =	sfence.stream.spmem;
	s0 =	simm.s32 $0x5  }
0x2d2: {  	s2 =	simm.s32 $0x200;
	s3 =	simm.s32 $0x3658;
	[sflag:s0] =	ssyncpa.u1 $0x0  }
0x2d3: {  	[tilespmem:s3], [sflag:$0x5] =	stream.linear.gather [spmem:s2], $0x20, $0x38;
	[tilespmem:$0x1F0E8] =	vst v63  }
0x2d4: {  	s30 =	simm.s32 $0x3678;
	s2 =	simm.s32 $0x0  }
0x2d5: {  	[tilespmem:s30], [sflag:$0x5] =	stream.linear.gather [spmem:s2], $0x200, $0x38;
	[tilespmem:$0x1F0E8] =	vst v63  }
.Ltmp18:
0x2d6: {  	_ = 	snop;
	(pc) =	sbr.rel .LBB2_23-.Ltmp18, $4  }
0x2d7: {  	_ =	swait.ge [sflag:s0], $0x220  }
0x2d8: {  	[sflag:s0] =	ssyncset.done $0x0  }
0x2d9: {  	s31 =	simm.s32 $0x6;
	[sflag:s0] =	ssyncadd.s32 $0xFFFFFDE0  }
0x2da: {  	s3 =	simm.s32 $0x0;
	[sflag:s31] =	ssyncpa.u1 $0x0  }
.LBB2_28:
0x2db: {  	p0 =	slt.u32 s4, $0x27100  }
0x2dc: {  	s0 =	sand.u32 @p0 $0x3FFF8, s4  }
0x2dd: {  	s4 =	sand.u32 @p0 $0x7, s4;
	s5 =	simm.s32 @p0 $0x3638;
	s0 =	sadd.s32 @p0 s1, s0  }
0x2de: {  	[tilespmem:s5], [sflag:$0x6] =	stream.linear.gather @p0 [hbm4b:s0+s4], $0x2, $0x38;
	[tilespmem:$0x1F0E8] =	vst v63  }
0x2df: {  	s0 =	simm.s32 @p0 $0x6  }
0x2e0: {  	_ =	swait.ge @p0 [sflag:s0], $0x2  }
0x2e1: {  	[sflag:s0] =	ssyncset.done @p0 $0x0  }
0x2e2: {  	[sflag:s0] =	ssyncadd.s32 @p0 $0xFFFFFFFE;
	s0 =	sshll.u32 @p0 s3, $0x6  }
0x2e3: {  	v1 =	vld @p0 [tilespmem:$0x3638];
	s4 =	sshrl.u32 @p0 s0, $0x2  }
0x2e4: {  	v2 =	vld @p0 [tilespmem:s4+$0x3678];
	_ =	sdelay $0x4  }
0x2e5: {  	s5 =	sshll.u32 @!p0 s3, $0x6;
	v1 =	vmax.f32 @p0 v1, v2  }
0x2e6: {  	s5 =	smov.u32 @p0 s0;
	[tilespmem:s4+$0x3678] =	vst @p0 v1  }
0x2e7: {  	s0 =	sshrl.u32 s5, $0x2;
	[tilespmem:s2+$0x3658] =	vst.msk $0x1, v0  }
0x2e8: {  	v0 =	vld [tilespmem:s0+$0x3678];
	_ =	sdelay $0x2  }
0x2e9: {  	s31 =	sshll.u32 s2, $0x6  }
0x2ea: {  	s0 =	sshra.s32 s31, $0x2  }
0x2eb: {  	s2 =	sadd.s32 $0x1, s2;
	[tilespmem:s0+$0x3678] =	vst v0  }
.LBB2_30:
0x2ec: {  	s3 =	sadd.s32 $0x1, s3  }
0x2ed: {  	p0 =	sne.s32 s3, $0x20  }
.Ltmp19:
0x2ee: {  	_ = 	snop;
	(pc) =	sbr.rel @!p0 .LBB2_31-.Ltmp19, $1  }
0x2ef: {  	_ =	sdelay $0x3  }
.LBB2_23:
0x2f0: {  	v0 =	vld.msk [tilespmem:s3+$0x3658], $0x1;
	_ =	sdelay $0x4  }
0x2f1: {  	(v2sf) =	vpush v0, $0x0;
	_ =	sdelay $0xe  }
0x2f2: {  	s4 =	spop (v2sf)  }
0x2f3: {  	p0 =	seq.s32 s4, $0xFFFFFFFF  }
.Ltmp20:
0x2f4: {  	_ = 	snop;
	(pc) =	sbr.rel @p0 .LBB2_30-.Ltmp20, $1  }
0x2f5: {  	_ =	sdelay $0x3  }
0x2f6: {  	p0 =	slt.s32 s2, $0x1  }
.Ltmp21:
0x2f7: {  	_ = 	snop;
	(pc) =	sbr.rel @p0 .LBB2_28-.Ltmp21, $1  }
0x2f8: {  	_ =	sdelay $0x3  }
0x2f9: {  	s5 =	simm.s32 $0x3658;
	p0 =	por $0x0, $0x0  }
0x2fa: {  	v1 =	vld.msk @!p0 [tilespmem:s5+$0x0], $0x1;
	_ =	sdelay $0x4  }
0x2fb: {  	(v2sf) =	vpush @!p0 v1, $0x0;
	_ =	sdelay $0xd  }
0x2fc: {  	p2 =	sne.s32 s2, $0x1  }
.Ltmp22:
0x2fd: {  	s0 =	spop @!p0 (v2sf);
	(pc) =	sbr.rel @!p2 .LBB2_27-.Ltmp22, $4  }
0x2fe: {  	p1 =	seq.s32 @!p0 s4, s0  }
0x2ff: {  	s6 =	simm.s32 $0x0;
	p1 =	por !p1, p0  }
0x300: {  	s0 =	simm.s32 $0xFFFFFFFF;
	s6 =	simm.s32 @p1 $0xFFFFFFFF  }
0x301: {  	s7 =	simm.s32 $0x1;
	s6 =	smov.u32 @p0 s0  }
.LBB2_26:
0x302: {  	s0 =	smov.u32 s6;
	p0 =	sne.s32 s6, $0xFFFFFFFF  }
0x303: {  	s5 =	sadd.s32 $0x1, s5;
	s6 =	smov.u32 s7;
	s7 =	sadd.s32 $0x1, s7  }
0x304: {  	p1 =	sne.s32 s2, s7;
	v1 =	vld.msk @!p0 [tilespmem:s5+$0x0], $0x1;
	_ =	sdelay $0x4  }
0x305: {  	(v2sf) =	vpush @!p0 v1, $0x0;
	_ =	sdelay $0xe  }
.Ltmp23:
0x306: {  	s8 =	spop @!p0 (v2sf);
	(pc) =	sbr.rel @p1 .LBB2_26-.Ltmp23, $4  }
0x307: {  	p2 =	seq.s32 @!p0 s4, s8  }
0x308: {  	p2 =	por !p2, p0  }
0x309: {  	s6 =	simm.s32 @p2 $0xFFFFFFFF  }
0x30a: {  	s6 =	smov.u32 @p0 s0  }
.LBB2_27:
0x30b: {  	p0 =	sne.s32 s6, $0xFFFFFFFF  }
.Ltmp24:
0x30c: {  	_ = 	snop;
	(pc) =	sbr.rel @!p0 .LBB2_28-.Ltmp24, $1  }
0x30d: {  	_ =	sdelay $0x3  }
0x30e: {  	s0 =	sshll.u32 s3, $0x4  }
0x30f: {  	s4 =	sshll.u32 s6, $0x6;
	s0 =	sand.u32 $0x3FFFFFF0, s0  }
0x310: {  	s31 =	sshra.s32 s4, $0x2;
	v0 =	vld [tilespmem:s0+$0x3678]  }
0x311: {  	v1 =	vld [tilespmem:s31+$0x3678];
	_ =	sdelay $0x1  }
.Ltmp25:
0x312: {  	_ = 	snop;
	(pc) =	sbr.rel .LBB2_30-.Ltmp25, $3  }
0x313: {  	_ =	sdelay $0x1  }
0x314: {  	v0 =	vmax.f32 v0, v1  }
0x315: {  	[tilespmem:s31+$0x3678] =	vst v0  }
.LBB2_31:
0x316: {  	p0 =	slt.s32 s2, $0x1  }
.Ltmp26:
0x317: {  	_ = 	snop;
	(pc) =	sbr.rel @p0 .LBB2_35-.Ltmp26, $3  }
0x318: {  	_ =	sdelay $0x1  }
0x319: {  	s0 =	simm.s32 $0x6  }
0x31a: {  	s3 =	simm.s32 $0x0;
	[sflag:s0] =	ssyncpa.u1 $0x1  }
0x31b: {  	s0 =	simm.s32 $0x3658  }
0x31c: {  	v0 =	vld.msk [tilespmem:s0+$0x0], $0x1;
	_ =	sdelay $0x4  }
0x31d: {  	(v2sf) =	vpush v0, $0x0;
	_ =	sdelay $0xd  }
0x31e: {  	s2 =	sadd.s32 $0xFFFFFFFF, s2  }
0x31f: {  	p1 =	sne.s32 s2, $0x0;
	s0 =	spop (v2sf)  }
.Ltmp27:
0x320: {  	p0 =	sgt.u32 s0, $0x270FF;
	(pc) =	sbr.rel @!p1 .LBB2_34-.Ltmp27, $4  }
0x321: {  	s4 =	simm.s32 $0x3678;
	s5 =	sand.u32 @!p0 $0x3FFF8, s0  }
0x322: {  	s6 =	simm.s32 $0x0;
	s0 =	sand.u32 @!p0 $0x7, s0;
	s5 =	sadd.s32 @!p0 s1, s5  }
0x323: {  	[hbm4b:s5+s0] =	stream.linear.scatter @!p0 [tilespmem:s4], [sflag:$0x5], $0x2, $0x38;
	[tilespmem:$0x1F0E8] =	vst v63  }
0x324: {  	s6 =	simm.s32 @!p0 $0x8;
	s5 =	simm.s32 $0x3659  }
.LBB2_33:
0x325: {  	v0 =	vld.msk [tilespmem:s5+$0x0], $0x1;
	s2 =	sadd.s32 $0xFFFFFFFF, s2;
	s3 =	sadd.s32 s3, s6  }
0x326: {  	p0 =	sne.s32 s2, $0x0;
	_ =	sdelay $0x3  }
0x327: {  	(v2sf) =	vpush v0, $0x0;
	_ =	sdelay $0xe  }
.Ltmp28:
0x328: {  	s0 =	spop (v2sf);
	(pc) =	sbr.rel @p0 .LBB2_33-.Ltmp28, $4  }
0x329: {  	s6 =	simm.s32 $0x0;
	p1 =	sgt.u32 s0, $0x270FF  }
0x32a: {  	s4 =	sadd.s32 $0x10, s4;
	s6 =	simm.s32 @!p1 $0x8;
	s7 =	sand.u32 @!p1 $0x3FFF8, s0  }
0x32b: {  	s5 =	sadd.s32 $0x1, s5;
	s0 =	sand.u32 @!p1 $0x7, s0;
	s7 =	sadd.s32 @!p1 s1, s7  }
0x32c: {  	[hbm4b:s7+s0] =	stream.linear.scatter @!p1 [tilespmem:s4], [sflag:$0x5], $0x2, $0x38;
	[tilespmem:$0x1F0E8] =	vst v63  }
.LBB2_34:
0x32d: {  	s0 =	sadd.s32 s3, s6  }
0x32e: {  	s3 =	sshrl.u32 s0, $0x2  }
.LBB2_35:
0x32f: {  	s0 =	simm.s32 $0x5  }
0x330: {  	_ =	swait.ge [sflag:s0], s3  }
0x331: {  	s1 =	ssub.s32 $0x0, s3;
	[sflag:s0] =	ssyncset.done $0x0  }
0x332: {  	[sflag:s0] =	ssyncadd.s32 s1  }
0x333: {  	[sflag:s0] =	ssyncpa.u1 $0x1  }
0x334: {  	s30 =	simm.s32 $0x1;
	_ =	sfence  }
0x335: {  	[sflag:s30] =	ssyncpa.u1 $0x1  }
0x336: {  	_ =	strace $0x9000004A  }
0x337: {  	[bflag:$0x2] =	sbarrier.arrive $0xFFFF  }
0x338: {  	s31 =	rddreg [dreg:$0x1]  }
0x339: {  	s0 =	sadd.s32 $0x100000, s31  }
0x33a: {  	[sflag:s0] =	ssyncadd.tile.s32 $0x1;
	_ =	shalt  }
.Lfunc_end2:
_tile_overlayer_lowered:
.L_overlay_start_2:
0x33b: {  	(tag) =	ssettag $0x2  }
0x33c: {  	s0 =	rddreg [dreg:$0x0];
	s2 =	stileid.u32  }
0x33d: {  	s1 =	rddreg [dreg:$0x1];
	p0 =	sne.s32 s2, $0x0  }
0x33e: {  	s3 =	rddreg [dreg:$0x2];
	[bflag:$0x3] =	sbarrier.arrive $0xFFFF;
	s2 =	simm.s32 @!p0 $0x1C01  }
0x33f: {  	[timem:s3], [sflag:s2] =	dma.local @!p0 [hbm:s0], s1  }
0x340: {  	s0 =	simm.s32 @!p0 $0x1  }
0x341: {  	_ =	swait.ge @!p0 [sflag:s0], s1  }
0x342: {  	s1 =	ssub.s32 @!p0 $0x0, s1;
	[sflag:s0] =	ssyncset.done @!p0 $0x0  }
0x343: {  	[sflag:s0] =	ssyncadd.s32 @!p0 s1  }
0x344: {  	[bflag:$0x3] =	sbarrier.arrive $0xFFFF  }
0x345: {  	_ =	shalt  }

</sc_bundles>
